<compile_context>
chip_gen: v7x
topology: tpu7x:2x2x1
jax: 0.10.2.dev20260603
libtpu: 0.0.44.dev20260713+nightly
codegen_flags: <defaults>
</compile_context>

<pallas_src>
import functools

import jax
import jax.numpy as jnp
from jax import lax
from jax.experimental import pallas as pl
from jax.experimental.pallas import tpu as pltpu
from jax.experimental.pallas import tpu_sc as plsc

N = 10000
E = 320000
HD = 128
H = 8
D = 16
EXTRA = 16

NWORK = 32
EPW = E // NWORK
WN1 = 1000
NWIN1 = EPW // WN1
WN2 = 200
NWIN2 = EPW // WN2

BN = 1000
GRID = N // BN

_f32 = jnp.float32

_SELU_A = 1.6732632423543772848170429916717
_SELU_S = 1.0507009873554804934193349852946


def _selu(x):
    return _SELU_S * jnp.where(x > 0, x, _SELU_A * (jnp.exp(x) - 1.0))



def _dense_body_first(x_ref, w_ref, alw_ref, arw_ref,
                      h_ref, el_ref, er_ref, em_ref, emax_s):
    _dense_common(x_ref[...], w_ref, alw_ref, arw_ref,
                  h_ref, el_ref, er_ref, em_ref, emax_s)


def _dense_body_mid(p0_ref, p1_ref, b_ref, w_ref, alw_ref, arw_ref,
                    h_ref, el_ref, er_ref, em_ref, emax_s):
    x = _selu(p0_ref[...] + p1_ref[...] + b_ref[...])
    _dense_common(x, w_ref, alw_ref, arw_ref,
                  h_ref, el_ref, er_ref, em_ref, emax_s)


def _bdot(a, b):
    return jnp.dot(a.astype(jnp.bfloat16), b.astype(jnp.bfloat16),
                   preferred_element_type=_f32)


def _dense_common(x, w_ref, alw_ref, arw_ref,
                  h_ref, el_ref, er_ref, em_ref, emax_s):
    i = pl.program_id(0)
    h = _bdot(x, w_ref[...])
    el = jnp.dot(h, alw_ref[...], preferred_element_type=_f32, precision=lax.Precision.HIGHEST)
    er = jnp.dot(h, arw_ref[...], preferred_element_type=_f32, precision=lax.Precision.HIGHEST)
    h_ref[...] = h
    el_ref[...] = el
    er_ref[...] = er
    bm = jnp.max(el, axis=0, keepdims=True)

    @pl.when(i == 0)
    def _():
        emax_s[...] = bm

    @pl.when(i > 0)
    def _():
        emax_s[...] = jnp.maximum(emax_s[...], bm)

    @pl.when(i == pl.num_programs(0) - 1)
    def _():
        em_ref[...] = emax_s[...]


def _dense_call(x_or_parts, w, alw, arw):
    row = pl.BlockSpec((BN, HD), lambda i: (i, 0))
    full = lambda s: pl.BlockSpec(s, lambda i: (0, 0))
    out_shape = [
        jax.ShapeDtypeStruct((N, HD), _f32),
        jax.ShapeDtypeStruct((N, H), _f32),
        jax.ShapeDtypeStruct((N, H), _f32),
        jax.ShapeDtypeStruct((1, H), _f32),
    ]
    out_specs = [row,
                 pl.BlockSpec((BN, H), lambda i: (i, 0)),
                 pl.BlockSpec((BN, H), lambda i: (i, 0)),
                 full((1, H))]
    scratch = [pltpu.VMEM((1, H), _f32)]
    if len(x_or_parts) == 1:
        body = _dense_body_first
        in_specs = [row, full((HD, HD)), full((HD, H)), full((HD, H))]
        args = (x_or_parts[0], w, alw, arw)
    else:
        body = _dense_body_mid
        in_specs = [row, row, full((1, HD)),
                    full((HD, HD)), full((HD, H)), full((HD, H))]
        args = (*x_or_parts, w, alw, arw)
    return pl.pallas_call(
        body, grid=(GRID,), in_specs=in_specs, out_specs=out_specs,
        out_shape=out_shape, scratch_shapes=scratch)(*args)



_MESH = plsc.VectorSubcoreMesh(core_axis_name="c", subcore_axis_name="s")


@functools.partial(
    pl.kernel, mesh=_MESH,
    compiler_params=pltpu.CompilerParams(use_tc_tiling_on_sc=False),
    out_type=jax.ShapeDtypeStruct((E, 16), _f32),
    scratch_types=[
        pltpu.VMEM((WN1,), jnp.int32),
        pltpu.VMEM((WN1,), jnp.int32),
        pltpu.VMEM((WN1, 16), _f32),
        pltpu.VMEM((WN1, 16), _f32),
        pltpu.VMEM((WN1, 16), _f32),
        pltpu.SemaphoreType.DMA,
        pltpu.SemaphoreType.DMA,
    ])
def _sc_pass1(atab, btab, srch, dsth, es_o,
              srcv, dstv, arows, brows, esrows, sem1, sem2):
    c = lax.axis_index("c")
    s = lax.axis_index("s")
    wid = s * 2 + c

    lane = lax.iota(jnp.int32, 16)
    idx8 = (lane & 7) + 8
    msk = lane < 8

    def win(w, carry):
        base = pl.multiple_of(wid * EPW + w * WN1, 8)
        pltpu.sync_copy(srch.at[pl.ds(base, WN1)], srcv)
        pltpu.sync_copy(dsth.at[pl.ds(base, WN1)], dstv)
        cp1 = pltpu.async_copy(atab.at[srcv], arows, sem1)
        cp2 = pltpu.async_copy(btab.at[dstv], brows, sem2)
        cp1.wait()
        cp2.wait()

        def edge(e, cy):
            a = arows[e, :]
            b = brows[e, :]
            t = a + b
            ee = jnp.where(t > 0, t, 0.2 * t)
            cs = b.at[idx8].get(mode="promise_in_bounds")
            esrows[e, :] = jnp.where(msk, ee - cs, -1e4)
            return cy

        lax.fori_loop(0, WN1, edge, 0)
        pltpu.sync_copy(esrows, es_o.at[pl.ds(base, WN1)])
        return carry

    lax.fori_loop(0, NWIN1, win, 0)


@functools.partial(
    pl.kernel, mesh=_MESH,
    compiler_params=pltpu.CompilerParams(use_tc_tiling_on_sc=False),
    out_type=jax.ShapeDtypeStruct((2, N, 16), _f32),
    scratch_types=[
        pltpu.VMEM((WN1,), jnp.int32),
        pltpu.VMEM((WN1, 16), _f32),
        pltpu.VMEM_SHARED((N, 16), _f32),
    ])
def _sc_pass1b(exh, dsth, zer16, den_o, dstv, exrows, dacc):
    c = lax.axis_index("c")
    s = lax.axis_index("s")
    wid = s * 2 + c

    @pl.when(s == 0)
    def _():
        pltpu.sync_copy(zer16, dacc)

    plsc.subcore_barrier()

    def win(w, carry):
        base = pl.multiple_of(wid * EPW + w * WN1, 8)
        pltpu.sync_copy(dsth.at[pl.ds(base, WN1)], dstv)
        pltpu.sync_copy(exh.at[pl.ds(base, WN1)], exrows)
        pltpu.sync_copy(exrows, dacc.at[dstv], add=True)
        return carry

    lax.fori_loop(0, NWIN1, win, 0)
    plsc.subcore_barrier()

    @pl.when(s == 0)
    def _():
        pltpu.sync_copy(dacc, den_o.at[c])


def _exp_body(es_ref, ex_ref):
    ex_ref[...] = jnp.exp(es_ref[...])


def _exp_call(eshift):
    esw = eshift.reshape(E * 16 // HD, HD)
    blk = pl.BlockSpec((4000, HD), lambda i: (i, 0))
    return pl.pallas_call(
        _exp_body, grid=(E * 16 // HD // 4000,),
        in_specs=[blk], out_specs=blk,
        out_shape=jax.ShapeDtypeStruct((E * 16 // HD, HD), _f32),
    )(esw).reshape(E, 16)



@functools.partial(
    pl.kernel, mesh=_MESH,
    compiler_params=pltpu.CompilerParams(use_tc_tiling_on_sc=False),
    out_type=jax.ShapeDtypeStruct((2, N, HD), _f32),
    scratch_types=[
        pltpu.VMEM((WN2,), jnp.int32),
        pltpu.VMEM((WN2,), jnp.int32),
        pltpu.VMEM((WN2, 16), _f32),
        pltpu.VMEM((WN2, 16), _f32),
        pltpu.VMEM((WN2, HD), _f32),
        pltpu.VMEM_SHARED((N, HD), _f32),
        pltpu.SemaphoreType.DMA,
        pltpu.SemaphoreType.DMA,
    ])
def _sc_pass2(hh, rdtab, exh, srch, dsth, zer128, out_o,
              srcv, dstv, exrows, rdrows, hrows, oacc, sem1, sem2):
    c = lax.axis_index("c")
    s = lax.axis_index("s")
    wid = s * 2 + c

    @pl.when(s == 0)
    def _():
        pltpu.sync_copy(zer128, oacc)

    plsc.subcore_barrier()

    lane = lax.iota(jnp.int32, 16)

    def win(w, carry):
        base = pl.multiple_of(wid * EPW + w * WN2, 8)
        pltpu.sync_copy(srch.at[pl.ds(base, WN2)], srcv)
        pltpu.sync_copy(dsth.at[pl.ds(base, WN2)], dstv)
        pltpu.sync_copy(exh.at[pl.ds(base, WN2)], exrows)
        cp1 = pltpu.async_copy(rdtab.at[dstv], rdrows, sem1)
        cp2 = pltpu.async_copy(hh.at[srcv], hrows, sem2)
        cp1.wait()
        cp2.wait()

        def edge(e, cy):
            alpha = exrows[e, :] * rdrows[e, :]
            for hh8 in range(H):
                ah = alpha.at[lane * 0 + hh8].get(mode="promise_in_bounds")
                hrows[e, pl.ds(hh8 * 16, 16)] = (
                    hrows[e, pl.ds(hh8 * 16, 16)] * ah)
            return cy

        lax.fori_loop(0, WN2, edge, 0)
        pltpu.sync_copy(hrows, oacc.at[dstv], add=True)
        return carry

    lax.fori_loop(0, NWIN2, win, 0)
    plsc.subcore_barrier()

    @pl.when(s == 0)
    def _():
        pltpu.sync_copy(oacc, out_o.at[c])



def _readout_body(p0_ref, p1_ref, b_ref, swt_ref, sb_ref, fg_ref,
                  l1a_ref, l1b_ref, l1bb_ref, l2w_ref, l2b_ref,
                  l3w_ref, l3b_ref, out_ref, accx, accw):
    i = pl.program_id(0)
    x = _selu(p0_ref[...] + p1_ref[...] + b_ref[...])
    xb = x.astype(jnp.bfloat16).astype(_f32)
    swb = swt_ref[...].astype(jnp.bfloat16).astype(_f32)
    sc = jnp.sum(xb * swb, axis=1, keepdims=True) + sb_ref[...]
    w = jax.nn.sigmoid(sc)
    bx = jnp.sum(w * x, axis=0, keepdims=True)
    bw = jnp.sum(w)

    @pl.when(i == 0)
    def _():
        accx[...] = bx
        accw[0, 0] = bw

    @pl.when(i > 0)
    def _():
        accx[...] = accx[...] + bx
        accw[0, 0] = accw[0, 0] + bw

    @pl.when(i == pl.num_programs(0) - 1)
    def _():
        emb = accx[...] / (accw[0, 0] + 1e-9)
        y = (_bdot(emb, l1a_ref[...]) + _bdot(fg_ref[...], l1b_ref[...])
             + l1bb_ref[...])
        y = _selu(y)
        y = _selu(_bdot(y, l2w_ref[...]) + l2b_ref[...])
        out_ref[...] = _bdot(y, l3w_ref[...]) + l3b_ref[...]


def _readout_call(p0, p1, b3, score_w, score_b, feats_graph,
                  lin1_w, lin1_b, lin2_w, lin2_b, lin3_w, lin3_b):
    row = pl.BlockSpec((BN, HD), lambda i: (i, 0))
    full = lambda s: pl.BlockSpec(s, lambda i: (0, 0))
    swt = score_w.reshape(1, HD)
    l1a = lin1_w[:HD]
    l1b = lin1_w[HD:]
    return pl.pallas_call(
        _readout_body, grid=(GRID,),
        in_specs=[row, row, full((1, HD)), full((1, HD)), full((1, 1)),
                  full((1, EXTRA)), full((HD, 2 * D)), full((EXTRA, 2 * D)),
                  full((1, 2 * D)), full((2 * D, D)), full((1, D)),
                  full((D, 1)), full((1, 1))],
        out_specs=full((1, 1)),
        out_shape=jax.ShapeDtypeStruct((1, 1), _f32),
        scratch_shapes=[pltpu.VMEM((1, HD), _f32),
                        pltpu.SMEM((1, 1), _f32)],
    )(p0, p1, b3, swt, score_b.reshape(1, 1), feats_graph,
      l1a, l1b, lin1_b.reshape(1, 2 * D), lin2_w, lin2_b.reshape(1, D),
      lin3_w, lin3_b.reshape(1, 1))



def _attn_mat(a):
    sel = (jnp.arange(HD)[:, None] // D == jnp.arange(H)[None, :])
    return sel.astype(_f32) * a.reshape(HD)[:, None]


def kernel(feats_node, edge_index, feats_graph, W1, al1, ar1, b1,
           W2, al2, ar2, b2, W3, al3, ar3, b3, score_w, score_b,
           lin1_w, lin1_b, lin2_w, lin2_b, lin3_w, lin3_b):
    src = edge_index[0]
    dst = edge_index[1]
    z16 = jnp.zeros((N, 16), _f32)
    z128 = jnp.zeros((N, HD), _f32)

    parts = (feats_node,)
    layers = [(W1, al1, ar1, None), (W2, al2, ar2, b1), (W3, al3, ar3, b2)]
    for W, al, ar, bprev in layers:
        if bprev is None:
            h, el, er, elmax = _dense_call(parts, W, _attn_mat(al),
                                           _attn_mat(ar))
        else:
            h, el, er, elmax = _dense_call(
                (parts[0], parts[1], bprev.reshape(1, HD)),
                W, _attn_mat(al), _attn_mat(ar))
        atab = jnp.concatenate([el, el], axis=1)
        cb = jax.nn.leaky_relu(elmax + er, 0.2) - 8.0
        btab = jnp.concatenate([er, cb], axis=1)
        eshift = _sc_pass1(atab, btab, src, dst)
        ex = _exp_call(eshift)
        denp = _sc_pass1b(ex, dst, z16)
        rd = 1.0 / (denp[0, :, :H] + denp[1, :, :H] + 1e-9)
        rdtab = jnp.concatenate([rd, rd], axis=1)
        outp = _sc_pass2(h, rdtab, ex, src, dst, z128)
        parts = (outp[0], outp[1])

    return _readout_call(parts[0], parts[1], b3.reshape(1, HD), score_w,
                         score_b, feats_graph, lin1_w, lin1_b, lin2_w,
                         lin2_b, lin3_w, lin3_b)

# --- scband reference (transcript-rebuilt; emitter-appended) ---
"""Pipeline reference for scband-gatmodel-26834955665917 (READ-ONLY COPY).

The authoritative reference and input builder live on the scoring server;
editing this copy changes nothing except your own understanding.
"""

import jax, jax.numpy as jnp
import numpy as np

N = 10000
E = 320000
IN_FEATS = 128
H = 8
D = 16
HD = H * D
EXTRA = 16


def _gat_layer(x, W, al, ar, b, src, dst):
    # DGL GATConv: fc (no bias) -> per-head attn_l/attn_r dot -> leaky_relu(0.2)
    # -> edge softmax over incoming edges of dst -> weighted sum -> + bias
    h = (x @ W).reshape(-1, H, D)
    el = (h * al[None, :, :]).sum(-1)  # [N, H]
    er = (h * ar[None, :, :]).sum(-1)  # [N, H]
    e = jax.nn.leaky_relu(el[src] + er[dst], 0.2)  # [E, H]
    emax = jax.ops.segment_max(e, dst, num_segments=N)
    emax = jnp.where(jnp.isfinite(emax), emax, 0.0)
    ex = jnp.exp(e - emax[dst])
    denom = jax.ops.segment_sum(ex, dst, num_segments=N)
    alpha = ex / (denom[dst] + 1e-9)  # [E, H]
    msg = h[src] * alpha[:, :, None]  # [E, H, D]
    out = jax.ops.segment_sum(msg, dst, num_segments=N)
    return out.reshape(N, HD) + b


def setup_inputs(seed: int = 0) -> dict:
    key = jax.random.key(seed)
    ks = jax.random.split(key, 24)
    inp = {}
    inp['feats_node'] = jax.random.normal(ks[0], (N, IN_FEATS), jnp.float32)
    inp['edge_index'] = jax.random.randint(ks[1], (2, E), 0, N, dtype=jnp.int32)
    inp['feats_graph'] = jax.random.normal(ks[2], (1, EXTRA), jnp.float32)
    s = 0.1
    inp['W1'] = jax.random.normal(ks[3], (IN_FEATS, HD), jnp.float32) * s
    inp['al1'] = jax.random.normal(ks[4], (H, D), jnp.float32) * s
    inp['ar1'] = jax.random.normal(ks[5], (H, D), jnp.float32) * s
    inp['b1'] = jnp.zeros((HD,), jnp.float32)
    inp['W2'] = jax.random.normal(ks[6], (HD, HD), jnp.float32) * s
    inp['al2'] = jax.random.normal(ks[7], (H, D), jnp.float32) * s
    inp['ar2'] = jax.random.normal(ks[8], (H, D), jnp.float32) * s
    inp['b2'] = jnp.zeros((HD,), jnp.float32)
    inp['W3'] = jax.random.normal(ks[9], (HD, HD), jnp.float32) * s
    inp['al3'] = jax.random.normal(ks[10], (H, D), jnp.float32) * s
    inp['ar3'] = jax.random.normal(ks[11], (H, D), jnp.float32) * s
    inp['b3'] = jnp.zeros((HD,), jnp.float32)
    inp['score_w'] = jax.random.normal(ks[12], (HD, 1), jnp.float32) * s
    inp['score_b'] = jnp.zeros((1,), jnp.float32)
    inp['lin1_w'] = jax.random.normal(ks[13], (HD + EXTRA, 2 * D), jnp.float32) * s
    inp['lin1_b'] = jnp.zeros((2 * D,), jnp.float32)
    inp['lin2_w'] = jax.random.normal(ks[14], (2 * D, D), jnp.float32) * s
    inp['lin2_b'] = jnp.zeros((D,), jnp.float32)
    inp['lin3_w'] = jax.random.normal(ks[15], (D, 1), jnp.float32) * s
    inp['lin3_b'] = jnp.zeros((1,), jnp.float32)
    return inp


def reference(feats_node, edge_index, feats_graph, W1, al1, ar1, b1, W2, al2, ar2, b2, W3, al3, ar3, b3, score_w, score_b, lin1_w, lin1_b, lin2_w, lin2_b, lin3_w, lin3_b):
    src = edge_index[0]
    dst = edge_index[1]
    x = jax.nn.selu(_gat_layer(feats_node, W1, al1, ar1, b1, src, dst))
    x = jax.nn.selu(_gat_layer(x, W2, al2, ar2, b2, src, dst))
    x = jax.nn.selu(_gat_layer(x, W3, al3, ar3, b3, src, dst))
    # WeightedAverage readout over a single graph: sum(w*n)/sum(w)
    w = jax.nn.sigmoid(x @ score_w + score_b)  # [N, 1]
    embedding = (w * x).sum(axis=0, keepdims=True) / (w.sum() + 1e-9)  # [1, HD]
    y = jnp.concatenate((embedding, feats_graph), axis=1)
    y = jax.nn.selu(y @ lin1_w + lin1_b)
    y = jax.nn.selu(y @ lin2_w + lin2_b)
    predict = y @ lin3_w + lin3_b
    return predict

if __name__ == "__main__":
    import jax
    _d = setup_inputs()
    print(jax.jit(kernel)(*tuple(_d.values())))

</pallas_src>

<mosaic_0001>
#map = affine_map<(d0, d1) -> (0, 0)>
#map1 = affine_map<(d0, d1) -> (0)>
#map2 = affine_map<(d0, d1) -> (0, 0, 0)>
module attributes {stable_mosaic.version = 14 : i64} {
  func.func @_sc_pass2(%arg0: i32, %arg1: i32, %arg2: memref<10000x128xf32, #tpu.memory_space<hbm>>, %arg3: memref<10000x16xf32, #tpu.memory_space<hbm>>, %arg4: memref<320000x16xf32, #tpu.memory_space<hbm>>, %arg5: memref<320000xi32, #tpu.memory_space<hbm>>, %arg6: memref<320000xi32, #tpu.memory_space<hbm>>, %arg7: memref<10000x128xf32, #tpu.memory_space<hbm>>, %arg8: memref<2x10000x128xf32, #tpu.memory_space<hbm>>, %arg9: memref<200xi32, #tpu.memory_space<vmem>>, %arg10: memref<200xi32, #tpu.memory_space<vmem>>, %arg11: memref<200x16xf32, #tpu.memory_space<vmem>>, %arg12: memref<200x16xf32, #tpu.memory_space<vmem>>, %arg13: memref<200x128xf32, #tpu.memory_space<vmem>>, %arg14: memref<10000x128xf32, #tpu.memory_space<vmem_shared>>, %arg15: memref<!tpu.dma_semaphore, #tpu.memory_space<semaphore_mem>>, %arg16: memref<!tpu.dma_semaphore, #tpu.memory_space<semaphore_mem>>) attributes {dimension_semantics = [#tpu.dimension_semantics<core_parallel>, #tpu.dimension_semantics<subcore_parallel>], iteration_bounds = array<i64: 2, 16>, scalar_prefetch = 0 : i64, scratch_operands = 8 : i64, tpu.core_type = #tpu.core_type<sc_vector_subcore>, window_params = [{transform_indices = #map}, {transform_indices = #map}, {transform_indices = #map}, {transform_indices = #map1}, {transform_indices = #map1}, {transform_indices = #map}, {transform_indices = #map2}]} {
    %mul3A = arith.constant 2 : i32
    %mul3A_0 = arith.muli %arg1, %mul3A : i32
    %add3A = arith.addi %mul3A_0, %arg0 : i32
    %eq3A = arith.constant 0 : i32
    %eq3A_1 = arith.cmpi eq, %arg1, %eq3A : i32
    %convert_element_type3A = arith.extui %eq3A_1 : i1 to i32
    %cond3A = arith.constant 0 : i32
    %cond3A_2 = arith.cmpi ne, %convert_element_type3A, %cond3A : i32
    scf.if %cond3A_2 {
      "tpu.region"() ({
        %run_scoped3A = tpu.sem_alloc : memref<!tpu.dma_semaphore, #tpu.memory_space<semaphore_mem>>
        tpu.enqueue_dma source(%arg7 : memref<10000x128xf32, #tpu.memory_space<hbm>>) target(%arg14 : memref<10000x128xf32, #tpu.memory_space<vmem_shared>>) target_semaphore(%run_scoped3A : memref<!tpu.dma_semaphore, #tpu.memory_space<semaphore_mem>>)
        tpu.wait_dma2 semaphore(%run_scoped3A : memref<!tpu.dma_semaphore, #tpu.memory_space<semaphore_mem>>) src(%arg7 : memref<10000x128xf32, #tpu.memory_space<hbm>>) dst(%arg14 : memref<10000x128xf32, #tpu.memory_space<vmem_shared>>)
        tpu.yield
      }) : () -> ()
    } else {
    }
    %barrier3A = arith.constant 0 : index
    tpu.barrier barrier_id(%barrier3A)
    %iota3A = tpu.iota {dimensions = array<i32: 0>} : vector<16xi32>
    %scan3A = arith.constant 0 : i32
    %scan3A_3 = arith.constant 0 : i32
    %scan3A_4 = arith.constant 50 : i32
    %scan3A_5 = arith.addi %scan3A_3, %scan3A_4 : i32
    %scan3A_6 = arith.constant 1 : i32
    scf.for %scan3A_14 = %scan3A_3 to %scan3A_5 step %scan3A_6  : i32 {
      %mul3A_15 = arith.constant 10000 : i32
      %mul3A_16 = arith.muli %add3A, %mul3A_15 : i32
      %mul3A_17 = arith.constant 200 : i32
      %mul3A_18 = arith.muli %scan3A_14, %mul3A_17 : i32
      %add3A_19 = arith.addi %mul3A_16, %mul3A_18 : i32
      %multiple_of3A = tpu.assume_multiple %add3A_19, 8 : i32
      "tpu.region"() ({
        %run_scoped3A = tpu.sem_alloc : memref<!tpu.dma_semaphore, #tpu.memory_space<semaphore_mem>>
        %dma_start3A_36 = tpu.memref_slice %arg5[%multiple_of3A] : memref<320000xi32, #tpu.memory_space<hbm>> -> memref<200xi32, #tpu.memory_space<hbm>>
        %dma_start3A_37 = tpu.memref_slice %arg5[%multiple_of3A] : memref<320000xi32, #tpu.memory_space<hbm>> -> memref<200xi32, #tpu.memory_space<hbm>>
        tpu.enqueue_dma source(%dma_start3A_37 : memref<200xi32, #tpu.memory_space<hbm>>) target(%arg9 : memref<200xi32, #tpu.memory_space<vmem>>) target_semaphore(%run_scoped3A : memref<!tpu.dma_semaphore, #tpu.memory_space<semaphore_mem>>)
        %dma_wait3A_38 = tpu.memref_slice %arg5[%multiple_of3A] : memref<320000xi32, #tpu.memory_space<hbm>> -> memref<200xi32, #tpu.memory_space<hbm>>
        %dma_wait3A_39 = tpu.memref_slice %arg5[%multiple_of3A] : memref<320000xi32, #tpu.memory_space<hbm>> -> memref<200xi32, #tpu.memory_space<hbm>>
        tpu.wait_dma2 semaphore(%run_scoped3A : memref<!tpu.dma_semaphore, #tpu.memory_space<semaphore_mem>>) src(%dma_wait3A_39 : memref<200xi32, #tpu.memory_space<hbm>>) dst(%arg9 : memref<200xi32, #tpu.memory_space<vmem>>)
        tpu.yield
      }) : () -> ()
      "tpu.region"() ({
        %run_scoped3A = tpu.sem_alloc : memref<!tpu.dma_semaphore, #tpu.memory_space<semaphore_mem>>
        %dma_start3A_36 = tpu.memref_slice %arg6[%multiple_of3A] : memref<320000xi32, #tpu.memory_space<hbm>> -> memref<200xi32, #tpu.memory_space<hbm>>
        %dma_start3A_37 = tpu.memref_slice %arg6[%multiple_of3A] : memref<320000xi32, #tpu.memory_space<hbm>> -> memref<200xi32, #tpu.memory_space<hbm>>
        tpu.enqueue_dma source(%dma_start3A_37 : memref<200xi32, #tpu.memory_space<hbm>>) target(%arg10 : memref<200xi32, #tpu.memory_space<vmem>>) target_semaphore(%run_scoped3A : memref<!tpu.dma_semaphore, #tpu.memory_space<semaphore_mem>>)
        %dma_wait3A_38 = tpu.memref_slice %arg6[%multiple_of3A] : memref<320000xi32, #tpu.memory_space<hbm>> -> memref<200xi32, #tpu.memory_space<hbm>>
        %dma_wait3A_39 = tpu.memref_slice %arg6[%multiple_of3A] : memref<320000xi32, #tpu.memory_space<hbm>> -> memref<200xi32, #tpu.memory_space<hbm>>
        tpu.wait_dma2 semaphore(%run_scoped3A : memref<!tpu.dma_semaphore, #tpu.memory_space<semaphore_mem>>) src(%dma_wait3A_39 : memref<200xi32, #tpu.memory_space<hbm>>) dst(%arg10 : memref<200xi32, #tpu.memory_space<vmem>>)
        tpu.yield
      }) : () -> ()
      "tpu.region"() ({
        %run_scoped3A = tpu.sem_alloc : memref<!tpu.dma_semaphore, #tpu.memory_space<semaphore_mem>>
        %dma_start3A_36 = arith.constant 0 : i32
        %dma_start3A_37 = tpu.memref_slice %arg4[%multiple_of3A, %dma_start3A_36] : memref<320000x16xf32, #tpu.memory_space<hbm>> -> memref<200x16xf32, #tpu.memory_space<hbm>>
        %dma_start3A_38 = arith.constant 0 : i32
        %dma_start3A_39 = tpu.memref_slice %arg4[%multiple_of3A, %dma_start3A_38] : memref<320000x16xf32, #tpu.memory_space<hbm>> -> memref<200x16xf32, #tpu.memory_space<hbm>>
        tpu.enqueue_dma source(%dma_start3A_39 : memref<200x16xf32, #tpu.memory_space<hbm>>) target(%arg11 : memref<200x16xf32, #tpu.memory_space<vmem>>) target_semaphore(%run_scoped3A : memref<!tpu.dma_semaphore, #tpu.memory_space<semaphore_mem>>)
        %dma_wait3A_40 = arith.constant 0 : i32
        %dma_wait3A_41 = tpu.memref_slice %arg4[%multiple_of3A, %dma_wait3A_40] : memref<320000x16xf32, #tpu.memory_space<hbm>> -> memref<200x16xf32, #tpu.memory_space<hbm>>
        %dma_wait3A_42 = arith.constant 0 : i32
        %dma_wait3A_43 = tpu.memref_slice %arg4[%multiple_of3A, %dma_wait3A_42] : memref<320000x16xf32, #tpu.memory_space<hbm>> -> memref<200x16xf32, #tpu.memory_space<hbm>>
        tpu.wait_dma2 semaphore(%run_scoped3A : memref<!tpu.dma_semaphore, #tpu.memory_space<semaphore_mem>>) src(%dma_wait3A_43 : memref<200x16xf32, #tpu.memory_space<hbm>>) dst(%arg11 : memref<200x16xf32, #tpu.memory_space<vmem>>)
        tpu.yield
      }) : () -> ()
      %dma_start3A = arith.constant 0 : i32
      %dma_start3A_20 = arith.constant 0 : i32
      %dma_start3A_21 = tpu.memref_slice %arg3[%dma_start3A, %dma_start3A_20] : memref<10000x16xf32, #tpu.memory_space<hbm>> -> memref<10000x16xf32, #tpu.memory_space<hbm>>
      tpu.enqueue_indirect_dma source(%dma_start3A_21 : memref<10000x16xf32, #tpu.memory_space<hbm>>) target(%arg12 : memref<200x16xf32, #tpu.memory_space<vmem>>) offsets(%arg10 : memref<200xi32, #tpu.memory_space<vmem>>) semaphore(%arg15 : memref<!tpu.dma_semaphore, #tpu.memory_space<semaphore_mem>>)
      %dma_start3A_22 = arith.constant 0 : i32
      %dma_start3A_23 = arith.constant 0 : i32
      %dma_start3A_24 = tpu.memref_slice %arg2[%dma_start3A_22, %dma_start3A_23] : memref<10000x128xf32, #tpu.memory_space<hbm>> -> memref<10000x128xf32, #tpu.memory_space<hbm>>
      tpu.enqueue_indirect_dma source(%dma_start3A_24 : memref<10000x128xf32, #tpu.memory_space<hbm>>) target(%arg13 : memref<200x128xf32, #tpu.memory_space<vmem>>) offsets(%arg9 : memref<200xi32, #tpu.memory_space<vmem>>) semaphore(%arg16 : memref<!tpu.dma_semaphore, #tpu.memory_space<semaphore_mem>>)
      %dma_wait3A = arith.constant 0 : i32
      %dma_wait3A_25 = arith.constant 0 : i32
      %dma_wait3A_26 = tpu.memref_slice %arg3[%dma_wait3A, %dma_wait3A_25] : memref<10000x16xf32, #tpu.memory_space<hbm>> -> memref<10000x16xf32, #tpu.memory_space<hbm>>
      tpu.wait_indirect_dma semaphore(%arg15 : memref<!tpu.dma_semaphore, #tpu.memory_space<semaphore_mem>>) src(%dma_wait3A_26 : memref<10000x16xf32, #tpu.memory_space<hbm>>) dst(%arg12 : memref<200x16xf32, #tpu.memory_space<vmem>>)
      %dma_wait3A_27 = arith.constant 0 : i32
      %dma_wait3A_28 = arith.constant 0 : i32
      %dma_wait3A_29 = tpu.memref_slice %arg2[%dma_wait3A_27, %dma_wait3A_28] : memref<10000x128xf32, #tpu.memory_space<hbm>> -> memref<10000x128xf32, #tpu.memory_space<hbm>>
      tpu.wait_indirect_dma semaphore(%arg16 : memref<!tpu.dma_semaphore, #tpu.memory_space<semaphore_mem>>) src(%dma_wait3A_29 : memref<10000x128xf32, #tpu.memory_space<hbm>>) dst(%arg13 : memref<200x128xf32, #tpu.memory_space<vmem>>)
      %scan3A_30 = arith.constant 0 : i32
      %scan3A_31 = arith.constant 0 : i32
      %scan3A_32 = arith.constant 200 : i32
      %scan3A_33 = arith.addi %scan3A_31, %scan3A_32 : i32
      %scan3A_34 = arith.constant 1 : i32
      scf.for %scan3A_36 = %scan3A_31 to %scan3A_33 step %scan3A_34  : i32 {
        %get3A = arith.index_cast %scan3A_36 : i32 to index
        %get3A_37 = arith.constant 0 : index
        %get3A_38 = tpu.vector_load %arg11[%get3A, %get3A_37] {strides = array<i32>} : memref<200x16xf32, #tpu.memory_space<vmem>>, vector<1x16xf32>,
        %get3A_39 = vector.shape_cast %get3A_38 : vector<1x16xf32> to vector<16xf32>
        %get3A_40 = arith.index_cast %scan3A_36 : i32 to index
        %get3A_41 = arith.constant 0 : index
        %get3A_42 = tpu.vector_load %arg12[%get3A_40, %get3A_41] {strides = array<i32>} : memref<200x16xf32, #tpu.memory_space<vmem>>, vector<1x16xf32>,
        %get3A_43 = vector.shape_cast %get3A_42 : vector<1x16xf32> to vector<16xf32>
        %mul3A_44 = arith.mulf %get3A_39, %get3A_43 : vector<16xf32>
        %mul3A_45 = arith.constant 0 : i32
        %mul3A_46 = vector.broadcast %mul3A_45 : i32 to vector<16xi32>
        %mul3A_47 = arith.muli %iota3A, %mul3A_46 : vector<16xi32>
        %add3A_48 = arith.constant 0 : i32
        %add3A_49 = vector.broadcast %add3A_48 : i32 to vector<16xi32>
        %add3A_50 = arith.addi %mul3A_47, %add3A_49 : vector<16xi32>
        %lt3A = arith.constant 0 : i32
        %lt3A_51 = vector.broadcast %lt3A : i32 to vector<16xi32>
        %lt3A_52 = arith.cmpi slt, %add3A_50, %lt3A_51 : vector<16xi32>
        %add3A_53 = arith.constant 16 : i32
        %add3A_54 = vector.broadcast %add3A_53 : i32 to vector<16xi32>
        %add3A_55 = arith.addi %add3A_50, %add3A_54 : vector<16xi32>
        %select_n3A = arith.select %lt3A_52, %add3A_55, %add3A_50 : vector<16xi1>, vector<16xi32>
        %broadcast_in_dim3A = vector.shape_cast %select_n3A : vector<16xi32> to vector<16x1xi32>
        %gather3A = vector.shape_cast %broadcast_in_dim3A : vector<16x1xi32> to vector<16xi32>
        %gather3A_56 = tpu.dynamic_gather %mul3A_44[%gather3A] in [0] : vector<16xf32>, vector<16xi32> -> vector<16xf32>
        %get3A_57 = arith.index_cast %scan3A_36 : i32 to index
        %get3A_58 = arith.constant 0 : index
        %get3A_59 = tpu.vector_load %arg13[%get3A_57, %get3A_58] {strides = array<i32>} : memref<200x128xf32, #tpu.memory_space<vmem>>, vector<1x16xf32>,
        %get3A_60 = vector.shape_cast %get3A_59 : vector<1x16xf32> to vector<16xf32>
        %mul3A_61 = arith.mulf %get3A_60, %gather3A_56 : vector<16xf32>
        %swap3A = arith.index_cast %scan3A_36 : i32 to index
        %swap3A_62 = arith.constant 0 : index
        %swap3A_63 = tpu.vector_load %arg13[%swap3A, %swap3A_62] {strides = array<i32>} : memref<200x128xf32, #tpu.memory_space<vmem>>, vector<1x16xf32>,
        %swap3A_64 = vector.shape_cast %swap3A_63 : vector<1x16xf32> to vector<16xf32>
        %swap3A_65 = vector.shape_cast %mul3A_61 : vector<16xf32> to vector<1x16xf32>
        tpu.vector_store %arg13[%swap3A, %swap3A_62], %swap3A_65 {strides = array<i32>} : memref<200x128xf32, #tpu.memory_space<vmem>>, vector<1x16xf32>,
        %mul3A_66 = arith.constant 0 : i32
        %mul3A_67 = vector.broadcast %mul3A_66 : i32 to vector<16xi32>
        %mul3A_68 = arith.muli %iota3A, %mul3A_67 : vector<16xi32>
        %add3A_69 = arith.constant 1 : i32
        %add3A_70 = vector.broadcast %add3A_69 : i32 to vector<16xi32>
        %add3A_71 = arith.addi %mul3A_68, %add3A_70 : vector<16xi32>
        %lt3A_72 = arith.constant 0 : i32
        %lt3A_73 = vector.broadcast %lt3A_72 : i32 to vector<16xi32>
        %lt3A_74 = arith.cmpi slt, %add3A_71, %lt3A_73 : vector<16xi32>
        %add3A_75 = arith.constant 16 : i32
        %add3A_76 = vector.broadcast %add3A_75 : i32 to vector<16xi32>
        %add3A_77 = arith.addi %add3A_71, %add3A_76 : vector<16xi32>
        %select_n3A_78 = arith.select %lt3A_74, %add3A_77, %add3A_71 : vector<16xi1>, vector<16xi32>
        %broadcast_in_dim3A_79 = vector.shape_cast %select_n3A_78 : vector<16xi32> to vector<16x1xi32>
        %gather3A_80 = vector.shape_cast %broadcast_in_dim3A_79 : vector<16x1xi32> to vector<16xi32>
        %gather3A_81 = tpu.dynamic_gather %mul3A_44[%gather3A_80] in [0] : vector<16xf32>, vector<16xi32> -> vector<16xf32>
        %get3A_82 = arith.index_cast %scan3A_36 : i32 to index
        %get3A_83 = arith.constant 16 : index
        %get3A_84 = tpu.vector_load %arg13[%get3A_82, %get3A_83] {strides = array<i32>} : memref<200x128xf32, #tpu.memory_space<vmem>>, vector<1x16xf32>,
        %get3A_85 = vector.shape_cast %get3A_84 : vector<1x16xf32> to vector<16xf32>
        %mul3A_86 = arith.mulf %get3A_85, %gather3A_81 : vector<16xf32>
        %swap3A_87 = arith.index_cast %scan3A_36 : i32 to index
        %swap3A_88 = arith.constant 16 : index
        %swap3A_89 = tpu.vector_load %arg13[%swap3A_87, %swap3A_88] {strides = array<i32>} : memref<200x128xf32, #tpu.memory_space<vmem>>, vector<1x16xf32>,
        %swap3A_90 = vector.shape_cast %swap3A_89 : vector<1x16xf32> to vector<16xf32>
        %swap3A_91 = vector.shape_cast %mul3A_86 : vector<16xf32> to vector<1x16xf32>
        tpu.vector_store %arg13[%swap3A_87, %swap3A_88], %swap3A_91 {strides = array<i32>} : memref<200x128xf32, #tpu.memory_space<vmem>>, vector<1x16xf32>,
        %mul3A_92 = arith.constant 0 : i32
        %mul3A_93 = vector.broadcast %mul3A_92 : i32 to vector<16xi32>
        %mul3A_94 = arith.muli %iota3A, %mul3A_93 : vector<16xi32>
        %add3A_95 = arith.constant 2 : i32
        %add3A_96 = vector.broadcast %add3A_95 : i32 to vector<16xi32>
        %add3A_97 = arith.addi %mul3A_94, %add3A_96 : vector<16xi32>
        %lt3A_98 = arith.constant 0 : i32
        %lt3A_99 = vector.broadcast %lt3A_98 : i32 to vector<16xi32>
        %lt3A_100 = arith.cmpi slt, %add3A_97, %lt3A_99 : vector<16xi32>
        %add3A_101 = arith.constant 16 : i32
        %add3A_102 = vector.broadcast %add3A_101 : i32 to vector<16xi32>
        %add3A_103 = arith.addi %add3A_97, %add3A_102 : vector<16xi32>
        %select_n3A_104 = arith.select %lt3A_100, %add3A_103, %add3A_97 : vector<16xi1>, vector<16xi32>
        %broadcast_in_dim3A_105 = vector.shape_cast %select_n3A_104 : vector<16xi32> to vector<16x1xi32>
        %gather3A_106 = vector.shape_cast %broadcast_in_dim3A_105 : vector<16x1xi32> to vector<16xi32>
        %gather3A_107 = tpu.dynamic_gather %mul3A_44[%gather3A_106] in [0] : vector<16xf32>, vector<16xi32> -> vector<16xf32>
        %get3A_108 = arith.index_cast %scan3A_36 : i32 to index
        %get3A_109 = arith.constant 32 : index
        %get3A_110 = tpu.vector_load %arg13[%get3A_108, %get3A_109] {strides = array<i32>} : memref<200x128xf32, #tpu.memory_space<vmem>>, vector<1x16xf32>,
        %get3A_111 = vector.shape_cast %get3A_110 : vector<1x16xf32> to vector<16xf32>
        %mul3A_112 = arith.mulf %get3A_111, %gather3A_107 : vector<16xf32>
        %swap3A_113 = arith.index_cast %scan3A_36 : i32 to index
        %swap3A_114 = arith.constant 32 : index
        %swap3A_115 = tpu.vector_load %arg13[%swap3A_113, %swap3A_114] {strides = array<i32>} : memref<200x128xf32, #tpu.memory_space<vmem>>, vector<1x16xf32>,
        %swap3A_116 = vector.shape_cast %swap3A_115 : vector<1x16xf32> to vector<16xf32>
        %swap3A_117 = vector.shape_cast %mul3A_112 : vector<16xf32> to vector<1x16xf32>
        tpu.vector_store %arg13[%swap3A_113, %swap3A_114], %swap3A_117 {strides = array<i32>} : memref<200x128xf32, #tpu.memory_space<vmem>>, vector<1x16xf32>,
        %mul3A_118 = arith.constant 0 : i32
        %mul3A_119 = vector.broadcast %mul3A_118 : i32 to vector<16xi32>
        %mul3A_120 = arith.muli %iota3A, %mul3A_119 : vector<16xi32>
        %add3A_121 = arith.constant 3 : i32
        %add3A_122 = vector.broadcast %add3A_121 : i32 to vector<16xi32>
        %add3A_123 = arith.addi %mul3A_120, %add3A_122 : vector<16xi32>
        %lt3A_124 = arith.constant 0 : i32
        %lt3A_125 = vector.broadcast %lt3A_124 : i32 to vector<16xi32>
        %lt3A_126 = arith.cmpi slt, %add3A_123, %lt3A_125 : vector<16xi32>
        %add3A_127 = arith.constant 16 : i32
        %add3A_128 = vector.broadcast %add3A_127 : i32 to vector<16xi32>
        %add3A_129 = arith.addi %add3A_123, %add3A_128 : vector<16xi32>
        %select_n3A_130 = arith.select %lt3A_126, %add3A_129, %add3A_123 : vector<16xi1>, vector<16xi32>
        %broadcast_in_dim3A_131 = vector.shape_cast %select_n3A_130 : vector<16xi32> to vector<16x1xi32>
        %gather3A_132 = vector.shape_cast %broadcast_in_dim3A_131 : vector<16x1xi32> to vector<16xi32>
        %gather3A_133 = tpu.dynamic_gather %mul3A_44[%gather3A_132] in [0] : vector<16xf32>, vector<16xi32> -> vector<16xf32>
        %get3A_134 = arith.index_cast %scan3A_36 : i32 to index
        %get3A_135 = arith.constant 48 : index
        %get3A_136 = tpu.vector_load %arg13[%get3A_134, %get3A_135] {strides = array<i32>} : memref<200x128xf32, #tpu.memory_space<vmem>>, vector<1x16xf32>,
        %get3A_137 = vector.shape_cast %get3A_136 : vector<1x16xf32> to vector<16xf32>
        %mul3A_138 = arith.mulf %get3A_137, %gather3A_133 : vector<16xf32>
        %swap3A_139 = arith.index_cast %scan3A_36 : i32 to index
        %swap3A_140 = arith.constant 48 : index
        %swap3A_141 = tpu.vector_load %arg13[%swap3A_139, %swap3A_140] {strides = array<i32>} : memref<200x128xf32, #tpu.memory_space<vmem>>, vector<1x16xf32>,
        %swap3A_142 = vector.shape_cast %swap3A_141 : vector<1x16xf32> to vector<16xf32>
        %swap3A_143 = vector.shape_cast %mul3A_138 : vector<16xf32> to vector<1x16xf32>
        tpu.vector_store %arg13[%swap3A_139, %swap3A_140], %swap3A_143 {strides = array<i32>} : memref<200x128xf32, #tpu.memory_space<vmem>>, vector<1x16xf32>,
        %mul3A_144 = arith.constant 0 : i32
        %mul3A_145 = vector.broadcast %mul3A_144 : i32 to vector<16xi32>
        %mul3A_146 = arith.muli %iota3A, %mul3A_145 : vector<16xi32>
        %add3A_147 = arith.constant 4 : i32
        %add3A_148 = vector.broadcast %add3A_147 : i32 to vector<16xi32>
        %add3A_149 = arith.addi %mul3A_146, %add3A_148 : vector<16xi32>
        %lt3A_150 = arith.constant 0 : i32
        %lt3A_151 = vector.broadcast %lt3A_150 : i32 to vector<16xi32>
        %lt3A_152 = arith.cmpi slt, %add3A_149, %lt3A_151 : vector<16xi32>
        %add3A_153 = arith.constant 16 : i32
        %add3A_154 = vector.broadcast %add3A_153 : i32 to vector<16xi32>
        %add3A_155 = arith.addi %add3A_149, %add3A_154 : vector<16xi32>
        %select_n3A_156 = arith.select %lt3A_152, %add3A_155, %add3A_149 : vector<16xi1>, vector<16xi32>
        %broadcast_in_dim3A_157 = vector.shape_cast %select_n3A_156 : vector<16xi32> to vector<16x1xi32>
        %gather3A_158 = vector.shape_cast %broadcast_in_dim3A_157 : vector<16x1xi32> to vector<16xi32>
        %gather3A_159 = tpu.dynamic_gather %mul3A_44[%gather3A_158] in [0] : vector<16xf32>, vector<16xi32> -> vector<16xf32>
        %get3A_160 = arith.index_cast %scan3A_36 : i32 to index
        %get3A_161 = arith.constant 64 : index
        %get3A_162 = tpu.vector_load %arg13[%get3A_160, %get3A_161] {strides = array<i32>} : memref<200x128xf32, #tpu.memory_space<vmem>>, vector<1x16xf32>,
        %get3A_163 = vector.shape_cast %get3A_162 : vector<1x16xf32> to vector<16xf32>
        %mul3A_164 = arith.mulf %get3A_163, %gather3A_159 : vector<16xf32>
        %swap3A_165 = arith.index_cast %scan3A_36 : i32 to index
        %swap3A_166 = arith.constant 64 : index
        %swap3A_167 = tpu.vector_load %arg13[%swap3A_165, %swap3A_166] {strides = array<i32>} : memref<200x128xf32, #tpu.memory_space<vmem>>, vector<1x16xf32>,
        %swap3A_168 = vector.shape_cast %swap3A_167 : vector<1x16xf32> to vector<16xf32>
        %swap3A_169 = vector.shape_cast %mul3A_164 : vector<16xf32> to vector<1x16xf32>
        tpu.vector_store %arg13[%swap3A_165, %swap3A_166], %swap3A_169 {strides = array<i32>} : memref<200x128xf32, #tpu.memory_space<vmem>>, vector<1x16xf32>,
        %mul3A_170 = arith.constant 0 : i32
        %mul3A_171 = vector.broadcast %mul3A_170 : i32 to vector<16xi32>
        %mul3A_172 = arith.muli %iota3A, %mul3A_171 : vector<16xi32>
        %add3A_173 = arith.constant 5 : i32
        %add3A_174 = vector.broadcast %add3A_173 : i32 to vector<16xi32>
        %add3A_175 = arith.addi %mul3A_172, %add3A_174 : vector<16xi32>
        %lt3A_176 = arith.constant 0 : i32
        %lt3A_177 = vector.broadcast %lt3A_176 : i32 to vector<16xi32>
        %lt3A_178 = arith.cmpi slt, %add3A_175, %lt3A_177 : vector<16xi32>
        %add3A_179 = arith.constant 16 : i32
        %add3A_180 = vector.broadcast %add3A_179 : i32 to vector<16xi32>
        %add3A_181 = arith.addi %add3A_175, %add3A_180 : vector<16xi32>
        %select_n3A_182 = arith.select %lt3A_178, %add3A_181, %add3A_175 : vector<16xi1>, vector<16xi32>
        %broadcast_in_dim3A_183 = vector.shape_cast %select_n3A_182 : vector<16xi32> to vector<16x1xi32>
        %gather3A_184 = vector.shape_cast %broadcast_in_dim3A_183 : vector<16x1xi32> to vector<16xi32>
        %gather3A_185 = tpu.dynamic_gather %mul3A_44[%gather3A_184] in [0] : vector<16xf32>, vector<16xi32> -> vector<16xf32>
        %get3A_186 = arith.index_cast %scan3A_36 : i32 to index
        %get3A_187 = arith.constant 80 : index
        %get3A_188 = tpu.vector_load %arg13[%get3A_186, %get3A_187] {strides = array<i32>} : memref<200x128xf32, #tpu.memory_space<vmem>>, vector<1x16xf32>,
        %get3A_189 = vector.shape_cast %get3A_188 : vector<1x16xf32> to vector<16xf32>
        %mul3A_190 = arith.mulf %get3A_189, %gather3A_185 : vector<16xf32>
        %swap3A_191 = arith.index_cast %scan3A_36 : i32 to index
        %swap3A_192 = arith.constant 80 : index
        %swap3A_193 = tpu.vector_load %arg13[%swap3A_191, %swap3A_192] {strides = array<i32>} : memref<200x128xf32, #tpu.memory_space<vmem>>, vector<1x16xf32>,
        %swap3A_194 = vector.shape_cast %swap3A_193 : vector<1x16xf32> to vector<16xf32>
        %swap3A_195 = vector.shape_cast %mul3A_190 : vector<16xf32> to vector<1x16xf32>
        tpu.vector_store %arg13[%swap3A_191, %swap3A_192], %swap3A_195 {strides = array<i32>} : memref<200x128xf32, #tpu.memory_space<vmem>>, vector<1x16xf32>,
        %mul3A_196 = arith.constant 0 : i32
        %mul3A_197 = vector.broadcast %mul3A_196 : i32 to vector<16xi32>
        %mul3A_198 = arith.muli %iota3A, %mul3A_197 : vector<16xi32>
        %add3A_199 = arith.constant 6 : i32
        %add3A_200 = vector.broadcast %add3A_199 : i32 to vector<16xi32>
        %add3A_201 = arith.addi %mul3A_198, %add3A_200 : vector<16xi32>
        %lt3A_202 = arith.constant 0 : i32
        %lt3A_203 = vector.broadcast %lt3A_202 : i32 to vector<16xi32>
        %lt3A_204 = arith.cmpi slt, %add3A_201, %lt3A_203 : vector<16xi32>
        %add3A_205 = arith.constant 16 : i32
        %add3A_206 = vector.broadcast %add3A_205 : i32 to vector<16xi32>
        %add3A_207 = arith.addi %add3A_201, %add3A_206 : vector<16xi32>
        %select_n3A_208 = arith.select %lt3A_204, %add3A_207, %add3A_201 : vector<16xi1>, vector<16xi32>
        %broadcast_in_dim3A_209 = vector.shape_cast %select_n3A_208 : vector<16xi32> to vector<16x1xi32>
        %gather3A_210 = vector.shape_cast %broadcast_in_dim3A_209 : vector<16x1xi32> to vector<16xi32>
        %gather3A_211 = tpu.dynamic_gather %mul3A_44[%gather3A_210] in [0] : vector<16xf32>, vector<16xi32> -> vector<16xf32>
        %get3A_212 = arith.index_cast %scan3A_36 : i32 to index
        %get3A_213 = arith.constant 96 : index
        %get3A_214 = tpu.vector_load %arg13[%get3A_212, %get3A_213] {strides = array<i32>} : memref<200x128xf32, #tpu.memory_space<vmem>>, vector<1x16xf32>,
        %get3A_215 = vector.shape_cast %get3A_214 : vector<1x16xf32> to vector<16xf32>
        %mul3A_216 = arith.mulf %get3A_215, %gather3A_211 : vector<16xf32>
        %swap3A_217 = arith.index_cast %scan3A_36 : i32 to index
        %swap3A_218 = arith.constant 96 : index
        %swap3A_219 = tpu.vector_load %arg13[%swap3A_217, %swap3A_218] {strides = array<i32>} : memref<200x128xf32, #tpu.memory_space<vmem>>, vector<1x16xf32>,
        %swap3A_220 = vector.shape_cast %swap3A_219 : vector<1x16xf32> to vector<16xf32>
        %swap3A_221 = vector.shape_cast %mul3A_216 : vector<16xf32> to vector<1x16xf32>
        tpu.vector_store %arg13[%swap3A_217, %swap3A_218], %swap3A_221 {strides = array<i32>} : memref<200x128xf32, #tpu.memory_space<vmem>>, vector<1x16xf32>,
        %mul3A_222 = arith.constant 0 : i32
        %mul3A_223 = vector.broadcast %mul3A_222 : i32 to vector<16xi32>
        %mul3A_224 = arith.muli %iota3A, %mul3A_223 : vector<16xi32>
        %add3A_225 = arith.constant 7 : i32
        %add3A_226 = vector.broadcast %add3A_225 : i32 to vector<16xi32>
        %add3A_227 = arith.addi %mul3A_224, %add3A_226 : vector<16xi32>
        %lt3A_228 = arith.constant 0 : i32
        %lt3A_229 = vector.broadcast %lt3A_228 : i32 to vector<16xi32>
        %lt3A_230 = arith.cmpi slt, %add3A_227, %lt3A_229 : vector<16xi32>
        %add3A_231 = arith.constant 16 : i32
        %add3A_232 = vector.broadcast %add3A_231 : i32 to vector<16xi32>
        %add3A_233 = arith.addi %add3A_227, %add3A_232 : vector<16xi32>
        %select_n3A_234 = arith.select %lt3A_230, %add3A_233, %add3A_227 : vector<16xi1>, vector<16xi32>
        %broadcast_in_dim3A_235 = vector.shape_cast %select_n3A_234 : vector<16xi32> to vector<16x1xi32>
        %gather3A_236 = vector.shape_cast %broadcast_in_dim3A_235 : vector<16x1xi32> to vector<16xi32>
        %gather3A_237 = tpu.dynamic_gather %mul3A_44[%gather3A_236] in [0] : vector<16xf32>, vector<16xi32> -> vector<16xf32>
        %get3A_238 = arith.index_cast %scan3A_36 : i32 to index
        %get3A_239 = arith.constant 112 : index
        %get3A_240 = tpu.vector_load %arg13[%get3A_238, %get3A_239] {strides = array<i32>} : memref<200x128xf32, #tpu.memory_space<vmem>>, vector<1x16xf32>,
        %get3A_241 = vector.shape_cast %get3A_240 : vector<1x16xf32> to vector<16xf32>
        %mul3A_242 = arith.mulf %get3A_241, %gather3A_237 : vector<16xf32>
        %swap3A_243 = arith.index_cast %scan3A_36 : i32 to index
        %swap3A_244 = arith.constant 112 : index
        %swap3A_245 = tpu.vector_load %arg13[%swap3A_243, %swap3A_244] {strides = array<i32>} : memref<200x128xf32, #tpu.memory_space<vmem>>, vector<1x16xf32>,
        %swap3A_246 = vector.shape_cast %swap3A_245 : vector<1x16xf32> to vector<16xf32>
        %swap3A_247 = vector.shape_cast %mul3A_242 : vector<16xf32> to vector<1x16xf32>
        tpu.vector_store %arg13[%swap3A_243, %swap3A_244], %swap3A_247 {strides = array<i32>} : memref<200x128xf32, #tpu.memory_space<vmem>>, vector<1x16xf32>,
      }
      %scan3A_35 = arith.constant 200 : i32
      "tpu.region"() ({
        %run_scoped3A = tpu.sem_alloc : memref<!tpu.dma_semaphore, #tpu.memory_space<semaphore_mem>>
        %dma_start3A_36 = arith.constant 0 : i32
        %dma_start3A_37 = arith.constant 0 : i32
        %dma_start3A_38 = tpu.memref_slice %arg14[%dma_start3A_36, %dma_start3A_37] : memref<10000x128xf32, #tpu.memory_space<vmem_shared>> -> memref<10000x128xf32, #tpu.memory_space<vmem_shared>>
        tpu.enqueue_indirect_dma source(%arg13 : memref<200x128xf32, #tpu.memory_space<vmem>>) target(%dma_start3A_38 : memref<10000x128xf32, #tpu.memory_space<vmem_shared>>) offsets(%arg10 : memref<200xi32, #tpu.memory_space<vmem>>) semaphore(%run_scoped3A : memref<!tpu.dma_semaphore, #tpu.memory_space<semaphore_mem>>) {add = true}
        %dma_wait3A_39 = arith.constant 0 : i32
        %dma_wait3A_40 = arith.constant 0 : i32
        %dma_wait3A_41 = tpu.memref_slice %arg14[%dma_wait3A_39, %dma_wait3A_40] : memref<10000x128xf32, #tpu.memory_space<vmem_shared>> -> memref<10000x128xf32, #tpu.memory_space<vmem_shared>>
        tpu.wait_indirect_dma semaphore(%run_scoped3A : memref<!tpu.dma_semaphore, #tpu.memory_space<semaphore_mem>>) src(%arg13 : memref<200x128xf32, #tpu.memory_space<vmem>>) dst(%dma_wait3A_41 : memref<10000x128xf32, #tpu.memory_space<vmem_shared>>)
        tpu.yield
      }) : () -> ()
    }
    %scan3A_7 = arith.constant 50 : i32
    %barrier3A_8 = arith.constant 0 : index
    tpu.barrier barrier_id(%barrier3A_8)
    %eq3A_9 = arith.constant 0 : i32
    %eq3A_10 = arith.cmpi eq, %arg1, %eq3A_9 : i32
    %convert_element_type3A_11 = arith.extui %eq3A_10 : i1 to i32
    %cond3A_12 = arith.constant 0 : i32
    %cond3A_13 = arith.cmpi ne, %convert_element_type3A_11, %cond3A_12 : i32
    scf.if %cond3A_13 {
      "tpu.region"() ({
        %run_scoped3A = tpu.sem_alloc : memref<!tpu.dma_semaphore, #tpu.memory_space<semaphore_mem>>
        %dma_start3A = arith.constant 0 : i32
        %dma_start3A_14 = arith.constant 0 : i32
        %dma_start3A_15 = tpu.memref_slice %arg8[%arg0, %dma_start3A, %dma_start3A_14] : memref<2x10000x128xf32, #tpu.memory_space<hbm>> -> memref<1x10000x128xf32, #tpu.memory_space<hbm>>
        %dma_start3A_16 = tpu.memref_squeeze %dma_start3A_15 : memref<1x10000x128xf32, #tpu.memory_space<hbm>> -> memref<10000x128xf32, #tpu.memory_space<hbm>>
        tpu.enqueue_dma source(%arg14 : memref<10000x128xf32, #tpu.memory_space<vmem_shared>>) target(%dma_start3A_16 : memref<10000x128xf32, #tpu.memory_space<hbm>>) target_semaphore(%run_scoped3A : memref<!tpu.dma_semaphore, #tpu.memory_space<semaphore_mem>>)
        %dma_wait3A = arith.constant 0 : i32
        %dma_wait3A_17 = arith.constant 0 : i32
        %dma_wait3A_18 = tpu.memref_slice %arg8[%arg0, %dma_wait3A, %dma_wait3A_17] : memref<2x10000x128xf32, #tpu.memory_space<hbm>> -> memref<1x10000x128xf32, #tpu.memory_space<hbm>>
        %dma_wait3A_19 = tpu.memref_squeeze %dma_wait3A_18 : memref<1x10000x128xf32, #tpu.memory_space<hbm>> -> memref<10000x128xf32, #tpu.memory_space<hbm>>
        tpu.wait_dma2 semaphore(%run_scoped3A : memref<!tpu.dma_semaphore, #tpu.memory_space<semaphore_mem>>) src(%arg14 : memref<10000x128xf32, #tpu.memory_space<vmem_shared>>) dst(%dma_wait3A_19 : memref<10000x128xf32, #tpu.memory_space<hbm>>)
        tpu.yield
      }) : () -> ()
    } else {
    }
    return
  }
}

#map = affine_map<(d0, d1) -> (0, 0)>
#map1 = affine_map<(d0, d1) -> (0)>
module attributes {stable_mosaic.version = 14 : i64} {
  func.func @_sc_pass1(%arg0: i32, %arg1: i32, %arg2: memref<10000x16xf32, #tpu.memory_space<hbm>>, %arg3: memref<10000x16xf32, #tpu.memory_space<hbm>>, %arg4: memref<320000xi32, #tpu.memory_space<hbm>>, %arg5: memref<320000xi32, #tpu.memory_space<hbm>>, %arg6: memref<320000x16xf32, #tpu.memory_space<hbm>>, %arg7: memref<1000xi32, #tpu.memory_space<vmem>>, %arg8: memref<1000xi32, #tpu.memory_space<vmem>>, %arg9: memref<1000x16xf32, #tpu.memory_space<vmem>>, %arg10: memref<1000x16xf32, #tpu.memory_space<vmem>>, %arg11: memref<1000x16xf32, #tpu.memory_space<vmem>>, %arg12: memref<!tpu.dma_semaphore, #tpu.memory_space<semaphore_mem>>, %arg13: memref<!tpu.dma_semaphore, #tpu.memory_space<semaphore_mem>>) attributes {dimension_semantics = [#tpu.dimension_semantics<core_parallel>, #tpu.dimension_semantics<subcore_parallel>], iteration_bounds = array<i64: 2, 16>, scalar_prefetch = 0 : i64, scratch_operands = 7 : i64, tpu.core_type = #tpu.core_type<sc_vector_subcore>, window_params = [{transform_indices = #map}, {transform_indices = #map}, {transform_indices = #map1}, {transform_indices = #map1}, {transform_indices = #map}]} {
    %mul3A = arith.constant 2 : i32
    %mul3A_0 = arith.muli %arg1, %mul3A : i32
    %add3A = arith.addi %mul3A_0, %arg0 : i32
    %iota3A = tpu.iota {dimensions = array<i32: 0>} : vector<16xi32>
    %and3A = arith.constant 7 : i32
    %and3A_1 = vector.broadcast %and3A : i32 to vector<16xi32>
    %and3A_2 = arith.andi %iota3A, %and3A_1 : vector<16xi32>
    %add3A_3 = arith.constant 8 : i32
    %add3A_4 = vector.broadcast %add3A_3 : i32 to vector<16xi32>
    %add3A_5 = arith.addi %and3A_2, %add3A_4 : vector<16xi32>
    %lt3A = arith.constant 8 : i32
    %lt3A_6 = vector.broadcast %lt3A : i32 to vector<16xi32>
    %lt3A_7 = arith.cmpi slt, %iota3A, %lt3A_6 : vector<16xi32>
    %scan3A = arith.constant 0 : i32
    %scan3A_8 = arith.constant 0 : i32
    %scan3A_9 = arith.constant 10 : i32
    %scan3A_10 = arith.addi %scan3A_8, %scan3A_9 : i32
    %scan3A_11 = arith.constant 1 : i32
    scf.for %scan3A_13 = %scan3A_8 to %scan3A_10 step %scan3A_11  : i32 {
      %mul3A_14 = arith.constant 10000 : i32
      %mul3A_15 = arith.muli %add3A, %mul3A_14 : i32
      %mul3A_16 = arith.constant 1000 : i32
      %mul3A_17 = arith.muli %scan3A_13, %mul3A_16 : i32
      %add3A_18 = arith.addi %mul3A_15, %mul3A_17 : i32
      %multiple_of3A = tpu.assume_multiple %add3A_18, 8 : i32
      "tpu.region"() ({
        %run_scoped3A = tpu.sem_alloc : memref<!tpu.dma_semaphore, #tpu.memory_space<semaphore_mem>>
        %dma_start3A_35 = tpu.memref_slice %arg4[%multiple_of3A] : memref<320000xi32, #tpu.memory_space<hbm>> -> memref<1000xi32, #tpu.memory_space<hbm>>
        %dma_start3A_36 = tpu.memref_slice %arg4[%multiple_of3A] : memref<320000xi32, #tpu.memory_space<hbm>> -> memref<1000xi32, #tpu.memory_space<hbm>>
        tpu.enqueue_dma source(%dma_start3A_36 : memref<1000xi32, #tpu.memory_space<hbm>>) target(%arg7 : memref<1000xi32, #tpu.memory_space<vmem>>) target_semaphore(%run_scoped3A : memref<!tpu.dma_semaphore, #tpu.memory_space<semaphore_mem>>)
        %dma_wait3A_37 = tpu.memref_slice %arg4[%multiple_of3A] : memref<320000xi32, #tpu.memory_space<hbm>> -> memref<1000xi32, #tpu.memory_space<hbm>>
        %dma_wait3A_38 = tpu.memref_slice %arg4[%multiple_of3A] : memref<320000xi32, #tpu.memory_space<hbm>> -> memref<1000xi32, #tpu.memory_space<hbm>>
        tpu.wait_dma2 semaphore(%run_scoped3A : memref<!tpu.dma_semaphore, #tpu.memory_space<semaphore_mem>>) src(%dma_wait3A_38 : memref<1000xi32, #tpu.memory_space<hbm>>) dst(%arg7 : memref<1000xi32, #tpu.memory_space<vmem>>)
        tpu.yield
      }) : () -> ()
      "tpu.region"() ({
        %run_scoped3A = tpu.sem_alloc : memref<!tpu.dma_semaphore, #tpu.memory_space<semaphore_mem>>
        %dma_start3A_35 = tpu.memref_slice %arg5[%multiple_of3A] : memref<320000xi32, #tpu.memory_space<hbm>> -> memref<1000xi32, #tpu.memory_space<hbm>>
        %dma_start3A_36 = tpu.memref_slice %arg5[%multiple_of3A] : memref<320000xi32, #tpu.memory_space<hbm>> -> memref<1000xi32, #tpu.memory_space<hbm>>
        tpu.enqueue_dma source(%dma_start3A_36 : memref<1000xi32, #tpu.memory_space<hbm>>) target(%arg8 : memref<1000xi32, #tpu.memory_space<vmem>>) target_semaphore(%run_scoped3A : memref<!tpu.dma_semaphore, #tpu.memory_space<semaphore_mem>>)
        %dma_wait3A_37 = tpu.memref_slice %arg5[%multiple_of3A] : memref<320000xi32, #tpu.memory_space<hbm>> -> memref<1000xi32, #tpu.memory_space<hbm>>
        %dma_wait3A_38 = tpu.memref_slice %arg5[%multiple_of3A] : memref<320000xi32, #tpu.memory_space<hbm>> -> memref<1000xi32, #tpu.memory_space<hbm>>
        tpu.wait_dma2 semaphore(%run_scoped3A : memref<!tpu.dma_semaphore, #tpu.memory_space<semaphore_mem>>) src(%dma_wait3A_38 : memref<1000xi32, #tpu.memory_space<hbm>>) dst(%arg8 : memref<1000xi32, #tpu.memory_space<vmem>>)
        tpu.yield
      }) : () -> ()
      %dma_start3A = arith.constant 0 : i32
      %dma_start3A_19 = arith.constant 0 : i32
      %dma_start3A_20 = tpu.memref_slice %arg2[%dma_start3A, %dma_start3A_19] : memref<10000x16xf32, #tpu.memory_space<hbm>> -> memref<10000x16xf32, #tpu.memory_space<hbm>>
      tpu.enqueue_indirect_dma source(%dma_start3A_20 : memref<10000x16xf32, #tpu.memory_space<hbm>>) target(%arg9 : memref<1000x16xf32, #tpu.memory_space<vmem>>) offsets(%arg7 : memref<1000xi32, #tpu.memory_space<vmem>>) semaphore(%arg12 : memref<!tpu.dma_semaphore, #tpu.memory_space<semaphore_mem>>)
      %dma_start3A_21 = arith.constant 0 : i32
      %dma_start3A_22 = arith.constant 0 : i32
      %dma_start3A_23 = tpu.memref_slice %arg3[%dma_start3A_21, %dma_start3A_22] : memref<10000x16xf32, #tpu.memory_space<hbm>> -> memref<10000x16xf32, #tpu.memory_space<hbm>>
      tpu.enqueue_indirect_dma source(%dma_start3A_23 : memref<10000x16xf32, #tpu.memory_space<hbm>>) target(%arg10 : memref<1000x16xf32, #tpu.memory_space<vmem>>) offsets(%arg8 : memref<1000xi32, #tpu.memory_space<vmem>>) semaphore(%arg13 : memref<!tpu.dma_semaphore, #tpu.memory_space<semaphore_mem>>)
      %dma_wait3A = arith.constant 0 : i32
      %dma_wait3A_24 = arith.constant 0 : i32
      %dma_wait3A_25 = tpu.memref_slice %arg2[%dma_wait3A, %dma_wait3A_24] : memref<10000x16xf32, #tpu.memory_space<hbm>> -> memref<10000x16xf32, #tpu.memory_space<hbm>>
      tpu.wait_indirect_dma semaphore(%arg12 : memref<!tpu.dma_semaphore, #tpu.memory_space<semaphore_mem>>) src(%dma_wait3A_25 : memref<10000x16xf32, #tpu.memory_space<hbm>>) dst(%arg9 : memref<1000x16xf32, #tpu.memory_space<vmem>>)
      %dma_wait3A_26 = arith.constant 0 : i32
      %dma_wait3A_27 = arith.constant 0 : i32
      %dma_wait3A_28 = tpu.memref_slice %arg3[%dma_wait3A_26, %dma_wait3A_27] : memref<10000x16xf32, #tpu.memory_space<hbm>> -> memref<10000x16xf32, #tpu.memory_space<hbm>>
      tpu.wait_indirect_dma semaphore(%arg13 : memref<!tpu.dma_semaphore, #tpu.memory_space<semaphore_mem>>) src(%dma_wait3A_28 : memref<10000x16xf32, #tpu.memory_space<hbm>>) dst(%arg10 : memref<1000x16xf32, #tpu.memory_space<vmem>>)
      %scan3A_29 = arith.constant 0 : i32
      %scan3A_30 = arith.constant 0 : i32
      %scan3A_31 = arith.constant 1000 : i32
      %scan3A_32 = arith.addi %scan3A_30, %scan3A_31 : i32
      %scan3A_33 = arith.constant 1 : i32
      scf.for %scan3A_35 = %scan3A_30 to %scan3A_32 step %scan3A_33  : i32 {
        %get3A = arith.index_cast %scan3A_35 : i32 to index
        %get3A_36 = arith.constant 0 : index
        %get3A_37 = tpu.vector_load %arg9[%get3A, %get3A_36] {strides = array<i32>} : memref<1000x16xf32, #tpu.memory_space<vmem>>, vector<1x16xf32>,
        %get3A_38 = vector.shape_cast %get3A_37 : vector<1x16xf32> to vector<16xf32>
        %get3A_39 = arith.index_cast %scan3A_35 : i32 to index
        %get3A_40 = arith.constant 0 : index
        %get3A_41 = tpu.vector_load %arg10[%get3A_39, %get3A_40] {strides = array<i32>} : memref<1000x16xf32, #tpu.memory_space<vmem>>, vector<1x16xf32>,
        %get3A_42 = vector.shape_cast %get3A_41 : vector<1x16xf32> to vector<16xf32>
        %add3A_43 = arith.addf %get3A_38, %get3A_42 : vector<16xf32>
        %gt3A = arith.constant 0.000000e+00 : f32
        %gt3A_44 = vector.broadcast %gt3A : f32 to vector<16xf32>
        %gt3A_45 = arith.cmpf ogt, %add3A_43, %gt3A_44 : vector<16xf32>
        %mul3A_46 = arith.constant 2.000000e-01 : f32
        %mul3A_47 = vector.broadcast %mul3A_46 : f32 to vector<16xf32>
        %mul3A_48 = arith.mulf %mul3A_47, %add3A_43 : vector<16xf32>
        %select_n3A = arith.select %gt3A_45, %add3A_43, %mul3A_48 : vector<16xi1>, vector<16xf32>
        %lt3A_49 = arith.constant 0 : i32
        %lt3A_50 = vector.broadcast %lt3A_49 : i32 to vector<16xi32>
        %lt3A_51 = arith.cmpi slt, %add3A_5, %lt3A_50 : vector<16xi32>
        %add3A_52 = arith.constant 16 : i32
        %add3A_53 = vector.broadcast %add3A_52 : i32 to vector<16xi32>
        %add3A_54 = arith.addi %add3A_5, %add3A_53 : vector<16xi32>
        %select_n3A_55 = arith.select %lt3A_51, %add3A_54, %add3A_5 : vector<16xi1>, vector<16xi32>
        %broadcast_in_dim3A = vector.shape_cast %select_n3A_55 : vector<16xi32> to vector<16x1xi32>
        %gather3A = vector.shape_cast %broadcast_in_dim3A : vector<16x1xi32> to vector<16xi32>
        %gather3A_56 = tpu.dynamic_gather %get3A_42[%gather3A] in [0] : vector<16xf32>, vector<16xi32> -> vector<16xf32>
        %sub3A = arith.subf %select_n3A, %gather3A_56 : vector<16xf32>
        %jit3A = arith.constant -1.000000e+04 : f32
        %broadcast_in_dim3A_57 = vector.broadcast %jit3A : f32 to vector<16xf32>
        %select_n3A_58 = arith.select %lt3A_7, %sub3A, %broadcast_in_dim3A_57 : vector<16xi1>, vector<16xf32>
        %swap3A = arith.index_cast %scan3A_35 : i32 to index
        %swap3A_59 = arith.constant 0 : index
        %swap3A_60 = tpu.vector_load %arg11[%swap3A, %swap3A_59] {strides = array<i32>} : memref<1000x16xf32, #tpu.memory_space<vmem>>, vector<1x16xf32>,
        %swap3A_61 = vector.shape_cast %swap3A_60 : vector<1x16xf32> to vector<16xf32>
        %swap3A_62 = vector.shape_cast %select_n3A_58 : vector<16xf32> to vector<1x16xf32>
        tpu.vector_store %arg11[%swap3A, %swap3A_59], %swap3A_62 {strides = array<i32>} : memref<1000x16xf32, #tpu.memory_space<vmem>>, vector<1x16xf32>,
      }
      %scan3A_34 = arith.constant 1000 : i32
      "tpu.region"() ({
        %run_scoped3A = tpu.sem_alloc : memref<!tpu.dma_semaphore, #tpu.memory_space<semaphore_mem>>
        %dma_start3A_35 = arith.constant 0 : i32
        %dma_start3A_36 = tpu.memref_slice %arg6[%multiple_of3A, %dma_start3A_35] : memref<320000x16xf32, #tpu.memory_space<hbm>> -> memref<1000x16xf32, #tpu.memory_space<hbm>>
        %dma_start3A_37 = arith.constant 0 : i32
        %dma_start3A_38 = tpu.memref_slice %arg6[%multiple_of3A, %dma_start3A_37] : memref<320000x16xf32, #tpu.memory_space<hbm>> -> memref<1000x16xf32, #tpu.memory_space<hbm>>
        tpu.enqueue_dma source(%arg11 : memref<1000x16xf32, #tpu.memory_space<vmem>>) target(%dma_start3A_38 : memref<1000x16xf32, #tpu.memory_space<hbm>>) target_semaphore(%run_scoped3A : memref<!tpu.dma_semaphore, #tpu.memory_space<semaphore_mem>>)
        %dma_wait3A_39 = arith.constant 0 : i32
        %dma_wait3A_40 = tpu.memref_slice %arg6[%multiple_of3A, %dma_wait3A_39] : memref<320000x16xf32, #tpu.memory_space<hbm>> -> memref<1000x16xf32, #tpu.memory_space<hbm>>
        %dma_wait3A_41 = arith.constant 0 : i32
        %dma_wait3A_42 = tpu.memref_slice %arg6[%multiple_of3A, %dma_wait3A_41] : memref<320000x16xf32, #tpu.memory_space<hbm>> -> memref<1000x16xf32, #tpu.memory_space<hbm>>
        tpu.wait_dma2 semaphore(%run_scoped3A : memref<!tpu.dma_semaphore, #tpu.memory_space<semaphore_mem>>) src(%arg11 : memref<1000x16xf32, #tpu.memory_space<vmem>>) dst(%dma_wait3A_42 : memref<1000x16xf32, #tpu.memory_space<hbm>>)
        tpu.yield
      }) : () -> ()
    }
    %scan3A_12 = arith.constant 10 : i32
    return
  }
}

#map = affine_map<(d0, d1) -> (0, 0)>
#map1 = affine_map<(d0, d1) -> (0)>
module attributes {stable_mosaic.version = 14 : i64} {
  func.func @_sc_pass1(%arg0: i32, %arg1: i32, %arg2: memref<10000x16xf32, #tpu.memory_space<hbm>>, %arg3: memref<10000x16xf32, #tpu.memory_space<hbm>>, %arg4: memref<320000xi32, #tpu.memory_space<hbm>>, %arg5: memref<320000xi32, #tpu.memory_space<hbm>>, %arg6: memref<320000x16xf32, #tpu.memory_space<hbm>>, %arg7: memref<1000xi32, #tpu.memory_space<vmem>>, %arg8: memref<1000xi32, #tpu.memory_space<vmem>>, %arg9: memref<1000x16xf32, #tpu.memory_space<vmem>>, %arg10: memref<1000x16xf32, #tpu.memory_space<vmem>>, %arg11: memref<1000x16xf32, #tpu.memory_space<vmem>>, %arg12: memref<!tpu.dma_semaphore, #tpu.memory_space<semaphore_mem>>, %arg13: memref<!tpu.dma_semaphore, #tpu.memory_space<semaphore_mem>>) attributes {dimension_semantics = [#tpu.dimension_semantics<core_parallel>, #tpu.dimension_semantics<subcore_parallel>], iteration_bounds = array<i64: 2, 16>, scalar_prefetch = 0 : i64, scratch_operands = 7 : i64, tpu.core_type = #tpu.core_type<sc_vector_subcore>, window_params = [{transform_indices = #map}, {transform_indices = #map}, {transform_indices = #map1}, {transform_indices = #map1}, {transform_indices = #map}]} {
    %mul3A = arith.constant 2 : i32
    %mul3A_0 = arith.muli %arg1, %mul3A : i32
    %add3A = arith.addi %mul3A_0, %arg0 : i32
    %iota3A = tpu.iota {dimensions = array<i32: 0>} : vector<16xi32>
    %and3A = arith.constant 7 : i32
    %and3A_1 = vector.broadcast %and3A : i32 to vector<16xi32>
    %and3A_2 = arith.andi %iota3A, %and3A_1 : vector<16xi32>
    %add3A_3 = arith.constant 8 : i32
    %add3A_4 = vector.broadcast %add3A_3 : i32 to vector<16xi32>
    %add3A_5 = arith.addi %and3A_2, %add3A_4 : vector<16xi32>
    %lt3A = arith.constant 8 : i32
    %lt3A_6 = vector.broadcast %lt3A : i32 to vector<16xi32>
    %lt3A_7 = arith.cmpi slt, %iota3A, %lt3A_6 : vector<16xi32>
    %scan3A = arith.constant 0 : i32
    %scan3A_8 = arith.constant 0 : i32
    %scan3A_9 = arith.constant 10 : i32
    %scan3A_10 = arith.addi %scan3A_8, %scan3A_9 : i32
    %scan3A_11 = arith.constant 1 : i32
    scf.for %scan3A_13 = %scan3A_8 to %scan3A_10 step %scan3A_11  : i32 {
      %mul3A_14 = arith.constant 10000 : i32
      %mul3A_15 = arith.muli %add3A, %mul3A_14 : i32
      %mul3A_16 = arith.constant 1000 : i32
      %mul3A_17 = arith.muli %scan3A_13, %mul3A_16 : i32
      %add3A_18 = arith.addi %mul3A_15, %mul3A_17 : i32
      %multiple_of3A = tpu.assume_multiple %add3A_18, 8 : i32
      "tpu.region"() ({
        %run_scoped3A = tpu.sem_alloc : memref<!tpu.dma_semaphore, #tpu.memory_space<semaphore_mem>>
        %dma_start3A_35 = tpu.memref_slice %arg4[%multiple_of3A] : memref<320000xi32, #tpu.memory_space<hbm>> -> memref<1000xi32, #tpu.memory_space<hbm>>
        %dma_start3A_36 = tpu.memref_slice %arg4[%multiple_of3A] : memref<320000xi32, #tpu.memory_space<hbm>> -> memref<1000xi32, #tpu.memory_space<hbm>>
        tpu.enqueue_dma source(%dma_start3A_36 : memref<1000xi32, #tpu.memory_space<hbm>>) target(%arg7 : memref<1000xi32, #tpu.memory_space<vmem>>) target_semaphore(%run_scoped3A : memref<!tpu.dma_semaphore, #tpu.memory_space<semaphore_mem>>)
        %dma_wait3A_37 = tpu.memref_slice %arg4[%multiple_of3A] : memref<320000xi32, #tpu.memory_space<hbm>> -> memref<1000xi32, #tpu.memory_space<hbm>>
        %dma_wait3A_38 = tpu.memref_slice %arg4[%multiple_of3A] : memref<320000xi32, #tpu.memory_space<hbm>> -> memref<1000xi32, #tpu.memory_space<hbm>>
        tpu.wait_dma2 semaphore(%run_scoped3A : memref<!tpu.dma_semaphore, #tpu.memory_space<semaphore_mem>>) src(%dma_wait3A_38 : memref<1000xi32, #tpu.memory_space<hbm>>) dst(%arg7 : memref<1000xi32, #tpu.memory_space<vmem>>)
        tpu.yield
      }) : () -> ()
      "tpu.region"() ({
        %run_scoped3A = tpu.sem_alloc : memref<!tpu.dma_semaphore, #tpu.memory_space<semaphore_mem>>
        %dma_start3A_35 = tpu.memref_slice %arg5[%multiple_of3A] : memref<320000xi32, #tpu.memory_space<hbm>> -> memref<1000xi32, #tpu.memory_space<hbm>>
        %dma_start3A_36 = tpu.memref_slice %arg5[%multiple_of3A] : memref<320000xi32, #tpu.memory_space<hbm>> -> memref<1000xi32, #tpu.memory_space<hbm>>
        tpu.enqueue_dma source(%dma_start3A_36 : memref<1000xi32, #tpu.memory_space<hbm>>) target(%arg8 : memref<1000xi32, #tpu.memory_space<vmem>>) target_semaphore(%run_scoped3A : memref<!tpu.dma_semaphore, #tpu.memory_space<semaphore_mem>>)
        %dma_wait3A_37 = tpu.memref_slice %arg5[%multiple_of3A] : memref<320000xi32, #tpu.memory_space<hbm>> -> memref<1000xi32, #tpu.memory_space<hbm>>
        %dma_wait3A_38 = tpu.memref_slice %arg5[%multiple_of3A] : memref<320000xi32, #tpu.memory_space<hbm>> -> memref<1000xi32, #tpu.memory_space<hbm>>
        tpu.wait_dma2 semaphore(%run_scoped3A : memref<!tpu.dma_semaphore, #tpu.memory_space<semaphore_mem>>) src(%dma_wait3A_38 : memref<1000xi32, #tpu.memory_space<hbm>>) dst(%arg8 : memref<1000xi32, #tpu.memory_space<vmem>>)
        tpu.yield
      }) : () -> ()
      %dma_start3A = arith.constant 0 : i32
      %dma_start3A_19 = arith.constant 0 : i32
      %dma_start3A_20 = tpu.memref_slice %arg2[%dma_start3A, %dma_start3A_19] : memref<10000x16xf32, #tpu.memory_space<hbm>> -> memref<10000x16xf32, #tpu.memory_space<hbm>>
      tpu.enqueue_indirect_dma source(%dma_start3A_20 : memref<10000x16xf32, #tpu.memory_space<hbm>>) target(%arg9 : memref<1000x16xf32, #tpu.memory_space<vmem>>) offsets(%arg7 : memref<1000xi32, #tpu.memory_space<vmem>>) semaphore(%arg12 : memref<!tpu.dma_semaphore, #tpu.memory_space<semaphore_mem>>)
      %dma_start3A_21 = arith.constant 0 : i32
      %dma_start3A_22 = arith.constant 0 : i32
      %dma_start3A_23 = tpu.memref_slice %arg3[%dma_start3A_21, %dma_start3A_22] : memref<10000x16xf32, #tpu.memory_space<hbm>> -> memref<10000x16xf32, #tpu.memory_space<hbm>>
      tpu.enqueue_indirect_dma source(%dma_start3A_23 : memref<10000x16xf32, #tpu.memory_space<hbm>>) target(%arg10 : memref<1000x16xf32, #tpu.memory_space<vmem>>) offsets(%arg8 : memref<1000xi32, #tpu.memory_space<vmem>>) semaphore(%arg13 : memref<!tpu.dma_semaphore, #tpu.memory_space<semaphore_mem>>)
      %dma_wait3A = arith.constant 0 : i32
      %dma_wait3A_24 = arith.constant 0 : i32
      %dma_wait3A_25 = tpu.memref_slice %arg2[%dma_wait3A, %dma_wait3A_24] : memref<10000x16xf32, #tpu.memory_space<hbm>> -> memref<10000x16xf32, #tpu.memory_space<hbm>>
      tpu.wait_indirect_dma semaphore(%arg12 : memref<!tpu.dma_semaphore, #tpu.memory_space<semaphore_mem>>) src(%dma_wait3A_25 : memref<10000x16xf32, #tpu.memory_space<hbm>>) dst(%arg9 : memref<1000x16xf32, #tpu.memory_space<vmem>>)
      %dma_wait3A_26 = arith.constant 0 : i32
      %dma_wait3A_27 = arith.constant 0 : i32
      %dma_wait3A_28 = tpu.memref_slice %arg3[%dma_wait3A_26, %dma_wait3A_27] : memref<10000x16xf32, #tpu.memory_space<hbm>> -> memref<10000x16xf32, #tpu.memory_space<hbm>>
      tpu.wait_indirect_dma semaphore(%arg13 : memref<!tpu.dma_semaphore, #tpu.memory_space<semaphore_mem>>) src(%dma_wait3A_28 : memref<10000x16xf32, #tpu.memory_space<hbm>>) dst(%arg10 : memref<1000x16xf32, #tpu.memory_space<vmem>>)
      %scan3A_29 = arith.constant 0 : i32
      %scan3A_30 = arith.constant 0 : i32
      %scan3A_31 = arith.constant 1000 : i32
      %scan3A_32 = arith.addi %scan3A_30, %scan3A_31 : i32
      %scan3A_33 = arith.constant 1 : i32
      scf.for %scan3A_35 = %scan3A_30 to %scan3A_32 step %scan3A_33  : i32 {
        %get3A = arith.index_cast %scan3A_35 : i32 to index
        %get3A_36 = arith.constant 0 : index
        %get3A_37 = tpu.vector_load %arg9[%get3A, %get3A_36] {strides = array<i32>} : memref<1000x16xf32, #tpu.memory_space<vmem>>, vector<1x16xf32>,
        %get3A_38 = vector.shape_cast %get3A_37 : vector<1x16xf32> to vector<16xf32>
        %get3A_39 = arith.index_cast %scan3A_35 : i32 to index
        %get3A_40 = arith.constant 0 : index
        %get3A_41 = tpu.vector_load %arg10[%get3A_39, %get3A_40] {strides = array<i32>} : memref<1000x16xf32, #tpu.memory_space<vmem>>, vector<1x16xf32>,
        %get3A_42 = vector.shape_cast %get3A_41 : vector<1x16xf32> to vector<16xf32>
        %add3A_43 = arith.addf %get3A_38, %get3A_42 : vector<16xf32>
        %gt3A = arith.constant 0.000000e+00 : f32
        %gt3A_44 = vector.broadcast %gt3A : f32 to vector<16xf32>
        %gt3A_45 = arith.cmpf ogt, %add3A_43, %gt3A_44 : vector<16xf32>
        %mul3A_46 = arith.constant 2.000000e-01 : f32
        %mul3A_47 = vector.broadcast %mul3A_46 : f32 to vector<16xf32>
        %mul3A_48 = arith.mulf %mul3A_47, %add3A_43 : vector<16xf32>
        %select_n3A = arith.select %gt3A_45, %add3A_43, %mul3A_48 : vector<16xi1>, vector<16xf32>
        %lt3A_49 = arith.constant 0 : i32
        %lt3A_50 = vector.broadcast %lt3A_49 : i32 to vector<16xi32>
        %lt3A_51 = arith.cmpi slt, %add3A_5, %lt3A_50 : vector<16xi32>
        %add3A_52 = arith.constant 16 : i32
        %add3A_53 = vector.broadcast %add3A_52 : i32 to vector<16xi32>
        %add3A_54 = arith.addi %add3A_5, %add3A_53 : vector<16xi32>
        %select_n3A_55 = arith.select %lt3A_51, %add3A_54, %add3A_5 : vector<16xi1>, vector<16xi32>
        %broadcast_in_dim3A = vector.shape_cast %select_n3A_55 : vector<16xi32> to vector<16x1xi32>
        %gather3A = vector.shape_cast %broadcast_in_dim3A : vector<16x1xi32> to vector<16xi32>
        %gather3A_56 = tpu.dynamic_gather %get3A_42[%gather3A] in [0] : vector<16xf32>, vector<16xi32> -> vector<16xf32>
        %sub3A = arith.subf %select_n3A, %gather3A_56 : vector<16xf32>
        %jit3A = arith.constant -1.000000e+04 : f32
        %broadcast_in_dim3A_57 = vector.broadcast %jit3A : f32 to vector<16xf32>
        %select_n3A_58 = arith.select %lt3A_7, %sub3A, %broadcast_in_dim3A_57 : vector<16xi1>, vector<16xf32>
        %swap3A = arith.index_cast %scan3A_35 : i32 to index
        %swap3A_59 = arith.constant 0 : index
        %swap3A_60 = tpu.vector_load %arg11[%swap3A, %swap3A_59] {strides = array<i32>} : memref<1000x16xf32, #tpu.memory_space<vmem>>, vector<1x16xf32>,
        %swap3A_61 = vector.shape_cast %swap3A_60 : vector<1x16xf32> to vector<16xf32>
        %swap3A_62 = vector.shape_cast %select_n3A_58 : vector<16xf32> to vector<1x16xf32>
        tpu.vector_store %arg11[%swap3A, %swap3A_59], %swap3A_62 {strides = array<i32>} : memref<1000x16xf32, #tpu.memory_space<vmem>>, vector<1x16xf32>,
      }
      %scan3A_34 = arith.constant 1000 : i32
      "tpu.region"() ({
        %run_scoped3A = tpu.sem_alloc : memref<!tpu.dma_semaphore, #tpu.memory_space<semaphore_mem>>
        %dma_start3A_35 = arith.constant 0 : i32
        %dma_start3A_36 = tpu.memref_slice %arg6[%multiple_of3A, %dma_start3A_35] : memref<320000x16xf32, #tpu.memory_space<hbm>> -> memref<1000x16xf32, #tpu.memory_space<hbm>>
        %dma_start3A_37 = arith.constant 0 : i32
        %dma_start3A_38 = tpu.memref_slice %arg6[%multiple_of3A, %dma_start3A_37] : memref<320000x16xf32, #tpu.memory_space<hbm>> -> memref<1000x16xf32, #tpu.memory_space<hbm>>
        tpu.enqueue_dma source(%arg11 : memref<1000x16xf32, #tpu.memory_space<vmem>>) target(%dma_start3A_38 : memref<1000x16xf32, #tpu.memory_space<hbm>>) target_semaphore(%run_scoped3A : memref<!tpu.dma_semaphore, #tpu.memory_space<semaphore_mem>>)
        %dma_wait3A_39 = arith.constant 0 : i32
        %dma_wait3A_40 = tpu.memref_slice %arg6[%multiple_of3A, %dma_wait3A_39] : memref<320000x16xf32, #tpu.memory_space<hbm>> -> memref<1000x16xf32, #tpu.memory_space<hbm>>
        %dma_wait3A_41 = arith.constant 0 : i32
        %dma_wait3A_42 = tpu.memref_slice %arg6[%multiple_of3A, %dma_wait3A_41] : memref<320000x16xf32, #tpu.memory_space<hbm>> -> memref<1000x16xf32, #tpu.memory_space<hbm>>
        tpu.wait_dma2 semaphore(%run_scoped3A : memref<!tpu.dma_semaphore, #tpu.memory_space<semaphore_mem>>) src(%arg11 : memref<1000x16xf32, #tpu.memory_space<vmem>>) dst(%dma_wait3A_42 : memref<1000x16xf32, #tpu.memory_space<hbm>>)
        tpu.yield
      }) : () -> ()
    }
    %scan3A_12 = arith.constant 10 : i32
    return
  }
}

#map = affine_map<(d0, d1) -> (0, 0)>
#map1 = affine_map<(d0, d1) -> (0)>
#map2 = affine_map<(d0, d1) -> (0, 0, 0)>
module attributes {stable_mosaic.version = 14 : i64} {
  func.func @_sc_pass1b(%arg0: i32, %arg1: i32, %arg2: memref<320000x16xf32, #tpu.memory_space<hbm>>, %arg3: memref<320000xi32, #tpu.memory_space<hbm>>, %arg4: memref<10000x16xf32, #tpu.memory_space<hbm>>, %arg5: memref<2x10000x16xf32, #tpu.memory_space<hbm>>, %arg6: memref<1000xi32, #tpu.memory_space<vmem>>, %arg7: memref<1000x16xf32, #tpu.memory_space<vmem>>, %arg8: memref<10000x16xf32, #tpu.memory_space<vmem_shared>>) attributes {dimension_semantics = [#tpu.dimension_semantics<core_parallel>, #tpu.dimension_semantics<subcore_parallel>], iteration_bounds = array<i64: 2, 16>, scalar_prefetch = 0 : i64, scratch_operands = 3 : i64, tpu.core_type = #tpu.core_type<sc_vector_subcore>, window_params = [{transform_indices = #map}, {transform_indices = #map1}, {transform_indices = #map}, {transform_indices = #map2}]} {
    %mul3A = arith.constant 2 : i32
    %mul3A_0 = arith.muli %arg1, %mul3A : i32
    %add3A = arith.addi %mul3A_0, %arg0 : i32
    %eq3A = arith.constant 0 : i32
    %eq3A_1 = arith.cmpi eq, %arg1, %eq3A : i32
    %convert_element_type3A = arith.extui %eq3A_1 : i1 to i32
    %cond3A = arith.constant 0 : i32
    %cond3A_2 = arith.cmpi ne, %convert_element_type3A, %cond3A : i32
    scf.if %cond3A_2 {
      "tpu.region"() ({
        %run_scoped3A = tpu.sem_alloc : memref<!tpu.dma_semaphore, #tpu.memory_space<semaphore_mem>>
        tpu.enqueue_dma source(%arg4 : memref<10000x16xf32, #tpu.memory_space<hbm>>) target(%arg8 : memref<10000x16xf32, #tpu.memory_space<vmem_shared>>) target_semaphore(%run_scoped3A : memref<!tpu.dma_semaphore, #tpu.memory_space<semaphore_mem>>)
        tpu.wait_dma2 semaphore(%run_scoped3A : memref<!tpu.dma_semaphore, #tpu.memory_space<semaphore_mem>>) src(%arg4 : memref<10000x16xf32, #tpu.memory_space<hbm>>) dst(%arg8 : memref<10000x16xf32, #tpu.memory_space<vmem_shared>>)
        tpu.yield
      }) : () -> ()
    } else {
    }
    %barrier3A = arith.constant 0 : index
    tpu.barrier barrier_id(%barrier3A)
    %scan3A = arith.constant 0 : i32
    %scan3A_3 = arith.constant 0 : i32
    %scan3A_4 = arith.constant 10 : i32
    %scan3A_5 = arith.addi %scan3A_3, %scan3A_4 : i32
    %scan3A_6 = arith.constant 1 : i32
    scf.for %scan3A_14 = %scan3A_3 to %scan3A_5 step %scan3A_6  : i32 {
      %mul3A_15 = arith.constant 10000 : i32
      %mul3A_16 = arith.muli %add3A, %mul3A_15 : i32
      %mul3A_17 = arith.constant 1000 : i32
      %mul3A_18 = arith.muli %scan3A_14, %mul3A_17 : i32
      %add3A_19 = arith.addi %mul3A_16, %mul3A_18 : i32
      %multiple_of3A = tpu.assume_multiple %add3A_19, 8 : i32
      "tpu.region"() ({
        %run_scoped3A = tpu.sem_alloc : memref<!tpu.dma_semaphore, #tpu.memory_space<semaphore_mem>>
        %dma_start3A = tpu.memref_slice %arg3[%multiple_of3A] : memref<320000xi32, #tpu.memory_space<hbm>> -> memref<1000xi32, #tpu.memory_space<hbm>>
        %dma_start3A_20 = tpu.memref_slice %arg3[%multiple_of3A] : memref<320000xi32, #tpu.memory_space<hbm>> -> memref<1000xi32, #tpu.memory_space<hbm>>
        tpu.enqueue_dma source(%dma_start3A_20 : memref<1000xi32, #tpu.memory_space<hbm>>) target(%arg6 : memref<1000xi32, #tpu.memory_space<vmem>>) target_semaphore(%run_scoped3A : memref<!tpu.dma_semaphore, #tpu.memory_space<semaphore_mem>>)
        %dma_wait3A = tpu.memref_slice %arg3[%multiple_of3A] : memref<320000xi32, #tpu.memory_space<hbm>> -> memref<1000xi32, #tpu.memory_space<hbm>>
        %dma_wait3A_21 = tpu.memref_slice %arg3[%multiple_of3A] : memref<320000xi32, #tpu.memory_space<hbm>> -> memref<1000xi32, #tpu.memory_space<hbm>>
        tpu.wait_dma2 semaphore(%run_scoped3A : memref<!tpu.dma_semaphore, #tpu.memory_space<semaphore_mem>>) src(%dma_wait3A_21 : memref<1000xi32, #tpu.memory_space<hbm>>) dst(%arg6 : memref<1000xi32, #tpu.memory_space<vmem>>)
        tpu.yield
      }) : () -> ()
      "tpu.region"() ({
        %run_scoped3A = tpu.sem_alloc : memref<!tpu.dma_semaphore, #tpu.memory_space<semaphore_mem>>
        %dma_start3A = arith.constant 0 : i32
        %dma_start3A_20 = tpu.memref_slice %arg2[%multiple_of3A, %dma_start3A] : memref<320000x16xf32, #tpu.memory_space<hbm>> -> memref<1000x16xf32, #tpu.memory_space<hbm>>
        %dma_start3A_21 = arith.constant 0 : i32
        %dma_start3A_22 = tpu.memref_slice %arg2[%multiple_of3A, %dma_start3A_21] : memref<320000x16xf32, #tpu.memory_space<hbm>> -> memref<1000x16xf32, #tpu.memory_space<hbm>>
        tpu.enqueue_dma source(%dma_start3A_22 : memref<1000x16xf32, #tpu.memory_space<hbm>>) target(%arg7 : memref<1000x16xf32, #tpu.memory_space<vmem>>) target_semaphore(%run_scoped3A : memref<!tpu.dma_semaphore, #tpu.memory_space<semaphore_mem>>)
        %dma_wait3A = arith.constant 0 : i32
        %dma_wait3A_23 = tpu.memref_slice %arg2[%multiple_of3A, %dma_wait3A] : memref<320000x16xf32, #tpu.memory_space<hbm>> -> memref<1000x16xf32, #tpu.memory_space<hbm>>
        %dma_wait3A_24 = arith.constant 0 : i32
        %dma_wait3A_25 = tpu.memref_slice %arg2[%multiple_of3A, %dma_wait3A_24] : memref<320000x16xf32, #tpu.memory_space<hbm>> -> memref<1000x16xf32, #tpu.memory_space<hbm>>
        tpu.wait_dma2 semaphore(%run_scoped3A : memref<!tpu.dma_semaphore, #tpu.memory_space<semaphore_mem>>) src(%dma_wait3A_25 : memref<1000x16xf32, #tpu.memory_space<hbm>>) dst(%arg7 : memref<1000x16xf32, #tpu.memory_space<vmem>>)
        tpu.yield
      }) : () -> ()
      "tpu.region"() ({
        %run_scoped3A = tpu.sem_alloc : memref<!tpu.dma_semaphore, #tpu.memory_space<semaphore_mem>>
        %dma_start3A = arith.constant 0 : i32
        %dma_start3A_20 = arith.constant 0 : i32
        %dma_start3A_21 = tpu.memref_slice %arg8[%dma_start3A, %dma_start3A_20] : memref<10000x16xf32, #tpu.memory_space<vmem_shared>> -> memref<10000x16xf32, #tpu.memory_space<vmem_shared>>
        tpu.enqueue_indirect_dma source(%arg7 : memref<1000x16xf32, #tpu.memory_space<vmem>>) target(%dma_start3A_21 : memref<10000x16xf32, #tpu.memory_space<vmem_shared>>) offsets(%arg6 : memref<1000xi32, #tpu.memory_space<vmem>>) semaphore(%run_scoped3A : memref<!tpu.dma_semaphore, #tpu.memory_space<semaphore_mem>>) {add = true}
        %dma_wait3A = arith.constant 0 : i32
        %dma_wait3A_22 = arith.constant 0 : i32
        %dma_wait3A_23 = tpu.memref_slice %arg8[%dma_wait3A, %dma_wait3A_22] : memref<10000x16xf32, #tpu.memory_space<vmem_shared>> -> memref<10000x16xf32, #tpu.memory_space<vmem_shared>>
        tpu.wait_indirect_dma semaphore(%run_scoped3A : memref<!tpu.dma_semaphore, #tpu.memory_space<semaphore_mem>>) src(%arg7 : memref<1000x16xf32, #tpu.memory_space<vmem>>) dst(%dma_wait3A_23 : memref<10000x16xf32, #tpu.memory_space<vmem_shared>>)
        tpu.yield
      }) : () -> ()
    }
    %scan3A_7 = arith.constant 10 : i32
    %barrier3A_8 = arith.constant 0 : index
    tpu.barrier barrier_id(%barrier3A_8)
    %eq3A_9 = arith.constant 0 : i32
    %eq3A_10 = arith.cmpi eq, %arg1, %eq3A_9 : i32
    %convert_element_type3A_11 = arith.extui %eq3A_10 : i1 to i32
    %cond3A_12 = arith.constant 0 : i32
    %cond3A_13 = arith.cmpi ne, %convert_element_type3A_11, %cond3A_12 : i32
    scf.if %cond3A_13 {
      "tpu.region"() ({
        %run_scoped3A = tpu.sem_alloc : memref<!tpu.dma_semaphore, #tpu.memory_space<semaphore_mem>>
        %dma_start3A = arith.constant 0 : i32
        %dma_start3A_14 = arith.constant 0 : i32
        %dma_start3A_15 = tpu.memref_slice %arg5[%arg0, %dma_start3A, %dma_start3A_14] : memref<2x10000x16xf32, #tpu.memory_space<hbm>> -> memref<1x10000x16xf32, #tpu.memory_space<hbm>>
        %dma_start3A_16 = tpu.memref_squeeze %dma_start3A_15 : memref<1x10000x16xf32, #tpu.memory_space<hbm>> -> memref<10000x16xf32, #tpu.memory_space<hbm>>
        tpu.enqueue_dma source(%arg8 : memref<10000x16xf32, #tpu.memory_space<vmem_shared>>) target(%dma_start3A_16 : memref<10000x16xf32, #tpu.memory_space<hbm>>) target_semaphore(%run_scoped3A : memref<!tpu.dma_semaphore, #tpu.memory_space<semaphore_mem>>)
        %dma_wait3A = arith.constant 0 : i32
        %dma_wait3A_17 = arith.constant 0 : i32
        %dma_wait3A_18 = tpu.memref_slice %arg5[%arg0, %dma_wait3A, %dma_wait3A_17] : memref<2x10000x16xf32, #tpu.memory_space<hbm>> -> memref<1x10000x16xf32, #tpu.memory_space<hbm>>
        %dma_wait3A_19 = tpu.memref_squeeze %dma_wait3A_18 : memref<1x10000x16xf32, #tpu.memory_space<hbm>> -> memref<10000x16xf32, #tpu.memory_space<hbm>>
        tpu.wait_dma2 semaphore(%run_scoped3A : memref<!tpu.dma_semaphore, #tpu.memory_space<semaphore_mem>>) src(%arg8 : memref<10000x16xf32, #tpu.memory_space<vmem_shared>>) dst(%dma_wait3A_19 : memref<10000x16xf32, #tpu.memory_space<hbm>>)
        tpu.yield
      }) : () -> ()
    } else {
    }
    return
  }
}

#map = affine_map<(d0, d1) -> (0, 0)>
#map1 = affine_map<(d0, d1) -> (0)>
#map2 = affine_map<(d0, d1) -> (0, 0, 0)>
module attributes {stable_mosaic.version = 14 : i64} {
  func.func @_sc_pass1b(%arg0: i32, %arg1: i32, %arg2: memref<320000x16xf32, #tpu.memory_space<hbm>>, %arg3: memref<320000xi32, #tpu.memory_space<hbm>>, %arg4: memref<10000x16xf32, #tpu.memory_space<hbm>>, %arg5: memref<2x10000x16xf32, #tpu.memory_space<hbm>>, %arg6: memref<1000xi32, #tpu.memory_space<vmem>>, %arg7: memref<1000x16xf32, #tpu.memory_space<vmem>>, %arg8: memref<10000x16xf32, #tpu.memory_space<vmem_shared>>) attributes {dimension_semantics = [#tpu.dimension_semantics<core_parallel>, #tpu.dimension_semantics<subcore_parallel>], iteration_bounds = array<i64: 2, 16>, scalar_prefetch = 0 : i64, scratch_operands = 3 : i64, tpu.core_type = #tpu.core_type<sc_vector_subcore>, window_params = [{transform_indices = #map}, {transform_indices = #map1}, {transform_indices = #map}, {transform_indices = #map2}]} {
    %mul3A = arith.constant 2 : i32
    %mul3A_0 = arith.muli %arg1, %mul3A : i32
    %add3A = arith.addi %mul3A_0, %arg0 : i32
    %eq3A = arith.constant 0 : i32
    %eq3A_1 = arith.cmpi eq, %arg1, %eq3A : i32
    %convert_element_type3A = arith.extui %eq3A_1 : i1 to i32
    %cond3A = arith.constant 0 : i32
    %cond3A_2 = arith.cmpi ne, %convert_element_type3A, %cond3A : i32
    scf.if %cond3A_2 {
      "tpu.region"() ({
        %run_scoped3A = tpu.sem_alloc : memref<!tpu.dma_semaphore, #tpu.memory_space<semaphore_mem>>
        tpu.enqueue_dma source(%arg4 : memref<10000x16xf32, #tpu.memory_space<hbm>>) target(%arg8 : memref<10000x16xf32, #tpu.memory_space<vmem_shared>>) target_semaphore(%run_scoped3A : memref<!tpu.dma_semaphore, #tpu.memory_space<semaphore_mem>>)
        tpu.wait_dma2 semaphore(%run_scoped3A : memref<!tpu.dma_semaphore, #tpu.memory_space<semaphore_mem>>) src(%arg4 : memref<10000x16xf32, #tpu.memory_space<hbm>>) dst(%arg8 : memref<10000x16xf32, #tpu.memory_space<vmem_shared>>)
        tpu.yield
      }) : () -> ()
    } else {
    }
    %barrier3A = arith.constant 0 : index
    tpu.barrier barrier_id(%barrier3A)
    %scan3A = arith.constant 0 : i32
    %scan3A_3 = arith.constant 0 : i32
    %scan3A_4 = arith.constant 10 : i32
    %scan3A_5 = arith.addi %scan3A_3, %scan3A_4 : i32
    %scan3A_6 = arith.constant 1 : i32
    scf.for %scan3A_14 = %scan3A_3 to %scan3A_5 step %scan3A_6  : i32 {
      %mul3A_15 = arith.constant 10000 : i32
      %mul3A_16 = arith.muli %add3A, %mul3A_15 : i32
      %mul3A_17 = arith.constant 1000 : i32
      %mul3A_18 = arith.muli %scan3A_14, %mul3A_17 : i32
      %add3A_19 = arith.addi %mul3A_16, %mul3A_18 : i32
      %multiple_of3A = tpu.assume_multiple %add3A_19, 8 : i32
      "tpu.region"() ({
        %run_scoped3A = tpu.sem_alloc : memref<!tpu.dma_semaphore, #tpu.memory_space<semaphore_mem>>
        %dma_start3A = tpu.memref_slice %arg3[%multiple_of3A] : memref<320000xi32, #tpu.memory_space<hbm>> -> memref<1000xi32, #tpu.memory_space<hbm>>
        %dma_start3A_20 = tpu.memref_slice %arg3[%multiple_of3A] : memref<320000xi32, #tpu.memory_space<hbm>> -> memref<1000xi32, #tpu.memory_space<hbm>>
        tpu.enqueue_dma source(%dma_start3A_20 : memref<1000xi32, #tpu.memory_space<hbm>>) target(%arg6 : memref<1000xi32, #tpu.memory_space<vmem>>) target_semaphore(%run_scoped3A : memref<!tpu.dma_semaphore, #tpu.memory_space<semaphore_mem>>)
        %dma_wait3A = tpu.memref_slice %arg3[%multiple_of3A] : memref<320000xi32, #tpu.memory_space<hbm>> -> memref<1000xi32, #tpu.memory_space<hbm>>
        %dma_wait3A_21 = tpu.memref_slice %arg3[%multiple_of3A] : memref<320000xi32, #tpu.memory_space<hbm>> -> memref<1000xi32, #tpu.memory_space<hbm>>
        tpu.wait_dma2 semaphore(%run_scoped3A : memref<!tpu.dma_semaphore, #tpu.memory_space<semaphore_mem>>) src(%dma_wait3A_21 : memref<1000xi32, #tpu.memory_space<hbm>>) dst(%arg6 : memref<1000xi32, #tpu.memory_space<vmem>>)
        tpu.yield
      }) : () -> ()
      "tpu.region"() ({
        %run_scoped3A = tpu.sem_alloc : memref<!tpu.dma_semaphore, #tpu.memory_space<semaphore_mem>>
        %dma_start3A = arith.constant 0 : i32
        %dma_start3A_20 = tpu.memref_slice %arg2[%multiple_of3A, %dma_start3A] : memref<320000x16xf32, #tpu.memory_space<hbm>> -> memref<1000x16xf32, #tpu.memory_space<hbm>>
        %dma_start3A_21 = arith.constant 0 : i32
        %dma_start3A_22 = tpu.memref_slice %arg2[%multiple_of3A, %dma_start3A_21] : memref<320000x16xf32, #tpu.memory_space<hbm>> -> memref<1000x16xf32, #tpu.memory_space<hbm>>
        tpu.enqueue_dma source(%dma_start3A_22 : memref<1000x16xf32, #tpu.memory_space<hbm>>) target(%arg7 : memref<1000x16xf32, #tpu.memory_space<vmem>>) target_semaphore(%run_scoped3A : memref<!tpu.dma_semaphore, #tpu.memory_space<semaphore_mem>>)
        %dma_wait3A = arith.constant 0 : i32
        %dma_wait3A_23 = tpu.memref_slice %arg2[%multiple_of3A, %dma_wait3A] : memref<320000x16xf32, #tpu.memory_space<hbm>> -> memref<1000x16xf32, #tpu.memory_space<hbm>>
        %dma_wait3A_24 = arith.constant 0 : i32
        %dma_wait3A_25 = tpu.memref_slice %arg2[%multiple_of3A, %dma_wait3A_24] : memref<320000x16xf32, #tpu.memory_space<hbm>> -> memref<1000x16xf32, #tpu.memory_space<hbm>>
        tpu.wait_dma2 semaphore(%run_scoped3A : memref<!tpu.dma_semaphore, #tpu.memory_space<semaphore_mem>>) src(%dma_wait3A_25 : memref<1000x16xf32, #tpu.memory_space<hbm>>) dst(%arg7 : memref<1000x16xf32, #tpu.memory_space<vmem>>)
        tpu.yield
      }) : () -> ()
      "tpu.region"() ({
        %run_scoped3A = tpu.sem_alloc : memref<!tpu.dma_semaphore, #tpu.memory_space<semaphore_mem>>
        %dma_start3A = arith.constant 0 : i32
        %dma_start3A_20 = arith.constant 0 : i32
        %dma_start3A_21 = tpu.memref_slice %arg8[%dma_start3A, %dma_start3A_20] : memref<10000x16xf32, #tpu.memory_space<vmem_shared>> -> memref<10000x16xf32, #tpu.memory_space<vmem_shared>>
        tpu.enqueue_indirect_dma source(%arg7 : memref<1000x16xf32, #tpu.memory_space<vmem>>) target(%dma_start3A_21 : memref<10000x16xf32, #tpu.memory_space<vmem_shared>>) offsets(%arg6 : memref<1000xi32, #tpu.memory_space<vmem>>) semaphore(%run_scoped3A : memref<!tpu.dma_semaphore, #tpu.memory_space<semaphore_mem>>) {add = true}
        %dma_wait3A = arith.constant 0 : i32
        %dma_wait3A_22 = arith.constant 0 : i32
        %dma_wait3A_23 = tpu.memref_slice %arg8[%dma_wait3A, %dma_wait3A_22] : memref<10000x16xf32, #tpu.memory_space<vmem_shared>> -> memref<10000x16xf32, #tpu.memory_space<vmem_shared>>
        tpu.wait_indirect_dma semaphore(%run_scoped3A : memref<!tpu.dma_semaphore, #tpu.memory_space<semaphore_mem>>) src(%arg7 : memref<1000x16xf32, #tpu.memory_space<vmem>>) dst(%dma_wait3A_23 : memref<10000x16xf32, #tpu.memory_space<vmem_shared>>)
        tpu.yield
      }) : () -> ()
    }
    %scan3A_7 = arith.constant 10 : i32
    %barrier3A_8 = arith.constant 0 : index
    tpu.barrier barrier_id(%barrier3A_8)
    %eq3A_9 = arith.constant 0 : i32
    %eq3A_10 = arith.cmpi eq, %arg1, %eq3A_9 : i32
    %convert_element_type3A_11 = arith.extui %eq3A_10 : i1 to i32
    %cond3A_12 = arith.constant 0 : i32
    %cond3A_13 = arith.cmpi ne, %convert_element_type3A_11, %cond3A_12 : i32
    scf.if %cond3A_13 {
      "tpu.region"() ({
        %run_scoped3A = tpu.sem_alloc : memref<!tpu.dma_semaphore, #tpu.memory_space<semaphore_mem>>
        %dma_start3A = arith.constant 0 : i32
        %dma_start3A_14 = arith.constant 0 : i32
        %dma_start3A_15 = tpu.memref_slice %arg5[%arg0, %dma_start3A, %dma_start3A_14] : memref<2x10000x16xf32, #tpu.memory_space<hbm>> -> memref<1x10000x16xf32, #tpu.memory_space<hbm>>
        %dma_start3A_16 = tpu.memref_squeeze %dma_start3A_15 : memref<1x10000x16xf32, #tpu.memory_space<hbm>> -> memref<10000x16xf32, #tpu.memory_space<hbm>>
        tpu.enqueue_dma source(%arg8 : memref<10000x16xf32, #tpu.memory_space<vmem_shared>>) target(%dma_start3A_16 : memref<10000x16xf32, #tpu.memory_space<hbm>>) target_semaphore(%run_scoped3A : memref<!tpu.dma_semaphore, #tpu.memory_space<semaphore_mem>>)
        %dma_wait3A = arith.constant 0 : i32
        %dma_wait3A_17 = arith.constant 0 : i32
        %dma_wait3A_18 = tpu.memref_slice %arg5[%arg0, %dma_wait3A, %dma_wait3A_17] : memref<2x10000x16xf32, #tpu.memory_space<hbm>> -> memref<1x10000x16xf32, #tpu.memory_space<hbm>>
        %dma_wait3A_19 = tpu.memref_squeeze %dma_wait3A_18 : memref<1x10000x16xf32, #tpu.memory_space<hbm>> -> memref<10000x16xf32, #tpu.memory_space<hbm>>
        tpu.wait_dma2 semaphore(%run_scoped3A : memref<!tpu.dma_semaphore, #tpu.memory_space<semaphore_mem>>) src(%arg8 : memref<10000x16xf32, #tpu.memory_space<vmem_shared>>) dst(%dma_wait3A_19 : memref<10000x16xf32, #tpu.memory_space<hbm>>)
        tpu.yield
      }) : () -> ()
    } else {
    }
    return
  }
}

#map = affine_map<(d0, d1) -> (0, 0)>
#map1 = affine_map<(d0, d1) -> (0)>
#map2 = affine_map<(d0, d1) -> (0, 0, 0)>
module attributes {stable_mosaic.version = 14 : i64} {
  func.func @_sc_pass2(%arg0: i32, %arg1: i32, %arg2: memref<10000x128xf32, #tpu.memory_space<hbm>>, %arg3: memref<10000x16xf32, #tpu.memory_space<hbm>>, %arg4: memref<320000x16xf32, #tpu.memory_space<hbm>>, %arg5: memref<320000xi32, #tpu.memory_space<hbm>>, %arg6: memref<320000xi32, #tpu.memory_space<hbm>>, %arg7: memref<10000x128xf32, #tpu.memory_space<hbm>>, %arg8: memref<2x10000x128xf32, #tpu.memory_space<hbm>>, %arg9: memref<200xi32, #tpu.memory_space<vmem>>, %arg10: memref<200xi32, #tpu.memory_space<vmem>>, %arg11: memref<200x16xf32, #tpu.memory_space<vmem>>, %arg12: memref<200x16xf32, #tpu.memory_space<vmem>>, %arg13: memref<200x128xf32, #tpu.memory_space<vmem>>, %arg14: memref<10000x128xf32, #tpu.memory_space<vmem_shared>>, %arg15: memref<!tpu.dma_semaphore, #tpu.memory_space<semaphore_mem>>, %arg16: memref<!tpu.dma_semaphore, #tpu.memory_space<semaphore_mem>>) attributes {dimension_semantics = [#tpu.dimension_semantics<core_parallel>, #tpu.dimension_semantics<subcore_parallel>], iteration_bounds = array<i64: 2, 16>, scalar_prefetch = 0 : i64, scratch_operands = 8 : i64, tpu.core_type = #tpu.core_type<sc_vector_subcore>, window_params = [{transform_indices = #map}, {transform_indices = #map}, {transform_indices = #map}, {transform_indices = #map1}, {transform_indices = #map1}, {transform_indices = #map}, {transform_indices = #map2}]} {
    %mul3A = arith.constant 2 : i32
    %mul3A_0 = arith.muli %arg1, %mul3A : i32
    %add3A = arith.addi %mul3A_0, %arg0 : i32
    %eq3A = arith.constant 0 : i32
    %eq3A_1 = arith.cmpi eq, %arg1, %eq3A : i32
    %convert_element_type3A = arith.extui %eq3A_1 : i1 to i32
    %cond3A = arith.constant 0 : i32
    %cond3A_2 = arith.cmpi ne, %convert_element_type3A, %cond3A : i32
    scf.if %cond3A_2 {
      "tpu.region"() ({
        %run_scoped3A = tpu.sem_alloc : memref<!tpu.dma_semaphore, #tpu.memory_space<semaphore_mem>>
        tpu.enqueue_dma source(%arg7 : memref<10000x128xf32, #tpu.memory_space<hbm>>) target(%arg14 : memref<10000x128xf32, #tpu.memory_space<vmem_shared>>) target_semaphore(%run_scoped3A : memref<!tpu.dma_semaphore, #tpu.memory_space<semaphore_mem>>)
        tpu.wait_dma2 semaphore(%run_scoped3A : memref<!tpu.dma_semaphore, #tpu.memory_space<semaphore_mem>>) src(%arg7 : memref<10000x128xf32, #tpu.memory_space<hbm>>) dst(%arg14 : memref<10000x128xf32, #tpu.memory_space<vmem_shared>>)
        tpu.yield
      }) : () -> ()
    } else {
    }
    %barrier3A = arith.constant 0 : index
    tpu.barrier barrier_id(%barrier3A)
    %iota3A = tpu.iota {dimensions = array<i32: 0>} : vector<16xi32>
    %scan3A = arith.constant 0 : i32
    %scan3A_3 = arith.constant 0 : i32
    %scan3A_4 = arith.constant 50 : i32
    %scan3A_5 = arith.addi %scan3A_3, %scan3A_4 : i32
    %scan3A_6 = arith.constant 1 : i32
    scf.for %scan3A_14 = %scan3A_3 to %scan3A_5 step %scan3A_6  : i32 {
      %mul3A_15 = arith.constant 10000 : i32
      %mul3A_16 = arith.muli %add3A, %mul3A_15 : i32
      %mul3A_17 = arith.constant 200 : i32
      %mul3A_18 = arith.muli %scan3A_14, %mul3A_17 : i32
      %add3A_19 = arith.addi %mul3A_16, %mul3A_18 : i32
      %multiple_of3A = tpu.assume_multiple %add3A_19, 8 : i32
      "tpu.region"() ({
        %run_scoped3A = tpu.sem_alloc : memref<!tpu.dma_semaphore, #tpu.memory_space<semaphore_mem>>
        %dma_start3A_36 = tpu.memref_slice %arg5[%multiple_of3A] : memref<320000xi32, #tpu.memory_space<hbm>> -> memref<200xi32, #tpu.memory_space<hbm>>
        %dma_start3A_37 = tpu.memref_slice %arg5[%multiple_of3A] : memref<320000xi32, #tpu.memory_space<hbm>> -> memref<200xi32, #tpu.memory_space<hbm>>
        tpu.enqueue_dma source(%dma_start3A_37 : memref<200xi32, #tpu.memory_space<hbm>>) target(%arg9 : memref<200xi32, #tpu.memory_space<vmem>>) target_semaphore(%run_scoped3A : memref<!tpu.dma_semaphore, #tpu.memory_space<semaphore_mem>>)
        %dma_wait3A_38 = tpu.memref_slice %arg5[%multiple_of3A] : memref<320000xi32, #tpu.memory_space<hbm>> -> memref<200xi32, #tpu.memory_space<hbm>>
        %dma_wait3A_39 = tpu.memref_slice %arg5[%multiple_of3A] : memref<320000xi32, #tpu.memory_space<hbm>> -> memref<200xi32, #tpu.memory_space<hbm>>
        tpu.wait_dma2 semaphore(%run_scoped3A : memref<!tpu.dma_semaphore, #tpu.memory_space<semaphore_mem>>) src(%dma_wait3A_39 : memref<200xi32, #tpu.memory_space<hbm>>) dst(%arg9 : memref<200xi32, #tpu.memory_space<vmem>>)
        tpu.yield
      }) : () -> ()
      "tpu.region"() ({
        %run_scoped3A = tpu.sem_alloc : memref<!tpu.dma_semaphore, #tpu.memory_space<semaphore_mem>>
        %dma_start3A_36 = tpu.memref_slice %arg6[%multiple_of3A] : memref<320000xi32, #tpu.memory_space<hbm>> -> memref<200xi32, #tpu.memory_space<hbm>>
        %dma_start3A_37 = tpu.memref_slice %arg6[%multiple_of3A] : memref<320000xi32, #tpu.memory_space<hbm>> -> memref<200xi32, #tpu.memory_space<hbm>>
        tpu.enqueue_dma source(%dma_start3A_37 : memref<200xi32, #tpu.memory_space<hbm>>) target(%arg10 : memref<200xi32, #tpu.memory_space<vmem>>) target_semaphore(%run_scoped3A : memref<!tpu.dma_semaphore, #tpu.memory_space<semaphore_mem>>)
        %dma_wait3A_38 = tpu.memref_slice %arg6[%multiple_of3A] : memref<320000xi32, #tpu.memory_space<hbm>> -> memref<200xi32, #tpu.memory_space<hbm>>
        %dma_wait3A_39 = tpu.memref_slice %arg6[%multiple_of3A] : memref<320000xi32, #tpu.memory_space<hbm>> -> memref<200xi32, #tpu.memory_space<hbm>>
        tpu.wait_dma2 semaphore(%run_scoped3A : memref<!tpu.dma_semaphore, #tpu.memory_space<semaphore_mem>>) src(%dma_wait3A_39 : memref<200xi32, #tpu.memory_space<hbm>>) dst(%arg10 : memref<200xi32, #tpu.memory_space<vmem>>)
        tpu.yield
      }) : () -> ()
      "tpu.region"() ({
        %run_scoped3A = tpu.sem_alloc : memref<!tpu.dma_semaphore, #tpu.memory_space<semaphore_mem>>
        %dma_start3A_36 = arith.constant 0 : i32
        %dma_start3A_37 = tpu.memref_slice %arg4[%multiple_of3A, %dma_start3A_36] : memref<320000x16xf32, #tpu.memory_space<hbm>> -> memref<200x16xf32, #tpu.memory_space<hbm>>
        %dma_start3A_38 = arith.constant 0 : i32
        %dma_start3A_39 = tpu.memref_slice %arg4[%multiple_of3A, %dma_start3A_38] : memref<320000x16xf32, #tpu.memory_space<hbm>> -> memref<200x16xf32, #tpu.memory_space<hbm>>
        tpu.enqueue_dma source(%dma_start3A_39 : memref<200x16xf32, #tpu.memory_space<hbm>>) target(%arg11 : memref<200x16xf32, #tpu.memory_space<vmem>>) target_semaphore(%run_scoped3A : memref<!tpu.dma_semaphore, #tpu.memory_space<semaphore_mem>>)
        %dma_wait3A_40 = arith.constant 0 : i32
        %dma_wait3A_41 = tpu.memref_slice %arg4[%multiple_of3A, %dma_wait3A_40] : memref<320000x16xf32, #tpu.memory_space<hbm>> -> memref<200x16xf32, #tpu.memory_space<hbm>>
        %dma_wait3A_42 = arith.constant 0 : i32
        %dma_wait3A_43 = tpu.memref_slice %arg4[%multiple_of3A, %dma_wait3A_42] : memref<320000x16xf32, #tpu.memory_space<hbm>> -> memref<200x16xf32, #tpu.memory_space<hbm>>
        tpu.wait_dma2 semaphore(%run_scoped3A : memref<!tpu.dma_semaphore, #tpu.memory_space<semaphore_mem>>) src(%dma_wait3A_43 : memref<200x16xf32, #tpu.memory_space<hbm>>) dst(%arg11 : memref<200x16xf32, #tpu.memory_space<vmem>>)
        tpu.yield
      }) : () -> ()
      %dma_start3A = arith.constant 0 : i32
      %dma_start3A_20 = arith.constant 0 : i32
      %dma_start3A_21 = tpu.memref_slice %arg3[%dma_start3A, %dma_start3A_20] : memref<10000x16xf32, #tpu.memory_space<hbm>> -> memref<10000x16xf32, #tpu.memory_space<hbm>>
      tpu.enqueue_indirect_dma source(%dma_start3A_21 : memref<10000x16xf32, #tpu.memory_space<hbm>>) target(%arg12 : memref<200x16xf32, #tpu.memory_space<vmem>>) offsets(%arg10 : memref<200xi32, #tpu.memory_space<vmem>>) semaphore(%arg15 : memref<!tpu.dma_semaphore, #tpu.memory_space<semaphore_mem>>)
      %dma_start3A_22 = arith.constant 0 : i32
      %dma_start3A_23 = arith.constant 0 : i32
      %dma_start3A_24 = tpu.memref_slice %arg2[%dma_start3A_22, %dma_start3A_23] : memref<10000x128xf32, #tpu.memory_space<hbm>> -> memref<10000x128xf32, #tpu.memory_space<hbm>>
      tpu.enqueue_indirect_dma source(%dma_start3A_24 : memref<10000x128xf32, #tpu.memory_space<hbm>>) target(%arg13 : memref<200x128xf32, #tpu.memory_space<vmem>>) offsets(%arg9 : memref<200xi32, #tpu.memory_space<vmem>>) semaphore(%arg16 : memref<!tpu.dma_semaphore, #tpu.memory_space<semaphore_mem>>)
      %dma_wait3A = arith.constant 0 : i32
      %dma_wait3A_25 = arith.constant 0 : i32
      %dma_wait3A_26 = tpu.memref_slice %arg3[%dma_wait3A, %dma_wait3A_25] : memref<10000x16xf32, #tpu.memory_space<hbm>> -> memref<10000x16xf32, #tpu.memory_space<hbm>>
      tpu.wait_indirect_dma semaphore(%arg15 : memref<!tpu.dma_semaphore, #tpu.memory_space<semaphore_mem>>) src(%dma_wait3A_26 : memref<10000x16xf32, #tpu.memory_space<hbm>>) dst(%arg12 : memref<200x16xf32, #tpu.memory_space<vmem>>)
      %dma_wait3A_27 = arith.constant 0 : i32
      %dma_wait3A_28 = arith.constant 0 : i32
      %dma_wait3A_29 = tpu.memref_slice %arg2[%dma_wait3A_27, %dma_wait3A_28] : memref<10000x128xf32, #tpu.memory_space<hbm>> -> memref<10000x128xf32, #tpu.memory_space<hbm>>
      tpu.wait_indirect_dma semaphore(%arg16 : memref<!tpu.dma_semaphore, #tpu.memory_space<semaphore_mem>>) src(%dma_wait3A_29 : memref<10000x128xf32, #tpu.memory_space<hbm>>) dst(%arg13 : memref<200x128xf32, #tpu.memory_space<vmem>>)
      %scan3A_30 = arith.constant 0 : i32
      %scan3A_31 = arith.constant 0 : i32
      %scan3A_32 = arith.constant 200 : i32
      %scan3A_33 = arith.addi %scan3A_31, %scan3A_32 : i32
      %scan3A_34 = arith.constant 1 : i32
      scf.for %scan3A_36 = %scan3A_31 to %scan3A_33 step %scan3A_34  : i32 {
        %get3A = arith.index_cast %scan3A_36 : i32 to index
        %get3A_37 = arith.constant 0 : index
        %get3A_38 = tpu.vector_load %arg11[%get3A, %get3A_37] {strides = array<i32>} : memref<200x16xf32, #tpu.memory_space<vmem>>, vector<1x16xf32>,
        %get3A_39 = vector.shape_cast %get3A_38 : vector<1x16xf32> to vector<16xf32>
        %get3A_40 = arith.index_cast %scan3A_36 : i32 to index
        %get3A_41 = arith.constant 0 : index
        %get3A_42 = tpu.vector_load %arg12[%get3A_40, %get3A_41] {strides = array<i32>} : memref<200x16xf32, #tpu.memory_space<vmem>>, vector<1x16xf32>,
        %get3A_43 = vector.shape_cast %get3A_42 : vector<1x16xf32> to vector<16xf32>
        %mul3A_44 = arith.mulf %get3A_39, %get3A_43 : vector<16xf32>
        %mul3A_45 = arith.constant 0 : i32
        %mul3A_46 = vector.broadcast %mul3A_45 : i32 to vector<16xi32>
        %mul3A_47 = arith.muli %iota3A, %mul3A_46 : vector<16xi32>
        %add3A_48 = arith.constant 0 : i32
        %add3A_49 = vector.broadcast %add3A_48 : i32 to vector<16xi32>
        %add3A_50 = arith.addi %mul3A_47, %add3A_49 : vector<16xi32>
        %lt3A = arith.constant 0 : i32
        %lt3A_51 = vector.broadcast %lt3A : i32 to vector<16xi32>
        %lt3A_52 = arith.cmpi slt, %add3A_50, %lt3A_51 : vector<16xi32>
        %add3A_53 = arith.constant 16 : i32
        %add3A_54 = vector.broadcast %add3A_53 : i32 to vector<16xi32>
        %add3A_55 = arith.addi %add3A_50, %add3A_54 : vector<16xi32>
        %select_n3A = arith.select %lt3A_52, %add3A_55, %add3A_50 : vector<16xi1>, vector<16xi32>
        %broadcast_in_dim3A = vector.shape_cast %select_n3A : vector<16xi32> to vector<16x1xi32>
        %gather3A = vector.shape_cast %broadcast_in_dim3A : vector<16x1xi32> to vector<16xi32>
        %gather3A_56 = tpu.dynamic_gather %mul3A_44[%gather3A] in [0] : vector<16xf32>, vector<16xi32> -> vector<16xf32>
        %get3A_57 = arith.index_cast %scan3A_36 : i32 to index
        %get3A_58 = arith.constant 0 : index
        %get3A_59 = tpu.vector_load %arg13[%get3A_57, %get3A_58] {strides = array<i32>} : memref<200x128xf32, #tpu.memory_space<vmem>>, vector<1x16xf32>,
        %get3A_60 = vector.shape_cast %get3A_59 : vector<1x16xf32> to vector<16xf32>
        %mul3A_61 = arith.mulf %get3A_60, %gather3A_56 : vector<16xf32>
        %swap3A = arith.index_cast %scan3A_36 : i32 to index
        %swap3A_62 = arith.constant 0 : index
        %swap3A_63 = tpu.vector_load %arg13[%swap3A, %swap3A_62] {strides = array<i32>} : memref<200x128xf32, #tpu.memory_space<vmem>>, vector<1x16xf32>,
        %swap3A_64 = vector.shape_cast %swap3A_63 : vector<1x16xf32> to vector<16xf32>
        %swap3A_65 = vector.shape_cast %mul3A_61 : vector<16xf32> to vector<1x16xf32>
        tpu.vector_store %arg13[%swap3A, %swap3A_62], %swap3A_65 {strides = array<i32>} : memref<200x128xf32, #tpu.memory_space<vmem>>, vector<1x16xf32>,
        %mul3A_66 = arith.constant 0 : i32
        %mul3A_67 = vector.broadcast %mul3A_66 : i32 to vector<16xi32>
        %mul3A_68 = arith.muli %iota3A, %mul3A_67 : vector<16xi32>
        %add3A_69 = arith.constant 1 : i32
        %add3A_70 = vector.broadcast %add3A_69 : i32 to vector<16xi32>
        %add3A_71 = arith.addi %mul3A_68, %add3A_70 : vector<16xi32>
        %lt3A_72 = arith.constant 0 : i32
        %lt3A_73 = vector.broadcast %lt3A_72 : i32 to vector<16xi32>
        %lt3A_74 = arith.cmpi slt, %add3A_71, %lt3A_73 : vector<16xi32>
        %add3A_75 = arith.constant 16 : i32
        %add3A_76 = vector.broadcast %add3A_75 : i32 to vector<16xi32>
        %add3A_77 = arith.addi %add3A_71, %add3A_76 : vector<16xi32>
        %select_n3A_78 = arith.select %lt3A_74, %add3A_77, %add3A_71 : vector<16xi1>, vector<16xi32>
        %broadcast_in_dim3A_79 = vector.shape_cast %select_n3A_78 : vector<16xi32> to vector<16x1xi32>
        %gather3A_80 = vector.shape_cast %broadcast_in_dim3A_79 : vector<16x1xi32> to vector<16xi32>
        %gather3A_81 = tpu.dynamic_gather %mul3A_44[%gather3A_80] in [0] : vector<16xf32>, vector<16xi32> -> vector<16xf32>
        %get3A_82 = arith.index_cast %scan3A_36 : i32 to index
        %get3A_83 = arith.constant 16 : index
        %get3A_84 = tpu.vector_load %arg13[%get3A_82, %get3A_83] {strides = array<i32>} : memref<200x128xf32, #tpu.memory_space<vmem>>, vector<1x16xf32>,
        %get3A_85 = vector.shape_cast %get3A_84 : vector<1x16xf32> to vector<16xf32>
        %mul3A_86 = arith.mulf %get3A_85, %gather3A_81 : vector<16xf32>
        %swap3A_87 = arith.index_cast %scan3A_36 : i32 to index
        %swap3A_88 = arith.constant 16 : index
        %swap3A_89 = tpu.vector_load %arg13[%swap3A_87, %swap3A_88] {strides = array<i32>} : memref<200x128xf32, #tpu.memory_space<vmem>>, vector<1x16xf32>,
        %swap3A_90 = vector.shape_cast %swap3A_89 : vector<1x16xf32> to vector<16xf32>
        %swap3A_91 = vector.shape_cast %mul3A_86 : vector<16xf32> to vector<1x16xf32>
        tpu.vector_store %arg13[%swap3A_87, %swap3A_88], %swap3A_91 {strides = array<i32>} : memref<200x128xf32, #tpu.memory_space<vmem>>, vector<1x16xf32>,
        %mul3A_92 = arith.constant 0 : i32
        %mul3A_93 = vector.broadcast %mul3A_92 : i32 to vector<16xi32>
        %mul3A_94 = arith.muli %iota3A, %mul3A_93 : vector<16xi32>
        %add3A_95 = arith.constant 2 : i32
        %add3A_96 = vector.broadcast %add3A_95 : i32 to vector<16xi32>
        %add3A_97 = arith.addi %mul3A_94, %add3A_96 : vector<16xi32>
        %lt3A_98 = arith.constant 0 : i32
        %lt3A_99 = vector.broadcast %lt3A_98 : i32 to vector<16xi32>
        %lt3A_100 = arith.cmpi slt, %add3A_97, %lt3A_99 : vector<16xi32>
        %add3A_101 = arith.constant 16 : i32
        %add3A_102 = vector.broadcast %add3A_101 : i32 to vector<16xi32>
        %add3A_103 = arith.addi %add3A_97, %add3A_102 : vector<16xi32>
        %select_n3A_104 = arith.select %lt3A_100, %add3A_103, %add3A_97 : vector<16xi1>, vector<16xi32>
        %broadcast_in_dim3A_105 = vector.shape_cast %select_n3A_104 : vector<16xi32> to vector<16x1xi32>
        %gather3A_106 = vector.shape_cast %broadcast_in_dim3A_105 : vector<16x1xi32> to vector<16xi32>
        %gather3A_107 = tpu.dynamic_gather %mul3A_44[%gather3A_106] in [0] : vector<16xf32>, vector<16xi32> -> vector<16xf32>
        %get3A_108 = arith.index_cast %scan3A_36 : i32 to index
        %get3A_109 = arith.constant 32 : index
        %get3A_110 = tpu.vector_load %arg13[%get3A_108, %get3A_109] {strides = array<i32>} : memref<200x128xf32, #tpu.memory_space<vmem>>, vector<1x16xf32>,
        %get3A_111 = vector.shape_cast %get3A_110 : vector<1x16xf32> to vector<16xf32>
        %mul3A_112 = arith.mulf %get3A_111, %gather3A_107 : vector<16xf32>
        %swap3A_113 = arith.index_cast %scan3A_36 : i32 to index
        %swap3A_114 = arith.constant 32 : index
        %swap3A_115 = tpu.vector_load %arg13[%swap3A_113, %swap3A_114] {strides = array<i32>} : memref<200x128xf32, #tpu.memory_space<vmem>>, vector<1x16xf32>,
        %swap3A_116 = vector.shape_cast %swap3A_115 : vector<1x16xf32> to vector<16xf32>
        %swap3A_117 = vector.shape_cast %mul3A_112 : vector<16xf32> to vector<1x16xf32>
        tpu.vector_store %arg13[%swap3A_113, %swap3A_114], %swap3A_117 {strides = array<i32>} : memref<200x128xf32, #tpu.memory_space<vmem>>, vector<1x16xf32>,
        %mul3A_118 = arith.constant 0 : i32
        %mul3A_119 = vector.broadcast %mul3A_118 : i32 to vector<16xi32>
        %mul3A_120 = arith.muli %iota3A, %mul3A_119 : vector<16xi32>
        %add3A_121 = arith.constant 3 : i32
        %add3A_122 = vector.broadcast %add3A_121 : i32 to vector<16xi32>
        %add3A_123 = arith.addi %mul3A_120, %add3A_122 : vector<16xi32>
        %lt3A_124 = arith.constant 0 : i32
        %lt3A_125 = vector.broadcast %lt3A_124 : i32 to vector<16xi32>
        %lt3A_126 = arith.cmpi slt, %add3A_123, %lt3A_125 : vector<16xi32>
        %add3A_127 = arith.constant 16 : i32
        %add3A_128 = vector.broadcast %add3A_127 : i32 to vector<16xi32>
        %add3A_129 = arith.addi %add3A_123, %add3A_128 : vector<16xi32>
        %select_n3A_130 = arith.select %lt3A_126, %add3A_129, %add3A_123 : vector<16xi1>, vector<16xi32>
        %broadcast_in_dim3A_131 = vector.shape_cast %select_n3A_130 : vector<16xi32> to vector<16x1xi32>
        %gather3A_132 = vector.shape_cast %broadcast_in_dim3A_131 : vector<16x1xi32> to vector<16xi32>
        %gather3A_133 = tpu.dynamic_gather %mul3A_44[%gather3A_132] in [0] : vector<16xf32>, vector<16xi32> -> vector<16xf32>
        %get3A_134 = arith.index_cast %scan3A_36 : i32 to index
        %get3A_135 = arith.constant 48 : index
        %get3A_136 = tpu.vector_load %arg13[%get3A_134, %get3A_135] {strides = array<i32>} : memref<200x128xf32, #tpu.memory_space<vmem>>, vector<1x16xf32>,
        %get3A_137 = vector.shape_cast %get3A_136 : vector<1x16xf32> to vector<16xf32>
        %mul3A_138 = arith.mulf %get3A_137, %gather3A_133 : vector<16xf32>
        %swap3A_139 = arith.index_cast %scan3A_36 : i32 to index
        %swap3A_140 = arith.constant 48 : index
        %swap3A_141 = tpu.vector_load %arg13[%swap3A_139, %swap3A_140] {strides = array<i32>} : memref<200x128xf32, #tpu.memory_space<vmem>>, vector<1x16xf32>,
        %swap3A_142 = vector.shape_cast %swap3A_141 : vector<1x16xf32> to vector<16xf32>
        %swap3A_143 = vector.shape_cast %mul3A_138 : vector<16xf32> to vector<1x16xf32>
        tpu.vector_store %arg13[%swap3A_139, %swap3A_140], %swap3A_143 {strides = array<i32>} : memref<200x128xf32, #tpu.memory_space<vmem>>, vector<1x16xf32>,
        %mul3A_144 = arith.constant 0 : i32
        %mul3A_145 = vector.broadcast %mul3A_144 : i32 to vector<16xi32>
        %mul3A_146 = arith.muli %iota3A, %mul3A_145 : vector<16xi32>
        %add3A_147 = arith.constant 4 : i32
        %add3A_148 = vector.broadcast %add3A_147 : i32 to vector<16xi32>
        %add3A_149 = arith.addi %mul3A_146, %add3A_148 : vector<16xi32>
        %lt3A_150 = arith.constant 0 : i32
        %lt3A_151 = vector.broadcast %lt3A_150 : i32 to vector<16xi32>
        %lt3A_152 = arith.cmpi slt, %add3A_149, %lt3A_151 : vector<16xi32>
        %add3A_153 = arith.constant 16 : i32
        %add3A_154 = vector.broadcast %add3A_153 : i32 to vector<16xi32>
        %add3A_155 = arith.addi %add3A_149, %add3A_154 : vector<16xi32>
        %select_n3A_156 = arith.select %lt3A_152, %add3A_155, %add3A_149 : vector<16xi1>, vector<16xi32>
        %broadcast_in_dim3A_157 = vector.shape_cast %select_n3A_156 : vector<16xi32> to vector<16x1xi32>
        %gather3A_158 = vector.shape_cast %broadcast_in_dim3A_157 : vector<16x1xi32> to vector<16xi32>
        %gather3A_159 = tpu.dynamic_gather %mul3A_44[%gather3A_158] in [0] : vector<16xf32>, vector<16xi32> -> vector<16xf32>
        %get3A_160 = arith.index_cast %scan3A_36 : i32 to index
        %get3A_161 = arith.constant 64 : index
        %get3A_162 = tpu.vector_load %arg13[%get3A_160, %get3A_161] {strides = array<i32>} : memref<200x128xf32, #tpu.memory_space<vmem>>, vector<1x16xf32>,
        %get3A_163 = vector.shape_cast %get3A_162 : vector<1x16xf32> to vector<16xf32>
        %mul3A_164 = arith.mulf %get3A_163, %gather3A_159 : vector<16xf32>
        %swap3A_165 = arith.index_cast %scan3A_36 : i32 to index
        %swap3A_166 = arith.constant 64 : index
        %swap3A_167 = tpu.vector_load %arg13[%swap3A_165, %swap3A_166] {strides = array<i32>} : memref<200x128xf32, #tpu.memory_space<vmem>>, vector<1x16xf32>,
        %swap3A_168 = vector.shape_cast %swap3A_167 : vector<1x16xf32> to vector<16xf32>
        %swap3A_169 = vector.shape_cast %mul3A_164 : vector<16xf32> to vector<1x16xf32>
        tpu.vector_store %arg13[%swap3A_165, %swap3A_166], %swap3A_169 {strides = array<i32>} : memref<200x128xf32, #tpu.memory_space<vmem>>, vector<1x16xf32>,
        %mul3A_170 = arith.constant 0 : i32
        %mul3A_171 = vector.broadcast %mul3A_170 : i32 to vector<16xi32>
        %mul3A_172 = arith.muli %iota3A, %mul3A_171 : vector<16xi32>
        %add3A_173 = arith.constant 5 : i32
        %add3A_174 = vector.broadcast %add3A_173 : i32 to vector<16xi32>
        %add3A_175 = arith.addi %mul3A_172, %add3A_174 : vector<16xi32>
        %lt3A_176 = arith.constant 0 : i32
        %lt3A_177 = vector.broadcast %lt3A_176 : i32 to vector<16xi32>
        %lt3A_178 = arith.cmpi slt, %add3A_175, %lt3A_177 : vector<16xi32>
        %add3A_179 = arith.constant 16 : i32
        %add3A_180 = vector.broadcast %add3A_179 : i32 to vector<16xi32>
        %add3A_181 = arith.addi %add3A_175, %add3A_180 : vector<16xi32>
        %select_n3A_182 = arith.select %lt3A_178, %add3A_181, %add3A_175 : vector<16xi1>, vector<16xi32>
        %broadcast_in_dim3A_183 = vector.shape_cast %select_n3A_182 : vector<16xi32> to vector<16x1xi32>
        %gather3A_184 = vector.shape_cast %broadcast_in_dim3A_183 : vector<16x1xi32> to vector<16xi32>
        %gather3A_185 = tpu.dynamic_gather %mul3A_44[%gather3A_184] in [0] : vector<16xf32>, vector<16xi32> -> vector<16xf32>
        %get3A_186 = arith.index_cast %scan3A_36 : i32 to index
        %get3A_187 = arith.constant 80 : index
        %get3A_188 = tpu.vector_load %arg13[%get3A_186, %get3A_187] {strides = array<i32>} : memref<200x128xf32, #tpu.memory_space<vmem>>, vector<1x16xf32>,
        %get3A_189 = vector.shape_cast %get3A_188 : vector<1x16xf32> to vector<16xf32>
        %mul3A_190 = arith.mulf %get3A_189, %gather3A_185 : vector<16xf32>
        %swap3A_191 = arith.index_cast %scan3A_36 : i32 to index
        %swap3A_192 = arith.constant 80 : index
        %swap3A_193 = tpu.vector_load %arg13[%swap3A_191, %swap3A_192] {strides = array<i32>} : memref<200x128xf32, #tpu.memory_space<vmem>>, vector<1x16xf32>,
        %swap3A_194 = vector.shape_cast %swap3A_193 : vector<1x16xf32> to vector<16xf32>
        %swap3A_195 = vector.shape_cast %mul3A_190 : vector<16xf32> to vector<1x16xf32>
        tpu.vector_store %arg13[%swap3A_191, %swap3A_192], %swap3A_195 {strides = array<i32>} : memref<200x128xf32, #tpu.memory_space<vmem>>, vector<1x16xf32>,
        %mul3A_196 = arith.constant 0 : i32
        %mul3A_197 = vector.broadcast %mul3A_196 : i32 to vector<16xi32>
        %mul3A_198 = arith.muli %iota3A, %mul3A_197 : vector<16xi32>
        %add3A_199 = arith.constant 6 : i32
        %add3A_200 = vector.broadcast %add3A_199 : i32 to vector<16xi32>
        %add3A_201 = arith.addi %mul3A_198, %add3A_200 : vector<16xi32>
        %lt3A_202 = arith.constant 0 : i32
        %lt3A_203 = vector.broadcast %lt3A_202 : i32 to vector<16xi32>
        %lt3A_204 = arith.cmpi slt, %add3A_201, %lt3A_203 : vector<16xi32>
        %add3A_205 = arith.constant 16 : i32
        %add3A_206 = vector.broadcast %add3A_205 : i32 to vector<16xi32>
        %add3A_207 = arith.addi %add3A_201, %add3A_206 : vector<16xi32>
        %select_n3A_208 = arith.select %lt3A_204, %add3A_207, %add3A_201 : vector<16xi1>, vector<16xi32>
        %broadcast_in_dim3A_209 = vector.shape_cast %select_n3A_208 : vector<16xi32> to vector<16x1xi32>
        %gather3A_210 = vector.shape_cast %broadcast_in_dim3A_209 : vector<16x1xi32> to vector<16xi32>
        %gather3A_211 = tpu.dynamic_gather %mul3A_44[%gather3A_210] in [0] : vector<16xf32>, vector<16xi32> -> vector<16xf32>
        %get3A_212 = arith.index_cast %scan3A_36 : i32 to index
        %get3A_213 = arith.constant 96 : index
        %get3A_214 = tpu.vector_load %arg13[%get3A_212, %get3A_213] {strides = array<i32>} : memref<200x128xf32, #tpu.memory_space<vmem>>, vector<1x16xf32>,
        %get3A_215 = vector.shape_cast %get3A_214 : vector<1x16xf32> to vector<16xf32>
        %mul3A_216 = arith.mulf %get3A_215, %gather3A_211 : vector<16xf32>
        %swap3A_217 = arith.index_cast %scan3A_36 : i32 to index
        %swap3A_218 = arith.constant 96 : index
        %swap3A_219 = tpu.vector_load %arg13[%swap3A_217, %swap3A_218] {strides = array<i32>} : memref<200x128xf32, #tpu.memory_space<vmem>>, vector<1x16xf32>,
        %swap3A_220 = vector.shape_cast %swap3A_219 : vector<1x16xf32> to vector<16xf32>
        %swap3A_221 = vector.shape_cast %mul3A_216 : vector<16xf32> to vector<1x16xf32>
        tpu.vector_store %arg13[%swap3A_217, %swap3A_218], %swap3A_221 {strides = array<i32>} : memref<200x128xf32, #tpu.memory_space<vmem>>, vector<1x16xf32>,
        %mul3A_222 = arith.constant 0 : i32
        %mul3A_223 = vector.broadcast %mul3A_222 : i32 to vector<16xi32>
        %mul3A_224 = arith.muli %iota3A, %mul3A_223 : vector<16xi32>
        %add3A_225 = arith.constant 7 : i32
        %add3A_226 = vector.broadcast %add3A_225 : i32 to vector<16xi32>
        %add3A_227 = arith.addi %mul3A_224, %add3A_226 : vector<16xi32>
        %lt3A_228 = arith.constant 0 : i32
        %lt3A_229 = vector.broadcast %lt3A_228 : i32 to vector<16xi32>
        %lt3A_230 = arith.cmpi slt, %add3A_227, %lt3A_229 : vector<16xi32>
        %add3A_231 = arith.constant 16 : i32
        %add3A_232 = vector.broadcast %add3A_231 : i32 to vector<16xi32>
        %add3A_233 = arith.addi %add3A_227, %add3A_232 : vector<16xi32>
        %select_n3A_234 = arith.select %lt3A_230, %add3A_233, %add3A_227 : vector<16xi1>, vector<16xi32>
        %broadcast_in_dim3A_235 = vector.shape_cast %select_n3A_234 : vector<16xi32> to vector<16x1xi32>
        %gather3A_236 = vector.shape_cast %broadcast_in_dim3A_235 : vector<16x1xi32> to vector<16xi32>
        %gather3A_237 = tpu.dynamic_gather %mul3A_44[%gather3A_236] in [0] : vector<16xf32>, vector<16xi32> -> vector<16xf32>
        %get3A_238 = arith.index_cast %scan3A_36 : i32 to index
        %get3A_239 = arith.constant 112 : index
        %get3A_240 = tpu.vector_load %arg13[%get3A_238, %get3A_239] {strides = array<i32>} : memref<200x128xf32, #tpu.memory_space<vmem>>, vector<1x16xf32>,
        %get3A_241 = vector.shape_cast %get3A_240 : vector<1x16xf32> to vector<16xf32>
        %mul3A_242 = arith.mulf %get3A_241, %gather3A_237 : vector<16xf32>
        %swap3A_243 = arith.index_cast %scan3A_36 : i32 to index
        %swap3A_244 = arith.constant 112 : index
        %swap3A_245 = tpu.vector_load %arg13[%swap3A_243, %swap3A_244] {strides = array<i32>} : memref<200x128xf32, #tpu.memory_space<vmem>>, vector<1x16xf32>,
        %swap3A_246 = vector.shape_cast %swap3A_245 : vector<1x16xf32> to vector<16xf32>
        %swap3A_247 = vector.shape_cast %mul3A_242 : vector<16xf32> to vector<1x16xf32>
        tpu.vector_store %arg13[%swap3A_243, %swap3A_244], %swap3A_247 {strides = array<i32>} : memref<200x128xf32, #tpu.memory_space<vmem>>, vector<1x16xf32>,
      }
      %scan3A_35 = arith.constant 200 : i32
      "tpu.region"() ({
        %run_scoped3A = tpu.sem_alloc : memref<!tpu.dma_semaphore, #tpu.memory_space<semaphore_mem>>
        %dma_start3A_36 = arith.constant 0 : i32
        %dma_start3A_37 = arith.constant 0 : i32
        %dma_start3A_38 = tpu.memref_slice %arg14[%dma_start3A_36, %dma_start3A_37] : memref<10000x128xf32, #tpu.memory_space<vmem_shared>> -> memref<10000x128xf32, #tpu.memory_space<vmem_shared>>
        tpu.enqueue_indirect_dma source(%arg13 : memref<200x128xf32, #tpu.memory_space<vmem>>) target(%dma_start3A_38 : memref<10000x128xf32, #tpu.memory_space<vmem_shared>>) offsets(%arg10 : memref<200xi32, #tpu.memory_space<vmem>>) semaphore(%run_scoped3A : memref<!tpu.dma_semaphore, #tpu.memory_space<semaphore_mem>>) {add = true}
        %dma_wait3A_39 = arith.constant 0 : i32
        %dma_wait3A_40 = arith.constant 0 : i32
        %dma_wait3A_41 = tpu.memref_slice %arg14[%dma_wait3A_39, %dma_wait3A_40] : memref<10000x128xf32, #tpu.memory_space<vmem_shared>> -> memref<10000x128xf32, #tpu.memory_space<vmem_shared>>
        tpu.wait_indirect_dma semaphore(%run_scoped3A : memref<!tpu.dma_semaphore, #tpu.memory_space<semaphore_mem>>) src(%arg13 : memref<200x128xf32, #tpu.memory_space<vmem>>) dst(%dma_wait3A_41 : memref<10000x128xf32, #tpu.memory_space<vmem_shared>>)
        tpu.yield
      }) : () -> ()
    }
    %scan3A_7 = arith.constant 50 : i32
    %barrier3A_8 = arith.constant 0 : index
    tpu.barrier barrier_id(%barrier3A_8)
    %eq3A_9 = arith.constant 0 : i32
    %eq3A_10 = arith.cmpi eq, %arg1, %eq3A_9 : i32
    %convert_element_type3A_11 = arith.extui %eq3A_10 : i1 to i32
    %cond3A_12 = arith.constant 0 : i32
    %cond3A_13 = arith.cmpi ne, %convert_element_type3A_11, %cond3A_12 : i32
    scf.if %cond3A_13 {
      "tpu.region"() ({
        %run_scoped3A = tpu.sem_alloc : memref<!tpu.dma_semaphore, #tpu.memory_space<semaphore_mem>>
        %dma_start3A = arith.constant 0 : i32
        %dma_start3A_14 = arith.constant 0 : i32
        %dma_start3A_15 = tpu.memref_slice %arg8[%arg0, %dma_start3A, %dma_start3A_14] : memref<2x10000x128xf32, #tpu.memory_space<hbm>> -> memref<1x10000x128xf32, #tpu.memory_space<hbm>>
        %dma_start3A_16 = tpu.memref_squeeze %dma_start3A_15 : memref<1x10000x128xf32, #tpu.memory_space<hbm>> -> memref<10000x128xf32, #tpu.memory_space<hbm>>
        tpu.enqueue_dma source(%arg14 : memref<10000x128xf32, #tpu.memory_space<vmem_shared>>) target(%dma_start3A_16 : memref<10000x128xf32, #tpu.memory_space<hbm>>) target_semaphore(%run_scoped3A : memref<!tpu.dma_semaphore, #tpu.memory_space<semaphore_mem>>)
        %dma_wait3A = arith.constant 0 : i32
        %dma_wait3A_17 = arith.constant 0 : i32
        %dma_wait3A_18 = tpu.memref_slice %arg8[%arg0, %dma_wait3A, %dma_wait3A_17] : memref<2x10000x128xf32, #tpu.memory_space<hbm>> -> memref<1x10000x128xf32, #tpu.memory_space<hbm>>
        %dma_wait3A_19 = tpu.memref_squeeze %dma_wait3A_18 : memref<1x10000x128xf32, #tpu.memory_space<hbm>> -> memref<10000x128xf32, #tpu.memory_space<hbm>>
        tpu.wait_dma2 semaphore(%run_scoped3A : memref<!tpu.dma_semaphore, #tpu.memory_space<semaphore_mem>>) src(%arg14 : memref<10000x128xf32, #tpu.memory_space<vmem_shared>>) dst(%dma_wait3A_19 : memref<10000x128xf32, #tpu.memory_space<hbm>>)
        tpu.yield
      }) : () -> ()
    } else {
    }
    return
  }
}

#map = affine_map<(d0, d1) -> (0, 0)>
#map1 = affine_map<(d0, d1) -> (0)>
module attributes {stable_mosaic.version = 14 : i64} {
  func.func @_sc_pass1(%arg0: i32, %arg1: i32, %arg2: memref<10000x16xf32, #tpu.memory_space<hbm>>, %arg3: memref<10000x16xf32, #tpu.memory_space<hbm>>, %arg4: memref<320000xi32, #tpu.memory_space<hbm>>, %arg5: memref<320000xi32, #tpu.memory_space<hbm>>, %arg6: memref<320000x16xf32, #tpu.memory_space<hbm>>, %arg7: memref<1000xi32, #tpu.memory_space<vmem>>, %arg8: memref<1000xi32, #tpu.memory_space<vmem>>, %arg9: memref<1000x16xf32, #tpu.memory_space<vmem>>, %arg10: memref<1000x16xf32, #tpu.memory_space<vmem>>, %arg11: memref<1000x16xf32, #tpu.memory_space<vmem>>, %arg12: memref<!tpu.dma_semaphore, #tpu.memory_space<semaphore_mem>>, %arg13: memref<!tpu.dma_semaphore, #tpu.memory_space<semaphore_mem>>) attributes {dimension_semantics = [#tpu.dimension_semantics<core_parallel>, #tpu.dimension_semantics<subcore_parallel>], iteration_bounds = array<i64: 2, 16>, scalar_prefetch = 0 : i64, scratch_operands = 7 : i64, tpu.core_type = #tpu.core_type<sc_vector_subcore>, window_params = [{transform_indices = #map}, {transform_indices = #map}, {transform_indices = #map1}, {transform_indices = #map1}, {transform_indices = #map}]} {
    %mul3A = arith.constant 2 : i32
    %mul3A_0 = arith.muli %arg1, %mul3A : i32
    %add3A = arith.addi %mul3A_0, %arg0 : i32
    %iota3A = tpu.iota {dimensions = array<i32: 0>} : vector<16xi32>
    %and3A = arith.constant 7 : i32
    %and3A_1 = vector.broadcast %and3A : i32 to vector<16xi32>
    %and3A_2 = arith.andi %iota3A, %and3A_1 : vector<16xi32>
    %add3A_3 = arith.constant 8 : i32
    %add3A_4 = vector.broadcast %add3A_3 : i32 to vector<16xi32>
    %add3A_5 = arith.addi %and3A_2, %add3A_4 : vector<16xi32>
    %lt3A = arith.constant 8 : i32
    %lt3A_6 = vector.broadcast %lt3A : i32 to vector<16xi32>
    %lt3A_7 = arith.cmpi slt, %iota3A, %lt3A_6 : vector<16xi32>
    %scan3A = arith.constant 0 : i32
    %scan3A_8 = arith.constant 0 : i32
    %scan3A_9 = arith.constant 10 : i32
    %scan3A_10 = arith.addi %scan3A_8, %scan3A_9 : i32
    %scan3A_11 = arith.constant 1 : i32
    scf.for %scan3A_13 = %scan3A_8 to %scan3A_10 step %scan3A_11  : i32 {
      %mul3A_14 = arith.constant 10000 : i32
      %mul3A_15 = arith.muli %add3A, %mul3A_14 : i32
      %mul3A_16 = arith.constant 1000 : i32
      %mul3A_17 = arith.muli %scan3A_13, %mul3A_16 : i32
      %add3A_18 = arith.addi %mul3A_15, %mul3A_17 : i32
      %multiple_of3A = tpu.assume_multiple %add3A_18, 8 : i32
      "tpu.region"() ({
        %run_scoped3A = tpu.sem_alloc : memref<!tpu.dma_semaphore, #tpu.memory_space<semaphore_mem>>
        %dma_start3A_35 = tpu.memref_slice %arg4[%multiple_of3A] : memref<320000xi32, #tpu.memory_space<hbm>> -> memref<1000xi32, #tpu.memory_space<hbm>>
        %dma_start3A_36 = tpu.memref_slice %arg4[%multiple_of3A] : memref<320000xi32, #tpu.memory_space<hbm>> -> memref<1000xi32, #tpu.memory_space<hbm>>
        tpu.enqueue_dma source(%dma_start3A_36 : memref<1000xi32, #tpu.memory_space<hbm>>) target(%arg7 : memref<1000xi32, #tpu.memory_space<vmem>>) target_semaphore(%run_scoped3A : memref<!tpu.dma_semaphore, #tpu.memory_space<semaphore_mem>>)
        %dma_wait3A_37 = tpu.memref_slice %arg4[%multiple_of3A] : memref<320000xi32, #tpu.memory_space<hbm>> -> memref<1000xi32, #tpu.memory_space<hbm>>
        %dma_wait3A_38 = tpu.memref_slice %arg4[%multiple_of3A] : memref<320000xi32, #tpu.memory_space<hbm>> -> memref<1000xi32, #tpu.memory_space<hbm>>
        tpu.wait_dma2 semaphore(%run_scoped3A : memref<!tpu.dma_semaphore, #tpu.memory_space<semaphore_mem>>) src(%dma_wait3A_38 : memref<1000xi32, #tpu.memory_space<hbm>>) dst(%arg7 : memref<1000xi32, #tpu.memory_space<vmem>>)
        tpu.yield
      }) : () -> ()
      "tpu.region"() ({
        %run_scoped3A = tpu.sem_alloc : memref<!tpu.dma_semaphore, #tpu.memory_space<semaphore_mem>>
        %dma_start3A_35 = tpu.memref_slice %arg5[%multiple_of3A] : memref<320000xi32, #tpu.memory_space<hbm>> -> memref<1000xi32, #tpu.memory_space<hbm>>
        %dma_start3A_36 = tpu.memref_slice %arg5[%multiple_of3A] : memref<320000xi32, #tpu.memory_space<hbm>> -> memref<1000xi32, #tpu.memory_space<hbm>>
        tpu.enqueue_dma source(%dma_start3A_36 : memref<1000xi32, #tpu.memory_space<hbm>>) target(%arg8 : memref<1000xi32, #tpu.memory_space<vmem>>) target_semaphore(%run_scoped3A : memref<!tpu.dma_semaphore, #tpu.memory_space<semaphore_mem>>)
        %dma_wait3A_37 = tpu.memref_slice %arg5[%multiple_of3A] : memref<320000xi32, #tpu.memory_space<hbm>> -> memref<1000xi32, #tpu.memory_space<hbm>>
        %dma_wait3A_38 = tpu.memref_slice %arg5[%multiple_of3A] : memref<320000xi32, #tpu.memory_space<hbm>> -> memref<1000xi32, #tpu.memory_space<hbm>>
        tpu.wait_dma2 semaphore(%run_scoped3A : memref<!tpu.dma_semaphore, #tpu.memory_space<semaphore_mem>>) src(%dma_wait3A_38 : memref<1000xi32, #tpu.memory_space<hbm>>) dst(%arg8 : memref<1000xi32, #tpu.memory_space<vmem>>)
        tpu.yield
      }) : () -> ()
      %dma_start3A = arith.constant 0 : i32
      %dma_start3A_19 = arith.constant 0 : i32
      %dma_start3A_20 = tpu.memref_slice %arg2[%dma_start3A, %dma_start3A_19] : memref<10000x16xf32, #tpu.memory_space<hbm>> -> memref<10000x16xf32, #tpu.memory_space<hbm>>
      tpu.enqueue_indirect_dma source(%dma_start3A_20 : memref<10000x16xf32, #tpu.memory_space<hbm>>) target(%arg9 : memref<1000x16xf32, #tpu.memory_space<vmem>>) offsets(%arg7 : memref<1000xi32, #tpu.memory_space<vmem>>) semaphore(%arg12 : memref<!tpu.dma_semaphore, #tpu.memory_space<semaphore_mem>>)
      %dma_start3A_21 = arith.constant 0 : i32
      %dma_start3A_22 = arith.constant 0 : i32
      %dma_start3A_23 = tpu.memref_slice %arg3[%dma_start3A_21, %dma_start3A_22] : memref<10000x16xf32, #tpu.memory_space<hbm>> -> memref<10000x16xf32, #tpu.memory_space<hbm>>
      tpu.enqueue_indirect_dma source(%dma_start3A_23 : memref<10000x16xf32, #tpu.memory_space<hbm>>) target(%arg10 : memref<1000x16xf32, #tpu.memory_space<vmem>>) offsets(%arg8 : memref<1000xi32, #tpu.memory_space<vmem>>) semaphore(%arg13 : memref<!tpu.dma_semaphore, #tpu.memory_space<semaphore_mem>>)
      %dma_wait3A = arith.constant 0 : i32
      %dma_wait3A_24 = arith.constant 0 : i32
      %dma_wait3A_25 = tpu.memref_slice %arg2[%dma_wait3A, %dma_wait3A_24] : memref<10000x16xf32, #tpu.memory_space<hbm>> -> memref<10000x16xf32, #tpu.memory_space<hbm>>
      tpu.wait_indirect_dma semaphore(%arg12 : memref<!tpu.dma_semaphore, #tpu.memory_space<semaphore_mem>>) src(%dma_wait3A_25 : memref<10000x16xf32, #tpu.memory_space<hbm>>) dst(%arg9 : memref<1000x16xf32, #tpu.memory_space<vmem>>)
      %dma_wait3A_26 = arith.constant 0 : i32
      %dma_wait3A_27 = arith.constant 0 : i32
      %dma_wait3A_28 = tpu.memref_slice %arg3[%dma_wait3A_26, %dma_wait3A_27] : memref<10000x16xf32, #tpu.memory_space<hbm>> -> memref<10000x16xf32, #tpu.memory_space<hbm>>
      tpu.wait_indirect_dma semaphore(%arg13 : memref<!tpu.dma_semaphore, #tpu.memory_space<semaphore_mem>>) src(%dma_wait3A_28 : memref<10000x16xf32, #tpu.memory_space<hbm>>) dst(%arg10 : memref<1000x16xf32, #tpu.memory_space<vmem>>)
      %scan3A_29 = arith.constant 0 : i32
      %scan3A_30 = arith.constant 0 : i32
      %scan3A_31 = arith.constant 1000 : i32
      %scan3A_32 = arith.addi %scan3A_30, %scan3A_31 : i32
      %scan3A_33 = arith.constant 1 : i32
      scf.for %scan3A_35 = %scan3A_30 to %scan3A_32 step %scan3A_33  : i32 {
        %get3A = arith.index_cast %scan3A_35 : i32 to index
        %get3A_36 = arith.constant 0 : index
        %get3A_37 = tpu.vector_load %arg9[%get3A, %get3A_36] {strides = array<i32>} : memref<1000x16xf32, #tpu.memory_space<vmem>>, vector<1x16xf32>,
        %get3A_38 = vector.shape_cast %get3A_37 : vector<1x16xf32> to vector<16xf32>
        %get3A_39 = arith.index_cast %scan3A_35 : i32 to index
        %get3A_40 = arith.constant 0 : index
        %get3A_41 = tpu.vector_load %arg10[%get3A_39, %get3A_40] {strides = array<i32>} : memref<1000x16xf32, #tpu.memory_space<vmem>>, vector<1x16xf32>,
        %get3A_42 = vector.shape_cast %get3A_41 : vector<1x16xf32> to vector<16xf32>
        %add3A_43 = arith.addf %get3A_38, %get3A_42 : vector<16xf32>
        %gt3A = arith.constant 0.000000e+00 : f32
        %gt3A_44 = vector.broadcast %gt3A : f32 to vector<16xf32>
        %gt3A_45 = arith.cmpf ogt, %add3A_43, %gt3A_44 : vector<16xf32>
        %mul3A_46 = arith.constant 2.000000e-01 : f32
        %mul3A_47 = vector.broadcast %mul3A_46 : f32 to vector<16xf32>
        %mul3A_48 = arith.mulf %mul3A_47, %add3A_43 : vector<16xf32>
        %select_n3A = arith.select %gt3A_45, %add3A_43, %mul3A_48 : vector<16xi1>, vector<16xf32>
        %lt3A_49 = arith.constant 0 : i32
        %lt3A_50 = vector.broadcast %lt3A_49 : i32 to vector<16xi32>
        %lt3A_51 = arith.cmpi slt, %add3A_5, %lt3A_50 : vector<16xi32>
        %add3A_52 = arith.constant 16 : i32
        %add3A_53 = vector.broadcast %add3A_52 : i32 to vector<16xi32>
        %add3A_54 = arith.addi %add3A_5, %add3A_53 : vector<16xi32>
        %select_n3A_55 = arith.select %lt3A_51, %add3A_54, %add3A_5 : vector<16xi1>, vector<16xi32>
        %broadcast_in_dim3A = vector.shape_cast %select_n3A_55 : vector<16xi32> to vector<16x1xi32>
        %gather3A = vector.shape_cast %broadcast_in_dim3A : vector<16x1xi32> to vector<16xi32>
        %gather3A_56 = tpu.dynamic_gather %get3A_42[%gather3A] in [0] : vector<16xf32>, vector<16xi32> -> vector<16xf32>
        %sub3A = arith.subf %select_n3A, %gather3A_56 : vector<16xf32>
        %jit3A = arith.constant -1.000000e+04 : f32
        %broadcast_in_dim3A_57 = vector.broadcast %jit3A : f32 to vector<16xf32>
        %select_n3A_58 = arith.select %lt3A_7, %sub3A, %broadcast_in_dim3A_57 : vector<16xi1>, vector<16xf32>
        %swap3A = arith.index_cast %scan3A_35 : i32 to index
        %swap3A_59 = arith.constant 0 : index
        %swap3A_60 = tpu.vector_load %arg11[%swap3A, %swap3A_59] {strides = array<i32>} : memref<1000x16xf32, #tpu.memory_space<vmem>>, vector<1x16xf32>,
        %swap3A_61 = vector.shape_cast %swap3A_60 : vector<1x16xf32> to vector<16xf32>
        %swap3A_62 = vector.shape_cast %select_n3A_58 : vector<16xf32> to vector<1x16xf32>
        tpu.vector_store %arg11[%swap3A, %swap3A_59], %swap3A_62 {strides = array<i32>} : memref<1000x16xf32, #tpu.memory_space<vmem>>, vector<1x16xf32>,
      }
      %scan3A_34 = arith.constant 1000 : i32
      "tpu.region"() ({
        %run_scoped3A = tpu.sem_alloc : memref<!tpu.dma_semaphore, #tpu.memory_space<semaphore_mem>>
        %dma_start3A_35 = arith.constant 0 : i32
        %dma_start3A_36 = tpu.memref_slice %arg6[%multiple_of3A, %dma_start3A_35] : memref<320000x16xf32, #tpu.memory_space<hbm>> -> memref<1000x16xf32, #tpu.memory_space<hbm>>
        %dma_start3A_37 = arith.constant 0 : i32
        %dma_start3A_38 = tpu.memref_slice %arg6[%multiple_of3A, %dma_start3A_37] : memref<320000x16xf32, #tpu.memory_space<hbm>> -> memref<1000x16xf32, #tpu.memory_space<hbm>>
        tpu.enqueue_dma source(%arg11 : memref<1000x16xf32, #tpu.memory_space<vmem>>) target(%dma_start3A_38 : memref<1000x16xf32, #tpu.memory_space<hbm>>) target_semaphore(%run_scoped3A : memref<!tpu.dma_semaphore, #tpu.memory_space<semaphore_mem>>)
        %dma_wait3A_39 = arith.constant 0 : i32
        %dma_wait3A_40 = tpu.memref_slice %arg6[%multiple_of3A, %dma_wait3A_39] : memref<320000x16xf32, #tpu.memory_space<hbm>> -> memref<1000x16xf32, #tpu.memory_space<hbm>>
        %dma_wait3A_41 = arith.constant 0 : i32
        %dma_wait3A_42 = tpu.memref_slice %arg6[%multiple_of3A, %dma_wait3A_41] : memref<320000x16xf32, #tpu.memory_space<hbm>> -> memref<1000x16xf32, #tpu.memory_space<hbm>>
        tpu.wait_dma2 semaphore(%run_scoped3A : memref<!tpu.dma_semaphore, #tpu.memory_space<semaphore_mem>>) src(%arg11 : memref<1000x16xf32, #tpu.memory_space<vmem>>) dst(%dma_wait3A_42 : memref<1000x16xf32, #tpu.memory_space<hbm>>)
        tpu.yield
      }) : () -> ()
    }
    %scan3A_12 = arith.constant 10 : i32
    return
  }
}

#map = affine_map<(d0, d1) -> (0, 0)>
#map1 = affine_map<(d0, d1) -> (0)>
#map2 = affine_map<(d0, d1) -> (0, 0, 0)>
module attributes {stable_mosaic.version = 14 : i64} {
  func.func @_sc_pass1b(%arg0: i32, %arg1: i32, %arg2: memref<320000x16xf32, #tpu.memory_space<hbm>>, %arg3: memref<320000xi32, #tpu.memory_space<hbm>>, %arg4: memref<10000x16xf32, #tpu.memory_space<hbm>>, %arg5: memref<2x10000x16xf32, #tpu.memory_space<hbm>>, %arg6: memref<1000xi32, #tpu.memory_space<vmem>>, %arg7: memref<1000x16xf32, #tpu.memory_space<vmem>>, %arg8: memref<10000x16xf32, #tpu.memory_space<vmem_shared>>) attributes {dimension_semantics = [#tpu.dimension_semantics<core_parallel>, #tpu.dimension_semantics<subcore_parallel>], iteration_bounds = array<i64: 2, 16>, scalar_prefetch = 0 : i64, scratch_operands = 3 : i64, tpu.core_type = #tpu.core_type<sc_vector_subcore>, window_params = [{transform_indices = #map}, {transform_indices = #map1}, {transform_indices = #map}, {transform_indices = #map2}]} {
    %mul3A = arith.constant 2 : i32
    %mul3A_0 = arith.muli %arg1, %mul3A : i32
    %add3A = arith.addi %mul3A_0, %arg0 : i32
    %eq3A = arith.constant 0 : i32
    %eq3A_1 = arith.cmpi eq, %arg1, %eq3A : i32
    %convert_element_type3A = arith.extui %eq3A_1 : i1 to i32
    %cond3A = arith.constant 0 : i32
    %cond3A_2 = arith.cmpi ne, %convert_element_type3A, %cond3A : i32
    scf.if %cond3A_2 {
      "tpu.region"() ({
        %run_scoped3A = tpu.sem_alloc : memref<!tpu.dma_semaphore, #tpu.memory_space<semaphore_mem>>
        tpu.enqueue_dma source(%arg4 : memref<10000x16xf32, #tpu.memory_space<hbm>>) target(%arg8 : memref<10000x16xf32, #tpu.memory_space<vmem_shared>>) target_semaphore(%run_scoped3A : memref<!tpu.dma_semaphore, #tpu.memory_space<semaphore_mem>>)
        tpu.wait_dma2 semaphore(%run_scoped3A : memref<!tpu.dma_semaphore, #tpu.memory_space<semaphore_mem>>) src(%arg4 : memref<10000x16xf32, #tpu.memory_space<hbm>>) dst(%arg8 : memref<10000x16xf32, #tpu.memory_space<vmem_shared>>)
        tpu.yield
      }) : () -> ()
    } else {
    }
    %barrier3A = arith.constant 0 : index
    tpu.barrier barrier_id(%barrier3A)
    %scan3A = arith.constant 0 : i32
    %scan3A_3 = arith.constant 0 : i32
    %scan3A_4 = arith.constant 10 : i32
    %scan3A_5 = arith.addi %scan3A_3, %scan3A_4 : i32
    %scan3A_6 = arith.constant 1 : i32
    scf.for %scan3A_14 = %scan3A_3 to %scan3A_5 step %scan3A_6  : i32 {
      %mul3A_15 = arith.constant 10000 : i32
      %mul3A_16 = arith.muli %add3A, %mul3A_15 : i32
      %mul3A_17 = arith.constant 1000 : i32
      %mul3A_18 = arith.muli %scan3A_14, %mul3A_17 : i32
      %add3A_19 = arith.addi %mul3A_16, %mul3A_18 : i32
      %multiple_of3A = tpu.assume_multiple %add3A_19, 8 : i32
      "tpu.region"() ({
        %run_scoped3A = tpu.sem_alloc : memref<!tpu.dma_semaphore, #tpu.memory_space<semaphore_mem>>
        %dma_start3A = tpu.memref_slice %arg3[%multiple_of3A] : memref<320000xi32, #tpu.memory_space<hbm>> -> memref<1000xi32, #tpu.memory_space<hbm>>
        %dma_start3A_20 = tpu.memref_slice %arg3[%multiple_of3A] : memref<320000xi32, #tpu.memory_space<hbm>> -> memref<1000xi32, #tpu.memory_space<hbm>>
        tpu.enqueue_dma source(%dma_start3A_20 : memref<1000xi32, #tpu.memory_space<hbm>>) target(%arg6 : memref<1000xi32, #tpu.memory_space<vmem>>) target_semaphore(%run_scoped3A : memref<!tpu.dma_semaphore, #tpu.memory_space<semaphore_mem>>)
        %dma_wait3A = tpu.memref_slice %arg3[%multiple_of3A] : memref<320000xi32, #tpu.memory_space<hbm>> -> memref<1000xi32, #tpu.memory_space<hbm>>
        %dma_wait3A_21 = tpu.memref_slice %arg3[%multiple_of3A] : memref<320000xi32, #tpu.memory_space<hbm>> -> memref<1000xi32, #tpu.memory_space<hbm>>
        tpu.wait_dma2 semaphore(%run_scoped3A : memref<!tpu.dma_semaphore, #tpu.memory_space<semaphore_mem>>) src(%dma_wait3A_21 : memref<1000xi32, #tpu.memory_space<hbm>>) dst(%arg6 : memref<1000xi32, #tpu.memory_space<vmem>>)
        tpu.yield
      }) : () -> ()
      "tpu.region"() ({
        %run_scoped3A = tpu.sem_alloc : memref<!tpu.dma_semaphore, #tpu.memory_space<semaphore_mem>>
        %dma_start3A = arith.constant 0 : i32
        %dma_start3A_20 = tpu.memref_slice %arg2[%multiple_of3A, %dma_start3A] : memref<320000x16xf32, #tpu.memory_space<hbm>> -> memref<1000x16xf32, #tpu.memory_space<hbm>>
        %dma_start3A_21 = arith.constant 0 : i32
        %dma_start3A_22 = tpu.memref_slice %arg2[%multiple_of3A, %dma_start3A_21] : memref<320000x16xf32, #tpu.memory_space<hbm>> -> memref<1000x16xf32, #tpu.memory_space<hbm>>
        tpu.enqueue_dma source(%dma_start3A_22 : memref<1000x16xf32, #tpu.memory_space<hbm>>) target(%arg7 : memref<1000x16xf32, #tpu.memory_space<vmem>>) target_semaphore(%run_scoped3A : memref<!tpu.dma_semaphore, #tpu.memory_space<semaphore_mem>>)
        %dma_wait3A = arith.constant 0 : i32
        %dma_wait3A_23 = tpu.memref_slice %arg2[%multiple_of3A, %dma_wait3A] : memref<320000x16xf32, #tpu.memory_space<hbm>> -> memref<1000x16xf32, #tpu.memory_space<hbm>>
        %dma_wait3A_24 = arith.constant 0 : i32
        %dma_wait3A_25 = tpu.memref_slice %arg2[%multiple_of3A, %dma_wait3A_24] : memref<320000x16xf32, #tpu.memory_space<hbm>> -> memref<1000x16xf32, #tpu.memory_space<hbm>>
        tpu.wait_dma2 semaphore(%run_scoped3A : memref<!tpu.dma_semaphore, #tpu.memory_space<semaphore_mem>>) src(%dma_wait3A_25 : memref<1000x16xf32, #tpu.memory_space<hbm>>) dst(%arg7 : memref<1000x16xf32, #tpu.memory_space<vmem>>)
        tpu.yield
      }) : () -> ()
      "tpu.region"() ({
        %run_scoped3A = tpu.sem_alloc : memref<!tpu.dma_semaphore, #tpu.memory_space<semaphore_mem>>
        %dma_start3A = arith.constant 0 : i32
        %dma_start3A_20 = arith.constant 0 : i32
        %dma_start3A_21 = tpu.memref_slice %arg8[%dma_start3A, %dma_start3A_20] : memref<10000x16xf32, #tpu.memory_space<vmem_shared>> -> memref<10000x16xf32, #tpu.memory_space<vmem_shared>>
        tpu.enqueue_indirect_dma source(%arg7 : memref<1000x16xf32, #tpu.memory_space<vmem>>) target(%dma_start3A_21 : memref<10000x16xf32, #tpu.memory_space<vmem_shared>>) offsets(%arg6 : memref<1000xi32, #tpu.memory_space<vmem>>) semaphore(%run_scoped3A : memref<!tpu.dma_semaphore, #tpu.memory_space<semaphore_mem>>) {add = true}
        %dma_wait3A = arith.constant 0 : i32
        %dma_wait3A_22 = arith.constant 0 : i32
        %dma_wait3A_23 = tpu.memref_slice %arg8[%dma_wait3A, %dma_wait3A_22] : memref<10000x16xf32, #tpu.memory_space<vmem_shared>> -> memref<10000x16xf32, #tpu.memory_space<vmem_shared>>
        tpu.wait_indirect_dma semaphore(%run_scoped3A : memref<!tpu.dma_semaphore, #tpu.memory_space<semaphore_mem>>) src(%arg7 : memref<1000x16xf32, #tpu.memory_space<vmem>>) dst(%dma_wait3A_23 : memref<10000x16xf32, #tpu.memory_space<vmem_shared>>)
        tpu.yield
      }) : () -> ()
    }
    %scan3A_7 = arith.constant 10 : i32
    %barrier3A_8 = arith.constant 0 : index
    tpu.barrier barrier_id(%barrier3A_8)
    %eq3A_9 = arith.constant 0 : i32
    %eq3A_10 = arith.cmpi eq, %arg1, %eq3A_9 : i32
    %convert_element_type3A_11 = arith.extui %eq3A_10 : i1 to i32
    %cond3A_12 = arith.constant 0 : i32
    %cond3A_13 = arith.cmpi ne, %convert_element_type3A_11, %cond3A_12 : i32
    scf.if %cond3A_13 {
      "tpu.region"() ({
        %run_scoped3A = tpu.sem_alloc : memref<!tpu.dma_semaphore, #tpu.memory_space<semaphore_mem>>
        %dma_start3A = arith.constant 0 : i32
        %dma_start3A_14 = arith.constant 0 : i32
        %dma_start3A_15 = tpu.memref_slice %arg5[%arg0, %dma_start3A, %dma_start3A_14] : memref<2x10000x16xf32, #tpu.memory_space<hbm>> -> memref<1x10000x16xf32, #tpu.memory_space<hbm>>
        %dma_start3A_16 = tpu.memref_squeeze %dma_start3A_15 : memref<1x10000x16xf32, #tpu.memory_space<hbm>> -> memref<10000x16xf32, #tpu.memory_space<hbm>>
        tpu.enqueue_dma source(%arg8 : memref<10000x16xf32, #tpu.memory_space<vmem_shared>>) target(%dma_start3A_16 : memref<10000x16xf32, #tpu.memory_space<hbm>>) target_semaphore(%run_scoped3A : memref<!tpu.dma_semaphore, #tpu.memory_space<semaphore_mem>>)
        %dma_wait3A = arith.constant 0 : i32
        %dma_wait3A_17 = arith.constant 0 : i32
        %dma_wait3A_18 = tpu.memref_slice %arg5[%arg0, %dma_wait3A, %dma_wait3A_17] : memref<2x10000x16xf32, #tpu.memory_space<hbm>> -> memref<1x10000x16xf32, #tpu.memory_space<hbm>>
        %dma_wait3A_19 = tpu.memref_squeeze %dma_wait3A_18 : memref<1x10000x16xf32, #tpu.memory_space<hbm>> -> memref<10000x16xf32, #tpu.memory_space<hbm>>
        tpu.wait_dma2 semaphore(%run_scoped3A : memref<!tpu.dma_semaphore, #tpu.memory_space<semaphore_mem>>) src(%arg8 : memref<10000x16xf32, #tpu.memory_space<vmem_shared>>) dst(%dma_wait3A_19 : memref<10000x16xf32, #tpu.memory_space<hbm>>)
        tpu.yield
      }) : () -> ()
    } else {
    }
    return
  }
}

#map = affine_map<(d0, d1) -> (0, 0)>
#map1 = affine_map<(d0, d1) -> (0)>
#map2 = affine_map<(d0, d1) -> (0, 0, 0)>
module attributes {stable_mosaic.version = 14 : i64} {
  func.func @_sc_pass2(%arg0: i32, %arg1: i32, %arg2: memref<10000x128xf32, #tpu.memory_space<hbm>>, %arg3: memref<10000x16xf32, #tpu.memory_space<hbm>>, %arg4: memref<320000x16xf32, #tpu.memory_space<hbm>>, %arg5: memref<320000xi32, #tpu.memory_space<hbm>>, %arg6: memref<320000xi32, #tpu.memory_space<hbm>>, %arg7: memref<10000x128xf32, #tpu.memory_space<hbm>>, %arg8: memref<2x10000x128xf32, #tpu.memory_space<hbm>>, %arg9: memref<200xi32, #tpu.memory_space<vmem>>, %arg10: memref<200xi32, #tpu.memory_space<vmem>>, %arg11: memref<200x16xf32, #tpu.memory_space<vmem>>, %arg12: memref<200x16xf32, #tpu.memory_space<vmem>>, %arg13: memref<200x128xf32, #tpu.memory_space<vmem>>, %arg14: memref<10000x128xf32, #tpu.memory_space<vmem_shared>>, %arg15: memref<!tpu.dma_semaphore, #tpu.memory_space<semaphore_mem>>, %arg16: memref<!tpu.dma_semaphore, #tpu.memory_space<semaphore_mem>>) attributes {dimension_semantics = [#tpu.dimension_semantics<core_parallel>, #tpu.dimension_semantics<subcore_parallel>], iteration_bounds = array<i64: 2, 16>, scalar_prefetch = 0 : i64, scratch_operands = 8 : i64, tpu.core_type = #tpu.core_type<sc_vector_subcore>, window_params = [{transform_indices = #map}, {transform_indices = #map}, {transform_indices = #map}, {transform_indices = #map1}, {transform_indices = #map1}, {transform_indices = #map}, {transform_indices = #map2}]} {
    %mul3A = arith.constant 2 : i32
    %mul3A_0 = arith.muli %arg1, %mul3A : i32
    %add3A = arith.addi %mul3A_0, %arg0 : i32
    %eq3A = arith.constant 0 : i32
    %eq3A_1 = arith.cmpi eq, %arg1, %eq3A : i32
    %convert_element_type3A = arith.extui %eq3A_1 : i1 to i32
    %cond3A = arith.constant 0 : i32
    %cond3A_2 = arith.cmpi ne, %convert_element_type3A, %cond3A : i32
    scf.if %cond3A_2 {
      "tpu.region"() ({
        %run_scoped3A = tpu.sem_alloc : memref<!tpu.dma_semaphore, #tpu.memory_space<semaphore_mem>>
        tpu.enqueue_dma source(%arg7 : memref<10000x128xf32, #tpu.memory_space<hbm>>) target(%arg14 : memref<10000x128xf32, #tpu.memory_space<vmem_shared>>) target_semaphore(%run_scoped3A : memref<!tpu.dma_semaphore, #tpu.memory_space<semaphore_mem>>)
        tpu.wait_dma2 semaphore(%run_scoped3A : memref<!tpu.dma_semaphore, #tpu.memory_space<semaphore_mem>>) src(%arg7 : memref<10000x128xf32, #tpu.memory_space<hbm>>) dst(%arg14 : memref<10000x128xf32, #tpu.memory_space<vmem_shared>>)
        tpu.yield
      }) : () -> ()
    } else {
    }
    %barrier3A = arith.constant 0 : index
    tpu.barrier barrier_id(%barrier3A)
    %iota3A = tpu.iota {dimensions = array<i32: 0>} : vector<16xi32>
    %scan3A = arith.constant 0 : i32
    %scan3A_3 = arith.constant 0 : i32
    %scan3A_4 = arith.constant 50 : i32
    %scan3A_5 = arith.addi %scan3A_3, %scan3A_4 : i32
    %scan3A_6 = arith.constant 1 : i32
    scf.for %scan3A_14 = %scan3A_3 to %scan3A_5 step %scan3A_6  : i32 {
      %mul3A_15 = arith.constant 10000 : i32
      %mul3A_16 = arith.muli %add3A, %mul3A_15 : i32
      %mul3A_17 = arith.constant 200 : i32
      %mul3A_18 = arith.muli %scan3A_14, %mul3A_17 : i32
      %add3A_19 = arith.addi %mul3A_16, %mul3A_18 : i32
      %multiple_of3A = tpu.assume_multiple %add3A_19, 8 : i32
      "tpu.region"() ({
        %run_scoped3A = tpu.sem_alloc : memref<!tpu.dma_semaphore, #tpu.memory_space<semaphore_mem>>
        %dma_start3A_36 = tpu.memref_slice %arg5[%multiple_of3A] : memref<320000xi32, #tpu.memory_space<hbm>> -> memref<200xi32, #tpu.memory_space<hbm>>
        %dma_start3A_37 = tpu.memref_slice %arg5[%multiple_of3A] : memref<320000xi32, #tpu.memory_space<hbm>> -> memref<200xi32, #tpu.memory_space<hbm>>
        tpu.enqueue_dma source(%dma_start3A_37 : memref<200xi32, #tpu.memory_space<hbm>>) target(%arg9 : memref<200xi32, #tpu.memory_space<vmem>>) target_semaphore(%run_scoped3A : memref<!tpu.dma_semaphore, #tpu.memory_space<semaphore_mem>>)
        %dma_wait3A_38 = tpu.memref_slice %arg5[%multiple_of3A] : memref<320000xi32, #tpu.memory_space<hbm>> -> memref<200xi32, #tpu.memory_space<hbm>>
        %dma_wait3A_39 = tpu.memref_slice %arg5[%multiple_of3A] : memref<320000xi32, #tpu.memory_space<hbm>> -> memref<200xi32, #tpu.memory_space<hbm>>
        tpu.wait_dma2 semaphore(%run_scoped3A : memref<!tpu.dma_semaphore, #tpu.memory_space<semaphore_mem>>) src(%dma_wait3A_39 : memref<200xi32, #tpu.memory_space<hbm>>) dst(%arg9 : memref<200xi32, #tpu.memory_space<vmem>>)
        tpu.yield
      }) : () -> ()
      "tpu.region"() ({
        %run_scoped3A = tpu.sem_alloc : memref<!tpu.dma_semaphore, #tpu.memory_space<semaphore_mem>>
        %dma_start3A_36 = tpu.memref_slice %arg6[%multiple_of3A] : memref<320000xi32, #tpu.memory_space<hbm>> -> memref<200xi32, #tpu.memory_space<hbm>>
        %dma_start3A_37 = tpu.memref_slice %arg6[%multiple_of3A] : memref<320000xi32, #tpu.memory_space<hbm>> -> memref<200xi32, #tpu.memory_space<hbm>>
        tpu.enqueue_dma source(%dma_start3A_37 : memref<200xi32, #tpu.memory_space<hbm>>) target(%arg10 : memref<200xi32, #tpu.memory_space<vmem>>) target_semaphore(%run_scoped3A : memref<!tpu.dma_semaphore, #tpu.memory_space<semaphore_mem>>)
        %dma_wait3A_38 = tpu.memref_slice %arg6[%multiple_of3A] : memref<320000xi32, #tpu.memory_space<hbm>> -> memref<200xi32, #tpu.memory_space<hbm>>
        %dma_wait3A_39 = tpu.memref_slice %arg6[%multiple_of3A] : memref<320000xi32, #tpu.memory_space<hbm>> -> memref<200xi32, #tpu.memory_space<hbm>>
        tpu.wait_dma2 semaphore(%run_scoped3A : memref<!tpu.dma_semaphore, #tpu.memory_space<semaphore_mem>>) src(%dma_wait3A_39 : memref<200xi32, #tpu.memory_space<hbm>>) dst(%arg10 : memref<200xi32, #tpu.memory_space<vmem>>)
        tpu.yield
      }) : () -> ()
      "tpu.region"() ({
        %run_scoped3A = tpu.sem_alloc : memref<!tpu.dma_semaphore, #tpu.memory_space<semaphore_mem>>
        %dma_start3A_36 = arith.constant 0 : i32
        %dma_start3A_37 = tpu.memref_slice %arg4[%multiple_of3A, %dma_start3A_36] : memref<320000x16xf32, #tpu.memory_space<hbm>> -> memref<200x16xf32, #tpu.memory_space<hbm>>
        %dma_start3A_38 = arith.constant 0 : i32
        %dma_start3A_39 = tpu.memref_slice %arg4[%multiple_of3A, %dma_start3A_38] : memref<320000x16xf32, #tpu.memory_space<hbm>> -> memref<200x16xf32, #tpu.memory_space<hbm>>
        tpu.enqueue_dma source(%dma_start3A_39 : memref<200x16xf32, #tpu.memory_space<hbm>>) target(%arg11 : memref<200x16xf32, #tpu.memory_space<vmem>>) target_semaphore(%run_scoped3A : memref<!tpu.dma_semaphore, #tpu.memory_space<semaphore_mem>>)
        %dma_wait3A_40 = arith.constant 0 : i32
        %dma_wait3A_41 = tpu.memref_slice %arg4[%multiple_of3A, %dma_wait3A_40] : memref<320000x16xf32, #tpu.memory_space<hbm>> -> memref<200x16xf32, #tpu.memory_space<hbm>>
        %dma_wait3A_42 = arith.constant 0 : i32
        %dma_wait3A_43 = tpu.memref_slice %arg4[%multiple_of3A, %dma_wait3A_42] : memref<320000x16xf32, #tpu.memory_space<hbm>> -> memref<200x16xf32, #tpu.memory_space<hbm>>
        tpu.wait_dma2 semaphore(%run_scoped3A : memref<!tpu.dma_semaphore, #tpu.memory_space<semaphore_mem>>) src(%dma_wait3A_43 : memref<200x16xf32, #tpu.memory_space<hbm>>) dst(%arg11 : memref<200x16xf32, #tpu.memory_space<vmem>>)
        tpu.yield
      }) : () -> ()
      %dma_start3A = arith.constant 0 : i32
      %dma_start3A_20 = arith.constant 0 : i32
      %dma_start3A_21 = tpu.memref_slice %arg3[%dma_start3A, %dma_start3A_20] : memref<10000x16xf32, #tpu.memory_space<hbm>> -> memref<10000x16xf32, #tpu.memory_space<hbm>>
      tpu.enqueue_indirect_dma source(%dma_start3A_21 : memref<10000x16xf32, #tpu.memory_space<hbm>>) target(%arg12 : memref<200x16xf32, #tpu.memory_space<vmem>>) offsets(%arg10 : memref<200xi32, #tpu.memory_space<vmem>>) semaphore(%arg15 : memref<!tpu.dma_semaphore, #tpu.memory_space<semaphore_mem>>)
      %dma_start3A_22 = arith.constant 0 : i32
      %dma_start3A_23 = arith.constant 0 : i32
      %dma_start3A_24 = tpu.memref_slice %arg2[%dma_start3A_22, %dma_start3A_23] : memref<10000x128xf32, #tpu.memory_space<hbm>> -> memref<10000x128xf32, #tpu.memory_space<hbm>>
      tpu.enqueue_indirect_dma source(%dma_start3A_24 : memref<10000x128xf32, #tpu.memory_space<hbm>>) target(%arg13 : memref<200x128xf32, #tpu.memory_space<vmem>>) offsets(%arg9 : memref<200xi32, #tpu.memory_space<vmem>>) semaphore(%arg16 : memref<!tpu.dma_semaphore, #tpu.memory_space<semaphore_mem>>)
      %dma_wait3A = arith.constant 0 : i32
      %dma_wait3A_25 = arith.constant 0 : i32
      %dma_wait3A_26 = tpu.memref_slice %arg3[%dma_wait3A, %dma_wait3A_25] : memref<10000x16xf32, #tpu.memory_space<hbm>> -> memref<10000x16xf32, #tpu.memory_space<hbm>>
      tpu.wait_indirect_dma semaphore(%arg15 : memref<!tpu.dma_semaphore, #tpu.memory_space<semaphore_mem>>) src(%dma_wait3A_26 : memref<10000x16xf32, #tpu.memory_space<hbm>>) dst(%arg12 : memref<200x16xf32, #tpu.memory_space<vmem>>)
      %dma_wait3A_27 = arith.constant 0 : i32
      %dma_wait3A_28 = arith.constant 0 : i32
      %dma_wait3A_29 = tpu.memref_slice %arg2[%dma_wait3A_27, %dma_wait3A_28] : memref<10000x128xf32, #tpu.memory_space<hbm>> -> memref<10000x128xf32, #tpu.memory_space<hbm>>
      tpu.wait_indirect_dma semaphore(%arg16 : memref<!tpu.dma_semaphore, #tpu.memory_space<semaphore_mem>>) src(%dma_wait3A_29 : memref<10000x128xf32, #tpu.memory_space<hbm>>) dst(%arg13 : memref<200x128xf32, #tpu.memory_space<vmem>>)
      %scan3A_30 = arith.constant 0 : i32
      %scan3A_31 = arith.constant 0 : i32
      %scan3A_32 = arith.constant 200 : i32
      %scan3A_33 = arith.addi %scan3A_31, %scan3A_32 : i32
      %scan3A_34 = arith.constant 1 : i32
      scf.for %scan3A_36 = %scan3A_31 to %scan3A_33 step %scan3A_34  : i32 {
        %get3A = arith.index_cast %scan3A_36 : i32 to index
        %get3A_37 = arith.constant 0 : index
        %get3A_38 = tpu.vector_load %arg11[%get3A, %get3A_37] {strides = array<i32>} : memref<200x16xf32, #tpu.memory_space<vmem>>, vector<1x16xf32>,
        %get3A_39 = vector.shape_cast %get3A_38 : vector<1x16xf32> to vector<16xf32>
        %get3A_40 = arith.index_cast %scan3A_36 : i32 to index
        %get3A_41 = arith.constant 0 : index
        %get3A_42 = tpu.vector_load %arg12[%get3A_40, %get3A_41] {strides = array<i32>} : memref<200x16xf32, #tpu.memory_space<vmem>>, vector<1x16xf32>,
        %get3A_43 = vector.shape_cast %get3A_42 : vector<1x16xf32> to vector<16xf32>
        %mul3A_44 = arith.mulf %get3A_39, %get3A_43 : vector<16xf32>
        %mul3A_45 = arith.constant 0 : i32
        %mul3A_46 = vector.broadcast %mul3A_45 : i32 to vector<16xi32>
        %mul3A_47 = arith.muli %iota3A, %mul3A_46 : vector<16xi32>
        %add3A_48 = arith.constant 0 : i32
        %add3A_49 = vector.broadcast %add3A_48 : i32 to vector<16xi32>
        %add3A_50 = arith.addi %mul3A_47, %add3A_49 : vector<16xi32>
        %lt3A = arith.constant 0 : i32
        %lt3A_51 = vector.broadcast %lt3A : i32 to vector<16xi32>
        %lt3A_52 = arith.cmpi slt, %add3A_50, %lt3A_51 : vector<16xi32>
        %add3A_53 = arith.constant 16 : i32
        %add3A_54 = vector.broadcast %add3A_53 : i32 to vector<16xi32>
        %add3A_55 = arith.addi %add3A_50, %add3A_54 : vector<16xi32>
        %select_n3A = arith.select %lt3A_52, %add3A_55, %add3A_50 : vector<16xi1>, vector<16xi32>
        %broadcast_in_dim3A = vector.shape_cast %select_n3A : vector<16xi32> to vector<16x1xi32>
        %gather3A = vector.shape_cast %broadcast_in_dim3A : vector<16x1xi32> to vector<16xi32>
        %gather3A_56 = tpu.dynamic_gather %mul3A_44[%gather3A] in [0] : vector<16xf32>, vector<16xi32> -> vector<16xf32>
        %get3A_57 = arith.index_cast %scan3A_36 : i32 to index
        %get3A_58 = arith.constant 0 : index
        %get3A_59 = tpu.vector_load %arg13[%get3A_57, %get3A_58] {strides = array<i32>} : memref<200x128xf32, #tpu.memory_space<vmem>>, vector<1x16xf32>,
        %get3A_60 = vector.shape_cast %get3A_59 : vector<1x16xf32> to vector<16xf32>
        %mul3A_61 = arith.mulf %get3A_60, %gather3A_56 : vector<16xf32>
        %swap3A = arith.index_cast %scan3A_36 : i32 to index
        %swap3A_62 = arith.constant 0 : index
        %swap3A_63 = tpu.vector_load %arg13[%swap3A, %swap3A_62] {strides = array<i32>} : memref<200x128xf32, #tpu.memory_space<vmem>>, vector<1x16xf32>,
        %swap3A_64 = vector.shape_cast %swap3A_63 : vector<1x16xf32> to vector<16xf32>
        %swap3A_65 = vector.shape_cast %mul3A_61 : vector<16xf32> to vector<1x16xf32>
        tpu.vector_store %arg13[%swap3A, %swap3A_62], %swap3A_65 {strides = array<i32>} : memref<200x128xf32, #tpu.memory_space<vmem>>, vector<1x16xf32>,
        %mul3A_66 = arith.constant 0 : i32
        %mul3A_67 = vector.broadcast %mul3A_66 : i32 to vector<16xi32>
        %mul3A_68 = arith.muli %iota3A, %mul3A_67 : vector<16xi32>
        %add3A_69 = arith.constant 1 : i32
        %add3A_70 = vector.broadcast %add3A_69 : i32 to vector<16xi32>
        %add3A_71 = arith.addi %mul3A_68, %add3A_70 : vector<16xi32>
        %lt3A_72 = arith.constant 0 : i32
        %lt3A_73 = vector.broadcast %lt3A_72 : i32 to vector<16xi32>
        %lt3A_74 = arith.cmpi slt, %add3A_71, %lt3A_73 : vector<16xi32>
        %add3A_75 = arith.constant 16 : i32
        %add3A_76 = vector.broadcast %add3A_75 : i32 to vector<16xi32>
        %add3A_77 = arith.addi %add3A_71, %add3A_76 : vector<16xi32>
        %select_n3A_78 = arith.select %lt3A_74, %add3A_77, %add3A_71 : vector<16xi1>, vector<16xi32>
        %broadcast_in_dim3A_79 = vector.shape_cast %select_n3A_78 : vector<16xi32> to vector<16x1xi32>
        %gather3A_80 = vector.shape_cast %broadcast_in_dim3A_79 : vector<16x1xi32> to vector<16xi32>
        %gather3A_81 = tpu.dynamic_gather %mul3A_44[%gather3A_80] in [0] : vector<16xf32>, vector<16xi32> -> vector<16xf32>
        %get3A_82 = arith.index_cast %scan3A_36 : i32 to index
        %get3A_83 = arith.constant 16 : index
        %get3A_84 = tpu.vector_load %arg13[%get3A_82, %get3A_83] {strides = array<i32>} : memref<200x128xf32, #tpu.memory_space<vmem>>, vector<1x16xf32>,
        %get3A_85 = vector.shape_cast %get3A_84 : vector<1x16xf32> to vector<16xf32>
        %mul3A_86 = arith.mulf %get3A_85, %gather3A_81 : vector<16xf32>
        %swap3A_87 = arith.index_cast %scan3A_36 : i32 to index
        %swap3A_88 = arith.constant 16 : index
        %swap3A_89 = tpu.vector_load %arg13[%swap3A_87, %swap3A_88] {strides = array<i32>} : memref<200x128xf32, #tpu.memory_space<vmem>>, vector<1x16xf32>,
        %swap3A_90 = vector.shape_cast %swap3A_89 : vector<1x16xf32> to vector<16xf32>
        %swap3A_91 = vector.shape_cast %mul3A_86 : vector<16xf32> to vector<1x16xf32>
        tpu.vector_store %arg13[%swap3A_87, %swap3A_88], %swap3A_91 {strides = array<i32>} : memref<200x128xf32, #tpu.memory_space<vmem>>, vector<1x16xf32>,
        %mul3A_92 = arith.constant 0 : i32
        %mul3A_93 = vector.broadcast %mul3A_92 : i32 to vector<16xi32>
        %mul3A_94 = arith.muli %iota3A, %mul3A_93 : vector<16xi32>
        %add3A_95 = arith.constant 2 : i32
        %add3A_96 = vector.broadcast %add3A_95 : i32 to vector<16xi32>
        %add3A_97 = arith.addi %mul3A_94, %add3A_96 : vector<16xi32>
        %lt3A_98 = arith.constant 0 : i32
        %lt3A_99 = vector.broadcast %lt3A_98 : i32 to vector<16xi32>
        %lt3A_100 = arith.cmpi slt, %add3A_97, %lt3A_99 : vector<16xi32>
        %add3A_101 = arith.constant 16 : i32
        %add3A_102 = vector.broadcast %add3A_101 : i32 to vector<16xi32>
        %add3A_103 = arith.addi %add3A_97, %add3A_102 : vector<16xi32>
        %select_n3A_104 = arith.select %lt3A_100, %add3A_103, %add3A_97 : vector<16xi1>, vector<16xi32>
        %broadcast_in_dim3A_105 = vector.shape_cast %select_n3A_104 : vector<16xi32> to vector<16x1xi32>
        %gather3A_106 = vector.shape_cast %broadcast_in_dim3A_105 : vector<16x1xi32> to vector<16xi32>
        %gather3A_107 = tpu.dynamic_gather %mul3A_44[%gather3A_106] in [0] : vector<16xf32>, vector<16xi32> -> vector<16xf32>
        %get3A_108 = arith.index_cast %scan3A_36 : i32 to index
        %get3A_109 = arith.constant 32 : index
        %get3A_110 = tpu.vector_load %arg13[%get3A_108, %get3A_109] {strides = array<i32>} : memref<200x128xf32, #tpu.memory_space<vmem>>, vector<1x16xf32>,
        %get3A_111 = vector.shape_cast %get3A_110 : vector<1x16xf32> to vector<16xf32>
        %mul3A_112 = arith.mulf %get3A_111, %gather3A_107 : vector<16xf32>
        %swap3A_113 = arith.index_cast %scan3A_36 : i32 to index
        %swap3A_114 = arith.constant 32 : index
        %swap3A_115 = tpu.vector_load %arg13[%swap3A_113, %swap3A_114] {strides = array<i32>} : memref<200x128xf32, #tpu.memory_space<vmem>>, vector<1x16xf32>,
        %swap3A_116 = vector.shape_cast %swap3A_115 : vector<1x16xf32> to vector<16xf32>
        %swap3A_117 = vector.shape_cast %mul3A_112 : vector<16xf32> to vector<1x16xf32>
        tpu.vector_store %arg13[%swap3A_113, %swap3A_114], %swap3A_117 {strides = array<i32>} : memref<200x128xf32, #tpu.memory_space<vmem>>, vector<1x16xf32>,
        %mul3A_118 = arith.constant 0 : i32
        %mul3A_119 = vector.broadcast %mul3A_118 : i32 to vector<16xi32>
        %mul3A_120 = arith.muli %iota3A, %mul3A_119 : vector<16xi32>
        %add3A_121 = arith.constant 3 : i32
        %add3A_122 = vector.broadcast %add3A_121 : i32 to vector<16xi32>
        %add3A_123 = arith.addi %mul3A_120, %add3A_122 : vector<16xi32>
        %lt3A_124 = arith.constant 0 : i32
        %lt3A_125 = vector.broadcast %lt3A_124 : i32 to vector<16xi32>
        %lt3A_126 = arith.cmpi slt, %add3A_123, %lt3A_125 : vector<16xi32>
        %add3A_127 = arith.constant 16 : i32
        %add3A_128 = vector.broadcast %add3A_127 : i32 to vector<16xi32>
        %add3A_129 = arith.addi %add3A_123, %add3A_128 : vector<16xi32>
        %select_n3A_130 = arith.select %lt3A_126, %add3A_129, %add3A_123 : vector<16xi1>, vector<16xi32>
        %broadcast_in_dim3A_131 = vector.shape_cast %select_n3A_130 : vector<16xi32> to vector<16x1xi32>
        %gather3A_132 = vector.shape_cast %broadcast_in_dim3A_131 : vector<16x1xi32> to vector<16xi32>
        %gather3A_133 = tpu.dynamic_gather %mul3A_44[%gather3A_132] in [0] : vector<16xf32>, vector<16xi32> -> vector<16xf32>
        %get3A_134 = arith.index_cast %scan3A_36 : i32 to index
        %get3A_135 = arith.constant 48 : index
        %get3A_136 = tpu.vector_load %arg13[%get3A_134, %get3A_135] {strides = array<i32>} : memref<200x128xf32, #tpu.memory_space<vmem>>, vector<1x16xf32>,
        %get3A_137 = vector.shape_cast %get3A_136 : vector<1x16xf32> to vector<16xf32>
        %mul3A_138 = arith.mulf %get3A_137, %gather3A_133 : vector<16xf32>
        %swap3A_139 = arith.index_cast %scan3A_36 : i32 to index
        %swap3A_140 = arith.constant 48 : index
        %swap3A_141 = tpu.vector_load %arg13[%swap3A_139, %swap3A_140] {strides = array<i32>} : memref<200x128xf32, #tpu.memory_space<vmem>>, vector<1x16xf32>,
        %swap3A_142 = vector.shape_cast %swap3A_141 : vector<1x16xf32> to vector<16xf32>
        %swap3A_143 = vector.shape_cast %mul3A_138 : vector<16xf32> to vector<1x16xf32>
        tpu.vector_store %arg13[%swap3A_139, %swap3A_140], %swap3A_143 {strides = array<i32>} : memref<200x128xf32, #tpu.memory_space<vmem>>, vector<1x16xf32>,
        %mul3A_144 = arith.constant 0 : i32
        %mul3A_145 = vector.broadcast %mul3A_144 : i32 to vector<16xi32>
        %mul3A_146 = arith.muli %iota3A, %mul3A_145 : vector<16xi32>
        %add3A_147 = arith.constant 4 : i32
        %add3A_148 = vector.broadcast %add3A_147 : i32 to vector<16xi32>
        %add3A_149 = arith.addi %mul3A_146, %add3A_148 : vector<16xi32>
        %lt3A_150 = arith.constant 0 : i32
        %lt3A_151 = vector.broadcast %lt3A_150 : i32 to vector<16xi32>
        %lt3A_152 = arith.cmpi slt, %add3A_149, %lt3A_151 : vector<16xi32>
        %add3A_153 = arith.constant 16 : i32
        %add3A_154 = vector.broadcast %add3A_153 : i32 to vector<16xi32>
        %add3A_155 = arith.addi %add3A_149, %add3A_154 : vector<16xi32>
        %select_n3A_156 = arith.select %lt3A_152, %add3A_155, %add3A_149 : vector<16xi1>, vector<16xi32>
        %broadcast_in_dim3A_157 = vector.shape_cast %select_n3A_156 : vector<16xi32> to vector<16x1xi32>
        %gather3A_158 = vector.shape_cast %broadcast_in_dim3A_157 : vector<16x1xi32> to vector<16xi32>
        %gather3A_159 = tpu.dynamic_gather %mul3A_44[%gather3A_158] in [0] : vector<16xf32>, vector<16xi32> -> vector<16xf32>
        %get3A_160 = arith.index_cast %scan3A_36 : i32 to index
        %get3A_161 = arith.constant 64 : index
        %get3A_162 = tpu.vector_load %arg13[%get3A_160, %get3A_161] {strides = array<i32>} : memref<200x128xf32, #tpu.memory_space<vmem>>, vector<1x16xf32>,
        %get3A_163 = vector.shape_cast %get3A_162 : vector<1x16xf32> to vector<16xf32>
        %mul3A_164 = arith.mulf %get3A_163, %gather3A_159 : vector<16xf32>
        %swap3A_165 = arith.index_cast %scan3A_36 : i32 to index
        %swap3A_166 = arith.constant 64 : index
        %swap3A_167 = tpu.vector_load %arg13[%swap3A_165, %swap3A_166] {strides = array<i32>} : memref<200x128xf32, #tpu.memory_space<vmem>>, vector<1x16xf32>,
        %swap3A_168 = vector.shape_cast %swap3A_167 : vector<1x16xf32> to vector<16xf32>
        %swap3A_169 = vector.shape_cast %mul3A_164 : vector<16xf32> to vector<1x16xf32>
        tpu.vector_store %arg13[%swap3A_165, %swap3A_166], %swap3A_169 {strides = array<i32>} : memref<200x128xf32, #tpu.memory_space<vmem>>, vector<1x16xf32>,
        %mul3A_170 = arith.constant 0 : i32
        %mul3A_171 = vector.broadcast %mul3A_170 : i32 to vector<16xi32>
        %mul3A_172 = arith.muli %iota3A, %mul3A_171 : vector<16xi32>
        %add3A_173 = arith.constant 5 : i32
        %add3A_174 = vector.broadcast %add3A_173 : i32 to vector<16xi32>
        %add3A_175 = arith.addi %mul3A_172, %add3A_174 : vector<16xi32>
        %lt3A_176 = arith.constant 0 : i32
        %lt3A_177 = vector.broadcast %lt3A_176 : i32 to vector<16xi32>
        %lt3A_178 = arith.cmpi slt, %add3A_175, %lt3A_177 : vector<16xi32>
        %add3A_179 = arith.constant 16 : i32
        %add3A_180 = vector.broadcast %add3A_179 : i32 to vector<16xi32>
        %add3A_181 = arith.addi %add3A_175, %add3A_180 : vector<16xi32>
        %select_n3A_182 = arith.select %lt3A_178, %add3A_181, %add3A_175 : vector<16xi1>, vector<16xi32>
        %broadcast_in_dim3A_183 = vector.shape_cast %select_n3A_182 : vector<16xi32> to vector<16x1xi32>
        %gather3A_184 = vector.shape_cast %broadcast_in_dim3A_183 : vector<16x1xi32> to vector<16xi32>
        %gather3A_185 = tpu.dynamic_gather %mul3A_44[%gather3A_184] in [0] : vector<16xf32>, vector<16xi32> -> vector<16xf32>
        %get3A_186 = arith.index_cast %scan3A_36 : i32 to index
        %get3A_187 = arith.constant 80 : index
        %get3A_188 = tpu.vector_load %arg13[%get3A_186, %get3A_187] {strides = array<i32>} : memref<200x128xf32, #tpu.memory_space<vmem>>, vector<1x16xf32>,
        %get3A_189 = vector.shape_cast %get3A_188 : vector<1x16xf32> to vector<16xf32>
        %mul3A_190 = arith.mulf %get3A_189, %gather3A_185 : vector<16xf32>
        %swap3A_191 = arith.index_cast %scan3A_36 : i32 to index
        %swap3A_192 = arith.constant 80 : index
        %swap3A_193 = tpu.vector_load %arg13[%swap3A_191, %swap3A_192] {strides = array<i32>} : memref<200x128xf32, #tpu.memory_space<vmem>>, vector<1x16xf32>,
        %swap3A_194 = vector.shape_cast %swap3A_193 : vector<1x16xf32> to vector<16xf32>
        %swap3A_195 = vector.shape_cast %mul3A_190 : vector<16xf32> to vector<1x16xf32>
        tpu.vector_store %arg13[%swap3A_191, %swap3A_192], %swap3A_195 {strides = array<i32>} : memref<200x128xf32, #tpu.memory_space<vmem>>, vector<1x16xf32>,
        %mul3A_196 = arith.constant 0 : i32
        %mul3A_197 = vector.broadcast %mul3A_196 : i32 to vector<16xi32>
        %mul3A_198 = arith.muli %iota3A, %mul3A_197 : vector<16xi32>
        %add3A_199 = arith.constant 6 : i32
        %add3A_200 = vector.broadcast %add3A_199 : i32 to vector<16xi32>
        %add3A_201 = arith.addi %mul3A_198, %add3A_200 : vector<16xi32>
        %lt3A_202 = arith.constant 0 : i32
        %lt3A_203 = vector.broadcast %lt3A_202 : i32 to vector<16xi32>
        %lt3A_204 = arith.cmpi slt, %add3A_201, %lt3A_203 : vector<16xi32>
        %add3A_205 = arith.constant 16 : i32
        %add3A_206 = vector.broadcast %add3A_205 : i32 to vector<16xi32>
        %add3A_207 = arith.addi %add3A_201, %add3A_206 : vector<16xi32>
        %select_n3A_208 = arith.select %lt3A_204, %add3A_207, %add3A_201 : vector<16xi1>, vector<16xi32>
        %broadcast_in_dim3A_209 = vector.shape_cast %select_n3A_208 : vector<16xi32> to vector<16x1xi32>
        %gather3A_210 = vector.shape_cast %broadcast_in_dim3A_209 : vector<16x1xi32> to vector<16xi32>
        %gather3A_211 = tpu.dynamic_gather %mul3A_44[%gather3A_210] in [0] : vector<16xf32>, vector<16xi32> -> vector<16xf32>
        %get3A_212 = arith.index_cast %scan3A_36 : i32 to index
        %get3A_213 = arith.constant 96 : index
        %get3A_214 = tpu.vector_load %arg13[%get3A_212, %get3A_213] {strides = array<i32>} : memref<200x128xf32, #tpu.memory_space<vmem>>, vector<1x16xf32>,
        %get3A_215 = vector.shape_cast %get3A_214 : vector<1x16xf32> to vector<16xf32>
        %mul3A_216 = arith.mulf %get3A_215, %gather3A_211 : vector<16xf32>
        %swap3A_217 = arith.index_cast %scan3A_36 : i32 to index
        %swap3A_218 = arith.constant 96 : index
        %swap3A_219 = tpu.vector_load %arg13[%swap3A_217, %swap3A_218] {strides = array<i32>} : memref<200x128xf32, #tpu.memory_space<vmem>>, vector<1x16xf32>,
        %swap3A_220 = vector.shape_cast %swap3A_219 : vector<1x16xf32> to vector<16xf32>
        %swap3A_221 = vector.shape_cast %mul3A_216 : vector<16xf32> to vector<1x16xf32>
        tpu.vector_store %arg13[%swap3A_217, %swap3A_218], %swap3A_221 {strides = array<i32>} : memref<200x128xf32, #tpu.memory_space<vmem>>, vector<1x16xf32>,
        %mul3A_222 = arith.constant 0 : i32
        %mul3A_223 = vector.broadcast %mul3A_222 : i32 to vector<16xi32>
        %mul3A_224 = arith.muli %iota3A, %mul3A_223 : vector<16xi32>
        %add3A_225 = arith.constant 7 : i32
        %add3A_226 = vector.broadcast %add3A_225 : i32 to vector<16xi32>
        %add3A_227 = arith.addi %mul3A_224, %add3A_226 : vector<16xi32>
        %lt3A_228 = arith.constant 0 : i32
        %lt3A_229 = vector.broadcast %lt3A_228 : i32 to vector<16xi32>
        %lt3A_230 = arith.cmpi slt, %add3A_227, %lt3A_229 : vector<16xi32>
        %add3A_231 = arith.constant 16 : i32
        %add3A_232 = vector.broadcast %add3A_231 : i32 to vector<16xi32>
        %add3A_233 = arith.addi %add3A_227, %add3A_232 : vector<16xi32>
        %select_n3A_234 = arith.select %lt3A_230, %add3A_233, %add3A_227 : vector<16xi1>, vector<16xi32>
        %broadcast_in_dim3A_235 = vector.shape_cast %select_n3A_234 : vector<16xi32> to vector<16x1xi32>
        %gather3A_236 = vector.shape_cast %broadcast_in_dim3A_235 : vector<16x1xi32> to vector<16xi32>
        %gather3A_237 = tpu.dynamic_gather %mul3A_44[%gather3A_236] in [0] : vector<16xf32>, vector<16xi32> -> vector<16xf32>
        %get3A_238 = arith.index_cast %scan3A_36 : i32 to index
        %get3A_239 = arith.constant 112 : index
        %get3A_240 = tpu.vector_load %arg13[%get3A_238, %get3A_239] {strides = array<i32>} : memref<200x128xf32, #tpu.memory_space<vmem>>, vector<1x16xf32>,
        %get3A_241 = vector.shape_cast %get3A_240 : vector<1x16xf32> to vector<16xf32>
        %mul3A_242 = arith.mulf %get3A_241, %gather3A_237 : vector<16xf32>
        %swap3A_243 = arith.index_cast %scan3A_36 : i32 to index
        %swap3A_244 = arith.constant 112 : index
        %swap3A_245 = tpu.vector_load %arg13[%swap3A_243, %swap3A_244] {strides = array<i32>} : memref<200x128xf32, #tpu.memory_space<vmem>>, vector<1x16xf32>,
        %swap3A_246 = vector.shape_cast %swap3A_245 : vector<1x16xf32> to vector<16xf32>
        %swap3A_247 = vector.shape_cast %mul3A_242 : vector<16xf32> to vector<1x16xf32>
        tpu.vector_store %arg13[%swap3A_243, %swap3A_244], %swap3A_247 {strides = array<i32>} : memref<200x128xf32, #tpu.memory_space<vmem>>, vector<1x16xf32>,
      }
      %scan3A_35 = arith.constant 200 : i32
      "tpu.region"() ({
        %run_scoped3A = tpu.sem_alloc : memref<!tpu.dma_semaphore, #tpu.memory_space<semaphore_mem>>
        %dma_start3A_36 = arith.constant 0 : i32
        %dma_start3A_37 = arith.constant 0 : i32
        %dma_start3A_38 = tpu.memref_slice %arg14[%dma_start3A_36, %dma_start3A_37] : memref<10000x128xf32, #tpu.memory_space<vmem_shared>> -> memref<10000x128xf32, #tpu.memory_space<vmem_shared>>
        tpu.enqueue_indirect_dma source(%arg13 : memref<200x128xf32, #tpu.memory_space<vmem>>) target(%dma_start3A_38 : memref<10000x128xf32, #tpu.memory_space<vmem_shared>>) offsets(%arg10 : memref<200xi32, #tpu.memory_space<vmem>>) semaphore(%run_scoped3A : memref<!tpu.dma_semaphore, #tpu.memory_space<semaphore_mem>>) {add = true}
        %dma_wait3A_39 = arith.constant 0 : i32
        %dma_wait3A_40 = arith.constant 0 : i32
        %dma_wait3A_41 = tpu.memref_slice %arg14[%dma_wait3A_39, %dma_wait3A_40] : memref<10000x128xf32, #tpu.memory_space<vmem_shared>> -> memref<10000x128xf32, #tpu.memory_space<vmem_shared>>
        tpu.wait_indirect_dma semaphore(%run_scoped3A : memref<!tpu.dma_semaphore, #tpu.memory_space<semaphore_mem>>) src(%arg13 : memref<200x128xf32, #tpu.memory_space<vmem>>) dst(%dma_wait3A_41 : memref<10000x128xf32, #tpu.memory_space<vmem_shared>>)
        tpu.yield
      }) : () -> ()
    }
    %scan3A_7 = arith.constant 50 : i32
    %barrier3A_8 = arith.constant 0 : index
    tpu.barrier barrier_id(%barrier3A_8)
    %eq3A_9 = arith.constant 0 : i32
    %eq3A_10 = arith.cmpi eq, %arg1, %eq3A_9 : i32
    %convert_element_type3A_11 = arith.extui %eq3A_10 : i1 to i32
    %cond3A_12 = arith.constant 0 : i32
    %cond3A_13 = arith.cmpi ne, %convert_element_type3A_11, %cond3A_12 : i32
    scf.if %cond3A_13 {
      "tpu.region"() ({
        %run_scoped3A = tpu.sem_alloc : memref<!tpu.dma_semaphore, #tpu.memory_space<semaphore_mem>>
        %dma_start3A = arith.constant 0 : i32
        %dma_start3A_14 = arith.constant 0 : i32
        %dma_start3A_15 = tpu.memref_slice %arg8[%arg0, %dma_start3A, %dma_start3A_14] : memref<2x10000x128xf32, #tpu.memory_space<hbm>> -> memref<1x10000x128xf32, #tpu.memory_space<hbm>>
        %dma_start3A_16 = tpu.memref_squeeze %dma_start3A_15 : memref<1x10000x128xf32, #tpu.memory_space<hbm>> -> memref<10000x128xf32, #tpu.memory_space<hbm>>
        tpu.enqueue_dma source(%arg14 : memref<10000x128xf32, #tpu.memory_space<vmem_shared>>) target(%dma_start3A_16 : memref<10000x128xf32, #tpu.memory_space<hbm>>) target_semaphore(%run_scoped3A : memref<!tpu.dma_semaphore, #tpu.memory_space<semaphore_mem>>)
        %dma_wait3A = arith.constant 0 : i32
        %dma_wait3A_17 = arith.constant 0 : i32
        %dma_wait3A_18 = tpu.memref_slice %arg8[%arg0, %dma_wait3A, %dma_wait3A_17] : memref<2x10000x128xf32, #tpu.memory_space<hbm>> -> memref<1x10000x128xf32, #tpu.memory_space<hbm>>
        %dma_wait3A_19 = tpu.memref_squeeze %dma_wait3A_18 : memref<1x10000x128xf32, #tpu.memory_space<hbm>> -> memref<10000x128xf32, #tpu.memory_space<hbm>>
        tpu.wait_dma2 semaphore(%run_scoped3A : memref<!tpu.dma_semaphore, #tpu.memory_space<semaphore_mem>>) src(%arg14 : memref<10000x128xf32, #tpu.memory_space<vmem_shared>>) dst(%dma_wait3A_19 : memref<10000x128xf32, #tpu.memory_space<hbm>>)
        tpu.yield
      }) : () -> ()
    } else {
    }
    return
  }
}

module attributes {stable_mosaic.version = 14 : i64} {
  func.func @_dense_body_first(%arg0: i32, %arg1: memref<1000x128xf32, #tpu.memory_space<vmem>>, %arg2: memref<128x128xf32, #tpu.memory_space<vmem>>, %arg3: memref<128x8xf32, #tpu.memory_space<vmem>>, %arg4: memref<128x8xf32, #tpu.memory_space<vmem>>, %arg5: memref<1000x128xf32, #tpu.memory_space<vmem>>, %arg6: memref<1000x8xf32, #tpu.memory_space<vmem>>, %arg7: memref<1000x8xf32, #tpu.memory_space<vmem>>, %arg8: memref<1x8xf32, #tpu.memory_space<vmem>>, %arg9: memref<1x8xf32, #tpu.memory_space<vmem>>) attributes {dimension_semantics = [#tpu.dimension_semantics<arbitrary>], iteration_bounds = array<i64: 10>, scalar_prefetch = 0 : i64, scratch_operands = 1 : i64, tpu.core_type = #tpu.core_type<tc>, window_params = [{transform_indices = @transform_0, window_bounds = array<i64: 1000, 128>}, {pipeline_mode = #tpu.pipeline_mode<synchronous>, transform_indices = @transform_1, window_bounds = array<i64: 128, 128>}, {pipeline_mode = #tpu.pipeline_mode<synchronous>, transform_indices = @transform_2, window_bounds = array<i64: 128, 8>}, {pipeline_mode = #tpu.pipeline_mode<synchronous>, transform_indices = @transform_3, window_bounds = array<i64: 128, 8>}, {transform_indices = @transform_4, window_bounds = array<i64: 1000, 128>}, {transform_indices = @transform_5, window_bounds = array<i64: 1000, 8>}, {transform_indices = @transform_6, window_bounds = array<i64: 1000, 8>}, {pipeline_mode = #tpu.pipeline_mode<synchronous>, transform_indices = @transform_7, window_bounds = array<i64: 1, 8>}]} {
    %get3A = arith.constant 0 : index
    %get3A_0 = arith.constant 0 : index
    %get3A_1 = vector.load %arg1[%get3A, %get3A_0] : memref<1000x128xf32, #tpu.memory_space<vmem>>, vector<1000x128xf32>
    %get3A_2 = arith.constant 0 : index
    %get3A_3 = arith.constant 0 : index
    %get3A_4 = vector.load %arg2[%get3A_2, %get3A_3] : memref<128x128xf32, #tpu.memory_space<vmem>>, vector<128x128xf32>
    %convert_element_type3A = arith.truncf %get3A_1 : vector<1000x128xf32> to vector<1000x128xbf16>
    %convert_element_type3A_5 = arith.truncf %get3A_4 : vector<128x128xf32> to vector<128x128xbf16>
    %dot_general3A = arith.constant dense<0.000000e+00> : vector<1000x128xf32>
    %dot_general3A_6 = tpu.matmul %convert_element_type3A, %convert_element_type3A_5, %dot_general3A {dimension_numbers = #tpu.dot_dimension_numbers<[1], [0], [0], [1], [0, 0, 1, 1], [], []>, transpose_lhs_hint = false} : vector<1000x128xbf16>, vector<128x128xbf16>, vector<1000x128xf32> -> vector<1000x128xf32>
    %get3A_7 = arith.constant 0 : index
    %get3A_8 = arith.constant 0 : index
    %get3A_9 = vector.load %arg3[%get3A_7, %get3A_8] : memref<128x8xf32, #tpu.memory_space<vmem>>, vector<128x8xf32>
    %dot_general3A_10 = arith.constant dense<0.000000e+00> : vector<1000x8xf32>
    %dot_general3A_11 = tpu.matmul %dot_general3A_6, %get3A_9, %dot_general3A_10 {dimension_numbers = #tpu.dot_dimension_numbers<[1], [0], [0], [1], [0, 0, 1, 1], [], []>, precision = #tpu.contract_precision<fp32>, transpose_lhs_hint = false} : vector<1000x128xf32>, vector<128x8xf32>, vector<1000x8xf32> -> vector<1000x8xf32>
    %get3A_12 = arith.constant 0 : index
    %get3A_13 = arith.constant 0 : index
    %get3A_14 = vector.load %arg4[%get3A_12, %get3A_13] : memref<128x8xf32, #tpu.memory_space<vmem>>, vector<128x8xf32>
    %dot_general3A_15 = arith.constant dense<0.000000e+00> : vector<1000x8xf32>
    %dot_general3A_16 = tpu.matmul %dot_general3A_6, %get3A_14, %dot_general3A_15 {dimension_numbers = #tpu.dot_dimension_numbers<[1], [0], [0], [1], [0, 0, 1, 1], [], []>, precision = #tpu.contract_precision<fp32>, transpose_lhs_hint = false} : vector<1000x128xf32>, vector<128x8xf32>, vector<1000x8xf32> -> vector<1000x8xf32>
    %swap3A = arith.constant 0 : index
    %swap3A_17 = arith.constant 0 : index
    %swap3A_18 = vector.load %arg5[%swap3A, %swap3A_17] : memref<1000x128xf32, #tpu.memory_space<vmem>>, vector<1000x128xf32>
    tpu.vector_store %arg5[%swap3A, %swap3A_17], %dot_general3A_6 {strides = array<i32>} : memref<1000x128xf32, #tpu.memory_space<vmem>>, vector<1000x128xf32>,
    %swap3A_19 = arith.constant 0 : index
    %swap3A_20 = arith.constant 0 : index
    %swap3A_21 = vector.load %arg6[%swap3A_19, %swap3A_20] : memref<1000x8xf32, #tpu.memory_space<vmem>>, vector<1000x8xf32>
    tpu.vector_store %arg6[%swap3A_19, %swap3A_20], %dot_general3A_11 {strides = array<i32>} : memref<1000x8xf32, #tpu.memory_space<vmem>>, vector<1000x8xf32>,
    %swap3A_22 = arith.constant 0 : index
    %swap3A_23 = arith.constant 0 : index
    %swap3A_24 = vector.load %arg7[%swap3A_22, %swap3A_23] : memref<1000x8xf32, #tpu.memory_space<vmem>>, vector<1000x8xf32>
    tpu.vector_store %arg7[%swap3A_22, %swap3A_23], %dot_general3A_16 {strides = array<i32>} : memref<1000x8xf32, #tpu.memory_space<vmem>>, vector<1000x8xf32>,
    %reduce_max3A = arith.constant dense<0xFF800000> : vector<8xf32>
    %reduce_max3A_25 = vector.multi_reduction <maximumf>, %dot_general3A_11, %reduce_max3A [0] : vector<1000x8xf32> to vector<8xf32>
    %broadcast_in_dim3A = vector.shape_cast %reduce_max3A_25 : vector<8xf32> to vector<1x8xf32>
    %eq3A = arith.constant 0 : i32
    %eq3A_26 = arith.cmpi eq, %arg0, %eq3A : i32
    %convert_element_type3A_27 = arith.extui %eq3A_26 : i1 to i32
    %cond3A = arith.constant 0 : i32
    %cond3A_28 = arith.cmpi ne, %convert_element_type3A_27, %cond3A : i32
    scf.if %cond3A_28 {
      %swap3A_38 = arith.constant 0 : index
      %swap3A_39 = arith.constant 0 : index
      %swap3A_40 = vector.load %arg9[%swap3A_38, %swap3A_39] : memref<1x8xf32, #tpu.memory_space<vmem>>, vector<1x8xf32>
      tpu.vector_store %arg9[%swap3A_38, %swap3A_39], %broadcast_in_dim3A {strides = array<i32>} : memref<1x8xf32, #tpu.memory_space<vmem>>, vector<1x8xf32>,
    } else {
    }
    %gt3A = arith.constant 0 : i32
    %gt3A_29 = arith.cmpi sgt, %arg0, %gt3A : i32
    %convert_element_type3A_30 = arith.extui %gt3A_29 : i1 to i32
    %cond3A_31 = arith.constant 0 : i32
    %cond3A_32 = arith.cmpi ne, %convert_element_type3A_30, %cond3A_31 : i32
    scf.if %cond3A_32 {
      %get3A_38 = arith.constant 0 : index
      %get3A_39 = arith.constant 0 : index
      %get3A_40 = vector.load %arg9[%get3A_38, %get3A_39] : memref<1x8xf32, #tpu.memory_space<vmem>>, vector<1x8xf32>
      %max3A = arith.maximumf %get3A_40, %broadcast_in_dim3A : vector<1x8xf32>
      %swap3A_41 = arith.constant 0 : index
      %swap3A_42 = arith.constant 0 : index
      %swap3A_43 = vector.load %arg9[%swap3A_41, %swap3A_42] : memref<1x8xf32, #tpu.memory_space<vmem>>, vector<1x8xf32>
      tpu.vector_store %arg9[%swap3A_41, %swap3A_42], %max3A {strides = array<i32>} : memref<1x8xf32, #tpu.memory_space<vmem>>, vector<1x8xf32>,
    } else {
    }
    %eq3A_33 = arith.constant 9 : i32
    %eq3A_34 = arith.cmpi eq, %arg0, %eq3A_33 : i32
    %convert_element_type3A_35 = arith.extui %eq3A_34 : i1 to i32
    %cond3A_36 = arith.constant 0 : i32
    %cond3A_37 = arith.cmpi ne, %convert_element_type3A_35, %cond3A_36 : i32
    scf.if %cond3A_37 {
      %get3A_38 = arith.constant 0 : index
      %get3A_39 = arith.constant 0 : index
      %get3A_40 = vector.load %arg9[%get3A_38, %get3A_39] : memref<1x8xf32, #tpu.memory_space<vmem>>, vector<1x8xf32>
      %swap3A_41 = arith.constant 0 : index
      %swap3A_42 = arith.constant 0 : index
      %swap3A_43 = vector.load %arg8[%swap3A_41, %swap3A_42] : memref<1x8xf32, #tpu.memory_space<vmem>>, vector<1x8xf32>
      tpu.vector_store %arg8[%swap3A_41, %swap3A_42], %get3A_40 {strides = array<i32>} : memref<1x8xf32, #tpu.memory_space<vmem>>, vector<1x8xf32>,
    } else {
    }
    return
  }
  func.func @transform_0(%arg0: i32) -> (i32, i32) {
    %c0_i32 = arith.constant 0 : i32
    %c0_i32_0 = arith.constant 0 : i32
    return %arg0, %c0_i32 : i32, i32
  }
  func.func @transform_1(%arg0: i32) -> (i32, i32) {
    %c0_i32 = arith.constant 0 : i32
    %c0_i32_0 = arith.constant 0 : i32
    %c0_i32_1 = arith.constant 0 : i32
    return %c0_i32, %c0_i32_0 : i32, i32
  }
  func.func @transform_2(%arg0: i32) -> (i32, i32) {
    %c0_i32 = arith.constant 0 : i32
    %c0_i32_0 = arith.constant 0 : i32
    %c0_i32_1 = arith.constant 0 : i32
    return %c0_i32, %c0_i32_0 : i32, i32
  }
  func.func @transform_3(%arg0: i32) -> (i32, i32) {
    %c0_i32 = arith.constant 0 : i32
    %c0_i32_0 = arith.constant 0 : i32
    %c0_i32_1 = arith.constant 0 : i32
    return %c0_i32, %c0_i32_0 : i32, i32
  }
  func.func @transform_4(%arg0: i32) -> (i32, i32) {
    %c0_i32 = arith.constant 0 : i32
    %c0_i32_0 = arith.constant 0 : i32
    return %arg0, %c0_i32 : i32, i32
  }
  func.func @transform_5(%arg0: i32) -> (i32, i32) {
    %c0_i32 = arith.constant 0 : i32
    %c0_i32_0 = arith.constant 0 : i32
    return %arg0, %c0_i32 : i32, i32
  }
  func.func @transform_6(%arg0: i32) -> (i32, i32) {
    %c0_i32 = arith.constant 0 : i32
    %c0_i32_0 = arith.constant 0 : i32
    return %arg0, %c0_i32 : i32, i32
  }
  func.func @transform_7(%arg0: i32) -> (i32, i32) {
    %c0_i32 = arith.constant 0 : i32
    %c0_i32_0 = arith.constant 0 : i32
    %c0_i32_1 = arith.constant 0 : i32
    return %c0_i32, %c0_i32_0 : i32, i32
  }
}

module attributes {stable_mosaic.version = 14 : i64} {
  func.func @_exp_body(%arg0: i32, %arg1: memref<4000x128xf32, #tpu.memory_space<vmem>>, %arg2: memref<4000x128xf32, #tpu.memory_space<vmem>>) attributes {dimension_semantics = [#tpu.dimension_semantics<arbitrary>], iteration_bounds = array<i64: 10>, scalar_prefetch = 0 : i64, scratch_operands = 0 : i64, tpu.core_type = #tpu.core_type<tc>, window_params = [{transform_indices = @transform_0, window_bounds = array<i64: 4000, 128>}, {transform_indices = @transform_1, window_bounds = array<i64: 4000, 128>}]} {
    %get3A = arith.constant 0 : index
    %get3A_0 = arith.constant 0 : index
    %get3A_1 = vector.load %arg1[%get3A, %get3A_0] : memref<4000x128xf32, #tpu.memory_space<vmem>>, vector<4000x128xf32>
    %exp3A = math.exp %get3A_1 : vector<4000x128xf32>
    %swap3A = arith.constant 0 : index
    %swap3A_2 = arith.constant 0 : index
    %swap3A_3 = vector.load %arg2[%swap3A, %swap3A_2] : memref<4000x128xf32, #tpu.memory_space<vmem>>, vector<4000x128xf32>
    tpu.vector_store %arg2[%swap3A, %swap3A_2], %exp3A {strides = array<i32>} : memref<4000x128xf32, #tpu.memory_space<vmem>>, vector<4000x128xf32>,
    return
  }
  func.func @transform_0(%arg0: i32) -> (i32, i32) {
    %c0_i32 = arith.constant 0 : i32
    %c0_i32_0 = arith.constant 0 : i32
    return %arg0, %c0_i32 : i32, i32
  }
  func.func @transform_1(%arg0: i32) -> (i32, i32) {
    %c0_i32 = arith.constant 0 : i32
    %c0_i32_0 = arith.constant 0 : i32
    return %arg0, %c0_i32 : i32, i32
  }
}

module attributes {stable_mosaic.version = 14 : i64} {
  func.func @_dense_body_mid(%arg0: i32, %arg1: memref<1000x128xf32, #tpu.memory_space<vmem>>, %arg2: memref<1000x128xf32, #tpu.memory_space<vmem>>, %arg3: memref<1x128xf32, #tpu.memory_space<vmem>>, %arg4: memref<128x128xf32, #tpu.memory_space<vmem>>, %arg5: memref<128x8xf32, #tpu.memory_space<vmem>>, %arg6: memref<128x8xf32, #tpu.memory_space<vmem>>, %arg7: memref<1000x128xf32, #tpu.memory_space<vmem>>, %arg8: memref<1000x8xf32, #tpu.memory_space<vmem>>, %arg9: memref<1000x8xf32, #tpu.memory_space<vmem>>, %arg10: memref<1x8xf32, #tpu.memory_space<vmem>>, %arg11: memref<1x8xf32, #tpu.memory_space<vmem>>) attributes {dimension_semantics = [#tpu.dimension_semantics<arbitrary>], iteration_bounds = array<i64: 10>, scalar_prefetch = 0 : i64, scratch_operands = 1 : i64, tpu.core_type = #tpu.core_type<tc>, window_params = [{transform_indices = @transform_0, window_bounds = array<i64: 1000, 128>}, {transform_indices = @transform_1, window_bounds = array<i64: 1000, 128>}, {pipeline_mode = #tpu.pipeline_mode<synchronous>, transform_indices = @transform_2, window_bounds = array<i64: 1, 128>}, {pipeline_mode = #tpu.pipeline_mode<synchronous>, transform_indices = @transform_3, window_bounds = array<i64: 128, 128>}, {pipeline_mode = #tpu.pipeline_mode<synchronous>, transform_indices = @transform_4, window_bounds = array<i64: 128, 8>}, {pipeline_mode = #tpu.pipeline_mode<synchronous>, transform_indices = @transform_5, window_bounds = array<i64: 128, 8>}, {transform_indices = @transform_6, window_bounds = array<i64: 1000, 128>}, {transform_indices = @transform_7, window_bounds = array<i64: 1000, 8>}, {transform_indices = @transform_8, window_bounds = array<i64: 1000, 8>}, {pipeline_mode = #tpu.pipeline_mode<synchronous>, transform_indices = @transform_9, window_bounds = array<i64: 1, 8>}]} {
    %get3A = arith.constant 0 : index
    %get3A_0 = arith.constant 0 : index
    %get3A_1 = vector.load %arg1[%get3A, %get3A_0] : memref<1000x128xf32, #tpu.memory_space<vmem>>, vector<1000x128xf32>
    %get3A_2 = arith.constant 0 : index
    %get3A_3 = arith.constant 0 : index
    %get3A_4 = vector.load %arg2[%get3A_2, %get3A_3] : memref<1000x128xf32, #tpu.memory_space<vmem>>, vector<1000x128xf32>
    %add3A = arith.addf %get3A_1, %get3A_4 : vector<1000x128xf32>
    %get3A_5 = arith.constant 0 : index
    %get3A_6 = arith.constant 0 : index
    %get3A_7 = vector.load %arg3[%get3A_5, %get3A_6] : memref<1x128xf32, #tpu.memory_space<vmem>>, vector<1x128xf32>
    %add3A_8 = vector.broadcast %get3A_7 : vector<1x128xf32> to vector<1000x128xf32>
    %add3A_9 = arith.addf %add3A, %add3A_8 : vector<1000x128xf32>
    %gt3A = arith.constant 0.000000e+00 : f32
    %gt3A_10 = vector.broadcast %gt3A : f32 to vector<1000x128xf32>
    %gt3A_11 = arith.cmpf ogt, %add3A_9, %gt3A_10 : vector<1000x128xf32>
    %exp3A = math.exp %add3A_9 : vector<1000x128xf32>
    %sub3A = arith.constant 1.000000e+00 : f32
    %sub3A_12 = vector.broadcast %sub3A : f32 to vector<1000x128xf32>
    %sub3A_13 = arith.subf %exp3A, %sub3A_12 : vector<1000x128xf32>
    %mul3A = arith.constant 1.67326319 : f32
    %mul3A_14 = vector.broadcast %mul3A : f32 to vector<1000x128xf32>
    %mul3A_15 = arith.mulf %mul3A_14, %sub3A_13 : vector<1000x128xf32>
    %select_n3A = arith.select %gt3A_11, %add3A_9, %mul3A_15 : vector<1000x128xi1>, vector<1000x128xf32>
    %mul3A_16 = arith.constant 1.05070102 : f32
    %mul3A_17 = vector.broadcast %mul3A_16 : f32 to vector<1000x128xf32>
    %mul3A_18 = arith.mulf %mul3A_17, %select_n3A : vector<1000x128xf32>
    %get3A_19 = arith.constant 0 : index
    %get3A_20 = arith.constant 0 : index
    %get3A_21 = vector.load %arg4[%get3A_19, %get3A_20] : memref<128x128xf32, #tpu.memory_space<vmem>>, vector<128x128xf32>
    %convert_element_type3A = arith.truncf %mul3A_18 : vector<1000x128xf32> to vector<1000x128xbf16>
    %convert_element_type3A_22 = arith.truncf %get3A_21 : vector<128x128xf32> to vector<128x128xbf16>
    %dot_general3A = arith.constant dense<0.000000e+00> : vector<1000x128xf32>
    %dot_general3A_23 = tpu.matmul %convert_element_type3A, %convert_element_type3A_22, %dot_general3A {dimension_numbers = #tpu.dot_dimension_numbers<[1], [0], [0], [1], [0, 0, 1, 1], [], []>, transpose_lhs_hint = false} : vector<1000x128xbf16>, vector<128x128xbf16>, vector<1000x128xf32> -> vector<1000x128xf32>
    %get3A_24 = arith.constant 0 : index
    %get3A_25 = arith.constant 0 : index
    %get3A_26 = vector.load %arg5[%get3A_24, %get3A_25] : memref<128x8xf32, #tpu.memory_space<vmem>>, vector<128x8xf32>
    %dot_general3A_27 = arith.constant dense<0.000000e+00> : vector<1000x8xf32>
    %dot_general3A_28 = tpu.matmul %dot_general3A_23, %get3A_26, %dot_general3A_27 {dimension_numbers = #tpu.dot_dimension_numbers<[1], [0], [0], [1], [0, 0, 1, 1], [], []>, precision = #tpu.contract_precision<fp32>, transpose_lhs_hint = false} : vector<1000x128xf32>, vector<128x8xf32>, vector<1000x8xf32> -> vector<1000x8xf32>
    %get3A_29 = arith.constant 0 : index
    %get3A_30 = arith.constant 0 : index
    %get3A_31 = vector.load %arg6[%get3A_29, %get3A_30] : memref<128x8xf32, #tpu.memory_space<vmem>>, vector<128x8xf32>
    %dot_general3A_32 = arith.constant dense<0.000000e+00> : vector<1000x8xf32>
    %dot_general3A_33 = tpu.matmul %dot_general3A_23, %get3A_31, %dot_general3A_32 {dimension_numbers = #tpu.dot_dimension_numbers<[1], [0], [0], [1], [0, 0, 1, 1], [], []>, precision = #tpu.contract_precision<fp32>, transpose_lhs_hint = false} : vector<1000x128xf32>, vector<128x8xf32>, vector<1000x8xf32> -> vector<1000x8xf32>
    %swap3A = arith.constant 0 : index
    %swap3A_34 = arith.constant 0 : index
    %swap3A_35 = vector.load %arg7[%swap3A, %swap3A_34] : memref<1000x128xf32, #tpu.memory_space<vmem>>, vector<1000x128xf32>
    tpu.vector_store %arg7[%swap3A, %swap3A_34], %dot_general3A_23 {strides = array<i32>} : memref<1000x128xf32, #tpu.memory_space<vmem>>, vector<1000x128xf32>,
    %swap3A_36 = arith.constant 0 : index
    %swap3A_37 = arith.constant 0 : index
    %swap3A_38 = vector.load %arg8[%swap3A_36, %swap3A_37] : memref<1000x8xf32, #tpu.memory_space<vmem>>, vector<1000x8xf32>
    tpu.vector_store %arg8[%swap3A_36, %swap3A_37], %dot_general3A_28 {strides = array<i32>} : memref<1000x8xf32, #tpu.memory_space<vmem>>, vector<1000x8xf32>,
    %swap3A_39 = arith.constant 0 : index
    %swap3A_40 = arith.constant 0 : index
    %swap3A_41 = vector.load %arg9[%swap3A_39, %swap3A_40] : memref<1000x8xf32, #tpu.memory_space<vmem>>, vector<1000x8xf32>
    tpu.vector_store %arg9[%swap3A_39, %swap3A_40], %dot_general3A_33 {strides = array<i32>} : memref<1000x8xf32, #tpu.memory_space<vmem>>, vector<1000x8xf32>,
    %reduce_max3A = arith.constant dense<0xFF800000> : vector<8xf32>
    %reduce_max3A_42 = vector.multi_reduction <maximumf>, %dot_general3A_28, %reduce_max3A [0] : vector<1000x8xf32> to vector<8xf32>
    %broadcast_in_dim3A = vector.shape_cast %reduce_max3A_42 : vector<8xf32> to vector<1x8xf32>
    %eq3A = arith.constant 0 : i32
    %eq3A_43 = arith.cmpi eq, %arg0, %eq3A : i32
    %convert_element_type3A_44 = arith.extui %eq3A_43 : i1 to i32
    %cond3A = arith.constant 0 : i32
    %cond3A_45 = arith.cmpi ne, %convert_element_type3A_44, %cond3A : i32
    scf.if %cond3A_45 {
      %swap3A_56 = arith.constant 0 : index
      %swap3A_57 = arith.constant 0 : index
      %swap3A_58 = vector.load %arg11[%swap3A_56, %swap3A_57] : memref<1x8xf32, #tpu.memory_space<vmem>>, vector<1x8xf32>
      tpu.vector_store %arg11[%swap3A_56, %swap3A_57], %broadcast_in_dim3A {strides = array<i32>} : memref<1x8xf32, #tpu.memory_space<vmem>>, vector<1x8xf32>,
    } else {
    }
    %gt3A_46 = arith.constant 0 : i32
    %gt3A_47 = arith.cmpi sgt, %arg0, %gt3A_46 : i32
    %convert_element_type3A_48 = arith.extui %gt3A_47 : i1 to i32
    %cond3A_49 = arith.constant 0 : i32
    %cond3A_50 = arith.cmpi ne, %convert_element_type3A_48, %cond3A_49 : i32
    scf.if %cond3A_50 {
      %get3A_56 = arith.constant 0 : index
      %get3A_57 = arith.constant 0 : index
      %get3A_58 = vector.load %arg11[%get3A_56, %get3A_57] : memref<1x8xf32, #tpu.memory_space<vmem>>, vector<1x8xf32>
      %max3A = arith.maximumf %get3A_58, %broadcast_in_dim3A : vector<1x8xf32>
      %swap3A_59 = arith.constant 0 : index
      %swap3A_60 = arith.constant 0 : index
      %swap3A_61 = vector.load %arg11[%swap3A_59, %swap3A_60] : memref<1x8xf32, #tpu.memory_space<vmem>>, vector<1x8xf32>
      tpu.vector_store %arg11[%swap3A_59, %swap3A_60], %max3A {strides = array<i32>} : memref<1x8xf32, #tpu.memory_space<vmem>>, vector<1x8xf32>,
    } else {
    }
    %eq3A_51 = arith.constant 9 : i32
    %eq3A_52 = arith.cmpi eq, %arg0, %eq3A_51 : i32
    %convert_element_type3A_53 = arith.extui %eq3A_52 : i1 to i32
    %cond3A_54 = arith.constant 0 : i32
    %cond3A_55 = arith.cmpi ne, %convert_element_type3A_53, %cond3A_54 : i32
    scf.if %cond3A_55 {
      %get3A_56 = arith.constant 0 : index
      %get3A_57 = arith.constant 0 : index
      %get3A_58 = vector.load %arg11[%get3A_56, %get3A_57] : memref<1x8xf32, #tpu.memory_space<vmem>>, vector<1x8xf32>
      %swap3A_59 = arith.constant 0 : index
      %swap3A_60 = arith.constant 0 : index
      %swap3A_61 = vector.load %arg10[%swap3A_59, %swap3A_60] : memref<1x8xf32, #tpu.memory_space<vmem>>, vector<1x8xf32>
      tpu.vector_store %arg10[%swap3A_59, %swap3A_60], %get3A_58 {strides = array<i32>} : memref<1x8xf32, #tpu.memory_space<vmem>>, vector<1x8xf32>,
    } else {
    }
    return
  }
  func.func @transform_0(%arg0: i32) -> (i32, i32) {
    %c0_i32 = arith.constant 0 : i32
    %c0_i32_0 = arith.constant 0 : i32
    return %arg0, %c0_i32 : i32, i32
  }
  func.func @transform_1(%arg0: i32) -> (i32, i32) {
    %c0_i32 = arith.constant 0 : i32
    %c0_i32_0 = arith.constant 0 : i32
    return %arg0, %c0_i32 : i32, i32
  }
  func.func @transform_2(%arg0: i32) -> (i32, i32) {
    %c0_i32 = arith.constant 0 : i32
    %c0_i32_0 = arith.constant 0 : i32
    %c0_i32_1 = arith.constant 0 : i32
    return %c0_i32, %c0_i32_0 : i32, i32
  }
  func.func @transform_3(%arg0: i32) -> (i32, i32) {
    %c0_i32 = arith.constant 0 : i32
    %c0_i32_0 = arith.constant 0 : i32
    %c0_i32_1 = arith.constant 0 : i32
    return %c0_i32, %c0_i32_0 : i32, i32
  }
  func.func @transform_4(%arg0: i32) -> (i32, i32) {
    %c0_i32 = arith.constant 0 : i32
    %c0_i32_0 = arith.constant 0 : i32
    %c0_i32_1 = arith.constant 0 : i32
    return %c0_i32, %c0_i32_0 : i32, i32
  }
  func.func @transform_5(%arg0: i32) -> (i32, i32) {
    %c0_i32 = arith.constant 0 : i32
    %c0_i32_0 = arith.constant 0 : i32
    %c0_i32_1 = arith.constant 0 : i32
    return %c0_i32, %c0_i32_0 : i32, i32
  }
  func.func @transform_6(%arg0: i32) -> (i32, i32) {
    %c0_i32 = arith.constant 0 : i32
    %c0_i32_0 = arith.constant 0 : i32
    return %arg0, %c0_i32 : i32, i32
  }
  func.func @transform_7(%arg0: i32) -> (i32, i32) {
    %c0_i32 = arith.constant 0 : i32
    %c0_i32_0 = arith.constant 0 : i32
    return %arg0, %c0_i32 : i32, i32
  }
  func.func @transform_8(%arg0: i32) -> (i32, i32) {
    %c0_i32 = arith.constant 0 : i32
    %c0_i32_0 = arith.constant 0 : i32
    return %arg0, %c0_i32 : i32, i32
  }
  func.func @transform_9(%arg0: i32) -> (i32, i32) {
    %c0_i32 = arith.constant 0 : i32
    %c0_i32_0 = arith.constant 0 : i32
    %c0_i32_1 = arith.constant 0 : i32
    return %c0_i32, %c0_i32_0 : i32, i32
  }
}

module attributes {stable_mosaic.version = 14 : i64} {
  func.func @_readout_body(%arg0: i32, %arg1: memref<1000x128xf32, #tpu.memory_space<vmem>>, %arg2: memref<1000x128xf32, #tpu.memory_space<vmem>>, %arg3: memref<1x128xf32, #tpu.memory_space<vmem>>, %arg4: memref<1x128xf32, #tpu.memory_space<vmem>>, %arg5: memref<1x1xf32, #tpu.memory_space<vmem>>, %arg6: memref<1x16xf32, #tpu.memory_space<vmem>>, %arg7: memref<128x32xf32, #tpu.memory_space<vmem>>, %arg8: memref<16x32xf32, #tpu.memory_space<vmem>>, %arg9: memref<1x32xf32, #tpu.memory_space<vmem>>, %arg10: memref<32x16xf32, #tpu.memory_space<vmem>>, %arg11: memref<1x16xf32, #tpu.memory_space<vmem>>, %arg12: memref<16x1xf32, #tpu.memory_space<vmem>>, %arg13: memref<1x1xf32, #tpu.memory_space<vmem>>, %arg14: memref<1x1xf32, #tpu.memory_space<vmem>>, %arg15: memref<1x128xf32, #tpu.memory_space<vmem>>, %arg16: memref<1x1xf32, #tpu.memory_space<smem>>) attributes {dimension_semantics = [#tpu.dimension_semantics<arbitrary>], iteration_bounds = array<i64: 10>, scalar_prefetch = 0 : i64, scratch_operands = 2 : i64, tpu.core_type = #tpu.core_type<tc>, window_params = [{transform_indices = @transform_0, window_bounds = array<i64: 1000, 128>}, {transform_indices = @transform_1, window_bounds = array<i64: 1000, 128>}, {pipeline_mode = #tpu.pipeline_mode<synchronous>, transform_indices = @transform_2, window_bounds = array<i64: 1, 128>}, {pipeline_mode = #tpu.pipeline_mode<synchronous>, transform_indices = @transform_3, window_bounds = array<i64: 1, 128>}, {pipeline_mode = #tpu.pipeline_mode<synchronous>, transform_indices = @transform_4, window_bounds = array<i64: 1, 1>}, {pipeline_mode = #tpu.pipeline_mode<synchronous>, transform_indices = @transform_5, window_bounds = array<i64: 1, 16>}, {pipeline_mode = #tpu.pipeline_mode<synchronous>, transform_indices = @transform_6, window_bounds = array<i64: 128, 32>}, {pipeline_mode = #tpu.pipeline_mode<synchronous>, transform_indices = @transform_7, window_bounds = array<i64: 16, 32>}, {pipeline_mode = #tpu.pipeline_mode<synchronous>, transform_indices = @transform_8, window_bounds = array<i64: 1, 32>}, {pipeline_mode = #tpu.pipeline_mode<synchronous>, transform_indices = @transform_9, window_bounds = array<i64: 32, 16>}, {pipeline_mode = #tpu.pipeline_mode<synchronous>, transform_indices = @transform_10, window_bounds = array<i64: 1, 16>}, {pipeline_mode = #tpu.pipeline_mode<synchronous>, transform_indices = @transform_11, window_bounds = array<i64: 16, 1>}, {pipeline_mode = #tpu.pipeline_mode<synchronous>, transform_indices = @transform_12, window_bounds = array<i64: 1, 1>}, {pipeline_mode = #tpu.pipeline_mode<synchronous>, transform_indices = @transform_13, window_bounds = array<i64: 1, 1>}]} {
    %get3A = arith.constant 0 : index
    %get3A_0 = arith.constant 0 : index
    %get3A_1 = vector.load %arg1[%get3A, %get3A_0] : memref<1000x128xf32, #tpu.memory_space<vmem>>, vector<1000x128xf32>
    %get3A_2 = arith.constant 0 : index
    %get3A_3 = arith.constant 0 : index
    %get3A_4 = vector.load %arg2[%get3A_2, %get3A_3] : memref<1000x128xf32, #tpu.memory_space<vmem>>, vector<1000x128xf32>
    %add3A = arith.addf %get3A_1, %get3A_4 : vector<1000x128xf32>
    %get3A_5 = arith.constant 0 : index
    %get3A_6 = arith.constant 0 : index
    %get3A_7 = vector.load %arg3[%get3A_5, %get3A_6] : memref<1x128xf32, #tpu.memory_space<vmem>>, vector<1x128xf32>
    %add3A_8 = vector.broadcast %get3A_7 : vector<1x128xf32> to vector<1000x128xf32>
    %add3A_9 = arith.addf %add3A, %add3A_8 : vector<1000x128xf32>
    %gt3A = arith.constant 0.000000e+00 : f32
    %gt3A_10 = vector.broadcast %gt3A : f32 to vector<1000x128xf32>
    %gt3A_11 = arith.cmpf ogt, %add3A_9, %gt3A_10 : vector<1000x128xf32>
    %exp3A = math.exp %add3A_9 : vector<1000x128xf32>
    %sub3A = arith.constant 1.000000e+00 : f32
    %sub3A_12 = vector.broadcast %sub3A : f32 to vector<1000x128xf32>
    %sub3A_13 = arith.subf %exp3A, %sub3A_12 : vector<1000x128xf32>
    %mul3A = arith.constant 1.67326319 : f32
    %mul3A_14 = vector.broadcast %mul3A : f32 to vector<1000x128xf32>
    %mul3A_15 = arith.mulf %mul3A_14, %sub3A_13 : vector<1000x128xf32>
    %select_n3A = arith.select %gt3A_11, %add3A_9, %mul3A_15 : vector<1000x128xi1>, vector<1000x128xf32>
    %mul3A_16 = arith.constant 1.05070102 : f32
    %mul3A_17 = vector.broadcast %mul3A_16 : f32 to vector<1000x128xf32>
    %mul3A_18 = arith.mulf %mul3A_17, %select_n3A : vector<1000x128xf32>
    %convert_element_type3A = arith.truncf %mul3A_18 : vector<1000x128xf32> to vector<1000x128xbf16>
    %convert_element_type3A_19 = arith.extf %convert_element_type3A : vector<1000x128xbf16> to vector<1000x128xf32>
    %get3A_20 = arith.constant 0 : index
    %get3A_21 = arith.constant 0 : index
    %get3A_22 = vector.load %arg4[%get3A_20, %get3A_21] : memref<1x128xf32, #tpu.memory_space<vmem>>, vector<1x128xf32>
    %convert_element_type3A_23 = arith.truncf %get3A_22 : vector<1x128xf32> to vector<1x128xbf16>
    %convert_element_type3A_24 = arith.extf %convert_element_type3A_23 : vector<1x128xbf16> to vector<1x128xf32>
    %mul3A_25 = vector.broadcast %convert_element_type3A_24 : vector<1x128xf32> to vector<1000x128xf32>
    %mul3A_26 = arith.mulf %convert_element_type3A_19, %mul3A_25 : vector<1000x128xf32>
    %reduce_sum3A = arith.constant dense<0.000000e+00> : vector<1000xf32>
    %reduce_sum3A_27 = vector.multi_reduction <add>, %mul3A_26, %reduce_sum3A [1] : vector<1000x128xf32> to vector<1000xf32>
    %broadcast_in_dim3A = vector.shape_cast %reduce_sum3A_27 : vector<1000xf32> to vector<1000x1xf32>
    %get3A_28 = arith.constant 0 : index
    %get3A_29 = arith.constant 0 : index
    %get3A_30 = vector.load %arg5[%get3A_28, %get3A_29] : memref<1x1xf32, #tpu.memory_space<vmem>>, vector<1x1xf32>
    %add3A_31 = vector.broadcast %get3A_30 : vector<1x1xf32> to vector<1000x1xf32>
    %add3A_32 = arith.addf %broadcast_in_dim3A, %add3A_31 : vector<1000x1xf32>
    %logistic3A = arith.negf %add3A_32 : vector<1000x1xf32>
    %logistic3A_33 = math.exp %logistic3A : vector<1000x1xf32>
    %logistic3A_34 = arith.constant 1.000000e+00 : f32
    %logistic3A_35 = vector.broadcast %logistic3A_34 : f32 to vector<1000x1xf32>
    %logistic3A_36 = arith.addf %logistic3A_35, %logistic3A_33 : vector<1000x1xf32>
    %logistic3A_37 = arith.divf %logistic3A_35, %logistic3A_36 : vector<1000x1xf32>
    %mul3A_38 = vector.broadcast %logistic3A_37 : vector<1000x1xf32> to vector<1000x128xf32>
    %mul3A_39 = arith.mulf %mul3A_38, %mul3A_18 : vector<1000x128xf32>
    %reduce_sum3A_40 = arith.constant dense<0.000000e+00> : vector<128xf32>
    %reduce_sum3A_41 = vector.multi_reduction <add>, %mul3A_39, %reduce_sum3A_40 [0] : vector<1000x128xf32> to vector<128xf32>
    %broadcast_in_dim3A_42 = vector.shape_cast %reduce_sum3A_41 : vector<128xf32> to vector<1x128xf32>
    %reduce_sum3A_43 = vector.shape_cast %logistic3A_37 : vector<1000x1xf32> to vector<1x1000x1xf32>
    %reduce_sum3A_44 = arith.constant dense<0.000000e+00> : vector<1xf32>
    %reduce_sum3A_45 = vector.multi_reduction <add>, %reduce_sum3A_43, %reduce_sum3A_44 [1, 2] : vector<1x1000x1xf32> to vector<1xf32>
    %reduce_sum3A_46 = vector.shape_cast %reduce_sum3A_45 : vector<1xf32> to vector<1x1x1xf32>
    %reduce_sum3A_47 = vector.extract %reduce_sum3A_46[0, 0, 0] : f32 from vector<1x1x1xf32>
    %eq3A = arith.constant 0 : i32
    %eq3A_48 = arith.cmpi eq, %arg0, %eq3A : i32
    %convert_element_type3A_49 = arith.extui %eq3A_48 : i1 to i32
    %cond3A = arith.constant 0 : i32
    %cond3A_50 = arith.cmpi ne, %convert_element_type3A_49, %cond3A : i32
    scf.if %cond3A_50 {
      %swap3A = arith.constant 0 : index
      %swap3A_61 = arith.constant 0 : index
      %swap3A_62 = vector.load %arg15[%swap3A, %swap3A_61] : memref<1x128xf32, #tpu.memory_space<vmem>>, vector<1x128xf32>
      tpu.vector_store %arg15[%swap3A, %swap3A_61], %broadcast_in_dim3A_42 {strides = array<i32>} : memref<1x128xf32, #tpu.memory_space<vmem>>, vector<1x128xf32>,
      %swap3A_63 = arith.constant 0 : index
      %swap3A_64 = arith.constant 0 : index
      %swap3A_65 = memref.load %arg16[%swap3A_63, %swap3A_64] : memref<1x1xf32, #tpu.memory_space<smem>>
      memref.store %reduce_sum3A_47, %arg16[%swap3A_63, %swap3A_64] : memref<1x1xf32, #tpu.memory_space<smem>>
    } else {
    }
    %gt3A_51 = arith.constant 0 : i32
    %gt3A_52 = arith.cmpi sgt, %arg0, %gt3A_51 : i32
    %convert_element_type3A_53 = arith.extui %gt3A_52 : i1 to i32
    %cond3A_54 = arith.constant 0 : i32
    %cond3A_55 = arith.cmpi ne, %convert_element_type3A_53, %cond3A_54 : i32
    scf.if %cond3A_55 {
      %get3A_61 = arith.constant 0 : index
      %get3A_62 = arith.constant 0 : index
      %get3A_63 = vector.load %arg15[%get3A_61, %get3A_62] : memref<1x128xf32, #tpu.memory_space<vmem>>, vector<1x128xf32>
      %add3A_64 = arith.addf %get3A_63, %broadcast_in_dim3A_42 : vector<1x128xf32>
      %swap3A = arith.constant 0 : index
      %swap3A_65 = arith.constant 0 : index
      %swap3A_66 = vector.load %arg15[%swap3A, %swap3A_65] : memref<1x128xf32, #tpu.memory_space<vmem>>, vector<1x128xf32>
      tpu.vector_store %arg15[%swap3A, %swap3A_65], %add3A_64 {strides = array<i32>} : memref<1x128xf32, #tpu.memory_space<vmem>>, vector<1x128xf32>,
      %get3A_67 = arith.constant 0 : index
      %get3A_68 = arith.constant 0 : index
      %get3A_69 = memref.load %arg16[%get3A_67, %get3A_68] : memref<1x1xf32, #tpu.memory_space<smem>>
      %add3A_70 = arith.addf %get3A_69, %reduce_sum3A_47 : f32
      %swap3A_71 = arith.constant 0 : index
      %swap3A_72 = arith.constant 0 : index
      %swap3A_73 = memref.load %arg16[%swap3A_71, %swap3A_72] : memref<1x1xf32, #tpu.memory_space<smem>>
      memref.store %add3A_70, %arg16[%swap3A_71, %swap3A_72] : memref<1x1xf32, #tpu.memory_space<smem>>
    } else {
    }
    %eq3A_56 = arith.constant 9 : i32
    %eq3A_57 = arith.cmpi eq, %arg0, %eq3A_56 : i32
    %convert_element_type3A_58 = arith.extui %eq3A_57 : i1 to i32
    %cond3A_59 = arith.constant 0 : i32
    %cond3A_60 = arith.cmpi ne, %convert_element_type3A_58, %cond3A_59 : i32
    scf.if %cond3A_60 {
      %get3A_61 = arith.constant 0 : index
      %get3A_62 = arith.constant 0 : index
      %get3A_63 = vector.load %arg15[%get3A_61, %get3A_62] : memref<1x128xf32, #tpu.memory_space<vmem>>, vector<1x128xf32>
      %get3A_64 = arith.constant 0 : index
      %get3A_65 = arith.constant 0 : index
      %get3A_66 = memref.load %arg16[%get3A_64, %get3A_65] : memref<1x1xf32, #tpu.memory_space<smem>>
      %add3A_67 = arith.constant 9.99999971E-10 : f32
      %add3A_68 = arith.addf %get3A_66, %add3A_67 : f32
      %div3A = vector.broadcast %add3A_68 : f32 to vector<1x128xf32>
      %div3A_69 = arith.divf %get3A_63, %div3A : vector<1x128xf32>
      %get3A_70 = arith.constant 0 : index
      %get3A_71 = arith.constant 0 : index
      %get3A_72 = vector.load %arg7[%get3A_70, %get3A_71] : memref<128x32xf32, #tpu.memory_space<vmem>>, vector<128x32xf32>
      %convert_element_type3A_73 = arith.truncf %div3A_69 : vector<1x128xf32> to vector<1x128xbf16>
      %convert_element_type3A_74 = arith.truncf %get3A_72 : vector<128x32xf32> to vector<128x32xbf16>
      %dot_general3A = arith.constant dense<0.000000e+00> : vector<1x32xf32>
      %dot_general3A_75 = tpu.matmul %convert_element_type3A_73, %convert_element_type3A_74, %dot_general3A {dimension_numbers = #tpu.dot_dimension_numbers<[1], [0], [0], [1], [0, 0, 1, 1], [], []>, transpose_lhs_hint = false} : vector<1x128xbf16>, vector<128x32xbf16>, vector<1x32xf32> -> vector<1x32xf32>
      %get3A_76 = arith.constant 0 : index
      %get3A_77 = arith.constant 0 : index
      %get3A_78 = vector.load %arg6[%get3A_76, %get3A_77] : memref<1x16xf32, #tpu.memory_space<vmem>>, vector<1x16xf32>
      %get3A_79 = arith.constant 0 : index
      %get3A_80 = arith.constant 0 : index
      %get3A_81 = vector.load %arg8[%get3A_79, %get3A_80] : memref<16x32xf32, #tpu.memory_space<vmem>>, vector<16x32xf32>
      %convert_element_type3A_82 = arith.truncf %get3A_78 : vector<1x16xf32> to vector<1x16xbf16>
      %convert_element_type3A_83 = arith.truncf %get3A_81 : vector<16x32xf32> to vector<16x32xbf16>
      %dot_general3A_84 = arith.constant dense<0.000000e+00> : vector<1x32xf32>
      %dot_general3A_85 = tpu.matmul %convert_element_type3A_82, %convert_element_type3A_83, %dot_general3A_84 {dimension_numbers = #tpu.dot_dimension_numbers<[1], [0], [0], [1], [0, 0, 1, 1], [], []>, transpose_lhs_hint = false} : vector<1x16xbf16>, vector<16x32xbf16>, vector<1x32xf32> -> vector<1x32xf32>
      %add3A_86 = arith.addf %dot_general3A_75, %dot_general3A_85 : vector<1x32xf32>
      %get3A_87 = arith.constant 0 : index
      %get3A_88 = arith.constant 0 : index
      %get3A_89 = vector.load %arg9[%get3A_87, %get3A_88] : memref<1x32xf32, #tpu.memory_space<vmem>>, vector<1x32xf32>
      %add3A_90 = arith.addf %add3A_86, %get3A_89 : vector<1x32xf32>
      %gt3A_91 = arith.constant 0.000000e+00 : f32
      %gt3A_92 = vector.broadcast %gt3A_91 : f32 to vector<1x32xf32>
      %gt3A_93 = arith.cmpf ogt, %add3A_90, %gt3A_92 : vector<1x32xf32>
      %exp3A_94 = math.exp %add3A_90 : vector<1x32xf32>
      %sub3A_95 = arith.constant 1.000000e+00 : f32
      %sub3A_96 = vector.broadcast %sub3A_95 : f32 to vector<1x32xf32>
      %sub3A_97 = arith.subf %exp3A_94, %sub3A_96 : vector<1x32xf32>
      %mul3A_98 = arith.constant 1.67326319 : f32
      %mul3A_99 = vector.broadcast %mul3A_98 : f32 to vector<1x32xf32>
      %mul3A_100 = arith.mulf %mul3A_99, %sub3A_97 : vector<1x32xf32>
      %select_n3A_101 = arith.select %gt3A_93, %add3A_90, %mul3A_100 : vector<1x32xi1>, vector<1x32xf32>
      %mul3A_102 = arith.constant 1.05070102 : f32
      %mul3A_103 = vector.broadcast %mul3A_102 : f32 to vector<1x32xf32>
      %mul3A_104 = arith.mulf %mul3A_103, %select_n3A_101 : vector<1x32xf32>
      %get3A_105 = arith.constant 0 : index
      %get3A_106 = arith.constant 0 : index
      %get3A_107 = vector.load %arg10[%get3A_105, %get3A_106] : memref<32x16xf32, #tpu.memory_space<vmem>>, vector<32x16xf32>
      %convert_element_type3A_108 = arith.truncf %mul3A_104 : vector<1x32xf32> to vector<1x32xbf16>
      %convert_element_type3A_109 = arith.truncf %get3A_107 : vector<32x16xf32> to vector<32x16xbf16>
      %dot_general3A_110 = arith.constant dense<0.000000e+00> : vector<1x16xf32>
      %dot_general3A_111 = tpu.matmul %convert_element_type3A_108, %convert_element_type3A_109, %dot_general3A_110 {dimension_numbers = #tpu.dot_dimension_numbers<[1], [0], [0], [1], [0, 0, 1, 1], [], []>, transpose_lhs_hint = false} : vector<1x32xbf16>, vector<32x16xbf16>, vector<1x16xf32> -> vector<1x16xf32>
      %get3A_112 = arith.constant 0 : index
      %get3A_113 = arith.constant 0 : index
      %get3A_114 = vector.load %arg11[%get3A_112, %get3A_113] : memref<1x16xf32, #tpu.memory_space<vmem>>, vector<1x16xf32>
      %add3A_115 = arith.addf %dot_general3A_111, %get3A_114 : vector<1x16xf32>
      %gt3A_116 = arith.constant 0.000000e+00 : f32
      %gt3A_117 = vector.broadcast %gt3A_116 : f32 to vector<1x16xf32>
      %gt3A_118 = arith.cmpf ogt, %add3A_115, %gt3A_117 : vector<1x16xf32>
      %exp3A_119 = math.exp %add3A_115 : vector<1x16xf32>
      %sub3A_120 = arith.constant 1.000000e+00 : f32
      %sub3A_121 = vector.broadcast %sub3A_120 : f32 to vector<1x16xf32>
      %sub3A_122 = arith.subf %exp3A_119, %sub3A_121 : vector<1x16xf32>
      %mul3A_123 = arith.constant 1.67326319 : f32
      %mul3A_124 = vector.broadcast %mul3A_123 : f32 to vector<1x16xf32>
      %mul3A_125 = arith.mulf %mul3A_124, %sub3A_122 : vector<1x16xf32>
      %select_n3A_126 = arith.select %gt3A_118, %add3A_115, %mul3A_125 : vector<1x16xi1>, vector<1x16xf32>
      %mul3A_127 = arith.constant 1.05070102 : f32
      %mul3A_128 = vector.broadcast %mul3A_127 : f32 to vector<1x16xf32>
      %mul3A_129 = arith.mulf %mul3A_128, %select_n3A_126 : vector<1x16xf32>
      %get3A_130 = arith.constant 0 : index
      %get3A_131 = arith.constant 0 : index
      %get3A_132 = vector.load %arg12[%get3A_130, %get3A_131] : memref<16x1xf32, #tpu.memory_space<vmem>>, vector<16x1xf32>
      %convert_element_type3A_133 = arith.truncf %mul3A_129 : vector<1x16xf32> to vector<1x16xbf16>
      %convert_element_type3A_134 = arith.truncf %get3A_132 : vector<16x1xf32> to vector<16x1xbf16>
      %dot_general3A_135 = arith.constant dense<0.000000e+00> : vector<1x1xf32>
      %dot_general3A_136 = tpu.matmul %convert_element_type3A_133, %convert_element_type3A_134, %dot_general3A_135 {dimension_numbers = #tpu.dot_dimension_numbers<[1], [0], [0], [1], [0, 0, 1, 1], [], []>, transpose_lhs_hint = false} : vector<1x16xbf16>, vector<16x1xbf16>, vector<1x1xf32> -> vector<1x1xf32>
      %get3A_137 = arith.constant 0 : index
      %get3A_138 = arith.constant 0 : index
      %get3A_139 = vector.load %arg13[%get3A_137, %get3A_138] : memref<1x1xf32, #tpu.memory_space<vmem>>, vector<1x1xf32>
      %add3A_140 = arith.addf %dot_general3A_136, %get3A_139 : vector<1x1xf32>
      %swap3A = arith.constant 0 : index
      %swap3A_141 = arith.constant 0 : index
      %swap3A_142 = vector.load %arg14[%swap3A, %swap3A_141] : memref<1x1xf32, #tpu.memory_space<vmem>>, vector<1x1xf32>
      tpu.vector_store %arg14[%swap3A, %swap3A_141], %add3A_140 {strides = array<i32>} : memref<1x1xf32, #tpu.memory_space<vmem>>, vector<1x1xf32>,
    } else {
    }
    return
  }
  func.func @transform_0(%arg0: i32) -> (i32, i32) {
    %c0_i32 = arith.constant 0 : i32
    %c0_i32_0 = arith.constant 0 : i32
    return %arg0, %c0_i32 : i32, i32
  }
  func.func @transform_1(%arg0: i32) -> (i32, i32) {
    %c0_i32 = arith.constant 0 : i32
    %c0_i32_0 = arith.constant 0 : i32
    return %arg0, %c0_i32 : i32, i32
  }
  func.func @transform_2(%arg0: i32) -> (i32, i32) {
    %c0_i32 = arith.constant 0 : i32
    %c0_i32_0 = arith.constant 0 : i32
    %c0_i32_1 = arith.constant 0 : i32
    return %c0_i32, %c0_i32_0 : i32, i32
  }
  func.func @transform_3(%arg0: i32) -> (i32, i32) {
    %c0_i32 = arith.constant 0 : i32
    %c0_i32_0 = arith.constant 0 : i32
    %c0_i32_1 = arith.constant 0 : i32
    return %c0_i32, %c0_i32_0 : i32, i32
  }
  func.func @transform_4(%arg0: i32) -> (i32, i32) {
    %c0_i32 = arith.constant 0 : i32
    %c0_i32_0 = arith.constant 0 : i32
    %c0_i32_1 = arith.constant 0 : i32
    return %c0_i32, %c0_i32_0 : i32, i32
  }
  func.func @transform_5(%arg0: i32) -> (i32, i32) {
    %c0_i32 = arith.constant 0 : i32
    %c0_i32_0 = arith.constant 0 : i32
    %c0_i32_1 = arith.constant 0 : i32
    return %c0_i32, %c0_i32_0 : i32, i32
  }
  func.func @transform_6(%arg0: i32) -> (i32, i32) {
    %c0_i32 = arith.constant 0 : i32
    %c0_i32_0 = arith.constant 0 : i32
    %c0_i32_1 = arith.constant 0 : i32
    return %c0_i32, %c0_i32_0 : i32, i32
  }
  func.func @transform_7(%arg0: i32) -> (i32, i32) {
    %c0_i32 = arith.constant 0 : i32
    %c0_i32_0 = arith.constant 0 : i32
    %c0_i32_1 = arith.constant 0 : i32
    return %c0_i32, %c0_i32_0 : i32, i32
  }
  func.func @transform_8(%arg0: i32) -> (i32, i32) {
    %c0_i32 = arith.constant 0 : i32
    %c0_i32_0 = arith.constant 0 : i32
    %c0_i32_1 = arith.constant 0 : i32
    return %c0_i32, %c0_i32_0 : i32, i32
  }
  func.func @transform_9(%arg0: i32) -> (i32, i32) {
    %c0_i32 = arith.constant 0 : i32
    %c0_i32_0 = arith.constant 0 : i32
    %c0_i32_1 = arith.constant 0 : i32
    return %c0_i32, %c0_i32_0 : i32, i32
  }
  func.func @transform_10(%arg0: i32) -> (i32, i32) {
    %c0_i32 = arith.constant 0 : i32
    %c0_i32_0 = arith.constant 0 : i32
    %c0_i32_1 = arith.constant 0 : i32
    return %c0_i32, %c0_i32_0 : i32, i32
  }
  func.func @transform_11(%arg0: i32) -> (i32, i32) {
    %c0_i32 = arith.constant 0 : i32
    %c0_i32_0 = arith.constant 0 : i32
    %c0_i32_1 = arith.constant 0 : i32
    return %c0_i32, %c0_i32_0 : i32, i32
  }
  func.func @transform_12(%arg0: i32) -> (i32, i32) {
    %c0_i32 = arith.constant 0 : i32
    %c0_i32_0 = arith.constant 0 : i32
    %c0_i32_1 = arith.constant 0 : i32
    return %c0_i32, %c0_i32_0 : i32, i32
  }
  func.func @transform_13(%arg0: i32) -> (i32, i32) {
    %c0_i32 = arith.constant 0 : i32
    %c0_i32_0 = arith.constant 0 : i32
    %c0_i32_1 = arith.constant 0 : i32
    return %c0_i32, %c0_i32_0 : i32, i32
  }
}

</mosaic_0001>

<sc_bundles>
// kernel: kernel.18.cloned.1.call-start
scs
__scs_entry_jumppad:
0x0: {  	(pc) =	sbr.rel $0x88, $3  }
0x1: {  	(tag) =	ssettag $0x0;
	lr =	simm.s32 $0x1  }
0x2: {  	[smem:$0x3F8A] =	sst lr;
	_ =	strace $0xD0000000  }
0x3: {  	_ = 	snop  }
0x4: {  	_ = 	snop  }
0x5: {  	_ = 	snop  }
0x6: {  	_ = 	snop  }
0x7: {  	_ = 	snop  }
__scs_overlays_trampoline_lowered:
0x8: {  	[smem:$0x3F99] =	sst s0  }
0x9: {  	[smem:$0x3F9A] =	sst s1  }
0xa: {  	[smem:$0x3F9B] =	sst s2  }
0xb: {  	[smem:$0x3F9C] =	sst s3  }
0xc: {  	[smem:$0x3F9D] =	sst s4  }
0xd: {  	[smem:$0x3F9E] =	sst s5  }
0xe: {  	[smem:$0x3F9F] =	sst s6  }
0xf: {  	[smem:$0x3FA0] =	sst s7  }
0x10: {  	[smem:$0x3FA1] =	sst s8  }
0x11: {  	[smem:$0x3FA2] =	sst s9;
	s0 =	simm.s32 @!p0 $0x0  }
0x12: {  	s1 =	sld [smem:$0x3F88];
	s0 =	simm.s32 @p0 $0x1  }
0x13: {  	[smem:$0x3FA3] =	sst s0;
	s0 =	simm.s32 @!p1 $0x0  }
0x14: {  	s2 =	sld [smem:$0x3F87];
	s0 =	simm.s32 @p1 $0x1  }
0x15: {  	[smem:$0x3FA4] =	sst s0;
	s0 =	simm.s32 @!p2 $0x0  }
0x16: {  	s3 =	sld [smem:$0x3FDB];
	s0 =	simm.s32 @p2 $0x1  }
0x17: {  	s4 =	simm.s32 $0x1BF5;
	[smem:$0x3FA6] =	sst s0  }
0x18: {  	s0 =	sld [smem:$0x3F89];
	_ =	swait.ge [sflag:s4], $0x0  }
0x19: {  	s7 =	sld [smem:$0x3F8A]  }
0x1a: {  	s8 =	sadd.s32 $0xFFFFE003, lr  }
0x1b: {  	s9 =	sadd.s32 $0xFFFFFEF7, lr;
	s5 =	simm.s32 $0xFFFFFFFF;
	p2 =	slt.u32 s8, $0xFFFFF086  }
0x1c: {  	p1 =	slt.u32 s9, $0xF7A;
	s5 =	simm.s32 @!p2 $0x0  }
0x1d: {  	s5 =	simm.s32 @p1 $0x1;
	p0 =	seq.s32 s7, s2  }
0x1e: {  	s7 =	smul.u32 @!p0 $0xF7A, s2;
	p2 =	seq.s32 @!p0 s5, $0x0  }
0x1f: {  	s9 =	smul.u32 $0xF7A, s1;
	s8 =	simm.s32 @!p0 $0x1BF5;
	p2 =	por !p2, p0  }
0x20: {  	[sflag:s8] =	ssyncset.s32 @!p0 $0xFFFFF086;
	s6 =	sadd.s32 @!p0 s3, s7;
	s7 =	simm.s32 @!p0 $0x108  }
0x21: {  	s3 =	sadd.s32 s3, s9;
	s6 =	sadd.s32 @!p0 $0x88, s6;
	s7 =	simm.s32 @p2 $0x1082  }
0x22: {  	[simem:s7], [sflag:s8] =	dma.local @!p0 [hbm:s6], $0xF7A  }
0x23: {  	s9 =	sor.u32 $0xD0000000, s2;
	s6 =	simm.s32 $0x108;
	_ =	swait.ge @!p0 [sflag:s8], $0x0  }
0x24: {  	s3 =	sadd.s32 $0x88, s3;
	s6 =	simm.s32 @!p1 $0x1082;
	[sflag:s4] =	ssyncset.s32 $0xFFFFF086  }
0x25: {  	[simem:s6], [sflag:s4] =	dma.local [hbm:s3], $0xF7A  }
0x26: {  	[smem:$0x3F8A] =	sst s1;
	(tag) =	ssettag s2;
	_ =	strace s9  }
0x27: {  	s1 =	sld [smem:$0x3F9A]  }
0x28: {  	s2 =	sld [smem:$0x3F9B]  }
0x29: {  	s4 =	sld [smem:$0x3F9D]  }
0x2a: {  	p0 =	seq.s32 s5, $0x0;
	s5 =	sld [smem:$0x3F9E]  }
0x2b: {  	s6 =	sld [smem:$0x3F9F]  }
0x2c: {  	s7 =	sld [smem:$0x3FA0]  }
0x2d: {  	s3 =	simm.s32 $0x108;
	s8 =	sld [smem:$0x3FA1]  }
0x2e: {  	s3 =	simm.s32 @!p0 $0x1082;
	s9 =	sld [smem:$0x3FA2]  }
0x2f: {  	lr =	sadd.s32 s0, s3;
	s0 =	sld [smem:$0x3F99]  }
0x30: {  	s3 =	sld [smem:$0x3F9C]  }
0x31: {  	[smem:$0x3FA5] =	sst s10  }
0x32: {  	s10 =	sld [smem:$0x3FA3];
	_ =	sdelay $0x3  }
0x33: {  	p0 =	seq.s32 s10, $0x1;
	s10 =	sld [smem:$0x3FA5];
	_ =	sdelay $0x3  }
0x34: {  	[smem:$0x3FA5] =	sst s10  }
0x35: {  	s10 =	sld [smem:$0x3FA4];
	_ =	sdelay $0x3  }
0x36: {  	p1 =	seq.s32 s10, $0x1;
	s10 =	sld [smem:$0x3FA5];
	_ =	sdelay $0x3  }
0x37: {  	[smem:$0x3FA5] =	sst s10  }
0x38: {  	s10 =	sld [smem:$0x3FA6]  }
0x39: {  	_ = 	snop;
	(pc) =	sbr.ind lr, $3  }
0x3a: {  	_ = 	snop  }
0x3b: {  	_ = 	snop  }
0x3c: {  	p2 =	seq.s32 s10, $0x1;
	s10 =	sld [smem:$0x3FA5]  }
0x3d: {  	_ =	shalt  }
0x3e: {  	_ =	shalt  }
0x3f: {  	_ =	shalt  }
0x40: {  	_ =	shalt  }
0x41: {  	_ =	shalt  }
0x42: {  	_ =	shalt  }
0x43: {  	_ =	shalt  }
0x44: {  	_ =	shalt  }
0x45: {  	_ =	shalt  }
0x46: {  	_ =	shalt  }
0x47: {  	_ =	shalt  }
0x48: {  	_ =	shalt  }
0x49: {  	_ =	shalt  }
0x4a: {  	_ =	shalt  }
0x4b: {  	_ =	shalt  }
0x4c: {  	_ =	shalt  }
0x4d: {  	_ =	shalt  }
0x4e: {  	_ =	shalt  }
0x4f: {  	_ =	shalt  }
0x50: {  	_ =	shalt  }
0x51: {  	_ =	shalt  }
0x52: {  	_ =	shalt  }
0x53: {  	_ =	shalt  }
0x54: {  	_ =	shalt  }
0x55: {  	_ =	shalt  }
0x56: {  	_ =	shalt  }
0x57: {  	_ =	shalt  }
0x58: {  	_ =	shalt  }
0x59: {  	_ =	shalt  }
0x5a: {  	_ =	shalt  }
0x5b: {  	_ =	shalt  }
0x5c: {  	_ =	shalt  }
0x5d: {  	_ =	shalt  }
0x5e: {  	_ =	shalt  }
0x5f: {  	_ =	shalt  }
0x60: {  	_ =	shalt  }
0x61: {  	_ =	shalt  }
0x62: {  	_ =	shalt  }
0x63: {  	_ =	shalt  }
0x64: {  	_ =	shalt  }
0x65: {  	_ =	shalt  }
0x66: {  	_ =	shalt  }
0x67: {  	_ =	shalt  }
0x68: {  	_ =	shalt  }
0x69: {  	_ =	shalt  }
0x6a: {  	_ =	shalt  }
0x6b: {  	_ =	shalt  }
0x6c: {  	_ =	shalt  }
0x6d: {  	_ =	shalt  }
0x6e: {  	_ =	shalt  }
0x6f: {  	_ =	shalt  }
0x70: {  	_ =	shalt  }
0x71: {  	_ =	shalt  }
0x72: {  	_ =	shalt  }
0x73: {  	_ =	shalt  }
0x74: {  	_ =	shalt  }
0x75: {  	_ =	shalt  }
0x76: {  	_ =	shalt  }
0x77: {  	_ =	shalt  }
0x78: {  	_ =	shalt  }
0x79: {  	_ =	shalt  }
0x7a: {  	_ =	shalt  }
0x7b: {  	_ =	shalt  }
0x7c: {  	_ =	shalt  }
0x7d: {  	_ =	shalt  }
0x7e: {  	_ =	shalt  }
0x7f: {  	_ =	shalt  }
0x80: {  	_ =	shalt  }
0x81: {  	_ =	shalt  }
0x82: {  	_ =	shalt  }
0x83: {  	_ =	shalt  }
0x84: {  	_ =	shalt  }
0x85: {  	_ =	shalt  }
0x86: {  	_ =	shalt  }
0x87: {  	_ =	shalt  }
.Lfunc_end0:
.L_simem_size_0:
called_computation_lowered:
.L_overlay_start_0:
0x88: {  	s2 =	sld [smem:$0x3FD9]  }
0x89: {  	s3 =	sld [smem:$0x3FFE];
	_ =	sdelay $0x1  }
0x8a: {  	s1 =	srdreg.scid  }
0x8b: {  	s0 =	sand.u32 $0x1, s1  }
0x8c: {  	s16 =	sshll.u32 s0, $0xA;
	s2 =	sadd.s32 s3, s2  }
0x8d: {  	s2 =	sadd.s32 s2, s16  }
0x8e: {  	[smem:$0x3FB1] =	sst s2  }
0x8f: {  	_ = 	snop  }
0x90: {  	(tm) =	ssettm $0x1  }
0x91: {  	s17 =	sld [smem:$0x3FFB];
	_ =	sdelay $0x3  }
0x92: {  	_ =	strace s17  }
0x93: {  	s2 =	sld [smem:$0x3FFC];
	_ =	sdelay $0x3  }
0x94: {  	_ =	strace s2  }
0x95: {  	s2 =	sld [smem:$0x3FFD];
	_ =	sdelay $0x3  }
0x96: {  	_ =	strace s2  }
0x97: {  	_ =	strace $0x8FFFFFFF  }
0x98: {  	s18 =	sld [smem:$0x3FDB];
	_ =	sdelay $0x1  }
0x99: {  	s19 =	simm.s32 $_scs_section_size  }
0x9a: {  	s4 =	simm.s32 $_size__tile_overlayer_lowered;
	s5 =	simm.s32 $_tile_overlayer_lowered  }
0x9b: {  	s22 =	simm.s32 $0x1BFF;
	s21 =	sshll.u32 s5, $0x1;
	s2 =	sadd.s32 s19, s18  }
0x9c: {  	s6 =	simm.s32 $0x0;
	s20 =	sshll.u32 s4, $0x1;
	s4 =	sadd.s32 s21, s2  }
0x9d: {  	[timem:s6], [sflag:s22] =	dma.local [hbm:s4], s20  }
0x9e: {  	_ =	swait.ge [sflag:s22], s20  }
0x9f: {  	s3 =	ssub.s32 $0x0, s20;
	[sflag:s22] =	ssyncset.done $0x0  }
0xa0: {  	[sflag:s22] =	ssyncadd.s32 s3;
	_ =	sdelay $0x1  }
0xa1: {  	s23 =	simm.s32 $0x1B8B  }
0xa2: {  	_ =	swait.ge [sflag:s23], $0x1  }
0xa3: {  	[sflag:s23] =	ssyncset.done $0x0  }
0xa4: {  	s25 =	simm.s32 $0x1B8E;
	s24 =	sld [smem:$0x3FFE];
	[sflag:s23] =	ssyncadd.s32 $0xFFFFFFFF  }
0xa5: {  	s26 =	simm.s32 $execute0_lowered;
	[smem:$0x3FD2] =	sst s25  }
0xa6: {  	s4 =	sshll.u32 s26, $0x1;
	_ =	strace $0x80000046;
	[dreg:$0x1] =	wrdreg $0xFFFFFFFF  }
0xa7: {  	s28 =	simm.s32 $_size_execute0_lowered;
	s2 =	sadd.s32 s2, s4;
	[dreg:$0x0] =	wrdreg $0x0  }
0xa8: {  	s4 =	sshll.u32 s28, $0x1;
	[dreg:$0x2] =	wrdreg s2  }
0xa9: {  	[dreg:$0x3] =	wrdreg s4  }
0xaa: {  	[dreg:$0x4] =	wrdreg $0xC0  }
0xab: {  	_ =	task [dreg:s6], $0x5FFFF  }
0xac: {  	[dreg:$0x1] =	wrdreg $0xFFFFFFFF  }
0xad: {  	[dreg:$0x0] =	wrdreg $0x60  }
0xae: {  	[dreg:$0x2] =	wrdreg s24  }
0xaf: {  	[dreg:$0x3] =	wrdreg $0x9  }
0xb0: {  	_ =	task.clear_ibuf [dreg:s6], $0x4FFFF;
	_ =	strace $0x90000046  }
0xb1: {  	s29 =	simm.s32 $0x9;
	_ =	strace $0x80000048  }
0xb2: {  	_ =	swait.ge [sflag:s29], $0x1  }
0xb3: {  	[sflag:s29] =	ssyncadd.s32 $0xFFFFFFFF  }
0xb4: {  	_ =	strace $0x90000048  }
0xb5: {  	_ =	sfence  }
0xb6: {  	s30 =	sld [smem:$0x0];
	_ =	sdelay $0x2  }
0xb7: {  	s31 =	sshll.u32 s1, $0xD;
	s1 =	sshrl.u32 s1, $0x2  }
0xb8: {  	s3 =	sand.u32 $0x4000, s31;
	s1 =	sadd.s32 s1, s30  }
0xb9: {  	s0 =	sor.u32 s3, s0;
	s1 =	sshll.u32 s1, $0x11  }
0xba: {  	s0 =	sor.u32 s1, s0  }
0xbb: {  	s0 =	sadd.s32 $0x8F2B, s0  }
0xbc: {  	[sflag:s0] =	ssyncadd.remote.s32 $0x1  }
0xbd: {  	_ =	sfence.sel $0xFFFF  }
0xbe: {  	[dreg:$0x0] =	wrdreg $0xFFFFFFFF;
	(pc) =	sbr.abs _section_cstart, $3  }
0xbf: {  	[dreg:$0x1] =	wrdreg $0xFFFFFFFF  }
0xc0: {  	_ =	task.clear_ibuf [dreg:s6], $0x2FFFF;
	_ =	strace $0x9FFFFFFF  }
0xc1: {  	(tm) =	ssettm $0x7FFFFFFF  }
tec
execute0_lowered:
.L_overlay_start_1:
0x0: {  	(tag) =	ssettag $0x1  }
0x1: {  	s7 =	rddreg [dreg:$0x0]  }
0x2: {  	s0 =	rddreg [dreg:$0x1];
	s1 =	simm.s32 $0x0;
	s5 =	srdreg.scid  }
0x3: {  	s2 =	stileid.u32;
	s12 =	simm.s32 $0x7D0;
	s13 =	simm.s32 $0x4650  }
0x4: {  	s14 =	simm.s32 $0x1;
	s15 =	simm.s32 $0x2;
	s16 =	simm.s32 $0x84D0  }
0x5: {  	s17 =	simm.s32 $0x0;
	[smem:$0x7FF] =	sst s1;
	s3 =	sadd.s32 $0x2E000, s7  }
0x6: {  	s4 =	sadd.s32 $0x33000, s7;
	s8 =	sand.u32 $0x1, s5;
	s5 =	sadd.s32 $0x41E00, s7  }
0x7: {  	s10 =	sshll.u32 s2, $0x1;
	s6 =	sadd.s32 $0x38000, s7;
	s9 =	ssub.s32 $0x2, s8  }
0x8: {  	s7 =	sadd.s32 $0x4BC00, s7;
	_ =	strace $0x80000047;
	s11 =	sshrl.u32 s9, $0x1  }
0x9: {  	v0 =	vlaneseq.u32;
	s8 =	sor.u32 s8, s10;
	s10 =	simm.s32 $0x3;
	s9 =	ssub.s32 s9, s11  }
0xa: {  	vm0 =	vmmov $0xff;
	v0 =	vor.u32 $0x8, v0;
	s8 =	smul.u32 $0x2710, s8;
	s11 =	simm.s32 $0x3E8;
	s9 =	smax.u32 s9, $0x1  }
.LBB2_1:
0xb: {  	s18 =	simm.s32 $0x0  }
.LBB2_2:
0xc: {  	s19 =	smul.u32 $0x3E8, s18;
	_ =	sdelay $0x1  }
0xd: {  	s19 =	sadd.s32 s8, s19  }
0xe: {  	s20 =	sshrl.u32 s19, $0x3  }
0xf: {  	s22 =	simm.s32 $0x0;
	s21 =	sadd.s32 s5, s20  }
0x10: {  	[tilespmem:s22], [sflag:$0x3] =	stream.linear.gather [hbm4b:s21+s22], $0x3E8, $0x38;
	[tilespmem:$0xC350] =	vst v63  }
0x11: {  	_ =	swait.ge [sflag:s10], $0x3E8  }
0x12: {  	[sflag:s10] =	ssyncset.done $0x0  }
0x13: {  	s20 =	sadd.s32 s6, s20;
	[sflag:s10] =	ssyncadd.s32 $0xFFFFFC18  }
0x14: {  	[tilespmem:s11], [sflag:$0x3] =	stream.linear.gather [hbm4b:s20+s22], $0x3E8, $0x38;
	[tilespmem:$0xC350] =	vst v63  }
0x15: {  	_ =	swait.ge [sflag:s10], $0x3E8  }
0x16: {  	[sflag:s10] =	ssyncset.done $0x0  }
0x17: {  	[sflag:s10] =	ssyncadd.s32 $0xFFFFFC18  }
0x18: {  	[tilespmem:s12], [sflag:$0x1] =	stream.indirect.gather [hbm4b:s3+s11], $0x10, s22, s11, $0xb8;
	[tilespmem:$0xC350] =	vst v63  }
0x19: {  	_ = 	snop  }
0x1a: {  	[tilespmem:s13], [sflag:$0x2] =	stream.indirect.gather [hbm4b:s4+s11], $0x10, s11, s11, $0xb8;
	[tilespmem:$0xC350] =	vst v63  }
0x1b: {  	_ =	swait.ge [sflag:s14], $0x3E80  }
0x1c: {  	[sflag:s14] =	ssyncset.done $0x0  }
0x1d: {  	[sflag:s14] =	ssyncadd.s32 $0xFFFFC180  }
0x1e: {  	_ =	swait.ge [sflag:s15], $0x3E80  }
0x1f: {  	[sflag:s15] =	ssyncset.done $0x0  }
0x20: {  	s20 =	simm.s32 $0x0;
	[sflag:s15] =	ssyncadd.s32 $0xFFFFC180  }
0x21: {  	v1 =	vld [tilespmem:s20+$0x7D0]  }
0x22: {  	v3 =	vld [tilespmem:s20+$0x4650];
	_ =	sdelay $0x3  }
0x23: {  	s21 =	simm.s32 $0x10  }
0x24: {  	v2 =	vld [tilespmem:s21+$0x4650];
	v4 =	vadd.f32 v3, v1  }
0x25: {  	v1 =	vld [tilespmem:s21+$0x7D0]  }
0x26: {  	v5 =	vmul.f32 $2.000000030e-01, v4  }
0x27: {  	v3 =	vperm.xlane v3, v0;
	vm1 =	vgt.f32 v4, $0.0e+00  }
0x28: {  	s22 =	simm.s32 $0x80;
	v4 =	vsel vm1, v4, v5  }
.LBB2_3:
0x29: {  	s23 =	sshra.s32 s22, $0x2;
	v3 =	vsub.f32 v4, v3;
	p0 =	sne.s32 s22, $0xF9C0  }
.Ltmp0:
0x2a: {  	s22 =	sadd.s32 $0x40, s22;
	v4 =	vadd.f32 v2, v1;
	v1 =	vld [tilespmem:s23+$0x7D0];
	v5 =	vmov v2;
	(pc) =	sbr.rel @p0 .LBB2_3-.Ltmp0, $4  }
0x2b: {  	v2 =	vld [tilespmem:s23+$0x4650];
	v3 =	vnsel vm0, $0xC61C4000, v3  }
0x2c: {  	v6 =	vmul.f32 $2.000000030e-01, v4;
	[tilespmem:s20+$0x84D0] =	vst v3;
	s20 =	smov.u32 s21;
	s21 =	smov.u32 s23  }
0x2d: {  	vm1 =	vgt.f32 v4, $0.0e+00;
	v3 =	vperm.xlane v5, v0  }
0x2e: {  	v4 =	vsel vm1, v4, v6  }
0x2f: {  	_ = 	snop  }
0x30: {  	v1 =	vadd.f32 v2, v1;
	_ =	sdelay $0x1  }
0x31: {  	v5 =	vmul.f32 $2.000000030e-01, v1  }
0x32: {  	v2 =	vperm.xlane v2, v0;
	vm1 =	vgt.f32 v1, $0.0e+00  }
0x33: {  	v3 =	vsub.f32 v4, v3;
	v1 =	vsel vm1, v1, v5  }
0x34: {  	v1 =	vsub.f32 v1, v2  }
0x35: {  	s18 =	sadd.s32 $0x1, s18;
	v2 =	vnsel vm0, $0xC61C4000, v3  }
0x36: {  	s19 =	sshll.u32 s19, $0x1;
	p0 =	sne.s32 s18, $0xA;
	[tilespmem:s20+$0x84D0] =	vst v2;
	v1 =	vnsel vm0, $0xC61C4000, v1  }
.Ltmp1:
0x37: {  	s19 =	sadd.s32 s7, s19;
	[tilespmem:s21+$0x84D0] =	vst v1;
	(pc) =	sbr.rel @p0 .LBB2_2-.Ltmp1, $4  }
0x38: {  	[hbm4b:s19+s1] =	stream.linear.scatter [tilespmem:s16], [sflag:$0x3], $0x3E80, $0x38;
	[tilespmem:$0xC350] =	vst v63  }
0x39: {  	_ =	swait.ge [sflag:s10], $0x3E80  }
0x3a: {  	[sflag:s10] =	ssyncset.done $0x0  }
0x3b: {  	[sflag:s10] =	ssyncadd.s32 $0xFFFFC180  }
0x3c: {  	s17 =	sadd.s32 $0x1, s17  }
0x3d: {  	p0 =	sne.s32 s17, s9  }
.Ltmp2:
0x3e: {  	_ = 	snop;
	(pc) =	sbr.rel @p0 .LBB2_1-.Ltmp2, $1  }
0x3f: {  	_ =	sdelay $0x3  }
0x40: {  	_ =	sfence.sel $0x180000  }
0x41: {  	[bflag:$0x0] =	sbarrier.arrive $0xFFFF  }
0x42: {  	p0 =	sne.s32 s2, $0x0;
	_ =	strace $0x90000047  }
0x43: {  	s0 =	sadd.s32 @!p0 $0x100000, s0;
	[bflag:$0x2] =	sbarrier.arrive $0xFFFF  }
0x44: {  	[sflag:s0] =	ssyncadd.tile.s32 @!p0 $0x1;
	_ =	shalt  }
.Lfunc_end2:
_tile_overlayer_lowered:
.L_overlay_start_2:
0x45: {  	(tag) =	ssettag $0x2  }
0x46: {  	s0 =	rddreg [dreg:$0x0];
	s2 =	stileid.u32  }
0x47: {  	s1 =	rddreg [dreg:$0x1];
	p0 =	sne.s32 s2, $0x0  }
0x48: {  	s3 =	rddreg [dreg:$0x2];
	[bflag:$0x3] =	sbarrier.arrive $0xFFFF;
	s2 =	simm.s32 @!p0 $0x1C03  }
0x49: {  	[timem:s3], [sflag:s2] =	dma.local @!p0 [hbm:s0], s1  }
0x4a: {  	s0 =	simm.s32 @!p0 $0x3  }
0x4b: {  	_ =	swait.ge @!p0 [sflag:s0], s1  }
0x4c: {  	s1 =	ssub.s32 @!p0 $0x0, s1;
	[sflag:s0] =	ssyncset.done @!p0 $0x0  }
0x4d: {  	[sflag:s0] =	ssyncadd.s32 @!p0 s1  }
0x4e: {  	[bflag:$0x3] =	sbarrier.arrive $0xFFFF  }
0x4f: {  	_ =	shalt  }

// kernel: kernel.21.cloned.1.call-start
scs
__scs_entry_jumppad:
0x0: {  	(pc) =	sbr.rel $0x88, $3  }
0x1: {  	(tag) =	ssettag $0x0;
	lr =	simm.s32 $0x1  }
0x2: {  	[smem:$0x3F8A] =	sst lr;
	_ =	strace $0xD0000000  }
0x3: {  	_ = 	snop  }
0x4: {  	_ = 	snop  }
0x5: {  	_ = 	snop  }
0x6: {  	_ = 	snop  }
0x7: {  	_ = 	snop  }
__scs_overlays_trampoline_lowered:
0x8: {  	[smem:$0x3F99] =	sst s0  }
0x9: {  	[smem:$0x3F9A] =	sst s1  }
0xa: {  	[smem:$0x3F9B] =	sst s2  }
0xb: {  	[smem:$0x3F9C] =	sst s3  }
0xc: {  	[smem:$0x3F9D] =	sst s4  }
0xd: {  	[smem:$0x3F9E] =	sst s5  }
0xe: {  	[smem:$0x3F9F] =	sst s6  }
0xf: {  	[smem:$0x3FA0] =	sst s7  }
0x10: {  	[smem:$0x3FA1] =	sst s8  }
0x11: {  	[smem:$0x3FA2] =	sst s9;
	s0 =	simm.s32 @!p0 $0x0  }
0x12: {  	s1 =	sld [smem:$0x3F88];
	s0 =	simm.s32 @p0 $0x1  }
0x13: {  	[smem:$0x3FA3] =	sst s0;
	s0 =	simm.s32 @!p1 $0x0  }
0x14: {  	s2 =	sld [smem:$0x3F87];
	s0 =	simm.s32 @p1 $0x1  }
0x15: {  	[smem:$0x3FA4] =	sst s0;
	s0 =	simm.s32 @!p2 $0x0  }
0x16: {  	s3 =	sld [smem:$0x3FDB];
	s0 =	simm.s32 @p2 $0x1  }
0x17: {  	s4 =	simm.s32 $0x1BF5;
	[smem:$0x3FA6] =	sst s0  }
0x18: {  	s0 =	sld [smem:$0x3F89];
	_ =	swait.ge [sflag:s4], $0x0  }
0x19: {  	s7 =	sld [smem:$0x3F8A]  }
0x1a: {  	s8 =	sadd.s32 $0xFFFFE003, lr  }
0x1b: {  	s9 =	sadd.s32 $0xFFFFFEF7, lr;
	s5 =	simm.s32 $0xFFFFFFFF;
	p2 =	slt.u32 s8, $0xFFFFF086  }
0x1c: {  	p1 =	slt.u32 s9, $0xF7A;
	s5 =	simm.s32 @!p2 $0x0  }
0x1d: {  	s5 =	simm.s32 @p1 $0x1;
	p0 =	seq.s32 s7, s2  }
0x1e: {  	s7 =	smul.u32 @!p0 $0xF7A, s2;
	p2 =	seq.s32 @!p0 s5, $0x0  }
0x1f: {  	s9 =	smul.u32 $0xF7A, s1;
	s8 =	simm.s32 @!p0 $0x1BF5;
	p2 =	por !p2, p0  }
0x20: {  	[sflag:s8] =	ssyncset.s32 @!p0 $0xFFFFF086;
	s6 =	sadd.s32 @!p0 s3, s7;
	s7 =	simm.s32 @!p0 $0x108  }
0x21: {  	s3 =	sadd.s32 s3, s9;
	s6 =	sadd.s32 @!p0 $0x88, s6;
	s7 =	simm.s32 @p2 $0x1082  }
0x22: {  	[simem:s7], [sflag:s8] =	dma.local @!p0 [hbm:s6], $0xF7A  }
0x23: {  	s9 =	sor.u32 $0xD0000000, s2;
	s6 =	simm.s32 $0x108;
	_ =	swait.ge @!p0 [sflag:s8], $0x0  }
0x24: {  	s3 =	sadd.s32 $0x88, s3;
	s6 =	simm.s32 @!p1 $0x1082;
	[sflag:s4] =	ssyncset.s32 $0xFFFFF086  }
0x25: {  	[simem:s6], [sflag:s4] =	dma.local [hbm:s3], $0xF7A  }
0x26: {  	[smem:$0x3F8A] =	sst s1;
	(tag) =	ssettag s2;
	_ =	strace s9  }
0x27: {  	s1 =	sld [smem:$0x3F9A]  }
0x28: {  	s2 =	sld [smem:$0x3F9B]  }
0x29: {  	s4 =	sld [smem:$0x3F9D]  }
0x2a: {  	p0 =	seq.s32 s5, $0x0;
	s5 =	sld [smem:$0x3F9E]  }
0x2b: {  	s6 =	sld [smem:$0x3F9F]  }
0x2c: {  	s7 =	sld [smem:$0x3FA0]  }
0x2d: {  	s3 =	simm.s32 $0x108;
	s8 =	sld [smem:$0x3FA1]  }
0x2e: {  	s3 =	simm.s32 @!p0 $0x1082;
	s9 =	sld [smem:$0x3FA2]  }
0x2f: {  	lr =	sadd.s32 s0, s3;
	s0 =	sld [smem:$0x3F99]  }
0x30: {  	s3 =	sld [smem:$0x3F9C]  }
0x31: {  	[smem:$0x3FA5] =	sst s10  }
0x32: {  	s10 =	sld [smem:$0x3FA3];
	_ =	sdelay $0x3  }
0x33: {  	p0 =	seq.s32 s10, $0x1;
	s10 =	sld [smem:$0x3FA5];
	_ =	sdelay $0x3  }
0x34: {  	[smem:$0x3FA5] =	sst s10  }
0x35: {  	s10 =	sld [smem:$0x3FA4];
	_ =	sdelay $0x3  }
0x36: {  	p1 =	seq.s32 s10, $0x1;
	s10 =	sld [smem:$0x3FA5];
	_ =	sdelay $0x3  }
0x37: {  	[smem:$0x3FA5] =	sst s10  }
0x38: {  	s10 =	sld [smem:$0x3FA6]  }
0x39: {  	_ = 	snop;
	(pc) =	sbr.ind lr, $3  }
0x3a: {  	_ = 	snop  }
0x3b: {  	_ = 	snop  }
0x3c: {  	p2 =	seq.s32 s10, $0x1;
	s10 =	sld [smem:$0x3FA5]  }
0x3d: {  	_ =	shalt  }
0x3e: {  	_ =	shalt  }
0x3f: {  	_ =	shalt  }
0x40: {  	_ =	shalt  }
0x41: {  	_ =	shalt  }
0x42: {  	_ =	shalt  }
0x43: {  	_ =	shalt  }
0x44: {  	_ =	shalt  }
0x45: {  	_ =	shalt  }
0x46: {  	_ =	shalt  }
0x47: {  	_ =	shalt  }
0x48: {  	_ =	shalt  }
0x49: {  	_ =	shalt  }
0x4a: {  	_ =	shalt  }
0x4b: {  	_ =	shalt  }
0x4c: {  	_ =	shalt  }
0x4d: {  	_ =	shalt  }
0x4e: {  	_ =	shalt  }
0x4f: {  	_ =	shalt  }
0x50: {  	_ =	shalt  }
0x51: {  	_ =	shalt  }
0x52: {  	_ =	shalt  }
0x53: {  	_ =	shalt  }
0x54: {  	_ =	shalt  }
0x55: {  	_ =	shalt  }
0x56: {  	_ =	shalt  }
0x57: {  	_ =	shalt  }
0x58: {  	_ =	shalt  }
0x59: {  	_ =	shalt  }
0x5a: {  	_ =	shalt  }
0x5b: {  	_ =	shalt  }
0x5c: {  	_ =	shalt  }
0x5d: {  	_ =	shalt  }
0x5e: {  	_ =	shalt  }
0x5f: {  	_ =	shalt  }
0x60: {  	_ =	shalt  }
0x61: {  	_ =	shalt  }
0x62: {  	_ =	shalt  }
0x63: {  	_ =	shalt  }
0x64: {  	_ =	shalt  }
0x65: {  	_ =	shalt  }
0x66: {  	_ =	shalt  }
0x67: {  	_ =	shalt  }
0x68: {  	_ =	shalt  }
0x69: {  	_ =	shalt  }
0x6a: {  	_ =	shalt  }
0x6b: {  	_ =	shalt  }
0x6c: {  	_ =	shalt  }
0x6d: {  	_ =	shalt  }
0x6e: {  	_ =	shalt  }
0x6f: {  	_ =	shalt  }
0x70: {  	_ =	shalt  }
0x71: {  	_ =	shalt  }
0x72: {  	_ =	shalt  }
0x73: {  	_ =	shalt  }
0x74: {  	_ =	shalt  }
0x75: {  	_ =	shalt  }
0x76: {  	_ =	shalt  }
0x77: {  	_ =	shalt  }
0x78: {  	_ =	shalt  }
0x79: {  	_ =	shalt  }
0x7a: {  	_ =	shalt  }
0x7b: {  	_ =	shalt  }
0x7c: {  	_ =	shalt  }
0x7d: {  	_ =	shalt  }
0x7e: {  	_ =	shalt  }
0x7f: {  	_ =	shalt  }
0x80: {  	_ =	shalt  }
0x81: {  	_ =	shalt  }
0x82: {  	_ =	shalt  }
0x83: {  	_ =	shalt  }
0x84: {  	_ =	shalt  }
0x85: {  	_ =	shalt  }
0x86: {  	_ =	shalt  }
0x87: {  	_ =	shalt  }
.Lfunc_end0:
.L_simem_size_0:
called_computation.1_lowered:
.L_overlay_start_0:
0x88: {  	s2 =	sld [smem:$0x3FD9]  }
0x89: {  	s3 =	sld [smem:$0x3FFE];
	_ =	sdelay $0x1  }
0x8a: {  	s1 =	srdreg.scid  }
0x8b: {  	s0 =	sand.u32 $0x1, s1  }
0x8c: {  	s16 =	sshll.u32 s0, $0xA;
	s2 =	sadd.s32 s3, s2  }
0x8d: {  	s2 =	sadd.s32 s2, s16  }
0x8e: {  	[smem:$0x3FB1] =	sst s2  }
0x8f: {  	_ = 	snop  }
0x90: {  	(tm) =	ssettm $0x1  }
0x91: {  	s17 =	sld [smem:$0x3FFB];
	_ =	sdelay $0x3  }
0x92: {  	_ =	strace s17  }
0x93: {  	s2 =	sld [smem:$0x3FFC];
	_ =	sdelay $0x3  }
0x94: {  	_ =	strace s2  }
0x95: {  	s2 =	sld [smem:$0x3FFD];
	_ =	sdelay $0x3  }
0x96: {  	_ =	strace s2  }
0x97: {  	_ =	strace $0x8FFFFFFF  }
0x98: {  	s18 =	sld [smem:$0x3FDB];
	_ =	sdelay $0x1  }
0x99: {  	s19 =	simm.s32 $_scs_section_size  }
0x9a: {  	s4 =	simm.s32 $_size__tile_overlayer_lowered;
	s5 =	simm.s32 $_tile_overlayer_lowered  }
0x9b: {  	s22 =	simm.s32 $0x1BFF;
	s21 =	sshll.u32 s5, $0x1;
	s2 =	sadd.s32 s19, s18  }
0x9c: {  	s6 =	simm.s32 $0x0;
	s20 =	sshll.u32 s4, $0x1;
	s4 =	sadd.s32 s21, s2  }
0x9d: {  	[timem:s6], [sflag:s22] =	dma.local [hbm:s4], s20  }
0x9e: {  	_ =	swait.ge [sflag:s22], s20  }
0x9f: {  	s3 =	ssub.s32 $0x0, s20;
	[sflag:s22] =	ssyncset.done $0x0  }
0xa0: {  	[sflag:s22] =	ssyncadd.s32 s3;
	_ =	sdelay $0x1  }
0xa1: {  	s23 =	simm.s32 $0x1B8B  }
0xa2: {  	_ =	swait.ge [sflag:s23], $0x1  }
0xa3: {  	[sflag:s23] =	ssyncset.done $0x0  }
0xa4: {  	s25 =	simm.s32 $0x1B8E;
	s24 =	sld [smem:$0x3FFE];
	[sflag:s23] =	ssyncadd.s32 $0xFFFFFFFF  }
0xa5: {  	s26 =	simm.s32 $execute0_lowered;
	[smem:$0x3FD2] =	sst s25  }
0xa6: {  	s4 =	sshll.u32 s26, $0x1;
	_ =	strace $0x80000049;
	[dreg:$0x1] =	wrdreg $0xFFFFFFFF  }
0xa7: {  	s28 =	simm.s32 $_size_execute0_lowered;
	s2 =	sadd.s32 s2, s4;
	[dreg:$0x0] =	wrdreg $0x0  }
0xa8: {  	s4 =	sshll.u32 s28, $0x1;
	[dreg:$0x2] =	wrdreg s2  }
0xa9: {  	[dreg:$0x3] =	wrdreg s4  }
0xaa: {  	[dreg:$0x4] =	wrdreg $0xC0  }
0xab: {  	_ =	task [dreg:s6], $0x5FFFF  }
0xac: {  	[dreg:$0x1] =	wrdreg $0xFFFFFFFF  }
0xad: {  	[dreg:$0x0] =	wrdreg $0x60  }
0xae: {  	[dreg:$0x2] =	wrdreg s24  }
0xaf: {  	[dreg:$0x3] =	wrdreg $0x42680  }
0xb0: {  	[dreg:$0x4] =	wrdreg $0x9  }
0xb1: {  	_ =	task.clear_ibuf [dreg:s6], $0x5FFFF;
	_ =	strace $0x90000049  }
0xb2: {  	s29 =	simm.s32 $0x9;
	_ =	strace $0x8000004B  }
0xb3: {  	_ =	swait.ge [sflag:s29], $0x1  }
0xb4: {  	[sflag:s29] =	ssyncadd.s32 $0xFFFFFFFF  }
0xb5: {  	_ =	strace $0x9000004B  }
0xb6: {  	_ =	sfence  }
0xb7: {  	s30 =	sld [smem:$0x0];
	_ =	sdelay $0x2  }
0xb8: {  	s31 =	sshll.u32 s1, $0xD;
	s1 =	sshrl.u32 s1, $0x2  }
0xb9: {  	s3 =	sand.u32 $0x4000, s31;
	s1 =	sadd.s32 s1, s30  }
0xba: {  	s0 =	sor.u32 s3, s0;
	s1 =	sshll.u32 s1, $0x11  }
0xbb: {  	s0 =	sor.u32 s1, s0  }
0xbc: {  	s0 =	sadd.s32 $0x8F2B, s0  }
0xbd: {  	[sflag:s0] =	ssyncadd.remote.s32 $0x1  }
0xbe: {  	_ =	sfence.sel $0xFFFF  }
0xbf: {  	[dreg:$0x0] =	wrdreg $0xFFFFFFFF;
	(pc) =	sbr.abs _section_cstart, $3  }
0xc0: {  	[dreg:$0x1] =	wrdreg $0xFFFFFFFF  }
0xc1: {  	_ =	task.clear_ibuf [dreg:s6], $0x2FFFF;
	_ =	strace $0x9FFFFFFF  }
0xc2: {  	(tm) =	ssettm $0x7FFFFFFF  }
0xc3: {  	_ =	shalt  }
tec
execute0_lowered:
.L_overlay_start_1:
0x0: {  	(tag) =	ssettag $0x1  }
0x1: {  	s0 =	srdreg.scid;
	s5 =	rddreg [dreg:$0x0]  }
0x2: {  	s6 =	stileid.u32;
	s1 =	rddreg [dreg:$0x1]  }
0x3: {  	s2 =	simm.s32 $0x0;
	s11 =	simm.s32 $0x0;
	s4 =	smul.u32 $0x4E20, s6  }
0x4: {  	s3 =	sand.u32 $0x1, s0;
	s0 =	rddreg [dreg:$0x2];
	s10 =	smul.u32 $0x9C40, s6  }
0x5: {  	[smem:$0x7FF] =	sst s2;
	p0 =	sne.s32 s6, $0x0;
	s7 =	smul.u32 $0x2710, s3  }
0x6: {  	s29 =	smul.u32 $0x4E20, s3;
	_ =	strace $0x8000004A;
	s30 =	ssub.s32 $0x2, s3  }
0x7: {  	s3 =	sadd.s32 $0x2E000, s5;
	s9 =	sshrl.u32 s30, $0x1;
	s4 =	sadd.s32 s7, s4  }
0x8: {  	s7 =	sadd.s32 s29, s5;
	s31 =	ssub.s32 s30, s9;
	s4 =	sshrl.u32 s4, $0x3  }
0x9: {  	s9 =	simm.s32 $0x1;
	s8 =	sadd.s32 s4, s5;
	s4 =	sadd.s32 $0xE8000, s7  }
0xa: {  	s5 =	smax.u32 s31, $0x1;
	s7 =	sadd.s32 s10, s7;
	s10 =	simm.s32 $0x3E8  }
0xb: {  	s6 =	sadd.s32 $0x4BC00, s7;
	s7 =	sadd.s32 $0x38000, s8;
	s8 =	sshrl.u32 @!p0 s1, $0x3  }
.LBB2_1:
0xc: {  	s12 =	simm.s32 @!p0 $0x1C01  }
0xd: {  	[spmem:s8], [sflag:s12] =	dma.local @!p0 [hbm:s3], $0x4E20  }
0xe: {  	s12 =	simm.s32 @!p0 $0x1  }
0xf: {  	_ =	swait.ge @!p0 [sflag:s12], $0x4E20  }
0x10: {  	[sflag:s12] =	ssyncset.done @!p0 $0x0  }
0x11: {  	[sflag:s12] =	ssyncadd.s32 @!p0 $0xFFFFB1E0  }
0x12: {  	s31 =	sadd.s32 $0x0, s7;
	[bflag:$0x0] =	sbarrier.arrive $0xFFFF  }
0x13: {  	[tilespmem:s2], [sflag:$0x1] =	stream.linear.gather [hbm4b:s31+s2], $0x3E8, $0x38;
	[tilespmem:$0x6978] =	vst v63  }
0x14: {  	_ =	swait.ge [sflag:s9], $0x3E8  }
0x15: {  	[sflag:s9] =	ssyncset.done $0x0  }
0x16: {  	[sflag:s9] =	ssyncadd.s32 $0xFFFFFC18  }
0x17: {  	[tilespmem:s10], [sflag:$0x1] =	stream.linear.gather [hbm4b:s6+s2], $0x3E80, $0x38;
	[tilespmem:$0x6978] =	vst v63  }
0x18: {  	_ =	swait.ge [sflag:s9], $0x3E80  }
0x19: {  	[sflag:s9] =	ssyncset.done $0x0  }
0x1a: {  	[sflag:s9] =	ssyncadd.s32 $0xFFFFC180  }
0x1b: {  	[spmem:s1] =	stream.indirect.scatter.add.f32 [tilespmem:s10], [sflag:$0x1], $0x10, s2, s10, $0xb8;
	[tilespmem:$0x6978] =	vst v63  }
0x1c: {  	s13 =	simm.s32 $0x7D;
	_ =	swait.ge [sflag:s9], $0x3E80  }
0x1d: {  	s14 =	simm.s32 $0xFA;
	s12 =	sadd.s32 $0x7D0, s6;
	[sflag:s9] =	ssyncset.done $0x0  }
.LBB2_2:
0x1e: {  	s15 =	sadd.s32 s13, s7  }
0x1f: {  	[sflag:s9] =	ssyncadd.s32 $0xFFFFC180;
	s13 =	smov.u32 s14;
	s16 =	sadd.s32 $0x7D, s14  }
0x20: {  	[tilespmem:s2], [sflag:$0x1] =	stream.linear.gather [hbm4b:s15+s2], $0x3E8, $0x38;
	[tilespmem:$0x6978] =	vst v63  }
0x21: {  	p1 =	sne.s32 s14, $0x465;
	_ =	swait.ge [sflag:s9], $0x3E8  }
0x22: {  	[sflag:s9] =	ssyncset.done $0x0  }
0x23: {  	[sflag:s9] =	ssyncadd.s32 $0xFFFFFC18  }
0x24: {  	[tilespmem:s10], [sflag:$0x1] =	stream.linear.gather [hbm4b:s12+s2], $0x3E80, $0x38;
	[tilespmem:$0x6978] =	vst v63  }
0x25: {  	_ =	swait.ge [sflag:s9], $0x3E80  }
.Ltmp0:
0x26: {  	[sflag:s9] =	ssyncset.done $0x0;
	(pc) =	sbr.rel @p1 .LBB2_2-.Ltmp0, $4  }
0x27: {  	[sflag:s9] =	ssyncadd.s32 $0xFFFFC180  }
0x28: {  	[spmem:s1] =	stream.indirect.scatter.add.f32 [tilespmem:s10], [sflag:$0x1], $0x10, s2, s10, $0xb8;
	[tilespmem:$0x6978] =	vst v63  }
0x29: {  	_ =	swait.ge [sflag:s9], $0x3E80  }
0x2a: {  	s14 =	smov.u32 s16;
	s12 =	sadd.s32 $0x7D0, s12;
	[sflag:s9] =	ssyncset.done $0x0  }
0x2b: {  	s13 =	sadd.s32 s13, s7;
	[sflag:s9] =	ssyncadd.s32 $0xFFFFC180  }
0x2c: {  	[tilespmem:s2], [sflag:$0x1] =	stream.linear.gather [hbm4b:s13+s2], $0x3E8, $0x38;
	[tilespmem:$0x6978] =	vst v63  }
0x2d: {  	_ =	swait.ge [sflag:s9], $0x3E8  }
0x2e: {  	[sflag:s9] =	ssyncset.done $0x0  }
0x2f: {  	[sflag:s9] =	ssyncadd.s32 $0xFFFFFC18  }
0x30: {  	[tilespmem:s10], [sflag:$0x1] =	stream.linear.gather [hbm4b:s12+s2], $0x3E80, $0x38;
	[tilespmem:$0x6978] =	vst v63  }
0x31: {  	_ =	swait.ge [sflag:s9], $0x3E80  }
0x32: {  	[sflag:s9] =	ssyncset.done $0x0  }
0x33: {  	[sflag:s9] =	ssyncadd.s32 $0xFFFFC180  }
0x34: {  	[spmem:s1] =	stream.indirect.scatter.add.f32 [tilespmem:s10], [sflag:$0x1], $0x10, s2, s10, $0xb8;
	[tilespmem:$0x6978] =	vst v63  }
0x35: {  	_ =	swait.ge [sflag:s9], $0x3E80  }
0x36: {  	[sflag:s9] =	ssyncset.done $0x0  }
0x37: {  	s11 =	sadd.s32 $0x1, s11;
	[sflag:s9] =	ssyncadd.s32 $0xFFFFC180  }
0x38: {  	p1 =	sne.s32 s11, s5;
	s12 =	simm.s32 @!p0 $0x1C01;
	[bflag:$0x0] =	sbarrier.arrive $0xFFFF  }
0x39: {  	[hbm:s4], [sflag:s12] =	dma.local @!p0 [spmem:s8], $0x4E20  }
.Ltmp1:
0x3a: {  	_ = 	snop;
	(pc) =	sbr.rel @p1 .LBB2_1-.Ltmp1, $4  }
0x3b: {  	s12 =	simm.s32 @!p0 $0x1  }
0x3c: {  	_ =	swait.ge @!p0 [sflag:s12], $0x4E20  }
0x3d: {  	[sflag:s12] =	ssyncset.done @!p0 $0x0  }
0x3e: {  	[sflag:s12] =	ssyncadd.s32 @!p0 $0xFFFFB1E0  }
0x3f: {  	_ =	sfence.sel $0x180000  }
0x40: {  	[bflag:$0x0] =	sbarrier.arrive $0xFFFF  }
0x41: {  	_ =	strace $0x9000004A  }
0x42: {  	s0 =	sadd.s32 @!p0 $0x100000, s0;
	[bflag:$0x2] =	sbarrier.arrive $0xFFFF  }
0x43: {  	[sflag:s0] =	ssyncadd.tile.s32 @!p0 $0x1;
	_ =	shalt  }
.Lfunc_end2:
_tile_overlayer_lowered:
.L_overlay_start_2:
0x44: {  	(tag) =	ssettag $0x2  }
0x45: {  	s0 =	rddreg [dreg:$0x0];
	s2 =	stileid.u32  }
0x46: {  	s1 =	rddreg [dreg:$0x1];
	p0 =	sne.s32 s2, $0x0  }
0x47: {  	s3 =	rddreg [dreg:$0x2];
	[bflag:$0x3] =	sbarrier.arrive $0xFFFF;
	s2 =	simm.s32 @!p0 $0x1C01  }
0x48: {  	[timem:s3], [sflag:s2] =	dma.local @!p0 [hbm:s0], s1  }
0x49: {  	s0 =	simm.s32 @!p0 $0x1  }
0x4a: {  	_ =	swait.ge @!p0 [sflag:s0], s1  }
0x4b: {  	s1 =	ssub.s32 @!p0 $0x0, s1;
	[sflag:s0] =	ssyncset.done @!p0 $0x0  }
0x4c: {  	[sflag:s0] =	ssyncadd.s32 @!p0 s1  }
0x4d: {  	[bflag:$0x3] =	sbarrier.arrive $0xFFFF  }
0x4e: {  	_ =	shalt  }

// kernel: kernel.24.cloned.1.call-start
scs
__scs_entry_jumppad:
0x0: {  	(pc) =	sbr.rel $0x88, $3  }
0x1: {  	(tag) =	ssettag $0x0;
	lr =	simm.s32 $0x1  }
0x2: {  	[smem:$0x3F8A] =	sst lr;
	_ =	strace $0xD0000000  }
0x3: {  	_ = 	snop  }
0x4: {  	_ = 	snop  }
0x5: {  	_ = 	snop  }
0x6: {  	_ = 	snop  }
0x7: {  	_ = 	snop  }
__scs_overlays_trampoline_lowered:
0x8: {  	[smem:$0x3F99] =	sst s0  }
0x9: {  	[smem:$0x3F9A] =	sst s1  }
0xa: {  	[smem:$0x3F9B] =	sst s2  }
0xb: {  	[smem:$0x3F9C] =	sst s3  }
0xc: {  	[smem:$0x3F9D] =	sst s4  }
0xd: {  	[smem:$0x3F9E] =	sst s5  }
0xe: {  	[smem:$0x3F9F] =	sst s6  }
0xf: {  	[smem:$0x3FA0] =	sst s7  }
0x10: {  	[smem:$0x3FA1] =	sst s8  }
0x11: {  	[smem:$0x3FA2] =	sst s9;
	s0 =	simm.s32 @!p0 $0x0  }
0x12: {  	s1 =	sld [smem:$0x3F88];
	s0 =	simm.s32 @p0 $0x1  }
0x13: {  	[smem:$0x3FA3] =	sst s0;
	s0 =	simm.s32 @!p1 $0x0  }
0x14: {  	s2 =	sld [smem:$0x3F87];
	s0 =	simm.s32 @p1 $0x1  }
0x15: {  	[smem:$0x3FA4] =	sst s0;
	s0 =	simm.s32 @!p2 $0x0  }
0x16: {  	s3 =	sld [smem:$0x3FDB];
	s0 =	simm.s32 @p2 $0x1  }
0x17: {  	s4 =	simm.s32 $0x1BF5;
	[smem:$0x3FA6] =	sst s0  }
0x18: {  	s0 =	sld [smem:$0x3F89];
	_ =	swait.ge [sflag:s4], $0x0  }
0x19: {  	s7 =	sld [smem:$0x3F8A]  }
0x1a: {  	s8 =	sadd.s32 $0xFFFFE003, lr  }
0x1b: {  	s9 =	sadd.s32 $0xFFFFFEF7, lr;
	s5 =	simm.s32 $0xFFFFFFFF;
	p2 =	slt.u32 s8, $0xFFFFF086  }
0x1c: {  	p1 =	slt.u32 s9, $0xF7A;
	s5 =	simm.s32 @!p2 $0x0  }
0x1d: {  	s5 =	simm.s32 @p1 $0x1;
	p0 =	seq.s32 s7, s2  }
0x1e: {  	s7 =	smul.u32 @!p0 $0xF7A, s2;
	p2 =	seq.s32 @!p0 s5, $0x0  }
0x1f: {  	s9 =	smul.u32 $0xF7A, s1;
	s8 =	simm.s32 @!p0 $0x1BF5;
	p2 =	por !p2, p0  }
0x20: {  	[sflag:s8] =	ssyncset.s32 @!p0 $0xFFFFF086;
	s6 =	sadd.s32 @!p0 s3, s7;
	s7 =	simm.s32 @!p0 $0x108  }
0x21: {  	s3 =	sadd.s32 s3, s9;
	s6 =	sadd.s32 @!p0 $0x88, s6;
	s7 =	simm.s32 @p2 $0x1082  }
0x22: {  	[simem:s7], [sflag:s8] =	dma.local @!p0 [hbm:s6], $0xF7A  }
0x23: {  	s9 =	sor.u32 $0xD0000000, s2;
	s6 =	simm.s32 $0x108;
	_ =	swait.ge @!p0 [sflag:s8], $0x0  }
0x24: {  	s3 =	sadd.s32 $0x88, s3;
	s6 =	simm.s32 @!p1 $0x1082;
	[sflag:s4] =	ssyncset.s32 $0xFFFFF086  }
0x25: {  	[simem:s6], [sflag:s4] =	dma.local [hbm:s3], $0xF7A  }
0x26: {  	[smem:$0x3F8A] =	sst s1;
	(tag) =	ssettag s2;
	_ =	strace s9  }
0x27: {  	s1 =	sld [smem:$0x3F9A]  }
0x28: {  	s2 =	sld [smem:$0x3F9B]  }
0x29: {  	s4 =	sld [smem:$0x3F9D]  }
0x2a: {  	p0 =	seq.s32 s5, $0x0;
	s5 =	sld [smem:$0x3F9E]  }
0x2b: {  	s6 =	sld [smem:$0x3F9F]  }
0x2c: {  	s7 =	sld [smem:$0x3FA0]  }
0x2d: {  	s3 =	simm.s32 $0x108;
	s8 =	sld [smem:$0x3FA1]  }
0x2e: {  	s3 =	simm.s32 @!p0 $0x1082;
	s9 =	sld [smem:$0x3FA2]  }
0x2f: {  	lr =	sadd.s32 s0, s3;
	s0 =	sld [smem:$0x3F99]  }
0x30: {  	s3 =	sld [smem:$0x3F9C]  }
0x31: {  	[smem:$0x3FA5] =	sst s10  }
0x32: {  	s10 =	sld [smem:$0x3FA3];
	_ =	sdelay $0x3  }
0x33: {  	p0 =	seq.s32 s10, $0x1;
	s10 =	sld [smem:$0x3FA5];
	_ =	sdelay $0x3  }
0x34: {  	[smem:$0x3FA5] =	sst s10  }
0x35: {  	s10 =	sld [smem:$0x3FA4];
	_ =	sdelay $0x3  }
0x36: {  	p1 =	seq.s32 s10, $0x1;
	s10 =	sld [smem:$0x3FA5];
	_ =	sdelay $0x3  }
0x37: {  	[smem:$0x3FA5] =	sst s10  }
0x38: {  	s10 =	sld [smem:$0x3FA6]  }
0x39: {  	_ = 	snop;
	(pc) =	sbr.ind lr, $3  }
0x3a: {  	_ = 	snop  }
0x3b: {  	_ = 	snop  }
0x3c: {  	p2 =	seq.s32 s10, $0x1;
	s10 =	sld [smem:$0x3FA5]  }
0x3d: {  	_ =	shalt  }
0x3e: {  	_ =	shalt  }
0x3f: {  	_ =	shalt  }
0x40: {  	_ =	shalt  }
0x41: {  	_ =	shalt  }
0x42: {  	_ =	shalt  }
0x43: {  	_ =	shalt  }
0x44: {  	_ =	shalt  }
0x45: {  	_ =	shalt  }
0x46: {  	_ =	shalt  }
0x47: {  	_ =	shalt  }
0x48: {  	_ =	shalt  }
0x49: {  	_ =	shalt  }
0x4a: {  	_ =	shalt  }
0x4b: {  	_ =	shalt  }
0x4c: {  	_ =	shalt  }
0x4d: {  	_ =	shalt  }
0x4e: {  	_ =	shalt  }
0x4f: {  	_ =	shalt  }
0x50: {  	_ =	shalt  }
0x51: {  	_ =	shalt  }
0x52: {  	_ =	shalt  }
0x53: {  	_ =	shalt  }
0x54: {  	_ =	shalt  }
0x55: {  	_ =	shalt  }
0x56: {  	_ =	shalt  }
0x57: {  	_ =	shalt  }
0x58: {  	_ =	shalt  }
0x59: {  	_ =	shalt  }
0x5a: {  	_ =	shalt  }
0x5b: {  	_ =	shalt  }
0x5c: {  	_ =	shalt  }
0x5d: {  	_ =	shalt  }
0x5e: {  	_ =	shalt  }
0x5f: {  	_ =	shalt  }
0x60: {  	_ =	shalt  }
0x61: {  	_ =	shalt  }
0x62: {  	_ =	shalt  }
0x63: {  	_ =	shalt  }
0x64: {  	_ =	shalt  }
0x65: {  	_ =	shalt  }
0x66: {  	_ =	shalt  }
0x67: {  	_ =	shalt  }
0x68: {  	_ =	shalt  }
0x69: {  	_ =	shalt  }
0x6a: {  	_ =	shalt  }
0x6b: {  	_ =	shalt  }
0x6c: {  	_ =	shalt  }
0x6d: {  	_ =	shalt  }
0x6e: {  	_ =	shalt  }
0x6f: {  	_ =	shalt  }
0x70: {  	_ =	shalt  }
0x71: {  	_ =	shalt  }
0x72: {  	_ =	shalt  }
0x73: {  	_ =	shalt  }
0x74: {  	_ =	shalt  }
0x75: {  	_ =	shalt  }
0x76: {  	_ =	shalt  }
0x77: {  	_ =	shalt  }
0x78: {  	_ =	shalt  }
0x79: {  	_ =	shalt  }
0x7a: {  	_ =	shalt  }
0x7b: {  	_ =	shalt  }
0x7c: {  	_ =	shalt  }
0x7d: {  	_ =	shalt  }
0x7e: {  	_ =	shalt  }
0x7f: {  	_ =	shalt  }
0x80: {  	_ =	shalt  }
0x81: {  	_ =	shalt  }
0x82: {  	_ =	shalt  }
0x83: {  	_ =	shalt  }
0x84: {  	_ =	shalt  }
0x85: {  	_ =	shalt  }
0x86: {  	_ =	shalt  }
0x87: {  	_ =	shalt  }
.Lfunc_end0:
.L_simem_size_0:
called_computation.2_lowered:
.L_overlay_start_0:
0x88: {  	s2 =	sld [smem:$0x3FD9]  }
0x89: {  	s3 =	sld [smem:$0x3FFE];
	_ =	sdelay $0x1  }
0x8a: {  	s1 =	srdreg.scid  }
0x8b: {  	s0 =	sand.u32 $0x1, s1  }
0x8c: {  	s16 =	sshll.u32 s0, $0xA;
	s2 =	sadd.s32 s3, s2  }
0x8d: {  	s2 =	sadd.s32 s2, s16  }
0x8e: {  	[smem:$0x3FB1] =	sst s2  }
0x8f: {  	_ = 	snop  }
0x90: {  	(tm) =	ssettm $0x1  }
0x91: {  	s17 =	sld [smem:$0x3FFB];
	_ =	sdelay $0x3  }
0x92: {  	_ =	strace s17  }
0x93: {  	s2 =	sld [smem:$0x3FFC];
	_ =	sdelay $0x3  }
0x94: {  	_ =	strace s2  }
0x95: {  	s2 =	sld [smem:$0x3FFD];
	_ =	sdelay $0x3  }
0x96: {  	_ =	strace s2  }
0x97: {  	_ =	strace $0x8FFFFFFF  }
0x98: {  	s18 =	sld [smem:$0x3FDB];
	_ =	sdelay $0x1  }
0x99: {  	s19 =	simm.s32 $_scs_section_size  }
0x9a: {  	s4 =	simm.s32 $_size__tile_overlayer_lowered;
	s5 =	simm.s32 $_tile_overlayer_lowered  }
0x9b: {  	s22 =	simm.s32 $0x1BFF;
	s21 =	sshll.u32 s5, $0x1;
	s2 =	sadd.s32 s19, s18  }
0x9c: {  	s6 =	simm.s32 $0x0;
	s20 =	sshll.u32 s4, $0x1;
	s4 =	sadd.s32 s21, s2  }
0x9d: {  	[timem:s6], [sflag:s22] =	dma.local [hbm:s4], s20  }
0x9e: {  	_ =	swait.ge [sflag:s22], s20  }
0x9f: {  	s3 =	ssub.s32 $0x0, s20;
	[sflag:s22] =	ssyncset.done $0x0  }
0xa0: {  	[sflag:s22] =	ssyncadd.s32 s3;
	_ =	sdelay $0x1  }
0xa1: {  	s23 =	simm.s32 $0x1B8B  }
0xa2: {  	_ =	swait.ge [sflag:s23], $0x1  }
0xa3: {  	[sflag:s23] =	ssyncset.done $0x0  }
0xa4: {  	s25 =	simm.s32 $0x1B8E;
	s24 =	sld [smem:$0x3FFE];
	[sflag:s23] =	ssyncadd.s32 $0xFFFFFFFF  }
0xa5: {  	s26 =	simm.s32 $execute0_lowered;
	[smem:$0x3FD2] =	sst s25  }
0xa6: {  	s4 =	sshll.u32 s26, $0x1;
	_ =	strace $0x8000004C;
	[dreg:$0x1] =	wrdreg $0xFFFFFFFF  }
0xa7: {  	s28 =	simm.s32 $_size_execute0_lowered;
	s2 =	sadd.s32 s2, s4;
	[dreg:$0x0] =	wrdreg $0x0  }
0xa8: {  	s4 =	sshll.u32 s28, $0x1;
	[dreg:$0x2] =	wrdreg s2  }
0xa9: {  	[dreg:$0x3] =	wrdreg s4  }
0xaa: {  	[dreg:$0x4] =	wrdreg $0xC0  }
0xab: {  	_ =	task [dreg:s6], $0x5FFFF  }
0xac: {  	[dreg:$0x1] =	wrdreg $0xFFFFFFFF  }
0xad: {  	[dreg:$0x0] =	wrdreg $0x60  }
0xae: {  	[dreg:$0x2] =	wrdreg s24  }
0xaf: {  	[dreg:$0x3] =	wrdreg $0x7E900  }
0xb0: {  	[dreg:$0x4] =	wrdreg $0x9  }
0xb1: {  	_ =	task.clear_ibuf [dreg:s6], $0x5FFFF;
	_ =	strace $0x9000004C  }
0xb2: {  	s29 =	simm.s32 $0x9;
	_ =	strace $0x8000004E  }
0xb3: {  	_ =	swait.ge [sflag:s29], $0x1  }
0xb4: {  	[sflag:s29] =	ssyncadd.s32 $0xFFFFFFFF  }
0xb5: {  	_ =	strace $0x9000004E  }
0xb6: {  	_ =	sfence  }
0xb7: {  	s30 =	sld [smem:$0x0];
	_ =	sdelay $0x2  }
0xb8: {  	s31 =	sshll.u32 s1, $0xD;
	s1 =	sshrl.u32 s1, $0x2  }
0xb9: {  	s3 =	sand.u32 $0x4000, s31;
	s1 =	sadd.s32 s1, s30  }
0xba: {  	s0 =	sor.u32 s3, s0;
	s1 =	sshll.u32 s1, $0x11  }
0xbb: {  	s0 =	sor.u32 s1, s0  }
0xbc: {  	s0 =	sadd.s32 $0x8F2B, s0  }
0xbd: {  	[sflag:s0] =	ssyncadd.remote.s32 $0x1  }
0xbe: {  	_ =	sfence.sel $0xFFFF  }
0xbf: {  	[dreg:$0x0] =	wrdreg $0xFFFFFFFF;
	(pc) =	sbr.abs _section_cstart, $3  }
0xc0: {  	[dreg:$0x1] =	wrdreg $0xFFFFFFFF  }
0xc1: {  	_ =	task.clear_ibuf [dreg:s6], $0x2FFFF;
	_ =	strace $0x9FFFFFFF  }
0xc2: {  	(tm) =	ssettm $0x7FFFFFFF  }
0xc3: {  	_ =	shalt  }
tec
execute0_lowered:
.L_overlay_start_1:
0x0: {  	(tag) =	ssettag $0x1  }
0x1: {  	s9 =	rddreg [dreg:$0x0]  }
0x2: {  	s1 =	rddreg [dreg:$0x1]  }
0x3: {  	s0 =	rddreg [dreg:$0x2];
	s2 =	simm.s32 $0x0;
	s8 =	srdreg.scid  }
0x4: {  	s12 =	stileid.u32;
	s16 =	simm.s32 $0xE10;
	s17 =	simm.s32 $0x1A90  }
0x5: {  	s18 =	simm.s32 $0x1;
	s19 =	simm.s32 $0x2;
	s24 =	simm.s32 $0x0  }
0x6: {  	[smem:$0x7FF] =	sst s2;
	s3 =	sadd.s32 $0x6E00, s9;
	s4 =	sadd.s32 $0x33000, s9  }
0x7: {  	s5 =	sadd.s32 $0x4BC00, s9;
	s6 =	sadd.s32 $0x41E00, s9;
	s7 =	sadd.s32 $0x38000, s9  }
0x8: {  	s10 =	sand.u32 $0x1, s8;
	s8 =	sadd.s32 $0xE8000, s9;
	s15 =	sshll.u32 s12, $0x1  }
0x9: {  	p0 =	sne.s32 s12, $0x0;
	_ =	strace $0x8000004D;
	s11 =	smul.u32 $0x27100, s10  }
0xa: {  	s13 =	ssub.s32 $0x2, s10;
	s31 =	sor.u32 s10, s15;
	s12 =	sshrl.u32 @!p0 s1, $0x3  }
0xb: {  	v0 =	vimm.s32 $0x0;
	v1 =	vimm.s32 $0x1;
	s15 =	simm.s32 $0x190;
	s14 =	sshrl.u32 s13, $0x1;
	s11 =	sadd.s32 s11, s9  }
0xc: {  	v2 =	vimm.s32 $0x2;
	v3 =	vimm.s32 $0x3;
	v4 =	vimm.s32 $0x4;
	s13 =	ssub.s32 s13, s14;
	s9 =	smul.u32 $0x2710, s31;
	s14 =	simm.s32 $0xC8  }
0xd: {  	v5 =	vimm.s32 $0x5;
	v6 =	vimm.s32 $0x6;
	v7 =	vimm.s32 $0x7;
	s10 =	sadd.s32 $0x10F200, s11;
	s11 =	smax.u32 s13, $0x1;
	s13 =	simm.s32 $0x3  }
.LBB2_1:
0xe: {  	s20 =	simm.s32 @!p0 $0x1C03  }
0xf: {  	[spmem:s12], [sflag:s20] =	dma.local @!p0 [hbm:s8], $0x27100  }
0x10: {  	s20 =	simm.s32 @!p0 $0x3  }
0x11: {  	_ =	swait.ge @!p0 [sflag:s20], $0x27100  }
0x12: {  	[sflag:s20] =	ssyncset.done @!p0 $0x0  }
0x13: {  	[sflag:s20] =	ssyncadd.s32 @!p0 $0xFFFD8F00  }
0x14: {  	s20 =	simm.s32 $0x0;
	[bflag:$0x0] =	sbarrier.arrive $0xFFFF  }
.LBB2_2:
0x15: {  	s21 =	smul.u32 $0xC8, s20;
	_ =	sdelay $0x1  }
0x16: {  	s21 =	sadd.s32 s9, s21  }
0x17: {  	s22 =	sshrl.u32 s21, $0x3  }
0x18: {  	s23 =	sadd.s32 s6, s22  }
0x19: {  	[tilespmem:s24], [sflag:$0x3] =	stream.linear.gather [hbm4b:s23+s24], $0xC8, $0x38;
	[tilespmem:$0x1B710] =	vst v63  }
0x1a: {  	_ =	swait.ge [sflag:s13], $0xC8  }
0x1b: {  	[sflag:s13] =	ssyncset.done $0x0  }
0x1c: {  	s22 =	sadd.s32 s7, s22;
	[sflag:s13] =	ssyncadd.s32 $0xFFFFFF38  }
0x1d: {  	[tilespmem:s14], [sflag:$0x3] =	stream.linear.gather [hbm4b:s22+s24], $0xC8, $0x38;
	[tilespmem:$0x1B710] =	vst v63  }
0x1e: {  	_ =	swait.ge [sflag:s13], $0xC8  }
0x1f: {  	s21 =	sshll.u32 s21, $0x1;
	[sflag:s13] =	ssyncset.done $0x0  }
0x20: {  	s21 =	sadd.s32 s5, s21;
	[sflag:s13] =	ssyncadd.s32 $0xFFFFFF38  }
0x21: {  	[tilespmem:s15], [sflag:$0x3] =	stream.linear.gather [hbm4b:s21+s24], $0xC80, $0x38;
	[tilespmem:$0x1B710] =	vst v63  }
0x22: {  	_ =	swait.ge [sflag:s13], $0xC80  }
0x23: {  	[sflag:s13] =	ssyncset.done $0x0  }
0x24: {  	[sflag:s13] =	ssyncadd.s32 $0xFFFFF380  }
0x25: {  	[tilespmem:s16], [sflag:$0x1] =	stream.indirect.gather [hbm4b:s4+s14], $0x10, s14, s14, $0xb8;
	[tilespmem:$0x1B710] =	vst v63  }
0x26: {  	_ = 	snop  }
0x27: {  	[tilespmem:s17], [sflag:$0x2] =	stream.indirect.gather [hbm4b:s3+s14], $0x80, s24, s14, $0xb8;
	[tilespmem:$0x1B710] =	vst v63  }
0x28: {  	_ =	swait.ge [sflag:s18], $0xC80  }
0x29: {  	[sflag:s18] =	ssyncset.done $0x0  }
0x2a: {  	[sflag:s18] =	ssyncadd.s32 $0xFFFFF380  }
0x2b: {  	_ =	swait.ge [sflag:s19], $0x6400  }
0x2c: {  	[sflag:s19] =	ssyncset.done $0x0  }
0x2d: {  	s31 =	simm.s32 $0x0;
	[sflag:s19] =	ssyncadd.s32 $0xFFFF9C00  }
0x2e: {  	v8 =	vld [tilespmem:s31+$0xE10]  }
0x2f: {  	v9 =	vld [tilespmem:s31+$0x190];
	_ =	sdelay $0x2  }
0x30: {  	s21 =	simm.s32 $0x1AD0  }
0x31: {  	v10 =	vld [tilespmem:s21+$0xFFFFFFC0]  }
0x32: {  	v11 =	vld [tilespmem:s21+$0xFFFFFFD0];
	v8 =	vmul.f32 v8, v9  }
0x33: {  	v9 =	vld [tilespmem:s21+$0xFFFFFFE0]  }
0x34: {  	v12 =	vld [tilespmem:s21+$0xFFFFFFF0];
	v13 =	vperm.xlane v8, v0  }
0x35: {  	v15 =	vld [tilespmem:s21+$0x0];
	v14 =	vperm.xlane v8, v1  }
0x36: {  	v16 =	vld [tilespmem:s21+$0x10];
	v17 =	vperm.xlane v8, v2;
	v10 =	vmul.f32 v10, v13  }
0x37: {  	v62 =	vld [tilespmem:s21+$0x20];
	v61 =	vperm.xlane v8, v3;
	v11 =	vmul.f32 v11, v14  }
0x38: {  	v18 =	vld [tilespmem:s21+$0x30];
	v9 =	vmul.f32 v9, v17;
	[tilespmem:s21+$0xFFFFFFC0] =	vst v10;
	v10 =	vperm.xlane v8, v4  }
0x39: {  	v63 =	vperm.xlane v8, v5;
	v12 =	vmul.f32 v12, v61;
	[tilespmem:s21+$0xFFFFFFD0] =	vst v11  }
0x3a: {  	v11 =	vperm.xlane v8, v6;
	[tilespmem:s21+$0xFFFFFFE0] =	vst v9;
	v9 =	vmul.f32 v15, v10  }
0x3b: {  	v8 =	vperm.xlane v8, v7;
	[tilespmem:s21+$0xFFFFFFF0] =	vst v12;
	v10 =	vmul.f32 v16, v63  }
0x3c: {  	v11 =	vmul.f32 v62, v11;
	[tilespmem:s21+$0x0] =	vst v9  }
0x3d: {  	v8 =	vmul.f32 v18, v8;
	[tilespmem:s21+$0x10] =	vst v10  }
0x3e: {  	[tilespmem:s21+$0x20] =	vst v11  }
0x3f: {  	s23 =	simm.s32 $0x10;
	[tilespmem:s21+$0x30] =	vst v8  }
0x40: {  	s22 =	simm.s32 $0x80;
	v8 =	vld [tilespmem:s23+$0xE10]  }
.LBB2_3:
0x41: {  	p1 =	sne.s32 s22, $0x31C0;
	v9 =	vld [tilespmem:s23+$0x190]  }
0x42: {  	s21 =	sadd.s32 $0x80, s21  }
0x43: {  	v10 =	vld [tilespmem:s21+$0xFFFFFFF0]  }
0x44: {  	v11 =	vld [tilespmem:s21+$0xFFFFFFD0]  }
0x45: {  	v12 =	vld [tilespmem:s21+$0xFFFFFFC0]  }
0x46: {  	v8 =	vmul.f32 v8, v9;
	v9 =	vld [tilespmem:s21+$0xFFFFFFE0]  }
0x47: {  	v13 =	vld [tilespmem:s21+$0x30]  }
0x48: {  	v14 =	vperm.xlane v8, v0;
	v15 =	vperm.xlane v8, v1;
	v16 =	vld [tilespmem:s21+$0x10]  }
0x49: {  	v17 =	vperm.xlane v8, v2;
	v18 =	vperm.xlane v8, v3;
	v19 =	vld [tilespmem:s21+$0x0]  }
0x4a: {  	v12 =	vmul.f32 v12, v14;
	v11 =	vmul.f32 v11, v15;
	v14 =	vld [tilespmem:s21+$0x20]  }
0x4b: {  	v10 =	vmul.f32 v10, v18;
	v9 =	vmul.f32 v9, v17  }
0x4c: {  	v15 =	vperm.xlane v8, v5;
	[tilespmem:s21+$0xFFFFFFC0] =	vst v12;
	v12 =	vperm.xlane v8, v4  }
0x4d: {  	[tilespmem:s21+$0xFFFFFFD0] =	vst v11;
	v11 =	vperm.xlane v8, v6;
	v8 =	vperm.xlane v8, v7  }
0x4e: {  	[tilespmem:s21+$0xFFFFFFE0] =	vst v9;
	v9 =	vmul.f32 v19, v12;
	v12 =	vmul.f32 v16, v15  }
0x4f: {  	[tilespmem:s21+$0xFFFFFFF0] =	vst v10;
	v10 =	vmul.f32 v14, v11;
	v8 =	vmul.f32 v13, v8  }
.Ltmp0:
0x50: {  	[tilespmem:s21+$0x0] =	vst v9;
	(pc) =	sbr.rel @p1 .LBB2_3-.Ltmp0, $4  }
0x51: {  	[tilespmem:s21+$0x10] =	vst v12  }
0x52: {  	[tilespmem:s21+$0x20] =	vst v10  }
0x53: {  	s23 =	sshra.s32 s22, $0x2;
	[tilespmem:s21+$0x30] =	vst v8  }
0x54: {  	s22 =	sadd.s32 $0x40, s22;
	v8 =	vld [tilespmem:s23+$0xE10]  }
0x55: {  	v9 =	vld [tilespmem:s23+$0x190];
	_ =	sdelay $0x2  }
0x56: {  	s21 =	sadd.s32 $0x80, s21  }
0x57: {  	v10 =	vld [tilespmem:s21+$0xFFFFFFC0]  }
0x58: {  	v11 =	vld [tilespmem:s21+$0xFFFFFFD0];
	v8 =	vmul.f32 v8, v9  }
0x59: {  	v56 =	vld [tilespmem:s21+$0xFFFFFFE0]  }
0x5a: {  	v12 =	vld [tilespmem:s21+$0xFFFFFFF0];
	v13 =	vperm.xlane v8, v0  }
0x5b: {  	v15 =	vld [tilespmem:s21+$0x0];
	v14 =	vperm.xlane v8, v1;
	v17 =	vperm.xlane v8, v2  }
0x5c: {  	v16 =	vld [tilespmem:s21+$0x10];
	v57 =	vperm.xlane v8, v3;
	v10 =	vmul.f32 v10, v13  }
0x5d: {  	v18 =	vld [tilespmem:s21+$0x30];
	v59 =	vperm.xlane v8, v4;
	v11 =	vmul.f32 v11, v14  }
0x5e: {  	v58 =	vld [tilespmem:s21+$0x20];
	v60 =	vperm.xlane v8, v5;
	v9 =	vmul.f32 v56, v17;
	[tilespmem:s21+$0xFFFFFFC0] =	vst v10  }
0x5f: {  	v61 =	vperm.xlane v8, v6;
	v12 =	vmul.f32 v12, v57;
	[tilespmem:s21+$0xFFFFFFD0] =	vst v11  }
0x60: {  	v8 =	vperm.xlane v8, v7;
	v62 =	vmul.f32 v15, v59;
	[tilespmem:s21+$0xFFFFFFE0] =	vst v9  }
0x61: {  	v63 =	vmul.f32 v16, v60;
	[tilespmem:s21+$0xFFFFFFF0] =	vst v12  }
0x62: {  	v8 =	vmul.f32 v18, v8;
	[tilespmem:s21+$0x0] =	vst v62  }
0x63: {  	s20 =	sadd.s32 $0x1, s20;
	v11 =	vmul.f32 v58, v61;
	[tilespmem:s21+$0x10] =	vst v63  }
0x64: {  	p1 =	sne.s32 s20, $0x32;
	[tilespmem:s21+$0x30] =	vst v8  }
.Ltmp1:
0x65: {  	[tilespmem:s21+$0x20] =	vst v11;
	(pc) =	sbr.rel @p1 .LBB2_2-.Ltmp1, $4  }
0x66: {  	[spmem:s1] =	stream.indirect.scatter.add.f32 [tilespmem:s17], [sflag:$0x3], $0x80, s14, s14, $0xb8;
	[tilespmem:$0x1B710] =	vst v63  }
0x67: {  	_ =	swait.ge [sflag:s13], $0x6400  }
0x68: {  	[sflag:s13] =	ssyncset.done $0x0  }
0x69: {  	[sflag:s13] =	ssyncadd.s32 $0xFFFF9C00  }
0x6a: {  	[bflag:$0x0] =	sbarrier.arrive $0xFFFF;
	s20 =	simm.s32 @!p0 $0x1C03;
	s2 =	sadd.s32 $0x1, s2  }
0x6b: {  	[hbm:s10], [sflag:s20] =	dma.local @!p0 [spmem:s12], $0x27100  }
0x6c: {  	p1 =	sne.s32 s2, s11  }
.Ltmp2:
0x6d: {  	_ = 	snop;
	(pc) =	sbr.rel @p1 .LBB2_1-.Ltmp2, $4  }
0x6e: {  	s20 =	simm.s32 @!p0 $0x3  }
0x6f: {  	_ =	swait.ge @!p0 [sflag:s20], $0x27100  }
0x70: {  	[sflag:s20] =	ssyncset.done @!p0 $0x0  }
0x71: {  	[sflag:s20] =	ssyncadd.s32 @!p0 $0xFFFD8F00  }
0x72: {  	_ =	sfence.sel $0x180000  }
0x73: {  	[bflag:$0x0] =	sbarrier.arrive $0xFFFF  }
0x74: {  	_ =	strace $0x9000004D  }
0x75: {  	s0 =	sadd.s32 @!p0 $0x100000, s0;
	[bflag:$0x2] =	sbarrier.arrive $0xFFFF  }
0x76: {  	[sflag:s0] =	ssyncadd.tile.s32 @!p0 $0x1;
	_ =	shalt  }
.Lfunc_end2:
_tile_overlayer_lowered:
.L_overlay_start_2:
0x77: {  	(tag) =	ssettag $0x2  }
0x78: {  	s0 =	rddreg [dreg:$0x0];
	s2 =	stileid.u32  }
0x79: {  	s1 =	rddreg [dreg:$0x1];
	p0 =	sne.s32 s2, $0x0  }
0x7a: {  	s3 =	rddreg [dreg:$0x2];
	[bflag:$0x3] =	sbarrier.arrive $0xFFFF;
	s2 =	simm.s32 @!p0 $0x1C03  }
0x7b: {  	[timem:s3], [sflag:s2] =	dma.local @!p0 [hbm:s0], s1  }
0x7c: {  	s0 =	simm.s32 @!p0 $0x3  }
0x7d: {  	_ =	swait.ge @!p0 [sflag:s0], s1  }
0x7e: {  	s1 =	ssub.s32 @!p0 $0x0, s1;
	[sflag:s0] =	ssyncset.done @!p0 $0x0  }
0x7f: {  	[sflag:s0] =	ssyncadd.s32 @!p0 s1  }
0x80: {  	[bflag:$0x3] =	sbarrier.arrive $0xFFFF  }
0x81: {  	_ =	shalt  }

// kernel: kernel.27.cloned.1.call-start
scs
__scs_entry_jumppad:
0x0: {  	(pc) =	sbr.rel $0x88, $3  }
0x1: {  	(tag) =	ssettag $0x0;
	lr =	simm.s32 $0x1  }
0x2: {  	[smem:$0x3F8A] =	sst lr;
	_ =	strace $0xD0000000  }
0x3: {  	_ = 	snop  }
0x4: {  	_ = 	snop  }
0x5: {  	_ = 	snop  }
0x6: {  	_ = 	snop  }
0x7: {  	_ = 	snop  }
__scs_overlays_trampoline_lowered:
0x8: {  	[smem:$0x3F99] =	sst s0  }
0x9: {  	[smem:$0x3F9A] =	sst s1  }
0xa: {  	[smem:$0x3F9B] =	sst s2  }
0xb: {  	[smem:$0x3F9C] =	sst s3  }
0xc: {  	[smem:$0x3F9D] =	sst s4  }
0xd: {  	[smem:$0x3F9E] =	sst s5  }
0xe: {  	[smem:$0x3F9F] =	sst s6  }
0xf: {  	[smem:$0x3FA0] =	sst s7  }
0x10: {  	[smem:$0x3FA1] =	sst s8  }
0x11: {  	[smem:$0x3FA2] =	sst s9;
	s0 =	simm.s32 @!p0 $0x0  }
0x12: {  	s1 =	sld [smem:$0x3F88];
	s0 =	simm.s32 @p0 $0x1  }
0x13: {  	[smem:$0x3FA3] =	sst s0;
	s0 =	simm.s32 @!p1 $0x0  }
0x14: {  	s2 =	sld [smem:$0x3F87];
	s0 =	simm.s32 @p1 $0x1  }
0x15: {  	[smem:$0x3FA4] =	sst s0;
	s0 =	simm.s32 @!p2 $0x0  }
0x16: {  	s3 =	sld [smem:$0x3FDB];
	s0 =	simm.s32 @p2 $0x1  }
0x17: {  	s4 =	simm.s32 $0x1BF5;
	[smem:$0x3FA6] =	sst s0  }
0x18: {  	s0 =	sld [smem:$0x3F89];
	_ =	swait.ge [sflag:s4], $0x0  }
0x19: {  	s7 =	sld [smem:$0x3F8A]  }
0x1a: {  	s8 =	sadd.s32 $0xFFFFE003, lr  }
0x1b: {  	s9 =	sadd.s32 $0xFFFFFEF7, lr;
	s5 =	simm.s32 $0xFFFFFFFF;
	p2 =	slt.u32 s8, $0xFFFFF086  }
0x1c: {  	p1 =	slt.u32 s9, $0xF7A;
	s5 =	simm.s32 @!p2 $0x0  }
0x1d: {  	s5 =	simm.s32 @p1 $0x1;
	p0 =	seq.s32 s7, s2  }
0x1e: {  	s7 =	smul.u32 @!p0 $0xF7A, s2;
	p2 =	seq.s32 @!p0 s5, $0x0  }
0x1f: {  	s9 =	smul.u32 $0xF7A, s1;
	s8 =	simm.s32 @!p0 $0x1BF5;
	p2 =	por !p2, p0  }
0x20: {  	[sflag:s8] =	ssyncset.s32 @!p0 $0xFFFFF086;
	s6 =	sadd.s32 @!p0 s3, s7;
	s7 =	simm.s32 @!p0 $0x108  }
0x21: {  	s3 =	sadd.s32 s3, s9;
	s6 =	sadd.s32 @!p0 $0x88, s6;
	s7 =	simm.s32 @p2 $0x1082  }
0x22: {  	[simem:s7], [sflag:s8] =	dma.local @!p0 [hbm:s6], $0xF7A  }
0x23: {  	s9 =	sor.u32 $0xD0000000, s2;
	s6 =	simm.s32 $0x108;
	_ =	swait.ge @!p0 [sflag:s8], $0x0  }
0x24: {  	s3 =	sadd.s32 $0x88, s3;
	s6 =	simm.s32 @!p1 $0x1082;
	[sflag:s4] =	ssyncset.s32 $0xFFFFF086  }
0x25: {  	[simem:s6], [sflag:s4] =	dma.local [hbm:s3], $0xF7A  }
0x26: {  	[smem:$0x3F8A] =	sst s1;
	(tag) =	ssettag s2;
	_ =	strace s9  }
0x27: {  	s1 =	sld [smem:$0x3F9A]  }
0x28: {  	s2 =	sld [smem:$0x3F9B]  }
0x29: {  	s4 =	sld [smem:$0x3F9D]  }
0x2a: {  	p0 =	seq.s32 s5, $0x0;
	s5 =	sld [smem:$0x3F9E]  }
0x2b: {  	s6 =	sld [smem:$0x3F9F]  }
0x2c: {  	s7 =	sld [smem:$0x3FA0]  }
0x2d: {  	s3 =	simm.s32 $0x108;
	s8 =	sld [smem:$0x3FA1]  }
0x2e: {  	s3 =	simm.s32 @!p0 $0x1082;
	s9 =	sld [smem:$0x3FA2]  }
0x2f: {  	lr =	sadd.s32 s0, s3;
	s0 =	sld [smem:$0x3F99]  }
0x30: {  	s3 =	sld [smem:$0x3F9C]  }
0x31: {  	[smem:$0x3FA5] =	sst s10  }
0x32: {  	s10 =	sld [smem:$0x3FA3];
	_ =	sdelay $0x3  }
0x33: {  	p0 =	seq.s32 s10, $0x1;
	s10 =	sld [smem:$0x3FA5];
	_ =	sdelay $0x3  }
0x34: {  	[smem:$0x3FA5] =	sst s10  }
0x35: {  	s10 =	sld [smem:$0x3FA4];
	_ =	sdelay $0x3  }
0x36: {  	p1 =	seq.s32 s10, $0x1;
	s10 =	sld [smem:$0x3FA5];
	_ =	sdelay $0x3  }
0x37: {  	[smem:$0x3FA5] =	sst s10  }
0x38: {  	s10 =	sld [smem:$0x3FA6]  }
0x39: {  	_ = 	snop;
	(pc) =	sbr.ind lr, $3  }
0x3a: {  	_ = 	snop  }
0x3b: {  	_ = 	snop  }
0x3c: {  	p2 =	seq.s32 s10, $0x1;
	s10 =	sld [smem:$0x3FA5]  }
0x3d: {  	_ =	shalt  }
0x3e: {  	_ =	shalt  }
0x3f: {  	_ =	shalt  }
0x40: {  	_ =	shalt  }
0x41: {  	_ =	shalt  }
0x42: {  	_ =	shalt  }
0x43: {  	_ =	shalt  }
0x44: {  	_ =	shalt  }
0x45: {  	_ =	shalt  }
0x46: {  	_ =	shalt  }
0x47: {  	_ =	shalt  }
0x48: {  	_ =	shalt  }
0x49: {  	_ =	shalt  }
0x4a: {  	_ =	shalt  }
0x4b: {  	_ =	shalt  }
0x4c: {  	_ =	shalt  }
0x4d: {  	_ =	shalt  }
0x4e: {  	_ =	shalt  }
0x4f: {  	_ =	shalt  }
0x50: {  	_ =	shalt  }
0x51: {  	_ =	shalt  }
0x52: {  	_ =	shalt  }
0x53: {  	_ =	shalt  }
0x54: {  	_ =	shalt  }
0x55: {  	_ =	shalt  }
0x56: {  	_ =	shalt  }
0x57: {  	_ =	shalt  }
0x58: {  	_ =	shalt  }
0x59: {  	_ =	shalt  }
0x5a: {  	_ =	shalt  }
0x5b: {  	_ =	shalt  }
0x5c: {  	_ =	shalt  }
0x5d: {  	_ =	shalt  }
0x5e: {  	_ =	shalt  }
0x5f: {  	_ =	shalt  }
0x60: {  	_ =	shalt  }
0x61: {  	_ =	shalt  }
0x62: {  	_ =	shalt  }
0x63: {  	_ =	shalt  }
0x64: {  	_ =	shalt  }
0x65: {  	_ =	shalt  }
0x66: {  	_ =	shalt  }
0x67: {  	_ =	shalt  }
0x68: {  	_ =	shalt  }
0x69: {  	_ =	shalt  }
0x6a: {  	_ =	shalt  }
0x6b: {  	_ =	shalt  }
0x6c: {  	_ =	shalt  }
0x6d: {  	_ =	shalt  }
0x6e: {  	_ =	shalt  }
0x6f: {  	_ =	shalt  }
0x70: {  	_ =	shalt  }
0x71: {  	_ =	shalt  }
0x72: {  	_ =	shalt  }
0x73: {  	_ =	shalt  }
0x74: {  	_ =	shalt  }
0x75: {  	_ =	shalt  }
0x76: {  	_ =	shalt  }
0x77: {  	_ =	shalt  }
0x78: {  	_ =	shalt  }
0x79: {  	_ =	shalt  }
0x7a: {  	_ =	shalt  }
0x7b: {  	_ =	shalt  }
0x7c: {  	_ =	shalt  }
0x7d: {  	_ =	shalt  }
0x7e: {  	_ =	shalt  }
0x7f: {  	_ =	shalt  }
0x80: {  	_ =	shalt  }
0x81: {  	_ =	shalt  }
0x82: {  	_ =	shalt  }
0x83: {  	_ =	shalt  }
0x84: {  	_ =	shalt  }
0x85: {  	_ =	shalt  }
0x86: {  	_ =	shalt  }
0x87: {  	_ =	shalt  }
.Lfunc_end0:
.L_simem_size_0:
called_computation.3_lowered:
.L_overlay_start_0:
0x88: {  	s2 =	sld [smem:$0x3FD9]  }
0x89: {  	s3 =	sld [smem:$0x3FFE];
	_ =	sdelay $0x1  }
0x8a: {  	s1 =	srdreg.scid  }
0x8b: {  	s0 =	sand.u32 $0x1, s1  }
0x8c: {  	s16 =	sshll.u32 s0, $0xA;
	s2 =	sadd.s32 s3, s2  }
0x8d: {  	s2 =	sadd.s32 s2, s16  }
0x8e: {  	[smem:$0x3FB1] =	sst s2  }
0x8f: {  	_ = 	snop  }
0x90: {  	(tm) =	ssettm $0x1  }
0x91: {  	s17 =	sld [smem:$0x3FFB];
	_ =	sdelay $0x3  }
0x92: {  	_ =	strace s17  }
0x93: {  	s2 =	sld [smem:$0x3FFC];
	_ =	sdelay $0x3  }
0x94: {  	_ =	strace s2  }
0x95: {  	s2 =	sld [smem:$0x3FFD];
	_ =	sdelay $0x3  }
0x96: {  	_ =	strace s2  }
0x97: {  	_ =	strace $0x8FFFFFFF  }
0x98: {  	s18 =	sld [smem:$0x3FDB];
	_ =	sdelay $0x1  }
0x99: {  	s19 =	simm.s32 $_scs_section_size  }
0x9a: {  	s4 =	simm.s32 $_size__tile_overlayer_lowered;
	s5 =	simm.s32 $_tile_overlayer_lowered  }
0x9b: {  	s22 =	simm.s32 $0x1BFF;
	s21 =	sshll.u32 s5, $0x1;
	s2 =	sadd.s32 s19, s18  }
0x9c: {  	s6 =	simm.s32 $0x0;
	s20 =	sshll.u32 s4, $0x1;
	s4 =	sadd.s32 s21, s2  }
0x9d: {  	[timem:s6], [sflag:s22] =	dma.local [hbm:s4], s20  }
0x9e: {  	_ =	swait.ge [sflag:s22], s20  }
0x9f: {  	s3 =	ssub.s32 $0x0, s20;
	[sflag:s22] =	ssyncset.done $0x0  }
0xa0: {  	[sflag:s22] =	ssyncadd.s32 s3;
	_ =	sdelay $0x1  }
0xa1: {  	s23 =	simm.s32 $0x1B8B  }
0xa2: {  	_ =	swait.ge [sflag:s23], $0x1  }
0xa3: {  	[sflag:s23] =	ssyncset.done $0x0  }
0xa4: {  	s25 =	simm.s32 $0x1B8E;
	s24 =	sld [smem:$0x3FFE];
	[sflag:s23] =	ssyncadd.s32 $0xFFFFFFFF  }
0xa5: {  	s26 =	simm.s32 $execute0_lowered;
	[smem:$0x3FD2] =	sst s25  }
0xa6: {  	s4 =	sshll.u32 s26, $0x1;
	_ =	strace $0x8000004F;
	[dreg:$0x1] =	wrdreg $0xFFFFFFFF  }
0xa7: {  	s28 =	simm.s32 $_size_execute0_lowered;
	s2 =	sadd.s32 s2, s4;
	[dreg:$0x0] =	wrdreg $0x0  }
0xa8: {  	s4 =	sshll.u32 s28, $0x1;
	[dreg:$0x2] =	wrdreg s2  }
0xa9: {  	[dreg:$0x3] =	wrdreg s4  }
0xaa: {  	[dreg:$0x4] =	wrdreg $0xC0  }
0xab: {  	_ =	task [dreg:s6], $0x5FFFF  }
0xac: {  	[dreg:$0x1] =	wrdreg $0xFFFFFFFF  }
0xad: {  	[dreg:$0x0] =	wrdreg $0x60  }
0xae: {  	[dreg:$0x2] =	wrdreg s24  }
0xaf: {  	[dreg:$0x3] =	wrdreg $0x9  }
0xb0: {  	_ =	task.clear_ibuf [dreg:s6], $0x4FFFF;
	_ =	strace $0x9000004F  }
0xb1: {  	s29 =	simm.s32 $0x9;
	_ =	strace $0x80000051  }
0xb2: {  	_ =	swait.ge [sflag:s29], $0x1  }
0xb3: {  	[sflag:s29] =	ssyncadd.s32 $0xFFFFFFFF  }
0xb4: {  	_ =	strace $0x90000051  }
0xb5: {  	_ =	sfence  }
0xb6: {  	s30 =	sld [smem:$0x0];
	_ =	sdelay $0x2  }
0xb7: {  	s31 =	sshll.u32 s1, $0xD;
	s1 =	sshrl.u32 s1, $0x2  }
0xb8: {  	s3 =	sand.u32 $0x4000, s31;
	s1 =	sadd.s32 s1, s30  }
0xb9: {  	s0 =	sor.u32 s3, s0;
	s1 =	sshll.u32 s1, $0x11  }
0xba: {  	s0 =	sor.u32 s1, s0  }
0xbb: {  	s0 =	sadd.s32 $0x8F2B, s0  }
0xbc: {  	[sflag:s0] =	ssyncadd.remote.s32 $0x1  }
0xbd: {  	_ =	sfence.sel $0xFFFF  }
0xbe: {  	[dreg:$0x0] =	wrdreg $0xFFFFFFFF;
	(pc) =	sbr.abs _section_cstart, $3  }
0xbf: {  	[dreg:$0x1] =	wrdreg $0xFFFFFFFF  }
0xc0: {  	_ =	task.clear_ibuf [dreg:s6], $0x2FFFF;
	_ =	strace $0x9FFFFFFF  }
0xc1: {  	(tm) =	ssettm $0x7FFFFFFF  }
tec
execute0_lowered:
.L_overlay_start_1:
0x0: {  	(tag) =	ssettag $0x1  }
0x1: {  	s7 =	rddreg [dreg:$0x0]  }
0x2: {  	s0 =	rddreg [dreg:$0x1];
	s1 =	simm.s32 $0x0;
	s5 =	srdreg.scid  }
0x3: {  	s2 =	stileid.u32;
	s12 =	simm.s32 $0x7D0;
	s13 =	simm.s32 $0x4650  }
0x4: {  	s14 =	simm.s32 $0x1;
	s15 =	simm.s32 $0x2;
	s16 =	simm.s32 $0x84D0  }
0x5: {  	s17 =	simm.s32 $0x0;
	[smem:$0x7FF] =	sst s1;
	s3 =	sadd.s32 $0x33000, s7  }
0x6: {  	s4 =	sadd.s32 $0x4BC00, s7;
	s8 =	sand.u32 $0x1, s5;
	s5 =	sadd.s32 $0x41E00, s7  }
0x7: {  	s10 =	sshll.u32 s2, $0x1;
	s6 =	sadd.s32 $0x38000, s7;
	s9 =	ssub.s32 $0x2, s8  }
0x8: {  	s7 =	sadd.s32 $0x10F200, s7;
	_ =	strace $0x80000050;
	s11 =	sshrl.u32 s9, $0x1  }
0x9: {  	v0 =	vlaneseq.u32;
	s8 =	sor.u32 s8, s10;
	s10 =	simm.s32 $0x3;
	s9 =	ssub.s32 s9, s11  }
0xa: {  	vm0 =	vmmov $0xff;
	v0 =	vor.u32 $0x8, v0;
	s8 =	smul.u32 $0x2710, s8;
	s11 =	simm.s32 $0x3E8;
	s9 =	smax.u32 s9, $0x1  }
.LBB2_1:
0xb: {  	s18 =	simm.s32 $0x0  }
.LBB2_2:
0xc: {  	s19 =	smul.u32 $0x3E8, s18;
	_ =	sdelay $0x1  }
0xd: {  	s19 =	sadd.s32 s8, s19  }
0xe: {  	s20 =	sshrl.u32 s19, $0x3  }
0xf: {  	s22 =	simm.s32 $0x0;
	s21 =	sadd.s32 s5, s20  }
0x10: {  	[tilespmem:s22], [sflag:$0x3] =	stream.linear.gather [hbm4b:s21+s22], $0x3E8, $0x38;
	[tilespmem:$0xC350] =	vst v63  }
0x11: {  	_ =	swait.ge [sflag:s10], $0x3E8  }
0x12: {  	[sflag:s10] =	ssyncset.done $0x0  }
0x13: {  	s20 =	sadd.s32 s6, s20;
	[sflag:s10] =	ssyncadd.s32 $0xFFFFFC18  }
0x14: {  	[tilespmem:s11], [sflag:$0x3] =	stream.linear.gather [hbm4b:s20+s22], $0x3E8, $0x38;
	[tilespmem:$0xC350] =	vst v63  }
0x15: {  	_ =	swait.ge [sflag:s10], $0x3E8  }
0x16: {  	[sflag:s10] =	ssyncset.done $0x0  }
0x17: {  	[sflag:s10] =	ssyncadd.s32 $0xFFFFFC18  }
0x18: {  	[tilespmem:s12], [sflag:$0x1] =	stream.indirect.gather [hbm4b:s3+s11], $0x10, s22, s11, $0xb8;
	[tilespmem:$0xC350] =	vst v63  }
0x19: {  	_ = 	snop  }
0x1a: {  	[tilespmem:s13], [sflag:$0x2] =	stream.indirect.gather [hbm4b:s4+s11], $0x10, s11, s11, $0xb8;
	[tilespmem:$0xC350] =	vst v63  }
0x1b: {  	_ =	swait.ge [sflag:s14], $0x3E80  }
0x1c: {  	[sflag:s14] =	ssyncset.done $0x0  }
0x1d: {  	[sflag:s14] =	ssyncadd.s32 $0xFFFFC180  }
0x1e: {  	_ =	swait.ge [sflag:s15], $0x3E80  }
0x1f: {  	[sflag:s15] =	ssyncset.done $0x0  }
0x20: {  	s20 =	simm.s32 $0x0;
	[sflag:s15] =	ssyncadd.s32 $0xFFFFC180  }
0x21: {  	v1 =	vld [tilespmem:s20+$0x7D0]  }
0x22: {  	v3 =	vld [tilespmem:s20+$0x4650];
	_ =	sdelay $0x3  }
0x23: {  	s21 =	simm.s32 $0x10  }
0x24: {  	v2 =	vld [tilespmem:s21+$0x4650];
	v4 =	vadd.f32 v3, v1  }
0x25: {  	v1 =	vld [tilespmem:s21+$0x7D0]  }
0x26: {  	v5 =	vmul.f32 $2.000000030e-01, v4  }
0x27: {  	v3 =	vperm.xlane v3, v0;
	vm1 =	vgt.f32 v4, $0.0e+00  }
0x28: {  	s22 =	simm.s32 $0x80;
	v4 =	vsel vm1, v4, v5  }
.LBB2_3:
0x29: {  	s23 =	sshra.s32 s22, $0x2;
	v3 =	vsub.f32 v4, v3;
	p0 =	sne.s32 s22, $0xF9C0  }
.Ltmp0:
0x2a: {  	s22 =	sadd.s32 $0x40, s22;
	v4 =	vadd.f32 v2, v1;
	v1 =	vld [tilespmem:s23+$0x7D0];
	v5 =	vmov v2;
	(pc) =	sbr.rel @p0 .LBB2_3-.Ltmp0, $4  }
0x2b: {  	v2 =	vld [tilespmem:s23+$0x4650];
	v3 =	vnsel vm0, $0xC61C4000, v3  }
0x2c: {  	v6 =	vmul.f32 $2.000000030e-01, v4;
	[tilespmem:s20+$0x84D0] =	vst v3;
	s20 =	smov.u32 s21;
	s21 =	smov.u32 s23  }
0x2d: {  	vm1 =	vgt.f32 v4, $0.0e+00;
	v3 =	vperm.xlane v5, v0  }
0x2e: {  	v4 =	vsel vm1, v4, v6  }
0x2f: {  	_ = 	snop  }
0x30: {  	v1 =	vadd.f32 v2, v1;
	_ =	sdelay $0x1  }
0x31: {  	v5 =	vmul.f32 $2.000000030e-01, v1  }
0x32: {  	v2 =	vperm.xlane v2, v0;
	vm1 =	vgt.f32 v1, $0.0e+00  }
0x33: {  	v3 =	vsub.f32 v4, v3;
	v1 =	vsel vm1, v1, v5  }
0x34: {  	v1 =	vsub.f32 v1, v2  }
0x35: {  	s18 =	sadd.s32 $0x1, s18;
	v2 =	vnsel vm0, $0xC61C4000, v3  }
0x36: {  	s19 =	sshll.u32 s19, $0x1;
	p0 =	sne.s32 s18, $0xA;
	[tilespmem:s20+$0x84D0] =	vst v2;
	v1 =	vnsel vm0, $0xC61C4000, v1  }
.Ltmp1:
0x37: {  	s19 =	sadd.s32 s7, s19;
	[tilespmem:s21+$0x84D0] =	vst v1;
	(pc) =	sbr.rel @p0 .LBB2_2-.Ltmp1, $4  }
0x38: {  	[hbm4b:s19+s1] =	stream.linear.scatter [tilespmem:s16], [sflag:$0x3], $0x3E80, $0x38;
	[tilespmem:$0xC350] =	vst v63  }
0x39: {  	_ =	swait.ge [sflag:s10], $0x3E80  }
0x3a: {  	[sflag:s10] =	ssyncset.done $0x0  }
0x3b: {  	[sflag:s10] =	ssyncadd.s32 $0xFFFFC180  }
0x3c: {  	s17 =	sadd.s32 $0x1, s17  }
0x3d: {  	p0 =	sne.s32 s17, s9  }
.Ltmp2:
0x3e: {  	_ = 	snop;
	(pc) =	sbr.rel @p0 .LBB2_1-.Ltmp2, $1  }
0x3f: {  	_ =	sdelay $0x3  }
0x40: {  	_ =	sfence.sel $0x180000  }
0x41: {  	[bflag:$0x0] =	sbarrier.arrive $0xFFFF  }
0x42: {  	p0 =	sne.s32 s2, $0x0;
	_ =	strace $0x90000050  }
0x43: {  	s0 =	sadd.s32 @!p0 $0x100000, s0;
	[bflag:$0x2] =	sbarrier.arrive $0xFFFF  }
0x44: {  	[sflag:s0] =	ssyncadd.tile.s32 @!p0 $0x1;
	_ =	shalt  }
.Lfunc_end2:
_tile_overlayer_lowered:
.L_overlay_start_2:
0x45: {  	(tag) =	ssettag $0x2  }
0x46: {  	s0 =	rddreg [dreg:$0x0];
	s2 =	stileid.u32  }
0x47: {  	s1 =	rddreg [dreg:$0x1];
	p0 =	sne.s32 s2, $0x0  }
0x48: {  	s3 =	rddreg [dreg:$0x2];
	[bflag:$0x3] =	sbarrier.arrive $0xFFFF;
	s2 =	simm.s32 @!p0 $0x1C03  }
0x49: {  	[timem:s3], [sflag:s2] =	dma.local @!p0 [hbm:s0], s1  }
0x4a: {  	s0 =	simm.s32 @!p0 $0x3  }
0x4b: {  	_ =	swait.ge @!p0 [sflag:s0], s1  }
0x4c: {  	s1 =	ssub.s32 @!p0 $0x0, s1;
	[sflag:s0] =	ssyncset.done @!p0 $0x0  }
0x4d: {  	[sflag:s0] =	ssyncadd.s32 @!p0 s1  }
0x4e: {  	[bflag:$0x3] =	sbarrier.arrive $0xFFFF  }
0x4f: {  	_ =	shalt  }

// kernel: kernel.30.cloned.1.call-start
scs
__scs_entry_jumppad:
0x0: {  	(pc) =	sbr.rel $0x88, $3  }
0x1: {  	(tag) =	ssettag $0x0;
	lr =	simm.s32 $0x1  }
0x2: {  	[smem:$0x3F8A] =	sst lr;
	_ =	strace $0xD0000000  }
0x3: {  	_ = 	snop  }
0x4: {  	_ = 	snop  }
0x5: {  	_ = 	snop  }
0x6: {  	_ = 	snop  }
0x7: {  	_ = 	snop  }
__scs_overlays_trampoline_lowered:
0x8: {  	[smem:$0x3F99] =	sst s0  }
0x9: {  	[smem:$0x3F9A] =	sst s1  }
0xa: {  	[smem:$0x3F9B] =	sst s2  }
0xb: {  	[smem:$0x3F9C] =	sst s3  }
0xc: {  	[smem:$0x3F9D] =	sst s4  }
0xd: {  	[smem:$0x3F9E] =	sst s5  }
0xe: {  	[smem:$0x3F9F] =	sst s6  }
0xf: {  	[smem:$0x3FA0] =	sst s7  }
0x10: {  	[smem:$0x3FA1] =	sst s8  }
0x11: {  	[smem:$0x3FA2] =	sst s9;
	s0 =	simm.s32 @!p0 $0x0  }
0x12: {  	s1 =	sld [smem:$0x3F88];
	s0 =	simm.s32 @p0 $0x1  }
0x13: {  	[smem:$0x3FA3] =	sst s0;
	s0 =	simm.s32 @!p1 $0x0  }
0x14: {  	s2 =	sld [smem:$0x3F87];
	s0 =	simm.s32 @p1 $0x1  }
0x15: {  	[smem:$0x3FA4] =	sst s0;
	s0 =	simm.s32 @!p2 $0x0  }
0x16: {  	s3 =	sld [smem:$0x3FDB];
	s0 =	simm.s32 @p2 $0x1  }
0x17: {  	s4 =	simm.s32 $0x1BF5;
	[smem:$0x3FA6] =	sst s0  }
0x18: {  	s0 =	sld [smem:$0x3F89];
	_ =	swait.ge [sflag:s4], $0x0  }
0x19: {  	s7 =	sld [smem:$0x3F8A]  }
0x1a: {  	s8 =	sadd.s32 $0xFFFFE003, lr  }
0x1b: {  	s9 =	sadd.s32 $0xFFFFFEF7, lr;
	s5 =	simm.s32 $0xFFFFFFFF;
	p2 =	slt.u32 s8, $0xFFFFF086  }
0x1c: {  	p1 =	slt.u32 s9, $0xF7A;
	s5 =	simm.s32 @!p2 $0x0  }
0x1d: {  	s5 =	simm.s32 @p1 $0x1;
	p0 =	seq.s32 s7, s2  }
0x1e: {  	s7 =	smul.u32 @!p0 $0xF7A, s2;
	p2 =	seq.s32 @!p0 s5, $0x0  }
0x1f: {  	s9 =	smul.u32 $0xF7A, s1;
	s8 =	simm.s32 @!p0 $0x1BF5;
	p2 =	por !p2, p0  }
0x20: {  	[sflag:s8] =	ssyncset.s32 @!p0 $0xFFFFF086;
	s6 =	sadd.s32 @!p0 s3, s7;
	s7 =	simm.s32 @!p0 $0x108  }
0x21: {  	s3 =	sadd.s32 s3, s9;
	s6 =	sadd.s32 @!p0 $0x88, s6;
	s7 =	simm.s32 @p2 $0x1082  }
0x22: {  	[simem:s7], [sflag:s8] =	dma.local @!p0 [hbm:s6], $0xF7A  }
0x23: {  	s9 =	sor.u32 $0xD0000000, s2;
	s6 =	simm.s32 $0x108;
	_ =	swait.ge @!p0 [sflag:s8], $0x0  }
0x24: {  	s3 =	sadd.s32 $0x88, s3;
	s6 =	simm.s32 @!p1 $0x1082;
	[sflag:s4] =	ssyncset.s32 $0xFFFFF086  }
0x25: {  	[simem:s6], [sflag:s4] =	dma.local [hbm:s3], $0xF7A  }
0x26: {  	[smem:$0x3F8A] =	sst s1;
	(tag) =	ssettag s2;
	_ =	strace s9  }
0x27: {  	s1 =	sld [smem:$0x3F9A]  }
0x28: {  	s2 =	sld [smem:$0x3F9B]  }
0x29: {  	s4 =	sld [smem:$0x3F9D]  }
0x2a: {  	p0 =	seq.s32 s5, $0x0;
	s5 =	sld [smem:$0x3F9E]  }
0x2b: {  	s6 =	sld [smem:$0x3F9F]  }
0x2c: {  	s7 =	sld [smem:$0x3FA0]  }
0x2d: {  	s3 =	simm.s32 $0x108;
	s8 =	sld [smem:$0x3FA1]  }
0x2e: {  	s3 =	simm.s32 @!p0 $0x1082;
	s9 =	sld [smem:$0x3FA2]  }
0x2f: {  	lr =	sadd.s32 s0, s3;
	s0 =	sld [smem:$0x3F99]  }
0x30: {  	s3 =	sld [smem:$0x3F9C]  }
0x31: {  	[smem:$0x3FA5] =	sst s10  }
0x32: {  	s10 =	sld [smem:$0x3FA3];
	_ =	sdelay $0x3  }
0x33: {  	p0 =	seq.s32 s10, $0x1;
	s10 =	sld [smem:$0x3FA5];
	_ =	sdelay $0x3  }
0x34: {  	[smem:$0x3FA5] =	sst s10  }
0x35: {  	s10 =	sld [smem:$0x3FA4];
	_ =	sdelay $0x3  }
0x36: {  	p1 =	seq.s32 s10, $0x1;
	s10 =	sld [smem:$0x3FA5];
	_ =	sdelay $0x3  }
0x37: {  	[smem:$0x3FA5] =	sst s10  }
0x38: {  	s10 =	sld [smem:$0x3FA6]  }
0x39: {  	_ = 	snop;
	(pc) =	sbr.ind lr, $3  }
0x3a: {  	_ = 	snop  }
0x3b: {  	_ = 	snop  }
0x3c: {  	p2 =	seq.s32 s10, $0x1;
	s10 =	sld [smem:$0x3FA5]  }
0x3d: {  	_ =	shalt  }
0x3e: {  	_ =	shalt  }
0x3f: {  	_ =	shalt  }
0x40: {  	_ =	shalt  }
0x41: {  	_ =	shalt  }
0x42: {  	_ =	shalt  }
0x43: {  	_ =	shalt  }
0x44: {  	_ =	shalt  }
0x45: {  	_ =	shalt  }
0x46: {  	_ =	shalt  }
0x47: {  	_ =	shalt  }
0x48: {  	_ =	shalt  }
0x49: {  	_ =	shalt  }
0x4a: {  	_ =	shalt  }
0x4b: {  	_ =	shalt  }
0x4c: {  	_ =	shalt  }
0x4d: {  	_ =	shalt  }
0x4e: {  	_ =	shalt  }
0x4f: {  	_ =	shalt  }
0x50: {  	_ =	shalt  }
0x51: {  	_ =	shalt  }
0x52: {  	_ =	shalt  }
0x53: {  	_ =	shalt  }
0x54: {  	_ =	shalt  }
0x55: {  	_ =	shalt  }
0x56: {  	_ =	shalt  }
0x57: {  	_ =	shalt  }
0x58: {  	_ =	shalt  }
0x59: {  	_ =	shalt  }
0x5a: {  	_ =	shalt  }
0x5b: {  	_ =	shalt  }
0x5c: {  	_ =	shalt  }
0x5d: {  	_ =	shalt  }
0x5e: {  	_ =	shalt  }
0x5f: {  	_ =	shalt  }
0x60: {  	_ =	shalt  }
0x61: {  	_ =	shalt  }
0x62: {  	_ =	shalt  }
0x63: {  	_ =	shalt  }
0x64: {  	_ =	shalt  }
0x65: {  	_ =	shalt  }
0x66: {  	_ =	shalt  }
0x67: {  	_ =	shalt  }
0x68: {  	_ =	shalt  }
0x69: {  	_ =	shalt  }
0x6a: {  	_ =	shalt  }
0x6b: {  	_ =	shalt  }
0x6c: {  	_ =	shalt  }
0x6d: {  	_ =	shalt  }
0x6e: {  	_ =	shalt  }
0x6f: {  	_ =	shalt  }
0x70: {  	_ =	shalt  }
0x71: {  	_ =	shalt  }
0x72: {  	_ =	shalt  }
0x73: {  	_ =	shalt  }
0x74: {  	_ =	shalt  }
0x75: {  	_ =	shalt  }
0x76: {  	_ =	shalt  }
0x77: {  	_ =	shalt  }
0x78: {  	_ =	shalt  }
0x79: {  	_ =	shalt  }
0x7a: {  	_ =	shalt  }
0x7b: {  	_ =	shalt  }
0x7c: {  	_ =	shalt  }
0x7d: {  	_ =	shalt  }
0x7e: {  	_ =	shalt  }
0x7f: {  	_ =	shalt  }
0x80: {  	_ =	shalt  }
0x81: {  	_ =	shalt  }
0x82: {  	_ =	shalt  }
0x83: {  	_ =	shalt  }
0x84: {  	_ =	shalt  }
0x85: {  	_ =	shalt  }
0x86: {  	_ =	shalt  }
0x87: {  	_ =	shalt  }
.Lfunc_end0:
.L_simem_size_0:
called_computation.4_lowered:
.L_overlay_start_0:
0x88: {  	s2 =	sld [smem:$0x3FD9]  }
0x89: {  	s3 =	sld [smem:$0x3FFE];
	_ =	sdelay $0x1  }
0x8a: {  	s1 =	srdreg.scid  }
0x8b: {  	s0 =	sand.u32 $0x1, s1  }
0x8c: {  	s16 =	sshll.u32 s0, $0xA;
	s2 =	sadd.s32 s3, s2  }
0x8d: {  	s2 =	sadd.s32 s2, s16  }
0x8e: {  	[smem:$0x3FB1] =	sst s2  }
0x8f: {  	_ = 	snop  }
0x90: {  	(tm) =	ssettm $0x1  }
0x91: {  	s17 =	sld [smem:$0x3FFB];
	_ =	sdelay $0x3  }
0x92: {  	_ =	strace s17  }
0x93: {  	s2 =	sld [smem:$0x3FFC];
	_ =	sdelay $0x3  }
0x94: {  	_ =	strace s2  }
0x95: {  	s2 =	sld [smem:$0x3FFD];
	_ =	sdelay $0x3  }
0x96: {  	_ =	strace s2  }
0x97: {  	_ =	strace $0x8FFFFFFF  }
0x98: {  	s18 =	sld [smem:$0x3FDB];
	_ =	sdelay $0x1  }
0x99: {  	s19 =	simm.s32 $_scs_section_size  }
0x9a: {  	s4 =	simm.s32 $_size__tile_overlayer_lowered;
	s5 =	simm.s32 $_tile_overlayer_lowered  }
0x9b: {  	s22 =	simm.s32 $0x1BFF;
	s21 =	sshll.u32 s5, $0x1;
	s2 =	sadd.s32 s19, s18  }
0x9c: {  	s6 =	simm.s32 $0x0;
	s20 =	sshll.u32 s4, $0x1;
	s4 =	sadd.s32 s21, s2  }
0x9d: {  	[timem:s6], [sflag:s22] =	dma.local [hbm:s4], s20  }
0x9e: {  	_ =	swait.ge [sflag:s22], s20  }
0x9f: {  	s3 =	ssub.s32 $0x0, s20;
	[sflag:s22] =	ssyncset.done $0x0  }
0xa0: {  	[sflag:s22] =	ssyncadd.s32 s3;
	_ =	sdelay $0x1  }
0xa1: {  	s23 =	simm.s32 $0x1B8B  }
0xa2: {  	_ =	swait.ge [sflag:s23], $0x1  }
0xa3: {  	[sflag:s23] =	ssyncset.done $0x0  }
0xa4: {  	s25 =	simm.s32 $0x1B8E;
	s24 =	sld [smem:$0x3FFE];
	[sflag:s23] =	ssyncadd.s32 $0xFFFFFFFF  }
0xa5: {  	s26 =	simm.s32 $execute0_lowered;
	[smem:$0x3FD2] =	sst s25  }
0xa6: {  	s4 =	sshll.u32 s26, $0x1;
	_ =	strace $0x80000052;
	[dreg:$0x1] =	wrdreg $0xFFFFFFFF  }
0xa7: {  	s28 =	simm.s32 $_size_execute0_lowered;
	s2 =	sadd.s32 s2, s4;
	[dreg:$0x0] =	wrdreg $0x0  }
0xa8: {  	s4 =	sshll.u32 s28, $0x1;
	[dreg:$0x2] =	wrdreg s2  }
0xa9: {  	[dreg:$0x3] =	wrdreg s4  }
0xaa: {  	[dreg:$0x4] =	wrdreg $0xC0  }
0xab: {  	_ =	task [dreg:s6], $0x5FFFF  }
0xac: {  	[dreg:$0x1] =	wrdreg $0xFFFFFFFF  }
0xad: {  	[dreg:$0x0] =	wrdreg $0x60  }
0xae: {  	[dreg:$0x2] =	wrdreg s24  }
0xaf: {  	[dreg:$0x3] =	wrdreg $0x42680  }
0xb0: {  	[dreg:$0x4] =	wrdreg $0x9  }
0xb1: {  	_ =	task.clear_ibuf [dreg:s6], $0x5FFFF;
	_ =	strace $0x90000052  }
0xb2: {  	s29 =	simm.s32 $0x9;
	_ =	strace $0x80000054  }
0xb3: {  	_ =	swait.ge [sflag:s29], $0x1  }
0xb4: {  	[sflag:s29] =	ssyncadd.s32 $0xFFFFFFFF  }
0xb5: {  	_ =	strace $0x90000054  }
0xb6: {  	_ =	sfence  }
0xb7: {  	s30 =	sld [smem:$0x0];
	_ =	sdelay $0x2  }
0xb8: {  	s31 =	sshll.u32 s1, $0xD;
	s1 =	sshrl.u32 s1, $0x2  }
0xb9: {  	s3 =	sand.u32 $0x4000, s31;
	s1 =	sadd.s32 s1, s30  }
0xba: {  	s0 =	sor.u32 s3, s0;
	s1 =	sshll.u32 s1, $0x11  }
0xbb: {  	s0 =	sor.u32 s1, s0  }
0xbc: {  	s0 =	sadd.s32 $0x8F2B, s0  }
0xbd: {  	[sflag:s0] =	ssyncadd.remote.s32 $0x1  }
0xbe: {  	_ =	sfence.sel $0xFFFF  }
0xbf: {  	[dreg:$0x0] =	wrdreg $0xFFFFFFFF;
	(pc) =	sbr.abs _section_cstart, $3  }
0xc0: {  	[dreg:$0x1] =	wrdreg $0xFFFFFFFF  }
0xc1: {  	_ =	task.clear_ibuf [dreg:s6], $0x2FFFF;
	_ =	strace $0x9FFFFFFF  }
0xc2: {  	(tm) =	ssettm $0x7FFFFFFF  }
0xc3: {  	_ =	shalt  }
tec
execute0_lowered:
.L_overlay_start_1:
0x0: {  	(tag) =	ssettag $0x1  }
0x1: {  	s0 =	srdreg.scid;
	s5 =	rddreg [dreg:$0x0]  }
0x2: {  	s6 =	stileid.u32;
	s1 =	rddreg [dreg:$0x1]  }
0x3: {  	s2 =	simm.s32 $0x0;
	s11 =	simm.s32 $0x0;
	s4 =	smul.u32 $0x4E20, s6  }
0x4: {  	s3 =	sand.u32 $0x1, s0;
	s0 =	rddreg [dreg:$0x2];
	s10 =	smul.u32 $0x9C40, s6  }
0x5: {  	[smem:$0x7FF] =	sst s2;
	p0 =	sne.s32 s6, $0x0;
	s7 =	smul.u32 $0x2710, s3  }
0x6: {  	s29 =	smul.u32 $0x4E20, s3;
	_ =	strace $0x80000053;
	s30 =	ssub.s32 $0x2, s3  }
0x7: {  	s3 =	sadd.s32 $0x2E000, s5;
	s9 =	sshrl.u32 s30, $0x1;
	s4 =	sadd.s32 s7, s4  }
0x8: {  	s7 =	sadd.s32 s29, s5;
	s31 =	ssub.s32 s30, s9;
	s4 =	sshrl.u32 s4, $0x3  }
0x9: {  	s9 =	simm.s32 $0x1;
	s8 =	sadd.s32 s4, s5;
	s4 =	sadd.s32 $0x10F200, s7  }
0xa: {  	s5 =	smax.u32 s31, $0x1;
	s7 =	sadd.s32 s10, s7;
	s10 =	simm.s32 $0x3E8  }
0xb: {  	s6 =	sadd.s32 $0x4BC00, s7;
	s7 =	sadd.s32 $0x38000, s8;
	s8 =	sshrl.u32 @!p0 s1, $0x3  }
.LBB2_1:
0xc: {  	s12 =	simm.s32 @!p0 $0x1C01  }
0xd: {  	[spmem:s8], [sflag:s12] =	dma.local @!p0 [hbm:s3], $0x4E20  }
0xe: {  	s12 =	simm.s32 @!p0 $0x1  }
0xf: {  	_ =	swait.ge @!p0 [sflag:s12], $0x4E20  }
0x10: {  	[sflag:s12] =	ssyncset.done @!p0 $0x0  }
0x11: {  	[sflag:s12] =	ssyncadd.s32 @!p0 $0xFFFFB1E0  }
0x12: {  	s31 =	sadd.s32 $0x0, s7;
	[bflag:$0x0] =	sbarrier.arrive $0xFFFF  }
0x13: {  	[tilespmem:s2], [sflag:$0x1] =	stream.linear.gather [hbm4b:s31+s2], $0x3E8, $0x38;
	[tilespmem:$0x6978] =	vst v63  }
0x14: {  	_ =	swait.ge [sflag:s9], $0x3E8  }
0x15: {  	[sflag:s9] =	ssyncset.done $0x0  }
0x16: {  	[sflag:s9] =	ssyncadd.s32 $0xFFFFFC18  }
0x17: {  	[tilespmem:s10], [sflag:$0x1] =	stream.linear.gather [hbm4b:s6+s2], $0x3E80, $0x38;
	[tilespmem:$0x6978] =	vst v63  }
0x18: {  	_ =	swait.ge [sflag:s9], $0x3E80  }
0x19: {  	[sflag:s9] =	ssyncset.done $0x0  }
0x1a: {  	[sflag:s9] =	ssyncadd.s32 $0xFFFFC180  }
0x1b: {  	[spmem:s1] =	stream.indirect.scatter.add.f32 [tilespmem:s10], [sflag:$0x1], $0x10, s2, s10, $0xb8;
	[tilespmem:$0x6978] =	vst v63  }
0x1c: {  	s13 =	simm.s32 $0x7D;
	_ =	swait.ge [sflag:s9], $0x3E80  }
0x1d: {  	s14 =	simm.s32 $0xFA;
	s12 =	sadd.s32 $0x7D0, s6;
	[sflag:s9] =	ssyncset.done $0x0  }
.LBB2_2:
0x1e: {  	s15 =	sadd.s32 s13, s7  }
0x1f: {  	[sflag:s9] =	ssyncadd.s32 $0xFFFFC180;
	s13 =	smov.u32 s14;
	s16 =	sadd.s32 $0x7D, s14  }
0x20: {  	[tilespmem:s2], [sflag:$0x1] =	stream.linear.gather [hbm4b:s15+s2], $0x3E8, $0x38;
	[tilespmem:$0x6978] =	vst v63  }
0x21: {  	p1 =	sne.s32 s14, $0x465;
	_ =	swait.ge [sflag:s9], $0x3E8  }
0x22: {  	[sflag:s9] =	ssyncset.done $0x0  }
0x23: {  	[sflag:s9] =	ssyncadd.s32 $0xFFFFFC18  }
0x24: {  	[tilespmem:s10], [sflag:$0x1] =	stream.linear.gather [hbm4b:s12+s2], $0x3E80, $0x38;
	[tilespmem:$0x6978] =	vst v63  }
0x25: {  	_ =	swait.ge [sflag:s9], $0x3E80  }
.Ltmp0:
0x26: {  	[sflag:s9] =	ssyncset.done $0x0;
	(pc) =	sbr.rel @p1 .LBB2_2-.Ltmp0, $4  }
0x27: {  	[sflag:s9] =	ssyncadd.s32 $0xFFFFC180  }
0x28: {  	[spmem:s1] =	stream.indirect.scatter.add.f32 [tilespmem:s10], [sflag:$0x1], $0x10, s2, s10, $0xb8;
	[tilespmem:$0x6978] =	vst v63  }
0x29: {  	_ =	swait.ge [sflag:s9], $0x3E80  }
0x2a: {  	s14 =	smov.u32 s16;
	s12 =	sadd.s32 $0x7D0, s12;
	[sflag:s9] =	ssyncset.done $0x0  }
0x2b: {  	s13 =	sadd.s32 s13, s7;
	[sflag:s9] =	ssyncadd.s32 $0xFFFFC180  }
0x2c: {  	[tilespmem:s2], [sflag:$0x1] =	stream.linear.gather [hbm4b:s13+s2], $0x3E8, $0x38;
	[tilespmem:$0x6978] =	vst v63  }
0x2d: {  	_ =	swait.ge [sflag:s9], $0x3E8  }
0x2e: {  	[sflag:s9] =	ssyncset.done $0x0  }
0x2f: {  	[sflag:s9] =	ssyncadd.s32 $0xFFFFFC18  }
0x30: {  	[tilespmem:s10], [sflag:$0x1] =	stream.linear.gather [hbm4b:s12+s2], $0x3E80, $0x38;
	[tilespmem:$0x6978] =	vst v63  }
0x31: {  	_ =	swait.ge [sflag:s9], $0x3E80  }
0x32: {  	[sflag:s9] =	ssyncset.done $0x0  }
0x33: {  	[sflag:s9] =	ssyncadd.s32 $0xFFFFC180  }
0x34: {  	[spmem:s1] =	stream.indirect.scatter.add.f32 [tilespmem:s10], [sflag:$0x1], $0x10, s2, s10, $0xb8;
	[tilespmem:$0x6978] =	vst v63  }
0x35: {  	_ =	swait.ge [sflag:s9], $0x3E80  }
0x36: {  	[sflag:s9] =	ssyncset.done $0x0  }
0x37: {  	s11 =	sadd.s32 $0x1, s11;
	[sflag:s9] =	ssyncadd.s32 $0xFFFFC180  }
0x38: {  	p1 =	sne.s32 s11, s5;
	s12 =	simm.s32 @!p0 $0x1C01;
	[bflag:$0x0] =	sbarrier.arrive $0xFFFF  }
0x39: {  	[hbm:s4], [sflag:s12] =	dma.local @!p0 [spmem:s8], $0x4E20  }
.Ltmp1:
0x3a: {  	_ = 	snop;
	(pc) =	sbr.rel @p1 .LBB2_1-.Ltmp1, $4  }
0x3b: {  	s12 =	simm.s32 @!p0 $0x1  }
0x3c: {  	_ =	swait.ge @!p0 [sflag:s12], $0x4E20  }
0x3d: {  	[sflag:s12] =	ssyncset.done @!p0 $0x0  }
0x3e: {  	[sflag:s12] =	ssyncadd.s32 @!p0 $0xFFFFB1E0  }
0x3f: {  	_ =	sfence.sel $0x180000  }
0x40: {  	[bflag:$0x0] =	sbarrier.arrive $0xFFFF  }
0x41: {  	_ =	strace $0x90000053  }
0x42: {  	s0 =	sadd.s32 @!p0 $0x100000, s0;
	[bflag:$0x2] =	sbarrier.arrive $0xFFFF  }
0x43: {  	[sflag:s0] =	ssyncadd.tile.s32 @!p0 $0x1;
	_ =	shalt  }
.Lfunc_end2:
_tile_overlayer_lowered:
.L_overlay_start_2:
0x44: {  	(tag) =	ssettag $0x2  }
0x45: {  	s0 =	rddreg [dreg:$0x0];
	s2 =	stileid.u32  }
0x46: {  	s1 =	rddreg [dreg:$0x1];
	p0 =	sne.s32 s2, $0x0  }
0x47: {  	s3 =	rddreg [dreg:$0x2];
	[bflag:$0x3] =	sbarrier.arrive $0xFFFF;
	s2 =	simm.s32 @!p0 $0x1C01  }
0x48: {  	[timem:s3], [sflag:s2] =	dma.local @!p0 [hbm:s0], s1  }
0x49: {  	s0 =	simm.s32 @!p0 $0x1  }
0x4a: {  	_ =	swait.ge @!p0 [sflag:s0], s1  }
0x4b: {  	s1 =	ssub.s32 @!p0 $0x0, s1;
	[sflag:s0] =	ssyncset.done @!p0 $0x0  }
0x4c: {  	[sflag:s0] =	ssyncadd.s32 @!p0 s1  }
0x4d: {  	[bflag:$0x3] =	sbarrier.arrive $0xFFFF  }
0x4e: {  	_ =	shalt  }

// kernel: kernel.33.cloned.1.call-start
scs
__scs_entry_jumppad:
0x0: {  	(pc) =	sbr.rel $0x88, $3  }
0x1: {  	(tag) =	ssettag $0x0;
	lr =	simm.s32 $0x1  }
0x2: {  	[smem:$0x3F8A] =	sst lr;
	_ =	strace $0xD0000000  }
0x3: {  	_ = 	snop  }
0x4: {  	_ = 	snop  }
0x5: {  	_ = 	snop  }
0x6: {  	_ = 	snop  }
0x7: {  	_ = 	snop  }
__scs_overlays_trampoline_lowered:
0x8: {  	[smem:$0x3F99] =	sst s0  }
0x9: {  	[smem:$0x3F9A] =	sst s1  }
0xa: {  	[smem:$0x3F9B] =	sst s2  }
0xb: {  	[smem:$0x3F9C] =	sst s3  }
0xc: {  	[smem:$0x3F9D] =	sst s4  }
0xd: {  	[smem:$0x3F9E] =	sst s5  }
0xe: {  	[smem:$0x3F9F] =	sst s6  }
0xf: {  	[smem:$0x3FA0] =	sst s7  }
0x10: {  	[smem:$0x3FA1] =	sst s8  }
0x11: {  	[smem:$0x3FA2] =	sst s9;
	s0 =	simm.s32 @!p0 $0x0  }
0x12: {  	s1 =	sld [smem:$0x3F88];
	s0 =	simm.s32 @p0 $0x1  }
0x13: {  	[smem:$0x3FA3] =	sst s0;
	s0 =	simm.s32 @!p1 $0x0  }
0x14: {  	s2 =	sld [smem:$0x3F87];
	s0 =	simm.s32 @p1 $0x1  }
0x15: {  	[smem:$0x3FA4] =	sst s0;
	s0 =	simm.s32 @!p2 $0x0  }
0x16: {  	s3 =	sld [smem:$0x3FDB];
	s0 =	simm.s32 @p2 $0x1  }
0x17: {  	s4 =	simm.s32 $0x1BF5;
	[smem:$0x3FA6] =	sst s0  }
0x18: {  	s0 =	sld [smem:$0x3F89];
	_ =	swait.ge [sflag:s4], $0x0  }
0x19: {  	s7 =	sld [smem:$0x3F8A]  }
0x1a: {  	s8 =	sadd.s32 $0xFFFFE003, lr  }
0x1b: {  	s9 =	sadd.s32 $0xFFFFFEF7, lr;
	s5 =	simm.s32 $0xFFFFFFFF;
	p2 =	slt.u32 s8, $0xFFFFF086  }
0x1c: {  	p1 =	slt.u32 s9, $0xF7A;
	s5 =	simm.s32 @!p2 $0x0  }
0x1d: {  	s5 =	simm.s32 @p1 $0x1;
	p0 =	seq.s32 s7, s2  }
0x1e: {  	s7 =	smul.u32 @!p0 $0xF7A, s2;
	p2 =	seq.s32 @!p0 s5, $0x0  }
0x1f: {  	s9 =	smul.u32 $0xF7A, s1;
	s8 =	simm.s32 @!p0 $0x1BF5;
	p2 =	por !p2, p0  }
0x20: {  	[sflag:s8] =	ssyncset.s32 @!p0 $0xFFFFF086;
	s6 =	sadd.s32 @!p0 s3, s7;
	s7 =	simm.s32 @!p0 $0x108  }
0x21: {  	s3 =	sadd.s32 s3, s9;
	s6 =	sadd.s32 @!p0 $0x88, s6;
	s7 =	simm.s32 @p2 $0x1082  }
0x22: {  	[simem:s7], [sflag:s8] =	dma.local @!p0 [hbm:s6], $0xF7A  }
0x23: {  	s9 =	sor.u32 $0xD0000000, s2;
	s6 =	simm.s32 $0x108;
	_ =	swait.ge @!p0 [sflag:s8], $0x0  }
0x24: {  	s3 =	sadd.s32 $0x88, s3;
	s6 =	simm.s32 @!p1 $0x1082;
	[sflag:s4] =	ssyncset.s32 $0xFFFFF086  }
0x25: {  	[simem:s6], [sflag:s4] =	dma.local [hbm:s3], $0xF7A  }
0x26: {  	[smem:$0x3F8A] =	sst s1;
	(tag) =	ssettag s2;
	_ =	strace s9  }
0x27: {  	s1 =	sld [smem:$0x3F9A]  }
0x28: {  	s2 =	sld [smem:$0x3F9B]  }
0x29: {  	s4 =	sld [smem:$0x3F9D]  }
0x2a: {  	p0 =	seq.s32 s5, $0x0;
	s5 =	sld [smem:$0x3F9E]  }
0x2b: {  	s6 =	sld [smem:$0x3F9F]  }
0x2c: {  	s7 =	sld [smem:$0x3FA0]  }
0x2d: {  	s3 =	simm.s32 $0x108;
	s8 =	sld [smem:$0x3FA1]  }
0x2e: {  	s3 =	simm.s32 @!p0 $0x1082;
	s9 =	sld [smem:$0x3FA2]  }
0x2f: {  	lr =	sadd.s32 s0, s3;
	s0 =	sld [smem:$0x3F99]  }
0x30: {  	s3 =	sld [smem:$0x3F9C]  }
0x31: {  	[smem:$0x3FA5] =	sst s10  }
0x32: {  	s10 =	sld [smem:$0x3FA3];
	_ =	sdelay $0x3  }
0x33: {  	p0 =	seq.s32 s10, $0x1;
	s10 =	sld [smem:$0x3FA5];
	_ =	sdelay $0x3  }
0x34: {  	[smem:$0x3FA5] =	sst s10  }
0x35: {  	s10 =	sld [smem:$0x3FA4];
	_ =	sdelay $0x3  }
0x36: {  	p1 =	seq.s32 s10, $0x1;
	s10 =	sld [smem:$0x3FA5];
	_ =	sdelay $0x3  }
0x37: {  	[smem:$0x3FA5] =	sst s10  }
0x38: {  	s10 =	sld [smem:$0x3FA6]  }
0x39: {  	_ = 	snop;
	(pc) =	sbr.ind lr, $3  }
0x3a: {  	_ = 	snop  }
0x3b: {  	_ = 	snop  }
0x3c: {  	p2 =	seq.s32 s10, $0x1;
	s10 =	sld [smem:$0x3FA5]  }
0x3d: {  	_ =	shalt  }
0x3e: {  	_ =	shalt  }
0x3f: {  	_ =	shalt  }
0x40: {  	_ =	shalt  }
0x41: {  	_ =	shalt  }
0x42: {  	_ =	shalt  }
0x43: {  	_ =	shalt  }
0x44: {  	_ =	shalt  }
0x45: {  	_ =	shalt  }
0x46: {  	_ =	shalt  }
0x47: {  	_ =	shalt  }
0x48: {  	_ =	shalt  }
0x49: {  	_ =	shalt  }
0x4a: {  	_ =	shalt  }
0x4b: {  	_ =	shalt  }
0x4c: {  	_ =	shalt  }
0x4d: {  	_ =	shalt  }
0x4e: {  	_ =	shalt  }
0x4f: {  	_ =	shalt  }
0x50: {  	_ =	shalt  }
0x51: {  	_ =	shalt  }
0x52: {  	_ =	shalt  }
0x53: {  	_ =	shalt  }
0x54: {  	_ =	shalt  }
0x55: {  	_ =	shalt  }
0x56: {  	_ =	shalt  }
0x57: {  	_ =	shalt  }
0x58: {  	_ =	shalt  }
0x59: {  	_ =	shalt  }
0x5a: {  	_ =	shalt  }
0x5b: {  	_ =	shalt  }
0x5c: {  	_ =	shalt  }
0x5d: {  	_ =	shalt  }
0x5e: {  	_ =	shalt  }
0x5f: {  	_ =	shalt  }
0x60: {  	_ =	shalt  }
0x61: {  	_ =	shalt  }
0x62: {  	_ =	shalt  }
0x63: {  	_ =	shalt  }
0x64: {  	_ =	shalt  }
0x65: {  	_ =	shalt  }
0x66: {  	_ =	shalt  }
0x67: {  	_ =	shalt  }
0x68: {  	_ =	shalt  }
0x69: {  	_ =	shalt  }
0x6a: {  	_ =	shalt  }
0x6b: {  	_ =	shalt  }
0x6c: {  	_ =	shalt  }
0x6d: {  	_ =	shalt  }
0x6e: {  	_ =	shalt  }
0x6f: {  	_ =	shalt  }
0x70: {  	_ =	shalt  }
0x71: {  	_ =	shalt  }
0x72: {  	_ =	shalt  }
0x73: {  	_ =	shalt  }
0x74: {  	_ =	shalt  }
0x75: {  	_ =	shalt  }
0x76: {  	_ =	shalt  }
0x77: {  	_ =	shalt  }
0x78: {  	_ =	shalt  }
0x79: {  	_ =	shalt  }
0x7a: {  	_ =	shalt  }
0x7b: {  	_ =	shalt  }
0x7c: {  	_ =	shalt  }
0x7d: {  	_ =	shalt  }
0x7e: {  	_ =	shalt  }
0x7f: {  	_ =	shalt  }
0x80: {  	_ =	shalt  }
0x81: {  	_ =	shalt  }
0x82: {  	_ =	shalt  }
0x83: {  	_ =	shalt  }
0x84: {  	_ =	shalt  }
0x85: {  	_ =	shalt  }
0x86: {  	_ =	shalt  }
0x87: {  	_ =	shalt  }
.Lfunc_end0:
.L_simem_size_0:
called_computation.5_lowered:
.L_overlay_start_0:
0x88: {  	s2 =	sld [smem:$0x3FD9]  }
0x89: {  	s3 =	sld [smem:$0x3FFE];
	_ =	sdelay $0x1  }
0x8a: {  	s1 =	srdreg.scid  }
0x8b: {  	s0 =	sand.u32 $0x1, s1  }
0x8c: {  	s16 =	sshll.u32 s0, $0xA;
	s2 =	sadd.s32 s3, s2  }
0x8d: {  	s2 =	sadd.s32 s2, s16  }
0x8e: {  	[smem:$0x3FB1] =	sst s2  }
0x8f: {  	_ = 	snop  }
0x90: {  	(tm) =	ssettm $0x1  }
0x91: {  	s17 =	sld [smem:$0x3FFB];
	_ =	sdelay $0x3  }
0x92: {  	_ =	strace s17  }
0x93: {  	s2 =	sld [smem:$0x3FFC];
	_ =	sdelay $0x3  }
0x94: {  	_ =	strace s2  }
0x95: {  	s2 =	sld [smem:$0x3FFD];
	_ =	sdelay $0x3  }
0x96: {  	_ =	strace s2  }
0x97: {  	_ =	strace $0x8FFFFFFF  }
0x98: {  	s18 =	sld [smem:$0x3FDB];
	_ =	sdelay $0x1  }
0x99: {  	s19 =	simm.s32 $_scs_section_size  }
0x9a: {  	s4 =	simm.s32 $_size__tile_overlayer_lowered;
	s5 =	simm.s32 $_tile_overlayer_lowered  }
0x9b: {  	s22 =	simm.s32 $0x1BFF;
	s21 =	sshll.u32 s5, $0x1;
	s2 =	sadd.s32 s19, s18  }
0x9c: {  	s6 =	simm.s32 $0x0;
	s20 =	sshll.u32 s4, $0x1;
	s4 =	sadd.s32 s21, s2  }
0x9d: {  	[timem:s6], [sflag:s22] =	dma.local [hbm:s4], s20  }
0x9e: {  	_ =	swait.ge [sflag:s22], s20  }
0x9f: {  	s3 =	ssub.s32 $0x0, s20;
	[sflag:s22] =	ssyncset.done $0x0  }
0xa0: {  	[sflag:s22] =	ssyncadd.s32 s3;
	_ =	sdelay $0x1  }
0xa1: {  	s23 =	simm.s32 $0x1B8B  }
0xa2: {  	_ =	swait.ge [sflag:s23], $0x1  }
0xa3: {  	[sflag:s23] =	ssyncset.done $0x0  }
0xa4: {  	s25 =	simm.s32 $0x1B8E;
	s24 =	sld [smem:$0x3FFE];
	[sflag:s23] =	ssyncadd.s32 $0xFFFFFFFF  }
0xa5: {  	s26 =	simm.s32 $execute0_lowered;
	[smem:$0x3FD2] =	sst s25  }
0xa6: {  	s4 =	sshll.u32 s26, $0x1;
	_ =	strace $0x80000055;
	[dreg:$0x1] =	wrdreg $0xFFFFFFFF  }
0xa7: {  	s28 =	simm.s32 $_size_execute0_lowered;
	s2 =	sadd.s32 s2, s4;
	[dreg:$0x0] =	wrdreg $0x0  }
0xa8: {  	s4 =	sshll.u32 s28, $0x1;
	[dreg:$0x2] =	wrdreg s2  }
0xa9: {  	[dreg:$0x3] =	wrdreg s4  }
0xaa: {  	[dreg:$0x4] =	wrdreg $0xC0  }
0xab: {  	_ =	task [dreg:s6], $0x5FFFF  }
0xac: {  	[dreg:$0x1] =	wrdreg $0xFFFFFFFF  }
0xad: {  	[dreg:$0x0] =	wrdreg $0x60  }
0xae: {  	[dreg:$0x2] =	wrdreg s24  }
0xaf: {  	[dreg:$0x3] =	wrdreg $0x7E900  }
0xb0: {  	[dreg:$0x4] =	wrdreg $0x9  }
0xb1: {  	_ =	task.clear_ibuf [dreg:s6], $0x5FFFF;
	_ =	strace $0x90000055  }
0xb2: {  	s29 =	simm.s32 $0x9;
	_ =	strace $0x80000057  }
0xb3: {  	_ =	swait.ge [sflag:s29], $0x1  }
0xb4: {  	[sflag:s29] =	ssyncadd.s32 $0xFFFFFFFF  }
0xb5: {  	_ =	strace $0x90000057  }
0xb6: {  	_ =	sfence  }
0xb7: {  	s30 =	sld [smem:$0x0];
	_ =	sdelay $0x2  }
0xb8: {  	s31 =	sshll.u32 s1, $0xD;
	s1 =	sshrl.u32 s1, $0x2  }
0xb9: {  	s3 =	sand.u32 $0x4000, s31;
	s1 =	sadd.s32 s1, s30  }
0xba: {  	s0 =	sor.u32 s3, s0;
	s1 =	sshll.u32 s1, $0x11  }
0xbb: {  	s0 =	sor.u32 s1, s0  }
0xbc: {  	s0 =	sadd.s32 $0x8F2B, s0  }
0xbd: {  	[sflag:s0] =	ssyncadd.remote.s32 $0x1  }
0xbe: {  	_ =	sfence.sel $0xFFFF  }
0xbf: {  	[dreg:$0x0] =	wrdreg $0xFFFFFFFF;
	(pc) =	sbr.abs _section_cstart, $3  }
0xc0: {  	[dreg:$0x1] =	wrdreg $0xFFFFFFFF  }
0xc1: {  	_ =	task.clear_ibuf [dreg:s6], $0x2FFFF;
	_ =	strace $0x9FFFFFFF  }
0xc2: {  	(tm) =	ssettm $0x7FFFFFFF  }
0xc3: {  	_ =	shalt  }
tec
execute0_lowered:
.L_overlay_start_1:
0x0: {  	(tag) =	ssettag $0x1  }
0x1: {  	s9 =	rddreg [dreg:$0x0]  }
0x2: {  	s1 =	rddreg [dreg:$0x1]  }
0x3: {  	s0 =	rddreg [dreg:$0x2];
	s2 =	simm.s32 $0x0;
	s8 =	srdreg.scid  }
0x4: {  	s12 =	stileid.u32;
	s16 =	simm.s32 $0xE10;
	s17 =	simm.s32 $0x1A90  }
0x5: {  	s18 =	simm.s32 $0x1;
	s19 =	simm.s32 $0x2;
	s24 =	simm.s32 $0x0  }
0x6: {  	[smem:$0x7FF] =	sst s2;
	s3 =	sadd.s32 $0x6E00, s9;
	s4 =	sadd.s32 $0x33000, s9  }
0x7: {  	s5 =	sadd.s32 $0x4BC00, s9;
	s6 =	sadd.s32 $0x41E00, s9;
	s7 =	sadd.s32 $0x38000, s9  }
0x8: {  	s10 =	sand.u32 $0x1, s8;
	s8 =	sadd.s32 $0xE8000, s9;
	s15 =	sshll.u32 s12, $0x1  }
0x9: {  	p0 =	sne.s32 s12, $0x0;
	_ =	strace $0x80000056;
	s11 =	smul.u32 $0x27100, s10  }
0xa: {  	s13 =	ssub.s32 $0x2, s10;
	s31 =	sor.u32 s10, s15;
	s12 =	sshrl.u32 @!p0 s1, $0x3  }
0xb: {  	v0 =	vimm.s32 $0x0;
	v1 =	vimm.s32 $0x1;
	s15 =	simm.s32 $0x190;
	s14 =	sshrl.u32 s13, $0x1;
	s11 =	sadd.s32 s11, s9  }
0xc: {  	v2 =	vimm.s32 $0x2;
	v3 =	vimm.s32 $0x3;
	v4 =	vimm.s32 $0x4;
	s13 =	ssub.s32 s13, s14;
	s9 =	smul.u32 $0x2710, s31;
	s14 =	simm.s32 $0xC8  }
0xd: {  	v5 =	vimm.s32 $0x5;
	v6 =	vimm.s32 $0x6;
	v7 =	vimm.s32 $0x7;
	s10 =	sadd.s32 $0x10F200, s11;
	s11 =	smax.u32 s13, $0x1;
	s13 =	simm.s32 $0x3  }
.LBB2_1:
0xe: {  	s20 =	simm.s32 @!p0 $0x1C03  }
0xf: {  	[spmem:s12], [sflag:s20] =	dma.local @!p0 [hbm:s8], $0x27100  }
0x10: {  	s20 =	simm.s32 @!p0 $0x3  }
0x11: {  	_ =	swait.ge @!p0 [sflag:s20], $0x27100  }
0x12: {  	[sflag:s20] =	ssyncset.done @!p0 $0x0  }
0x13: {  	[sflag:s20] =	ssyncadd.s32 @!p0 $0xFFFD8F00  }
0x14: {  	s20 =	simm.s32 $0x0;
	[bflag:$0x0] =	sbarrier.arrive $0xFFFF  }
.LBB2_2:
0x15: {  	s21 =	smul.u32 $0xC8, s20;
	_ =	sdelay $0x1  }
0x16: {  	s21 =	sadd.s32 s9, s21  }
0x17: {  	s22 =	sshrl.u32 s21, $0x3  }
0x18: {  	s23 =	sadd.s32 s6, s22  }
0x19: {  	[tilespmem:s24], [sflag:$0x3] =	stream.linear.gather [hbm4b:s23+s24], $0xC8, $0x38;
	[tilespmem:$0x1B710] =	vst v63  }
0x1a: {  	_ =	swait.ge [sflag:s13], $0xC8  }
0x1b: {  	[sflag:s13] =	ssyncset.done $0x0  }
0x1c: {  	s22 =	sadd.s32 s7, s22;
	[sflag:s13] =	ssyncadd.s32 $0xFFFFFF38  }
0x1d: {  	[tilespmem:s14], [sflag:$0x3] =	stream.linear.gather [hbm4b:s22+s24], $0xC8, $0x38;
	[tilespmem:$0x1B710] =	vst v63  }
0x1e: {  	_ =	swait.ge [sflag:s13], $0xC8  }
0x1f: {  	s21 =	sshll.u32 s21, $0x1;
	[sflag:s13] =	ssyncset.done $0x0  }
0x20: {  	s21 =	sadd.s32 s5, s21;
	[sflag:s13] =	ssyncadd.s32 $0xFFFFFF38  }
0x21: {  	[tilespmem:s15], [sflag:$0x3] =	stream.linear.gather [hbm4b:s21+s24], $0xC80, $0x38;
	[tilespmem:$0x1B710] =	vst v63  }
0x22: {  	_ =	swait.ge [sflag:s13], $0xC80  }
0x23: {  	[sflag:s13] =	ssyncset.done $0x0  }
0x24: {  	[sflag:s13] =	ssyncadd.s32 $0xFFFFF380  }
0x25: {  	[tilespmem:s16], [sflag:$0x1] =	stream.indirect.gather [hbm4b:s4+s14], $0x10, s14, s14, $0xb8;
	[tilespmem:$0x1B710] =	vst v63  }
0x26: {  	_ = 	snop  }
0x27: {  	[tilespmem:s17], [sflag:$0x2] =	stream.indirect.gather [hbm4b:s3+s14], $0x80, s24, s14, $0xb8;
	[tilespmem:$0x1B710] =	vst v63  }
0x28: {  	_ =	swait.ge [sflag:s18], $0xC80  }
0x29: {  	[sflag:s18] =	ssyncset.done $0x0  }
0x2a: {  	[sflag:s18] =	ssyncadd.s32 $0xFFFFF380  }
0x2b: {  	_ =	swait.ge [sflag:s19], $0x6400  }
0x2c: {  	[sflag:s19] =	ssyncset.done $0x0  }
0x2d: {  	s31 =	simm.s32 $0x0;
	[sflag:s19] =	ssyncadd.s32 $0xFFFF9C00  }
0x2e: {  	v8 =	vld [tilespmem:s31+$0xE10]  }
0x2f: {  	v9 =	vld [tilespmem:s31+$0x190];
	_ =	sdelay $0x2  }
0x30: {  	s21 =	simm.s32 $0x1AD0  }
0x31: {  	v10 =	vld [tilespmem:s21+$0xFFFFFFC0]  }
0x32: {  	v11 =	vld [tilespmem:s21+$0xFFFFFFD0];
	v8 =	vmul.f32 v8, v9  }
0x33: {  	v9 =	vld [tilespmem:s21+$0xFFFFFFE0]  }
0x34: {  	v12 =	vld [tilespmem:s21+$0xFFFFFFF0];
	v13 =	vperm.xlane v8, v0  }
0x35: {  	v15 =	vld [tilespmem:s21+$0x0];
	v14 =	vperm.xlane v8, v1  }
0x36: {  	v16 =	vld [tilespmem:s21+$0x10];
	v17 =	vperm.xlane v8, v2;
	v10 =	vmul.f32 v10, v13  }
0x37: {  	v62 =	vld [tilespmem:s21+$0x20];
	v61 =	vperm.xlane v8, v3;
	v11 =	vmul.f32 v11, v14  }
0x38: {  	v18 =	vld [tilespmem:s21+$0x30];
	v9 =	vmul.f32 v9, v17;
	[tilespmem:s21+$0xFFFFFFC0] =	vst v10;
	v10 =	vperm.xlane v8, v4  }
0x39: {  	v63 =	vperm.xlane v8, v5;
	v12 =	vmul.f32 v12, v61;
	[tilespmem:s21+$0xFFFFFFD0] =	vst v11  }
0x3a: {  	v11 =	vperm.xlane v8, v6;
	[tilespmem:s21+$0xFFFFFFE0] =	vst v9;
	v9 =	vmul.f32 v15, v10  }
0x3b: {  	v8 =	vperm.xlane v8, v7;
	[tilespmem:s21+$0xFFFFFFF0] =	vst v12;
	v10 =	vmul.f32 v16, v63  }
0x3c: {  	v11 =	vmul.f32 v62, v11;
	[tilespmem:s21+$0x0] =	vst v9  }
0x3d: {  	v8 =	vmul.f32 v18, v8;
	[tilespmem:s21+$0x10] =	vst v10  }
0x3e: {  	[tilespmem:s21+$0x20] =	vst v11  }
0x3f: {  	s23 =	simm.s32 $0x10;
	[tilespmem:s21+$0x30] =	vst v8  }
0x40: {  	s22 =	simm.s32 $0x80;
	v8 =	vld [tilespmem:s23+$0xE10]  }
.LBB2_3:
0x41: {  	p1 =	sne.s32 s22, $0x31C0;
	v9 =	vld [tilespmem:s23+$0x190]  }
0x42: {  	s21 =	sadd.s32 $0x80, s21  }
0x43: {  	v10 =	vld [tilespmem:s21+$0xFFFFFFF0]  }
0x44: {  	v11 =	vld [tilespmem:s21+$0xFFFFFFD0]  }
0x45: {  	v12 =	vld [tilespmem:s21+$0xFFFFFFC0]  }
0x46: {  	v8 =	vmul.f32 v8, v9;
	v9 =	vld [tilespmem:s21+$0xFFFFFFE0]  }
0x47: {  	v13 =	vld [tilespmem:s21+$0x30]  }
0x48: {  	v14 =	vperm.xlane v8, v0;
	v15 =	vperm.xlane v8, v1;
	v16 =	vld [tilespmem:s21+$0x10]  }
0x49: {  	v17 =	vperm.xlane v8, v2;
	v18 =	vperm.xlane v8, v3;
	v19 =	vld [tilespmem:s21+$0x0]  }
0x4a: {  	v12 =	vmul.f32 v12, v14;
	v11 =	vmul.f32 v11, v15;
	v14 =	vld [tilespmem:s21+$0x20]  }
0x4b: {  	v10 =	vmul.f32 v10, v18;
	v9 =	vmul.f32 v9, v17  }
0x4c: {  	v15 =	vperm.xlane v8, v5;
	[tilespmem:s21+$0xFFFFFFC0] =	vst v12;
	v12 =	vperm.xlane v8, v4  }
0x4d: {  	[tilespmem:s21+$0xFFFFFFD0] =	vst v11;
	v11 =	vperm.xlane v8, v6;
	v8 =	vperm.xlane v8, v7  }
0x4e: {  	[tilespmem:s21+$0xFFFFFFE0] =	vst v9;
	v9 =	vmul.f32 v19, v12;
	v12 =	vmul.f32 v16, v15  }
0x4f: {  	[tilespmem:s21+$0xFFFFFFF0] =	vst v10;
	v10 =	vmul.f32 v14, v11;
	v8 =	vmul.f32 v13, v8  }
.Ltmp0:
0x50: {  	[tilespmem:s21+$0x0] =	vst v9;
	(pc) =	sbr.rel @p1 .LBB2_3-.Ltmp0, $4  }
0x51: {  	[tilespmem:s21+$0x10] =	vst v12  }
0x52: {  	[tilespmem:s21+$0x20] =	vst v10  }
0x53: {  	s23 =	sshra.s32 s22, $0x2;
	[tilespmem:s21+$0x30] =	vst v8  }
0x54: {  	s22 =	sadd.s32 $0x40, s22;
	v8 =	vld [tilespmem:s23+$0xE10]  }
0x55: {  	v9 =	vld [tilespmem:s23+$0x190];
	_ =	sdelay $0x2  }
0x56: {  	s21 =	sadd.s32 $0x80, s21  }
0x57: {  	v10 =	vld [tilespmem:s21+$0xFFFFFFC0]  }
0x58: {  	v11 =	vld [tilespmem:s21+$0xFFFFFFD0];
	v8 =	vmul.f32 v8, v9  }
0x59: {  	v56 =	vld [tilespmem:s21+$0xFFFFFFE0]  }
0x5a: {  	v12 =	vld [tilespmem:s21+$0xFFFFFFF0];
	v13 =	vperm.xlane v8, v0  }
0x5b: {  	v15 =	vld [tilespmem:s21+$0x0];
	v14 =	vperm.xlane v8, v1;
	v17 =	vperm.xlane v8, v2  }
0x5c: {  	v16 =	vld [tilespmem:s21+$0x10];
	v57 =	vperm.xlane v8, v3;
	v10 =	vmul.f32 v10, v13  }
0x5d: {  	v18 =	vld [tilespmem:s21+$0x30];
	v59 =	vperm.xlane v8, v4;
	v11 =	vmul.f32 v11, v14  }
0x5e: {  	v58 =	vld [tilespmem:s21+$0x20];
	v60 =	vperm.xlane v8, v5;
	v9 =	vmul.f32 v56, v17;
	[tilespmem:s21+$0xFFFFFFC0] =	vst v10  }
0x5f: {  	v61 =	vperm.xlane v8, v6;
	v12 =	vmul.f32 v12, v57;
	[tilespmem:s21+$0xFFFFFFD0] =	vst v11  }
0x60: {  	v8 =	vperm.xlane v8, v7;
	v62 =	vmul.f32 v15, v59;
	[tilespmem:s21+$0xFFFFFFE0] =	vst v9  }
0x61: {  	v63 =	vmul.f32 v16, v60;
	[tilespmem:s21+$0xFFFFFFF0] =	vst v12  }
0x62: {  	v8 =	vmul.f32 v18, v8;
	[tilespmem:s21+$0x0] =	vst v62  }
0x63: {  	s20 =	sadd.s32 $0x1, s20;
	v11 =	vmul.f32 v58, v61;
	[tilespmem:s21+$0x10] =	vst v63  }
0x64: {  	p1 =	sne.s32 s20, $0x32;
	[tilespmem:s21+$0x30] =	vst v8  }
.Ltmp1:
0x65: {  	[tilespmem:s21+$0x20] =	vst v11;
	(pc) =	sbr.rel @p1 .LBB2_2-.Ltmp1, $4  }
0x66: {  	[spmem:s1] =	stream.indirect.scatter.add.f32 [tilespmem:s17], [sflag:$0x3], $0x80, s14, s14, $0xb8;
	[tilespmem:$0x1B710] =	vst v63  }
0x67: {  	_ =	swait.ge [sflag:s13], $0x6400  }
0x68: {  	[sflag:s13] =	ssyncset.done $0x0  }
0x69: {  	[sflag:s13] =	ssyncadd.s32 $0xFFFF9C00  }
0x6a: {  	[bflag:$0x0] =	sbarrier.arrive $0xFFFF;
	s20 =	simm.s32 @!p0 $0x1C03;
	s2 =	sadd.s32 $0x1, s2  }
0x6b: {  	[hbm:s10], [sflag:s20] =	dma.local @!p0 [spmem:s12], $0x27100  }
0x6c: {  	p1 =	sne.s32 s2, s11  }
.Ltmp2:
0x6d: {  	_ = 	snop;
	(pc) =	sbr.rel @p1 .LBB2_1-.Ltmp2, $4  }
0x6e: {  	s20 =	simm.s32 @!p0 $0x3  }
0x6f: {  	_ =	swait.ge @!p0 [sflag:s20], $0x27100  }
0x70: {  	[sflag:s20] =	ssyncset.done @!p0 $0x0  }
0x71: {  	[sflag:s20] =	ssyncadd.s32 @!p0 $0xFFFD8F00  }
0x72: {  	_ =	sfence.sel $0x180000  }
0x73: {  	[bflag:$0x0] =	sbarrier.arrive $0xFFFF  }
0x74: {  	_ =	strace $0x90000056  }
0x75: {  	s0 =	sadd.s32 @!p0 $0x100000, s0;
	[bflag:$0x2] =	sbarrier.arrive $0xFFFF  }
0x76: {  	[sflag:s0] =	ssyncadd.tile.s32 @!p0 $0x1;
	_ =	shalt  }
.Lfunc_end2:
_tile_overlayer_lowered:
.L_overlay_start_2:
0x77: {  	(tag) =	ssettag $0x2  }
0x78: {  	s0 =	rddreg [dreg:$0x0];
	s2 =	stileid.u32  }
0x79: {  	s1 =	rddreg [dreg:$0x1];
	p0 =	sne.s32 s2, $0x0  }
0x7a: {  	s3 =	rddreg [dreg:$0x2];
	[bflag:$0x3] =	sbarrier.arrive $0xFFFF;
	s2 =	simm.s32 @!p0 $0x1C03  }
0x7b: {  	[timem:s3], [sflag:s2] =	dma.local @!p0 [hbm:s0], s1  }
0x7c: {  	s0 =	simm.s32 @!p0 $0x3  }
0x7d: {  	_ =	swait.ge @!p0 [sflag:s0], s1  }
0x7e: {  	s1 =	ssub.s32 @!p0 $0x0, s1;
	[sflag:s0] =	ssyncset.done @!p0 $0x0  }
0x7f: {  	[sflag:s0] =	ssyncadd.s32 @!p0 s1  }
0x80: {  	[bflag:$0x3] =	sbarrier.arrive $0xFFFF  }
0x81: {  	_ =	shalt  }

// kernel: kernel.36.cloned.1.call-start
scs
__scs_entry_jumppad:
0x0: {  	(pc) =	sbr.rel $0x88, $3  }
0x1: {  	(tag) =	ssettag $0x0;
	lr =	simm.s32 $0x1  }
0x2: {  	[smem:$0x3F8A] =	sst lr;
	_ =	strace $0xD0000000  }
0x3: {  	_ = 	snop  }
0x4: {  	_ = 	snop  }
0x5: {  	_ = 	snop  }
0x6: {  	_ = 	snop  }
0x7: {  	_ = 	snop  }
__scs_overlays_trampoline_lowered:
0x8: {  	[smem:$0x3F99] =	sst s0  }
0x9: {  	[smem:$0x3F9A] =	sst s1  }
0xa: {  	[smem:$0x3F9B] =	sst s2  }
0xb: {  	[smem:$0x3F9C] =	sst s3  }
0xc: {  	[smem:$0x3F9D] =	sst s4  }
0xd: {  	[smem:$0x3F9E] =	sst s5  }
0xe: {  	[smem:$0x3F9F] =	sst s6  }
0xf: {  	[smem:$0x3FA0] =	sst s7  }
0x10: {  	[smem:$0x3FA1] =	sst s8  }
0x11: {  	[smem:$0x3FA2] =	sst s9;
	s0 =	simm.s32 @!p0 $0x0  }
0x12: {  	s1 =	sld [smem:$0x3F88];
	s0 =	simm.s32 @p0 $0x1  }
0x13: {  	[smem:$0x3FA3] =	sst s0;
	s0 =	simm.s32 @!p1 $0x0  }
0x14: {  	s2 =	sld [smem:$0x3F87];
	s0 =	simm.s32 @p1 $0x1  }
0x15: {  	[smem:$0x3FA4] =	sst s0;
	s0 =	simm.s32 @!p2 $0x0  }
0x16: {  	s3 =	sld [smem:$0x3FDB];
	s0 =	simm.s32 @p2 $0x1  }
0x17: {  	s4 =	simm.s32 $0x1BF5;
	[smem:$0x3FA6] =	sst s0  }
0x18: {  	s0 =	sld [smem:$0x3F89];
	_ =	swait.ge [sflag:s4], $0x0  }
0x19: {  	s7 =	sld [smem:$0x3F8A]  }
0x1a: {  	s8 =	sadd.s32 $0xFFFFE003, lr  }
0x1b: {  	s9 =	sadd.s32 $0xFFFFFEF7, lr;
	s5 =	simm.s32 $0xFFFFFFFF;
	p2 =	slt.u32 s8, $0xFFFFF086  }
0x1c: {  	p1 =	slt.u32 s9, $0xF7A;
	s5 =	simm.s32 @!p2 $0x0  }
0x1d: {  	s5 =	simm.s32 @p1 $0x1;
	p0 =	seq.s32 s7, s2  }
0x1e: {  	s7 =	smul.u32 @!p0 $0xF7A, s2;
	p2 =	seq.s32 @!p0 s5, $0x0  }
0x1f: {  	s9 =	smul.u32 $0xF7A, s1;
	s8 =	simm.s32 @!p0 $0x1BF5;
	p2 =	por !p2, p0  }
0x20: {  	[sflag:s8] =	ssyncset.s32 @!p0 $0xFFFFF086;
	s6 =	sadd.s32 @!p0 s3, s7;
	s7 =	simm.s32 @!p0 $0x108  }
0x21: {  	s3 =	sadd.s32 s3, s9;
	s6 =	sadd.s32 @!p0 $0x88, s6;
	s7 =	simm.s32 @p2 $0x1082  }
0x22: {  	[simem:s7], [sflag:s8] =	dma.local @!p0 [hbm:s6], $0xF7A  }
0x23: {  	s9 =	sor.u32 $0xD0000000, s2;
	s6 =	simm.s32 $0x108;
	_ =	swait.ge @!p0 [sflag:s8], $0x0  }
0x24: {  	s3 =	sadd.s32 $0x88, s3;
	s6 =	simm.s32 @!p1 $0x1082;
	[sflag:s4] =	ssyncset.s32 $0xFFFFF086  }
0x25: {  	[simem:s6], [sflag:s4] =	dma.local [hbm:s3], $0xF7A  }
0x26: {  	[smem:$0x3F8A] =	sst s1;
	(tag) =	ssettag s2;
	_ =	strace s9  }
0x27: {  	s1 =	sld [smem:$0x3F9A]  }
0x28: {  	s2 =	sld [smem:$0x3F9B]  }
0x29: {  	s4 =	sld [smem:$0x3F9D]  }
0x2a: {  	p0 =	seq.s32 s5, $0x0;
	s5 =	sld [smem:$0x3F9E]  }
0x2b: {  	s6 =	sld [smem:$0x3F9F]  }
0x2c: {  	s7 =	sld [smem:$0x3FA0]  }
0x2d: {  	s3 =	simm.s32 $0x108;
	s8 =	sld [smem:$0x3FA1]  }
0x2e: {  	s3 =	simm.s32 @!p0 $0x1082;
	s9 =	sld [smem:$0x3FA2]  }
0x2f: {  	lr =	sadd.s32 s0, s3;
	s0 =	sld [smem:$0x3F99]  }
0x30: {  	s3 =	sld [smem:$0x3F9C]  }
0x31: {  	[smem:$0x3FA5] =	sst s10  }
0x32: {  	s10 =	sld [smem:$0x3FA3];
	_ =	sdelay $0x3  }
0x33: {  	p0 =	seq.s32 s10, $0x1;
	s10 =	sld [smem:$0x3FA5];
	_ =	sdelay $0x3  }
0x34: {  	[smem:$0x3FA5] =	sst s10  }
0x35: {  	s10 =	sld [smem:$0x3FA4];
	_ =	sdelay $0x3  }
0x36: {  	p1 =	seq.s32 s10, $0x1;
	s10 =	sld [smem:$0x3FA5];
	_ =	sdelay $0x3  }
0x37: {  	[smem:$0x3FA5] =	sst s10  }
0x38: {  	s10 =	sld [smem:$0x3FA6]  }
0x39: {  	_ = 	snop;
	(pc) =	sbr.ind lr, $3  }
0x3a: {  	_ = 	snop  }
0x3b: {  	_ = 	snop  }
0x3c: {  	p2 =	seq.s32 s10, $0x1;
	s10 =	sld [smem:$0x3FA5]  }
0x3d: {  	_ =	shalt  }
0x3e: {  	_ =	shalt  }
0x3f: {  	_ =	shalt  }
0x40: {  	_ =	shalt  }
0x41: {  	_ =	shalt  }
0x42: {  	_ =	shalt  }
0x43: {  	_ =	shalt  }
0x44: {  	_ =	shalt  }
0x45: {  	_ =	shalt  }
0x46: {  	_ =	shalt  }
0x47: {  	_ =	shalt  }
0x48: {  	_ =	shalt  }
0x49: {  	_ =	shalt  }
0x4a: {  	_ =	shalt  }
0x4b: {  	_ =	shalt  }
0x4c: {  	_ =	shalt  }
0x4d: {  	_ =	shalt  }
0x4e: {  	_ =	shalt  }
0x4f: {  	_ =	shalt  }
0x50: {  	_ =	shalt  }
0x51: {  	_ =	shalt  }
0x52: {  	_ =	shalt  }
0x53: {  	_ =	shalt  }
0x54: {  	_ =	shalt  }
0x55: {  	_ =	shalt  }
0x56: {  	_ =	shalt  }
0x57: {  	_ =	shalt  }
0x58: {  	_ =	shalt  }
0x59: {  	_ =	shalt  }
0x5a: {  	_ =	shalt  }
0x5b: {  	_ =	shalt  }
0x5c: {  	_ =	shalt  }
0x5d: {  	_ =	shalt  }
0x5e: {  	_ =	shalt  }
0x5f: {  	_ =	shalt  }
0x60: {  	_ =	shalt  }
0x61: {  	_ =	shalt  }
0x62: {  	_ =	shalt  }
0x63: {  	_ =	shalt  }
0x64: {  	_ =	shalt  }
0x65: {  	_ =	shalt  }
0x66: {  	_ =	shalt  }
0x67: {  	_ =	shalt  }
0x68: {  	_ =	shalt  }
0x69: {  	_ =	shalt  }
0x6a: {  	_ =	shalt  }
0x6b: {  	_ =	shalt  }
0x6c: {  	_ =	shalt  }
0x6d: {  	_ =	shalt  }
0x6e: {  	_ =	shalt  }
0x6f: {  	_ =	shalt  }
0x70: {  	_ =	shalt  }
0x71: {  	_ =	shalt  }
0x72: {  	_ =	shalt  }
0x73: {  	_ =	shalt  }
0x74: {  	_ =	shalt  }
0x75: {  	_ =	shalt  }
0x76: {  	_ =	shalt  }
0x77: {  	_ =	shalt  }
0x78: {  	_ =	shalt  }
0x79: {  	_ =	shalt  }
0x7a: {  	_ =	shalt  }
0x7b: {  	_ =	shalt  }
0x7c: {  	_ =	shalt  }
0x7d: {  	_ =	shalt  }
0x7e: {  	_ =	shalt  }
0x7f: {  	_ =	shalt  }
0x80: {  	_ =	shalt  }
0x81: {  	_ =	shalt  }
0x82: {  	_ =	shalt  }
0x83: {  	_ =	shalt  }
0x84: {  	_ =	shalt  }
0x85: {  	_ =	shalt  }
0x86: {  	_ =	shalt  }
0x87: {  	_ =	shalt  }
.Lfunc_end0:
.L_simem_size_0:
called_computation.6_lowered:
.L_overlay_start_0:
0x88: {  	s2 =	sld [smem:$0x3FD9]  }
0x89: {  	s3 =	sld [smem:$0x3FFE];
	_ =	sdelay $0x1  }
0x8a: {  	s1 =	srdreg.scid  }
0x8b: {  	s0 =	sand.u32 $0x1, s1  }
0x8c: {  	s16 =	sshll.u32 s0, $0xA;
	s2 =	sadd.s32 s3, s2  }
0x8d: {  	s2 =	sadd.s32 s2, s16  }
0x8e: {  	[smem:$0x3FB1] =	sst s2  }
0x8f: {  	_ = 	snop  }
0x90: {  	(tm) =	ssettm $0x1  }
0x91: {  	s17 =	sld [smem:$0x3FFB];
	_ =	sdelay $0x3  }
0x92: {  	_ =	strace s17  }
0x93: {  	s2 =	sld [smem:$0x3FFC];
	_ =	sdelay $0x3  }
0x94: {  	_ =	strace s2  }
0x95: {  	s2 =	sld [smem:$0x3FFD];
	_ =	sdelay $0x3  }
0x96: {  	_ =	strace s2  }
0x97: {  	_ =	strace $0x8FFFFFFF  }
0x98: {  	s18 =	sld [smem:$0x3FDB];
	_ =	sdelay $0x1  }
0x99: {  	s19 =	simm.s32 $_scs_section_size  }
0x9a: {  	s4 =	simm.s32 $_size__tile_overlayer_lowered;
	s5 =	simm.s32 $_tile_overlayer_lowered  }
0x9b: {  	s22 =	simm.s32 $0x1BFF;
	s21 =	sshll.u32 s5, $0x1;
	s2 =	sadd.s32 s19, s18  }
0x9c: {  	s6 =	simm.s32 $0x0;
	s20 =	sshll.u32 s4, $0x1;
	s4 =	sadd.s32 s21, s2  }
0x9d: {  	[timem:s6], [sflag:s22] =	dma.local [hbm:s4], s20  }
0x9e: {  	_ =	swait.ge [sflag:s22], s20  }
0x9f: {  	s3 =	ssub.s32 $0x0, s20;
	[sflag:s22] =	ssyncset.done $0x0  }
0xa0: {  	[sflag:s22] =	ssyncadd.s32 s3;
	_ =	sdelay $0x1  }
0xa1: {  	s23 =	simm.s32 $0x1B8B  }
0xa2: {  	_ =	swait.ge [sflag:s23], $0x1  }
0xa3: {  	[sflag:s23] =	ssyncset.done $0x0  }
0xa4: {  	s25 =	simm.s32 $0x1B8E;
	s24 =	sld [smem:$0x3FFE];
	[sflag:s23] =	ssyncadd.s32 $0xFFFFFFFF  }
0xa5: {  	s26 =	simm.s32 $execute0_lowered;
	[smem:$0x3FD2] =	sst s25  }
0xa6: {  	s4 =	sshll.u32 s26, $0x1;
	_ =	strace $0x80000058;
	[dreg:$0x1] =	wrdreg $0xFFFFFFFF  }
0xa7: {  	s28 =	simm.s32 $_size_execute0_lowered;
	s2 =	sadd.s32 s2, s4;
	[dreg:$0x0] =	wrdreg $0x0  }
0xa8: {  	s4 =	sshll.u32 s28, $0x1;
	[dreg:$0x2] =	wrdreg s2  }
0xa9: {  	[dreg:$0x3] =	wrdreg s4  }
0xaa: {  	[dreg:$0x4] =	wrdreg $0xC0  }
0xab: {  	_ =	task [dreg:s6], $0x5FFFF  }
0xac: {  	[dreg:$0x1] =	wrdreg $0xFFFFFFFF  }
0xad: {  	[dreg:$0x0] =	wrdreg $0x60  }
0xae: {  	[dreg:$0x2] =	wrdreg s24  }
0xaf: {  	[dreg:$0x3] =	wrdreg $0x9  }
0xb0: {  	_ =	task.clear_ibuf [dreg:s6], $0x4FFFF;
	_ =	strace $0x90000058  }
0xb1: {  	s29 =	simm.s32 $0x9;
	_ =	strace $0x8000005A  }
0xb2: {  	_ =	swait.ge [sflag:s29], $0x1  }
0xb3: {  	[sflag:s29] =	ssyncadd.s32 $0xFFFFFFFF  }
0xb4: {  	_ =	strace $0x9000005A  }
0xb5: {  	_ =	sfence  }
0xb6: {  	s30 =	sld [smem:$0x0];
	_ =	sdelay $0x2  }
0xb7: {  	s31 =	sshll.u32 s1, $0xD;
	s1 =	sshrl.u32 s1, $0x2  }
0xb8: {  	s3 =	sand.u32 $0x4000, s31;
	s1 =	sadd.s32 s1, s30  }
0xb9: {  	s0 =	sor.u32 s3, s0;
	s1 =	sshll.u32 s1, $0x11  }
0xba: {  	s0 =	sor.u32 s1, s0  }
0xbb: {  	s0 =	sadd.s32 $0x8F2B, s0  }
0xbc: {  	[sflag:s0] =	ssyncadd.remote.s32 $0x1  }
0xbd: {  	_ =	sfence.sel $0xFFFF  }
0xbe: {  	[dreg:$0x0] =	wrdreg $0xFFFFFFFF;
	(pc) =	sbr.abs _section_cstart, $3  }
0xbf: {  	[dreg:$0x1] =	wrdreg $0xFFFFFFFF  }
0xc0: {  	_ =	task.clear_ibuf [dreg:s6], $0x2FFFF;
	_ =	strace $0x9FFFFFFF  }
0xc1: {  	(tm) =	ssettm $0x7FFFFFFF  }
tec
execute0_lowered:
.L_overlay_start_1:
0x0: {  	(tag) =	ssettag $0x1  }
0x1: {  	s7 =	rddreg [dreg:$0x0]  }
0x2: {  	s0 =	rddreg [dreg:$0x1];
	s1 =	simm.s32 $0x0;
	s5 =	srdreg.scid  }
0x3: {  	s2 =	stileid.u32;
	s12 =	simm.s32 $0x7D0;
	s13 =	simm.s32 $0x4650  }
0x4: {  	s14 =	simm.s32 $0x1;
	s15 =	simm.s32 $0x2;
	s16 =	simm.s32 $0x84D0  }
0x5: {  	s17 =	simm.s32 $0x0;
	[smem:$0x7FF] =	sst s1;
	s3 =	sadd.s32 $0x33000, s7  }
0x6: {  	s4 =	sadd.s32 $0x4BC00, s7;
	s8 =	sand.u32 $0x1, s5;
	s5 =	sadd.s32 $0x41E00, s7  }
0x7: {  	s10 =	sshll.u32 s2, $0x1;
	s6 =	sadd.s32 $0x38000, s7;
	s9 =	ssub.s32 $0x2, s8  }
0x8: {  	s7 =	sadd.s32 $0x10F200, s7;
	_ =	strace $0x80000059;
	s11 =	sshrl.u32 s9, $0x1  }
0x9: {  	v0 =	vlaneseq.u32;
	s8 =	sor.u32 s8, s10;
	s10 =	simm.s32 $0x3;
	s9 =	ssub.s32 s9, s11  }
0xa: {  	vm0 =	vmmov $0xff;
	v0 =	vor.u32 $0x8, v0;
	s8 =	smul.u32 $0x2710, s8;
	s11 =	simm.s32 $0x3E8;
	s9 =	smax.u32 s9, $0x1  }
.LBB2_1:
0xb: {  	s18 =	simm.s32 $0x0  }
.LBB2_2:
0xc: {  	s19 =	smul.u32 $0x3E8, s18;
	_ =	sdelay $0x1  }
0xd: {  	s19 =	sadd.s32 s8, s19  }
0xe: {  	s20 =	sshrl.u32 s19, $0x3  }
0xf: {  	s22 =	simm.s32 $0x0;
	s21 =	sadd.s32 s5, s20  }
0x10: {  	[tilespmem:s22], [sflag:$0x3] =	stream.linear.gather [hbm4b:s21+s22], $0x3E8, $0x38;
	[tilespmem:$0xC350] =	vst v63  }
0x11: {  	_ =	swait.ge [sflag:s10], $0x3E8  }
0x12: {  	[sflag:s10] =	ssyncset.done $0x0  }
0x13: {  	s20 =	sadd.s32 s6, s20;
	[sflag:s10] =	ssyncadd.s32 $0xFFFFFC18  }
0x14: {  	[tilespmem:s11], [sflag:$0x3] =	stream.linear.gather [hbm4b:s20+s22], $0x3E8, $0x38;
	[tilespmem:$0xC350] =	vst v63  }
0x15: {  	_ =	swait.ge [sflag:s10], $0x3E8  }
0x16: {  	[sflag:s10] =	ssyncset.done $0x0  }
0x17: {  	[sflag:s10] =	ssyncadd.s32 $0xFFFFFC18  }
0x18: {  	[tilespmem:s12], [sflag:$0x1] =	stream.indirect.gather [hbm4b:s3+s11], $0x10, s22, s11, $0xb8;
	[tilespmem:$0xC350] =	vst v63  }
0x19: {  	_ = 	snop  }
0x1a: {  	[tilespmem:s13], [sflag:$0x2] =	stream.indirect.gather [hbm4b:s4+s11], $0x10, s11, s11, $0xb8;
	[tilespmem:$0xC350] =	vst v63  }
0x1b: {  	_ =	swait.ge [sflag:s14], $0x3E80  }
0x1c: {  	[sflag:s14] =	ssyncset.done $0x0  }
0x1d: {  	[sflag:s14] =	ssyncadd.s32 $0xFFFFC180  }
0x1e: {  	_ =	swait.ge [sflag:s15], $0x3E80  }
0x1f: {  	[sflag:s15] =	ssyncset.done $0x0  }
0x20: {  	s20 =	simm.s32 $0x0;
	[sflag:s15] =	ssyncadd.s32 $0xFFFFC180  }
0x21: {  	v1 =	vld [tilespmem:s20+$0x7D0]  }
0x22: {  	v3 =	vld [tilespmem:s20+$0x4650];
	_ =	sdelay $0x3  }
0x23: {  	s21 =	simm.s32 $0x10  }
0x24: {  	v2 =	vld [tilespmem:s21+$0x4650];
	v4 =	vadd.f32 v3, v1  }
0x25: {  	v1 =	vld [tilespmem:s21+$0x7D0]  }
0x26: {  	v5 =	vmul.f32 $2.000000030e-01, v4  }
0x27: {  	v3 =	vperm.xlane v3, v0;
	vm1 =	vgt.f32 v4, $0.0e+00  }
0x28: {  	s22 =	simm.s32 $0x80;
	v4 =	vsel vm1, v4, v5  }
.LBB2_3:
0x29: {  	s23 =	sshra.s32 s22, $0x2;
	v3 =	vsub.f32 v4, v3;
	p0 =	sne.s32 s22, $0xF9C0  }
.Ltmp0:
0x2a: {  	s22 =	sadd.s32 $0x40, s22;
	v4 =	vadd.f32 v2, v1;
	v1 =	vld [tilespmem:s23+$0x7D0];
	v5 =	vmov v2;
	(pc) =	sbr.rel @p0 .LBB2_3-.Ltmp0, $4  }
0x2b: {  	v2 =	vld [tilespmem:s23+$0x4650];
	v3 =	vnsel vm0, $0xC61C4000, v3  }
0x2c: {  	v6 =	vmul.f32 $2.000000030e-01, v4;
	[tilespmem:s20+$0x84D0] =	vst v3;
	s20 =	smov.u32 s21;
	s21 =	smov.u32 s23  }
0x2d: {  	vm1 =	vgt.f32 v4, $0.0e+00;
	v3 =	vperm.xlane v5, v0  }
0x2e: {  	v4 =	vsel vm1, v4, v6  }
0x2f: {  	_ = 	snop  }
0x30: {  	v1 =	vadd.f32 v2, v1;
	_ =	sdelay $0x1  }
0x31: {  	v5 =	vmul.f32 $2.000000030e-01, v1  }
0x32: {  	v2 =	vperm.xlane v2, v0;
	vm1 =	vgt.f32 v1, $0.0e+00  }
0x33: {  	v3 =	vsub.f32 v4, v3;
	v1 =	vsel vm1, v1, v5  }
0x34: {  	v1 =	vsub.f32 v1, v2  }
0x35: {  	s18 =	sadd.s32 $0x1, s18;
	v2 =	vnsel vm0, $0xC61C4000, v3  }
0x36: {  	s19 =	sshll.u32 s19, $0x1;
	p0 =	sne.s32 s18, $0xA;
	[tilespmem:s20+$0x84D0] =	vst v2;
	v1 =	vnsel vm0, $0xC61C4000, v1  }
.Ltmp1:
0x37: {  	s19 =	sadd.s32 s7, s19;
	[tilespmem:s21+$0x84D0] =	vst v1;
	(pc) =	sbr.rel @p0 .LBB2_2-.Ltmp1, $4  }
0x38: {  	[hbm4b:s19+s1] =	stream.linear.scatter [tilespmem:s16], [sflag:$0x3], $0x3E80, $0x38;
	[tilespmem:$0xC350] =	vst v63  }
0x39: {  	_ =	swait.ge [sflag:s10], $0x3E80  }
0x3a: {  	[sflag:s10] =	ssyncset.done $0x0  }
0x3b: {  	[sflag:s10] =	ssyncadd.s32 $0xFFFFC180  }
0x3c: {  	s17 =	sadd.s32 $0x1, s17  }
0x3d: {  	p0 =	sne.s32 s17, s9  }
.Ltmp2:
0x3e: {  	_ = 	snop;
	(pc) =	sbr.rel @p0 .LBB2_1-.Ltmp2, $1  }
0x3f: {  	_ =	sdelay $0x3  }
0x40: {  	_ =	sfence.sel $0x180000  }
0x41: {  	[bflag:$0x0] =	sbarrier.arrive $0xFFFF  }
0x42: {  	p0 =	sne.s32 s2, $0x0;
	_ =	strace $0x90000059  }
0x43: {  	s0 =	sadd.s32 @!p0 $0x100000, s0;
	[bflag:$0x2] =	sbarrier.arrive $0xFFFF  }
0x44: {  	[sflag:s0] =	ssyncadd.tile.s32 @!p0 $0x1;
	_ =	shalt  }
.Lfunc_end2:
_tile_overlayer_lowered:
.L_overlay_start_2:
0x45: {  	(tag) =	ssettag $0x2  }
0x46: {  	s0 =	rddreg [dreg:$0x0];
	s2 =	stileid.u32  }
0x47: {  	s1 =	rddreg [dreg:$0x1];
	p0 =	sne.s32 s2, $0x0  }
0x48: {  	s3 =	rddreg [dreg:$0x2];
	[bflag:$0x3] =	sbarrier.arrive $0xFFFF;
	s2 =	simm.s32 @!p0 $0x1C03  }
0x49: {  	[timem:s3], [sflag:s2] =	dma.local @!p0 [hbm:s0], s1  }
0x4a: {  	s0 =	simm.s32 @!p0 $0x3  }
0x4b: {  	_ =	swait.ge @!p0 [sflag:s0], s1  }
0x4c: {  	s1 =	ssub.s32 @!p0 $0x0, s1;
	[sflag:s0] =	ssyncset.done @!p0 $0x0  }
0x4d: {  	[sflag:s0] =	ssyncadd.s32 @!p0 s1  }
0x4e: {  	[bflag:$0x3] =	sbarrier.arrive $0xFFFF  }
0x4f: {  	_ =	shalt  }

// kernel: kernel.39.cloned.1.call-start
scs
__scs_entry_jumppad:
0x0: {  	(pc) =	sbr.rel $0x88, $3  }
0x1: {  	(tag) =	ssettag $0x0;
	lr =	simm.s32 $0x1  }
0x2: {  	[smem:$0x3F8A] =	sst lr;
	_ =	strace $0xD0000000  }
0x3: {  	_ = 	snop  }
0x4: {  	_ = 	snop  }
0x5: {  	_ = 	snop  }
0x6: {  	_ = 	snop  }
0x7: {  	_ = 	snop  }
__scs_overlays_trampoline_lowered:
0x8: {  	[smem:$0x3F99] =	sst s0  }
0x9: {  	[smem:$0x3F9A] =	sst s1  }
0xa: {  	[smem:$0x3F9B] =	sst s2  }
0xb: {  	[smem:$0x3F9C] =	sst s3  }
0xc: {  	[smem:$0x3F9D] =	sst s4  }
0xd: {  	[smem:$0x3F9E] =	sst s5  }
0xe: {  	[smem:$0x3F9F] =	sst s6  }
0xf: {  	[smem:$0x3FA0] =	sst s7  }
0x10: {  	[smem:$0x3FA1] =	sst s8  }
0x11: {  	[smem:$0x3FA2] =	sst s9;
	s0 =	simm.s32 @!p0 $0x0  }
0x12: {  	s1 =	sld [smem:$0x3F88];
	s0 =	simm.s32 @p0 $0x1  }
0x13: {  	[smem:$0x3FA3] =	sst s0;
	s0 =	simm.s32 @!p1 $0x0  }
0x14: {  	s2 =	sld [smem:$0x3F87];
	s0 =	simm.s32 @p1 $0x1  }
0x15: {  	[smem:$0x3FA4] =	sst s0;
	s0 =	simm.s32 @!p2 $0x0  }
0x16: {  	s3 =	sld [smem:$0x3FDB];
	s0 =	simm.s32 @p2 $0x1  }
0x17: {  	s4 =	simm.s32 $0x1BF5;
	[smem:$0x3FA6] =	sst s0  }
0x18: {  	s0 =	sld [smem:$0x3F89];
	_ =	swait.ge [sflag:s4], $0x0  }
0x19: {  	s7 =	sld [smem:$0x3F8A]  }
0x1a: {  	s8 =	sadd.s32 $0xFFFFE003, lr  }
0x1b: {  	s9 =	sadd.s32 $0xFFFFFEF7, lr;
	s5 =	simm.s32 $0xFFFFFFFF;
	p2 =	slt.u32 s8, $0xFFFFF086  }
0x1c: {  	p1 =	slt.u32 s9, $0xF7A;
	s5 =	simm.s32 @!p2 $0x0  }
0x1d: {  	s5 =	simm.s32 @p1 $0x1;
	p0 =	seq.s32 s7, s2  }
0x1e: {  	s7 =	smul.u32 @!p0 $0xF7A, s2;
	p2 =	seq.s32 @!p0 s5, $0x0  }
0x1f: {  	s9 =	smul.u32 $0xF7A, s1;
	s8 =	simm.s32 @!p0 $0x1BF5;
	p2 =	por !p2, p0  }
0x20: {  	[sflag:s8] =	ssyncset.s32 @!p0 $0xFFFFF086;
	s6 =	sadd.s32 @!p0 s3, s7;
	s7 =	simm.s32 @!p0 $0x108  }
0x21: {  	s3 =	sadd.s32 s3, s9;
	s6 =	sadd.s32 @!p0 $0x88, s6;
	s7 =	simm.s32 @p2 $0x1082  }
0x22: {  	[simem:s7], [sflag:s8] =	dma.local @!p0 [hbm:s6], $0xF7A  }
0x23: {  	s9 =	sor.u32 $0xD0000000, s2;
	s6 =	simm.s32 $0x108;
	_ =	swait.ge @!p0 [sflag:s8], $0x0  }
0x24: {  	s3 =	sadd.s32 $0x88, s3;
	s6 =	simm.s32 @!p1 $0x1082;
	[sflag:s4] =	ssyncset.s32 $0xFFFFF086  }
0x25: {  	[simem:s6], [sflag:s4] =	dma.local [hbm:s3], $0xF7A  }
0x26: {  	[smem:$0x3F8A] =	sst s1;
	(tag) =	ssettag s2;
	_ =	strace s9  }
0x27: {  	s1 =	sld [smem:$0x3F9A]  }
0x28: {  	s2 =	sld [smem:$0x3F9B]  }
0x29: {  	s4 =	sld [smem:$0x3F9D]  }
0x2a: {  	p0 =	seq.s32 s5, $0x0;
	s5 =	sld [smem:$0x3F9E]  }
0x2b: {  	s6 =	sld [smem:$0x3F9F]  }
0x2c: {  	s7 =	sld [smem:$0x3FA0]  }
0x2d: {  	s3 =	simm.s32 $0x108;
	s8 =	sld [smem:$0x3FA1]  }
0x2e: {  	s3 =	simm.s32 @!p0 $0x1082;
	s9 =	sld [smem:$0x3FA2]  }
0x2f: {  	lr =	sadd.s32 s0, s3;
	s0 =	sld [smem:$0x3F99]  }
0x30: {  	s3 =	sld [smem:$0x3F9C]  }
0x31: {  	[smem:$0x3FA5] =	sst s10  }
0x32: {  	s10 =	sld [smem:$0x3FA3];
	_ =	sdelay $0x3  }
0x33: {  	p0 =	seq.s32 s10, $0x1;
	s10 =	sld [smem:$0x3FA5];
	_ =	sdelay $0x3  }
0x34: {  	[smem:$0x3FA5] =	sst s10  }
0x35: {  	s10 =	sld [smem:$0x3FA4];
	_ =	sdelay $0x3  }
0x36: {  	p1 =	seq.s32 s10, $0x1;
	s10 =	sld [smem:$0x3FA5];
	_ =	sdelay $0x3  }
0x37: {  	[smem:$0x3FA5] =	sst s10  }
0x38: {  	s10 =	sld [smem:$0x3FA6]  }
0x39: {  	_ = 	snop;
	(pc) =	sbr.ind lr, $3  }
0x3a: {  	_ = 	snop  }
0x3b: {  	_ = 	snop  }
0x3c: {  	p2 =	seq.s32 s10, $0x1;
	s10 =	sld [smem:$0x3FA5]  }
0x3d: {  	_ =	shalt  }
0x3e: {  	_ =	shalt  }
0x3f: {  	_ =	shalt  }
0x40: {  	_ =	shalt  }
0x41: {  	_ =	shalt  }
0x42: {  	_ =	shalt  }
0x43: {  	_ =	shalt  }
0x44: {  	_ =	shalt  }
0x45: {  	_ =	shalt  }
0x46: {  	_ =	shalt  }
0x47: {  	_ =	shalt  }
0x48: {  	_ =	shalt  }
0x49: {  	_ =	shalt  }
0x4a: {  	_ =	shalt  }
0x4b: {  	_ =	shalt  }
0x4c: {  	_ =	shalt  }
0x4d: {  	_ =	shalt  }
0x4e: {  	_ =	shalt  }
0x4f: {  	_ =	shalt  }
0x50: {  	_ =	shalt  }
0x51: {  	_ =	shalt  }
0x52: {  	_ =	shalt  }
0x53: {  	_ =	shalt  }
0x54: {  	_ =	shalt  }
0x55: {  	_ =	shalt  }
0x56: {  	_ =	shalt  }
0x57: {  	_ =	shalt  }
0x58: {  	_ =	shalt  }
0x59: {  	_ =	shalt  }
0x5a: {  	_ =	shalt  }
0x5b: {  	_ =	shalt  }
0x5c: {  	_ =	shalt  }
0x5d: {  	_ =	shalt  }
0x5e: {  	_ =	shalt  }
0x5f: {  	_ =	shalt  }
0x60: {  	_ =	shalt  }
0x61: {  	_ =	shalt  }
0x62: {  	_ =	shalt  }
0x63: {  	_ =	shalt  }
0x64: {  	_ =	shalt  }
0x65: {  	_ =	shalt  }
0x66: {  	_ =	shalt  }
0x67: {  	_ =	shalt  }
0x68: {  	_ =	shalt  }
0x69: {  	_ =	shalt  }
0x6a: {  	_ =	shalt  }
0x6b: {  	_ =	shalt  }
0x6c: {  	_ =	shalt  }
0x6d: {  	_ =	shalt  }
0x6e: {  	_ =	shalt  }
0x6f: {  	_ =	shalt  }
0x70: {  	_ =	shalt  }
0x71: {  	_ =	shalt  }
0x72: {  	_ =	shalt  }
0x73: {  	_ =	shalt  }
0x74: {  	_ =	shalt  }
0x75: {  	_ =	shalt  }
0x76: {  	_ =	shalt  }
0x77: {  	_ =	shalt  }
0x78: {  	_ =	shalt  }
0x79: {  	_ =	shalt  }
0x7a: {  	_ =	shalt  }
0x7b: {  	_ =	shalt  }
0x7c: {  	_ =	shalt  }
0x7d: {  	_ =	shalt  }
0x7e: {  	_ =	shalt  }
0x7f: {  	_ =	shalt  }
0x80: {  	_ =	shalt  }
0x81: {  	_ =	shalt  }
0x82: {  	_ =	shalt  }
0x83: {  	_ =	shalt  }
0x84: {  	_ =	shalt  }
0x85: {  	_ =	shalt  }
0x86: {  	_ =	shalt  }
0x87: {  	_ =	shalt  }
.Lfunc_end0:
.L_simem_size_0:
called_computation.7_lowered:
.L_overlay_start_0:
0x88: {  	s2 =	sld [smem:$0x3FD9]  }
0x89: {  	s3 =	sld [smem:$0x3FFE];
	_ =	sdelay $0x1  }
0x8a: {  	s1 =	srdreg.scid  }
0x8b: {  	s0 =	sand.u32 $0x1, s1  }
0x8c: {  	s16 =	sshll.u32 s0, $0xA;
	s2 =	sadd.s32 s3, s2  }
0x8d: {  	s2 =	sadd.s32 s2, s16  }
0x8e: {  	[smem:$0x3FB1] =	sst s2  }
0x8f: {  	_ = 	snop  }
0x90: {  	(tm) =	ssettm $0x1  }
0x91: {  	s17 =	sld [smem:$0x3FFB];
	_ =	sdelay $0x3  }
0x92: {  	_ =	strace s17  }
0x93: {  	s2 =	sld [smem:$0x3FFC];
	_ =	sdelay $0x3  }
0x94: {  	_ =	strace s2  }
0x95: {  	s2 =	sld [smem:$0x3FFD];
	_ =	sdelay $0x3  }
0x96: {  	_ =	strace s2  }
0x97: {  	_ =	strace $0x8FFFFFFF  }
0x98: {  	s18 =	sld [smem:$0x3FDB];
	_ =	sdelay $0x1  }
0x99: {  	s19 =	simm.s32 $_scs_section_size  }
0x9a: {  	s4 =	simm.s32 $_size__tile_overlayer_lowered;
	s5 =	simm.s32 $_tile_overlayer_lowered  }
0x9b: {  	s22 =	simm.s32 $0x1BFF;
	s21 =	sshll.u32 s5, $0x1;
	s2 =	sadd.s32 s19, s18  }
0x9c: {  	s6 =	simm.s32 $0x0;
	s20 =	sshll.u32 s4, $0x1;
	s4 =	sadd.s32 s21, s2  }
0x9d: {  	[timem:s6], [sflag:s22] =	dma.local [hbm:s4], s20  }
0x9e: {  	_ =	swait.ge [sflag:s22], s20  }
0x9f: {  	s3 =	ssub.s32 $0x0, s20;
	[sflag:s22] =	ssyncset.done $0x0  }
0xa0: {  	[sflag:s22] =	ssyncadd.s32 s3;
	_ =	sdelay $0x1  }
0xa1: {  	s23 =	simm.s32 $0x1B8B  }
0xa2: {  	_ =	swait.ge [sflag:s23], $0x1  }
0xa3: {  	[sflag:s23] =	ssyncset.done $0x0  }
0xa4: {  	s25 =	simm.s32 $0x1B8E;
	s24 =	sld [smem:$0x3FFE];
	[sflag:s23] =	ssyncadd.s32 $0xFFFFFFFF  }
0xa5: {  	s26 =	simm.s32 $execute0_lowered;
	[smem:$0x3FD2] =	sst s25  }
0xa6: {  	s4 =	sshll.u32 s26, $0x1;
	_ =	strace $0x8000005B;
	[dreg:$0x1] =	wrdreg $0xFFFFFFFF  }
0xa7: {  	s28 =	simm.s32 $_size_execute0_lowered;
	s2 =	sadd.s32 s2, s4;
	[dreg:$0x0] =	wrdreg $0x0  }
0xa8: {  	s4 =	sshll.u32 s28, $0x1;
	[dreg:$0x2] =	wrdreg s2  }
0xa9: {  	[dreg:$0x3] =	wrdreg s4  }
0xaa: {  	[dreg:$0x4] =	wrdreg $0xC0  }
0xab: {  	_ =	task [dreg:s6], $0x5FFFF  }
0xac: {  	[dreg:$0x1] =	wrdreg $0xFFFFFFFF  }
0xad: {  	[dreg:$0x0] =	wrdreg $0x60  }
0xae: {  	[dreg:$0x2] =	wrdreg s24  }
0xaf: {  	[dreg:$0x3] =	wrdreg $0x42680  }
0xb0: {  	[dreg:$0x4] =	wrdreg $0x9  }
0xb1: {  	_ =	task.clear_ibuf [dreg:s6], $0x5FFFF;
	_ =	strace $0x9000005B  }
0xb2: {  	s29 =	simm.s32 $0x9;
	_ =	strace $0x8000005D  }
0xb3: {  	_ =	swait.ge [sflag:s29], $0x1  }
0xb4: {  	[sflag:s29] =	ssyncadd.s32 $0xFFFFFFFF  }
0xb5: {  	_ =	strace $0x9000005D  }
0xb6: {  	_ =	sfence  }
0xb7: {  	s30 =	sld [smem:$0x0];
	_ =	sdelay $0x2  }
0xb8: {  	s31 =	sshll.u32 s1, $0xD;
	s1 =	sshrl.u32 s1, $0x2  }
0xb9: {  	s3 =	sand.u32 $0x4000, s31;
	s1 =	sadd.s32 s1, s30  }
0xba: {  	s0 =	sor.u32 s3, s0;
	s1 =	sshll.u32 s1, $0x11  }
0xbb: {  	s0 =	sor.u32 s1, s0  }
0xbc: {  	s0 =	sadd.s32 $0x8F2B, s0  }
0xbd: {  	[sflag:s0] =	ssyncadd.remote.s32 $0x1  }
0xbe: {  	_ =	sfence.sel $0xFFFF  }
0xbf: {  	[dreg:$0x0] =	wrdreg $0xFFFFFFFF;
	(pc) =	sbr.abs _section_cstart, $3  }
0xc0: {  	[dreg:$0x1] =	wrdreg $0xFFFFFFFF  }
0xc1: {  	_ =	task.clear_ibuf [dreg:s6], $0x2FFFF;
	_ =	strace $0x9FFFFFFF  }
0xc2: {  	(tm) =	ssettm $0x7FFFFFFF  }
0xc3: {  	_ =	shalt  }
tec
execute0_lowered:
.L_overlay_start_1:
0x0: {  	(tag) =	ssettag $0x1  }
0x1: {  	s0 =	srdreg.scid;
	s5 =	rddreg [dreg:$0x0]  }
0x2: {  	s6 =	stileid.u32;
	s1 =	rddreg [dreg:$0x1]  }
0x3: {  	s2 =	simm.s32 $0x0;
	s11 =	simm.s32 $0x0;
	s4 =	smul.u32 $0x4E20, s6  }
0x4: {  	s3 =	sand.u32 $0x1, s0;
	s0 =	rddreg [dreg:$0x2];
	s10 =	smul.u32 $0x9C40, s6  }
0x5: {  	[smem:$0x7FF] =	sst s2;
	p0 =	sne.s32 s6, $0x0;
	s7 =	smul.u32 $0x2710, s3  }
0x6: {  	s29 =	smul.u32 $0x4E20, s3;
	_ =	strace $0x8000005C;
	s30 =	ssub.s32 $0x2, s3  }
0x7: {  	s3 =	sadd.s32 $0x2E000, s5;
	s9 =	sshrl.u32 s30, $0x1;
	s4 =	sadd.s32 s7, s4  }
0x8: {  	s7 =	sadd.s32 s29, s5;
	s31 =	ssub.s32 s30, s9;
	s4 =	sshrl.u32 s4, $0x3  }
0x9: {  	s9 =	simm.s32 $0x1;
	s8 =	sadd.s32 s4, s5;
	s4 =	sadd.s32 $0x10F200, s7  }
0xa: {  	s5 =	smax.u32 s31, $0x1;
	s7 =	sadd.s32 s10, s7;
	s10 =	simm.s32 $0x3E8  }
0xb: {  	s6 =	sadd.s32 $0x4BC00, s7;
	s7 =	sadd.s32 $0x38000, s8;
	s8 =	sshrl.u32 @!p0 s1, $0x3  }
.LBB2_1:
0xc: {  	s12 =	simm.s32 @!p0 $0x1C01  }
0xd: {  	[spmem:s8], [sflag:s12] =	dma.local @!p0 [hbm:s3], $0x4E20  }
0xe: {  	s12 =	simm.s32 @!p0 $0x1  }
0xf: {  	_ =	swait.ge @!p0 [sflag:s12], $0x4E20  }
0x10: {  	[sflag:s12] =	ssyncset.done @!p0 $0x0  }
0x11: {  	[sflag:s12] =	ssyncadd.s32 @!p0 $0xFFFFB1E0  }
0x12: {  	s31 =	sadd.s32 $0x0, s7;
	[bflag:$0x0] =	sbarrier.arrive $0xFFFF  }
0x13: {  	[tilespmem:s2], [sflag:$0x1] =	stream.linear.gather [hbm4b:s31+s2], $0x3E8, $0x38;
	[tilespmem:$0x6978] =	vst v63  }
0x14: {  	_ =	swait.ge [sflag:s9], $0x3E8  }
0x15: {  	[sflag:s9] =	ssyncset.done $0x0  }
0x16: {  	[sflag:s9] =	ssyncadd.s32 $0xFFFFFC18  }
0x17: {  	[tilespmem:s10], [sflag:$0x1] =	stream.linear.gather [hbm4b:s6+s2], $0x3E80, $0x38;
	[tilespmem:$0x6978] =	vst v63  }
0x18: {  	_ =	swait.ge [sflag:s9], $0x3E80  }
0x19: {  	[sflag:s9] =	ssyncset.done $0x0  }
0x1a: {  	[sflag:s9] =	ssyncadd.s32 $0xFFFFC180  }
0x1b: {  	[spmem:s1] =	stream.indirect.scatter.add.f32 [tilespmem:s10], [sflag:$0x1], $0x10, s2, s10, $0xb8;
	[tilespmem:$0x6978] =	vst v63  }
0x1c: {  	s13 =	simm.s32 $0x7D;
	_ =	swait.ge [sflag:s9], $0x3E80  }
0x1d: {  	s14 =	simm.s32 $0xFA;
	s12 =	sadd.s32 $0x7D0, s6;
	[sflag:s9] =	ssyncset.done $0x0  }
.LBB2_2:
0x1e: {  	s15 =	sadd.s32 s13, s7  }
0x1f: {  	[sflag:s9] =	ssyncadd.s32 $0xFFFFC180;
	s13 =	smov.u32 s14;
	s16 =	sadd.s32 $0x7D, s14  }
0x20: {  	[tilespmem:s2], [sflag:$0x1] =	stream.linear.gather [hbm4b:s15+s2], $0x3E8, $0x38;
	[tilespmem:$0x6978] =	vst v63  }
0x21: {  	p1 =	sne.s32 s14, $0x465;
	_ =	swait.ge [sflag:s9], $0x3E8  }
0x22: {  	[sflag:s9] =	ssyncset.done $0x0  }
0x23: {  	[sflag:s9] =	ssyncadd.s32 $0xFFFFFC18  }
0x24: {  	[tilespmem:s10], [sflag:$0x1] =	stream.linear.gather [hbm4b:s12+s2], $0x3E80, $0x38;
	[tilespmem:$0x6978] =	vst v63  }
0x25: {  	_ =	swait.ge [sflag:s9], $0x3E80  }
.Ltmp0:
0x26: {  	[sflag:s9] =	ssyncset.done $0x0;
	(pc) =	sbr.rel @p1 .LBB2_2-.Ltmp0, $4  }
0x27: {  	[sflag:s9] =	ssyncadd.s32 $0xFFFFC180  }
0x28: {  	[spmem:s1] =	stream.indirect.scatter.add.f32 [tilespmem:s10], [sflag:$0x1], $0x10, s2, s10, $0xb8;
	[tilespmem:$0x6978] =	vst v63  }
0x29: {  	_ =	swait.ge [sflag:s9], $0x3E80  }
0x2a: {  	s14 =	smov.u32 s16;
	s12 =	sadd.s32 $0x7D0, s12;
	[sflag:s9] =	ssyncset.done $0x0  }
0x2b: {  	s13 =	sadd.s32 s13, s7;
	[sflag:s9] =	ssyncadd.s32 $0xFFFFC180  }
0x2c: {  	[tilespmem:s2], [sflag:$0x1] =	stream.linear.gather [hbm4b:s13+s2], $0x3E8, $0x38;
	[tilespmem:$0x6978] =	vst v63  }
0x2d: {  	_ =	swait.ge [sflag:s9], $0x3E8  }
0x2e: {  	[sflag:s9] =	ssyncset.done $0x0  }
0x2f: {  	[sflag:s9] =	ssyncadd.s32 $0xFFFFFC18  }
0x30: {  	[tilespmem:s10], [sflag:$0x1] =	stream.linear.gather [hbm4b:s12+s2], $0x3E80, $0x38;
	[tilespmem:$0x6978] =	vst v63  }
0x31: {  	_ =	swait.ge [sflag:s9], $0x3E80  }
0x32: {  	[sflag:s9] =	ssyncset.done $0x0  }
0x33: {  	[sflag:s9] =	ssyncadd.s32 $0xFFFFC180  }
0x34: {  	[spmem:s1] =	stream.indirect.scatter.add.f32 [tilespmem:s10], [sflag:$0x1], $0x10, s2, s10, $0xb8;
	[tilespmem:$0x6978] =	vst v63  }
0x35: {  	_ =	swait.ge [sflag:s9], $0x3E80  }
0x36: {  	[sflag:s9] =	ssyncset.done $0x0  }
0x37: {  	s11 =	sadd.s32 $0x1, s11;
	[sflag:s9] =	ssyncadd.s32 $0xFFFFC180  }
0x38: {  	p1 =	sne.s32 s11, s5;
	s12 =	simm.s32 @!p0 $0x1C01;
	[bflag:$0x0] =	sbarrier.arrive $0xFFFF  }
0x39: {  	[hbm:s4], [sflag:s12] =	dma.local @!p0 [spmem:s8], $0x4E20  }
.Ltmp1:
0x3a: {  	_ = 	snop;
	(pc) =	sbr.rel @p1 .LBB2_1-.Ltmp1, $4  }
0x3b: {  	s12 =	simm.s32 @!p0 $0x1  }
0x3c: {  	_ =	swait.ge @!p0 [sflag:s12], $0x4E20  }
0x3d: {  	[sflag:s12] =	ssyncset.done @!p0 $0x0  }
0x3e: {  	[sflag:s12] =	ssyncadd.s32 @!p0 $0xFFFFB1E0  }
0x3f: {  	_ =	sfence.sel $0x180000  }
0x40: {  	[bflag:$0x0] =	sbarrier.arrive $0xFFFF  }
0x41: {  	_ =	strace $0x9000005C  }
0x42: {  	s0 =	sadd.s32 @!p0 $0x100000, s0;
	[bflag:$0x2] =	sbarrier.arrive $0xFFFF  }
0x43: {  	[sflag:s0] =	ssyncadd.tile.s32 @!p0 $0x1;
	_ =	shalt  }
.Lfunc_end2:
_tile_overlayer_lowered:
.L_overlay_start_2:
0x44: {  	(tag) =	ssettag $0x2  }
0x45: {  	s0 =	rddreg [dreg:$0x0];
	s2 =	stileid.u32  }
0x46: {  	s1 =	rddreg [dreg:$0x1];
	p0 =	sne.s32 s2, $0x0  }
0x47: {  	s3 =	rddreg [dreg:$0x2];
	[bflag:$0x3] =	sbarrier.arrive $0xFFFF;
	s2 =	simm.s32 @!p0 $0x1C01  }
0x48: {  	[timem:s3], [sflag:s2] =	dma.local @!p0 [hbm:s0], s1  }
0x49: {  	s0 =	simm.s32 @!p0 $0x1  }
0x4a: {  	_ =	swait.ge @!p0 [sflag:s0], s1  }
0x4b: {  	s1 =	ssub.s32 @!p0 $0x0, s1;
	[sflag:s0] =	ssyncset.done @!p0 $0x0  }
0x4c: {  	[sflag:s0] =	ssyncadd.s32 @!p0 s1  }
0x4d: {  	[bflag:$0x3] =	sbarrier.arrive $0xFFFF  }
0x4e: {  	_ =	shalt  }

// kernel: kernel.42.cloned.1.call-start
scs
__scs_entry_jumppad:
0x0: {  	(pc) =	sbr.rel $0x88, $3  }
0x1: {  	(tag) =	ssettag $0x0;
	lr =	simm.s32 $0x1  }
0x2: {  	[smem:$0x3F8A] =	sst lr;
	_ =	strace $0xD0000000  }
0x3: {  	_ = 	snop  }
0x4: {  	_ = 	snop  }
0x5: {  	_ = 	snop  }
0x6: {  	_ = 	snop  }
0x7: {  	_ = 	snop  }
__scs_overlays_trampoline_lowered:
0x8: {  	[smem:$0x3F99] =	sst s0  }
0x9: {  	[smem:$0x3F9A] =	sst s1  }
0xa: {  	[smem:$0x3F9B] =	sst s2  }
0xb: {  	[smem:$0x3F9C] =	sst s3  }
0xc: {  	[smem:$0x3F9D] =	sst s4  }
0xd: {  	[smem:$0x3F9E] =	sst s5  }
0xe: {  	[smem:$0x3F9F] =	sst s6  }
0xf: {  	[smem:$0x3FA0] =	sst s7  }
0x10: {  	[smem:$0x3FA1] =	sst s8  }
0x11: {  	[smem:$0x3FA2] =	sst s9;
	s0 =	simm.s32 @!p0 $0x0  }
0x12: {  	s1 =	sld [smem:$0x3F88];
	s0 =	simm.s32 @p0 $0x1  }
0x13: {  	[smem:$0x3FA3] =	sst s0;
	s0 =	simm.s32 @!p1 $0x0  }
0x14: {  	s2 =	sld [smem:$0x3F87];
	s0 =	simm.s32 @p1 $0x1  }
0x15: {  	[smem:$0x3FA4] =	sst s0;
	s0 =	simm.s32 @!p2 $0x0  }
0x16: {  	s3 =	sld [smem:$0x3FDB];
	s0 =	simm.s32 @p2 $0x1  }
0x17: {  	s4 =	simm.s32 $0x1BF5;
	[smem:$0x3FA6] =	sst s0  }
0x18: {  	s0 =	sld [smem:$0x3F89];
	_ =	swait.ge [sflag:s4], $0x0  }
0x19: {  	s7 =	sld [smem:$0x3F8A]  }
0x1a: {  	s8 =	sadd.s32 $0xFFFFE003, lr  }
0x1b: {  	s9 =	sadd.s32 $0xFFFFFEF7, lr;
	s5 =	simm.s32 $0xFFFFFFFF;
	p2 =	slt.u32 s8, $0xFFFFF086  }
0x1c: {  	p1 =	slt.u32 s9, $0xF7A;
	s5 =	simm.s32 @!p2 $0x0  }
0x1d: {  	s5 =	simm.s32 @p1 $0x1;
	p0 =	seq.s32 s7, s2  }
0x1e: {  	s7 =	smul.u32 @!p0 $0xF7A, s2;
	p2 =	seq.s32 @!p0 s5, $0x0  }
0x1f: {  	s9 =	smul.u32 $0xF7A, s1;
	s8 =	simm.s32 @!p0 $0x1BF5;
	p2 =	por !p2, p0  }
0x20: {  	[sflag:s8] =	ssyncset.s32 @!p0 $0xFFFFF086;
	s6 =	sadd.s32 @!p0 s3, s7;
	s7 =	simm.s32 @!p0 $0x108  }
0x21: {  	s3 =	sadd.s32 s3, s9;
	s6 =	sadd.s32 @!p0 $0x88, s6;
	s7 =	simm.s32 @p2 $0x1082  }
0x22: {  	[simem:s7], [sflag:s8] =	dma.local @!p0 [hbm:s6], $0xF7A  }
0x23: {  	s9 =	sor.u32 $0xD0000000, s2;
	s6 =	simm.s32 $0x108;
	_ =	swait.ge @!p0 [sflag:s8], $0x0  }
0x24: {  	s3 =	sadd.s32 $0x88, s3;
	s6 =	simm.s32 @!p1 $0x1082;
	[sflag:s4] =	ssyncset.s32 $0xFFFFF086  }
0x25: {  	[simem:s6], [sflag:s4] =	dma.local [hbm:s3], $0xF7A  }
0x26: {  	[smem:$0x3F8A] =	sst s1;
	(tag) =	ssettag s2;
	_ =	strace s9  }
0x27: {  	s1 =	sld [smem:$0x3F9A]  }
0x28: {  	s2 =	sld [smem:$0x3F9B]  }
0x29: {  	s4 =	sld [smem:$0x3F9D]  }
0x2a: {  	p0 =	seq.s32 s5, $0x0;
	s5 =	sld [smem:$0x3F9E]  }
0x2b: {  	s6 =	sld [smem:$0x3F9F]  }
0x2c: {  	s7 =	sld [smem:$0x3FA0]  }
0x2d: {  	s3 =	simm.s32 $0x108;
	s8 =	sld [smem:$0x3FA1]  }
0x2e: {  	s3 =	simm.s32 @!p0 $0x1082;
	s9 =	sld [smem:$0x3FA2]  }
0x2f: {  	lr =	sadd.s32 s0, s3;
	s0 =	sld [smem:$0x3F99]  }
0x30: {  	s3 =	sld [smem:$0x3F9C]  }
0x31: {  	[smem:$0x3FA5] =	sst s10  }
0x32: {  	s10 =	sld [smem:$0x3FA3];
	_ =	sdelay $0x3  }
0x33: {  	p0 =	seq.s32 s10, $0x1;
	s10 =	sld [smem:$0x3FA5];
	_ =	sdelay $0x3  }
0x34: {  	[smem:$0x3FA5] =	sst s10  }
0x35: {  	s10 =	sld [smem:$0x3FA4];
	_ =	sdelay $0x3  }
0x36: {  	p1 =	seq.s32 s10, $0x1;
	s10 =	sld [smem:$0x3FA5];
	_ =	sdelay $0x3  }
0x37: {  	[smem:$0x3FA5] =	sst s10  }
0x38: {  	s10 =	sld [smem:$0x3FA6]  }
0x39: {  	_ = 	snop;
	(pc) =	sbr.ind lr, $3  }
0x3a: {  	_ = 	snop  }
0x3b: {  	_ = 	snop  }
0x3c: {  	p2 =	seq.s32 s10, $0x1;
	s10 =	sld [smem:$0x3FA5]  }
0x3d: {  	_ =	shalt  }
0x3e: {  	_ =	shalt  }
0x3f: {  	_ =	shalt  }
0x40: {  	_ =	shalt  }
0x41: {  	_ =	shalt  }
0x42: {  	_ =	shalt  }
0x43: {  	_ =	shalt  }
0x44: {  	_ =	shalt  }
0x45: {  	_ =	shalt  }
0x46: {  	_ =	shalt  }
0x47: {  	_ =	shalt  }
0x48: {  	_ =	shalt  }
0x49: {  	_ =	shalt  }
0x4a: {  	_ =	shalt  }
0x4b: {  	_ =	shalt  }
0x4c: {  	_ =	shalt  }
0x4d: {  	_ =	shalt  }
0x4e: {  	_ =	shalt  }
0x4f: {  	_ =	shalt  }
0x50: {  	_ =	shalt  }
0x51: {  	_ =	shalt  }
0x52: {  	_ =	shalt  }
0x53: {  	_ =	shalt  }
0x54: {  	_ =	shalt  }
0x55: {  	_ =	shalt  }
0x56: {  	_ =	shalt  }
0x57: {  	_ =	shalt  }
0x58: {  	_ =	shalt  }
0x59: {  	_ =	shalt  }
0x5a: {  	_ =	shalt  }
0x5b: {  	_ =	shalt  }
0x5c: {  	_ =	shalt  }
0x5d: {  	_ =	shalt  }
0x5e: {  	_ =	shalt  }
0x5f: {  	_ =	shalt  }
0x60: {  	_ =	shalt  }
0x61: {  	_ =	shalt  }
0x62: {  	_ =	shalt  }
0x63: {  	_ =	shalt  }
0x64: {  	_ =	shalt  }
0x65: {  	_ =	shalt  }
0x66: {  	_ =	shalt  }
0x67: {  	_ =	shalt  }
0x68: {  	_ =	shalt  }
0x69: {  	_ =	shalt  }
0x6a: {  	_ =	shalt  }
0x6b: {  	_ =	shalt  }
0x6c: {  	_ =	shalt  }
0x6d: {  	_ =	shalt  }
0x6e: {  	_ =	shalt  }
0x6f: {  	_ =	shalt  }
0x70: {  	_ =	shalt  }
0x71: {  	_ =	shalt  }
0x72: {  	_ =	shalt  }
0x73: {  	_ =	shalt  }
0x74: {  	_ =	shalt  }
0x75: {  	_ =	shalt  }
0x76: {  	_ =	shalt  }
0x77: {  	_ =	shalt  }
0x78: {  	_ =	shalt  }
0x79: {  	_ =	shalt  }
0x7a: {  	_ =	shalt  }
0x7b: {  	_ =	shalt  }
0x7c: {  	_ =	shalt  }
0x7d: {  	_ =	shalt  }
0x7e: {  	_ =	shalt  }
0x7f: {  	_ =	shalt  }
0x80: {  	_ =	shalt  }
0x81: {  	_ =	shalt  }
0x82: {  	_ =	shalt  }
0x83: {  	_ =	shalt  }
0x84: {  	_ =	shalt  }
0x85: {  	_ =	shalt  }
0x86: {  	_ =	shalt  }
0x87: {  	_ =	shalt  }
.Lfunc_end0:
.L_simem_size_0:
called_computation.8_lowered:
.L_overlay_start_0:
0x88: {  	s2 =	sld [smem:$0x3FD9]  }
0x89: {  	s3 =	sld [smem:$0x3FFE];
	_ =	sdelay $0x1  }
0x8a: {  	s1 =	srdreg.scid  }
0x8b: {  	s0 =	sand.u32 $0x1, s1  }
0x8c: {  	s16 =	sshll.u32 s0, $0xA;
	s2 =	sadd.s32 s3, s2  }
0x8d: {  	s2 =	sadd.s32 s2, s16  }
0x8e: {  	[smem:$0x3FB1] =	sst s2  }
0x8f: {  	_ = 	snop  }
0x90: {  	(tm) =	ssettm $0x1  }
0x91: {  	s17 =	sld [smem:$0x3FFB];
	_ =	sdelay $0x3  }
0x92: {  	_ =	strace s17  }
0x93: {  	s2 =	sld [smem:$0x3FFC];
	_ =	sdelay $0x3  }
0x94: {  	_ =	strace s2  }
0x95: {  	s2 =	sld [smem:$0x3FFD];
	_ =	sdelay $0x3  }
0x96: {  	_ =	strace s2  }
0x97: {  	_ =	strace $0x8FFFFFFF  }
0x98: {  	s18 =	sld [smem:$0x3FDB];
	_ =	sdelay $0x1  }
0x99: {  	s19 =	simm.s32 $_scs_section_size  }
0x9a: {  	s4 =	simm.s32 $_size__tile_overlayer_lowered;
	s5 =	simm.s32 $_tile_overlayer_lowered  }
0x9b: {  	s22 =	simm.s32 $0x1BFF;
	s21 =	sshll.u32 s5, $0x1;
	s2 =	sadd.s32 s19, s18  }
0x9c: {  	s6 =	simm.s32 $0x0;
	s20 =	sshll.u32 s4, $0x1;
	s4 =	sadd.s32 s21, s2  }
0x9d: {  	[timem:s6], [sflag:s22] =	dma.local [hbm:s4], s20  }
0x9e: {  	_ =	swait.ge [sflag:s22], s20  }
0x9f: {  	s3 =	ssub.s32 $0x0, s20;
	[sflag:s22] =	ssyncset.done $0x0  }
0xa0: {  	[sflag:s22] =	ssyncadd.s32 s3;
	_ =	sdelay $0x1  }
0xa1: {  	s23 =	simm.s32 $0x1B8B  }
0xa2: {  	_ =	swait.ge [sflag:s23], $0x1  }
0xa3: {  	[sflag:s23] =	ssyncset.done $0x0  }
0xa4: {  	s25 =	simm.s32 $0x1B8E;
	s24 =	sld [smem:$0x3FFE];
	[sflag:s23] =	ssyncadd.s32 $0xFFFFFFFF  }
0xa5: {  	s26 =	simm.s32 $execute0_lowered;
	[smem:$0x3FD2] =	sst s25  }
0xa6: {  	s4 =	sshll.u32 s26, $0x1;
	_ =	strace $0x8000005E;
	[dreg:$0x1] =	wrdreg $0xFFFFFFFF  }
0xa7: {  	s28 =	simm.s32 $_size_execute0_lowered;
	s2 =	sadd.s32 s2, s4;
	[dreg:$0x0] =	wrdreg $0x0  }
0xa8: {  	s4 =	sshll.u32 s28, $0x1;
	[dreg:$0x2] =	wrdreg s2  }
0xa9: {  	[dreg:$0x3] =	wrdreg s4  }
0xaa: {  	[dreg:$0x4] =	wrdreg $0xC0  }
0xab: {  	_ =	task [dreg:s6], $0x5FFFF  }
0xac: {  	[dreg:$0x1] =	wrdreg $0xFFFFFFFF  }
0xad: {  	[dreg:$0x0] =	wrdreg $0x60  }
0xae: {  	[dreg:$0x2] =	wrdreg s24  }
0xaf: {  	[dreg:$0x3] =	wrdreg $0x7E900  }
0xb0: {  	[dreg:$0x4] =	wrdreg $0x9  }
0xb1: {  	_ =	task.clear_ibuf [dreg:s6], $0x5FFFF;
	_ =	strace $0x9000005E  }
0xb2: {  	s29 =	simm.s32 $0x9;
	_ =	strace $0x80000060  }
0xb3: {  	_ =	swait.ge [sflag:s29], $0x1  }
0xb4: {  	[sflag:s29] =	ssyncadd.s32 $0xFFFFFFFF  }
0xb5: {  	_ =	strace $0x90000060  }
0xb6: {  	_ =	sfence  }
0xb7: {  	s30 =	sld [smem:$0x0];
	_ =	sdelay $0x2  }
0xb8: {  	s31 =	sshll.u32 s1, $0xD;
	s1 =	sshrl.u32 s1, $0x2  }
0xb9: {  	s3 =	sand.u32 $0x4000, s31;
	s1 =	sadd.s32 s1, s30  }
0xba: {  	s0 =	sor.u32 s3, s0;
	s1 =	sshll.u32 s1, $0x11  }
0xbb: {  	s0 =	sor.u32 s1, s0  }
0xbc: {  	s0 =	sadd.s32 $0x8F2B, s0  }
0xbd: {  	[sflag:s0] =	ssyncadd.remote.s32 $0x1  }
0xbe: {  	_ =	sfence.sel $0xFFFF  }
0xbf: {  	[dreg:$0x0] =	wrdreg $0xFFFFFFFF;
	(pc) =	sbr.abs _section_cstart, $3  }
0xc0: {  	[dreg:$0x1] =	wrdreg $0xFFFFFFFF  }
0xc1: {  	_ =	task.clear_ibuf [dreg:s6], $0x2FFFF;
	_ =	strace $0x9FFFFFFF  }
0xc2: {  	(tm) =	ssettm $0x7FFFFFFF  }
0xc3: {  	_ =	shalt  }
tec
execute0_lowered:
.L_overlay_start_1:
0x0: {  	(tag) =	ssettag $0x1  }
0x1: {  	s9 =	rddreg [dreg:$0x0]  }
0x2: {  	s1 =	rddreg [dreg:$0x1]  }
0x3: {  	s0 =	rddreg [dreg:$0x2];
	s2 =	simm.s32 $0x0;
	s8 =	srdreg.scid  }
0x4: {  	s12 =	stileid.u32;
	s16 =	simm.s32 $0xE10;
	s17 =	simm.s32 $0x1A90  }
0x5: {  	s18 =	simm.s32 $0x1;
	s19 =	simm.s32 $0x2;
	s24 =	simm.s32 $0x0  }
0x6: {  	[smem:$0x7FF] =	sst s2;
	s3 =	sadd.s32 $0x5E00, s9;
	s4 =	sadd.s32 $0x2D000, s9  }
0x7: {  	s5 =	sadd.s32 $0x4BC00, s9;
	s6 =	sadd.s32 $0x41E00, s9;
	s7 =	sadd.s32 $0x38000, s9  }
0x8: {  	s10 =	sand.u32 $0x1, s8;
	s8 =	sadd.s32 $0xE8000, s9;
	s15 =	sshll.u32 s12, $0x1  }
0x9: {  	p0 =	sne.s32 s12, $0x0;
	_ =	strace $0x8000005F;
	s11 =	smul.u32 $0x27100, s10  }
0xa: {  	s13 =	ssub.s32 $0x2, s10;
	s31 =	sor.u32 s10, s15;
	s12 =	sshrl.u32 @!p0 s1, $0x3  }
0xb: {  	v0 =	vimm.s32 $0x0;
	v1 =	vimm.s32 $0x1;
	s15 =	simm.s32 $0x190;
	s14 =	sshrl.u32 s13, $0x1;
	s11 =	sadd.s32 s11, s9  }
0xc: {  	v2 =	vimm.s32 $0x2;
	v3 =	vimm.s32 $0x3;
	v4 =	vimm.s32 $0x4;
	s13 =	ssub.s32 s13, s14;
	s9 =	smul.u32 $0x2710, s31;
	s14 =	simm.s32 $0xC8  }
0xd: {  	v5 =	vimm.s32 $0x5;
	v6 =	vimm.s32 $0x6;
	v7 =	vimm.s32 $0x7;
	s10 =	sadd.s32 $0x10F200, s11;
	s11 =	smax.u32 s13, $0x1;
	s13 =	simm.s32 $0x3  }
.LBB2_1:
0xe: {  	s20 =	simm.s32 @!p0 $0x1C03  }
0xf: {  	[spmem:s12], [sflag:s20] =	dma.local @!p0 [hbm:s8], $0x27100  }
0x10: {  	s20 =	simm.s32 @!p0 $0x3  }
0x11: {  	_ =	swait.ge @!p0 [sflag:s20], $0x27100  }
0x12: {  	[sflag:s20] =	ssyncset.done @!p0 $0x0  }
0x13: {  	[sflag:s20] =	ssyncadd.s32 @!p0 $0xFFFD8F00  }
0x14: {  	s20 =	simm.s32 $0x0;
	[bflag:$0x0] =	sbarrier.arrive $0xFFFF  }
.LBB2_2:
0x15: {  	s21 =	smul.u32 $0xC8, s20;
	_ =	sdelay $0x1  }
0x16: {  	s21 =	sadd.s32 s9, s21  }
0x17: {  	s22 =	sshrl.u32 s21, $0x3  }
0x18: {  	s23 =	sadd.s32 s6, s22  }
0x19: {  	[tilespmem:s24], [sflag:$0x3] =	stream.linear.gather [hbm4b:s23+s24], $0xC8, $0x38;
	[tilespmem:$0x1B710] =	vst v63  }
0x1a: {  	_ =	swait.ge [sflag:s13], $0xC8  }
0x1b: {  	[sflag:s13] =	ssyncset.done $0x0  }
0x1c: {  	s22 =	sadd.s32 s7, s22;
	[sflag:s13] =	ssyncadd.s32 $0xFFFFFF38  }
0x1d: {  	[tilespmem:s14], [sflag:$0x3] =	stream.linear.gather [hbm4b:s22+s24], $0xC8, $0x38;
	[tilespmem:$0x1B710] =	vst v63  }
0x1e: {  	_ =	swait.ge [sflag:s13], $0xC8  }
0x1f: {  	s21 =	sshll.u32 s21, $0x1;
	[sflag:s13] =	ssyncset.done $0x0  }
0x20: {  	s21 =	sadd.s32 s5, s21;
	[sflag:s13] =	ssyncadd.s32 $0xFFFFFF38  }
0x21: {  	[tilespmem:s15], [sflag:$0x3] =	stream.linear.gather [hbm4b:s21+s24], $0xC80, $0x38;
	[tilespmem:$0x1B710] =	vst v63  }
0x22: {  	_ =	swait.ge [sflag:s13], $0xC80  }
0x23: {  	[sflag:s13] =	ssyncset.done $0x0  }
0x24: {  	[sflag:s13] =	ssyncadd.s32 $0xFFFFF380  }
0x25: {  	[tilespmem:s16], [sflag:$0x1] =	stream.indirect.gather [hbm4b:s4+s14], $0x10, s14, s14, $0xb8;
	[tilespmem:$0x1B710] =	vst v63  }
0x26: {  	_ = 	snop  }
0x27: {  	[tilespmem:s17], [sflag:$0x2] =	stream.indirect.gather [hbm4b:s3+s14], $0x80, s24, s14, $0xb8;
	[tilespmem:$0x1B710] =	vst v63  }
0x28: {  	_ =	swait.ge [sflag:s18], $0xC80  }
0x29: {  	[sflag:s18] =	ssyncset.done $0x0  }
0x2a: {  	[sflag:s18] =	ssyncadd.s32 $0xFFFFF380  }
0x2b: {  	_ =	swait.ge [sflag:s19], $0x6400  }
0x2c: {  	[sflag:s19] =	ssyncset.done $0x0  }
0x2d: {  	s31 =	simm.s32 $0x0;
	[sflag:s19] =	ssyncadd.s32 $0xFFFF9C00  }
0x2e: {  	v8 =	vld [tilespmem:s31+$0xE10]  }
0x2f: {  	v9 =	vld [tilespmem:s31+$0x190];
	_ =	sdelay $0x2  }
0x30: {  	s21 =	simm.s32 $0x1AD0  }
0x31: {  	v10 =	vld [tilespmem:s21+$0xFFFFFFC0]  }
0x32: {  	v11 =	vld [tilespmem:s21+$0xFFFFFFD0];
	v8 =	vmul.f32 v8, v9  }
0x33: {  	v9 =	vld [tilespmem:s21+$0xFFFFFFE0]  }
0x34: {  	v12 =	vld [tilespmem:s21+$0xFFFFFFF0];
	v13 =	vperm.xlane v8, v0  }
0x35: {  	v15 =	vld [tilespmem:s21+$0x0];
	v14 =	vperm.xlane v8, v1  }
0x36: {  	v16 =	vld [tilespmem:s21+$0x10];
	v17 =	vperm.xlane v8, v2;
	v10 =	vmul.f32 v10, v13  }
0x37: {  	v62 =	vld [tilespmem:s21+$0x20];
	v61 =	vperm.xlane v8, v3;
	v11 =	vmul.f32 v11, v14  }
0x38: {  	v18 =	vld [tilespmem:s21+$0x30];
	v9 =	vmul.f32 v9, v17;
	[tilespmem:s21+$0xFFFFFFC0] =	vst v10;
	v10 =	vperm.xlane v8, v4  }
0x39: {  	v63 =	vperm.xlane v8, v5;
	v12 =	vmul.f32 v12, v61;
	[tilespmem:s21+$0xFFFFFFD0] =	vst v11  }
0x3a: {  	v11 =	vperm.xlane v8, v6;
	[tilespmem:s21+$0xFFFFFFE0] =	vst v9;
	v9 =	vmul.f32 v15, v10  }
0x3b: {  	v8 =	vperm.xlane v8, v7;
	[tilespmem:s21+$0xFFFFFFF0] =	vst v12;
	v10 =	vmul.f32 v16, v63  }
0x3c: {  	v11 =	vmul.f32 v62, v11;
	[tilespmem:s21+$0x0] =	vst v9  }
0x3d: {  	v8 =	vmul.f32 v18, v8;
	[tilespmem:s21+$0x10] =	vst v10  }
0x3e: {  	[tilespmem:s21+$0x20] =	vst v11  }
0x3f: {  	s23 =	simm.s32 $0x10;
	[tilespmem:s21+$0x30] =	vst v8  }
0x40: {  	s22 =	simm.s32 $0x80;
	v8 =	vld [tilespmem:s23+$0xE10]  }
.LBB2_3:
0x41: {  	p1 =	sne.s32 s22, $0x31C0;
	v9 =	vld [tilespmem:s23+$0x190]  }
0x42: {  	s21 =	sadd.s32 $0x80, s21  }
0x43: {  	v10 =	vld [tilespmem:s21+$0xFFFFFFF0]  }
0x44: {  	v11 =	vld [tilespmem:s21+$0xFFFFFFD0]  }
0x45: {  	v12 =	vld [tilespmem:s21+$0xFFFFFFC0]  }
0x46: {  	v8 =	vmul.f32 v8, v9;
	v9 =	vld [tilespmem:s21+$0xFFFFFFE0]  }
0x47: {  	v13 =	vld [tilespmem:s21+$0x30]  }
0x48: {  	v14 =	vperm.xlane v8, v0;
	v15 =	vperm.xlane v8, v1;
	v16 =	vld [tilespmem:s21+$0x10]  }
0x49: {  	v17 =	vperm.xlane v8, v2;
	v18 =	vperm.xlane v8, v3;
	v19 =	vld [tilespmem:s21+$0x0]  }
0x4a: {  	v12 =	vmul.f32 v12, v14;
	v11 =	vmul.f32 v11, v15;
	v14 =	vld [tilespmem:s21+$0x20]  }
0x4b: {  	v10 =	vmul.f32 v10, v18;
	v9 =	vmul.f32 v9, v17  }
0x4c: {  	v15 =	vperm.xlane v8, v5;
	[tilespmem:s21+$0xFFFFFFC0] =	vst v12;
	v12 =	vperm.xlane v8, v4  }
0x4d: {  	[tilespmem:s21+$0xFFFFFFD0] =	vst v11;
	v11 =	vperm.xlane v8, v6;
	v8 =	vperm.xlane v8, v7  }
0x4e: {  	[tilespmem:s21+$0xFFFFFFE0] =	vst v9;
	v9 =	vmul.f32 v19, v12;
	v12 =	vmul.f32 v16, v15  }
0x4f: {  	[tilespmem:s21+$0xFFFFFFF0] =	vst v10;
	v10 =	vmul.f32 v14, v11;
	v8 =	vmul.f32 v13, v8  }
.Ltmp0:
0x50: {  	[tilespmem:s21+$0x0] =	vst v9;
	(pc) =	sbr.rel @p1 .LBB2_3-.Ltmp0, $4  }
0x51: {  	[tilespmem:s21+$0x10] =	vst v12  }
0x52: {  	[tilespmem:s21+$0x20] =	vst v10  }
0x53: {  	s23 =	sshra.s32 s22, $0x2;
	[tilespmem:s21+$0x30] =	vst v8  }
0x54: {  	s22 =	sadd.s32 $0x40, s22;
	v8 =	vld [tilespmem:s23+$0xE10]  }
0x55: {  	v9 =	vld [tilespmem:s23+$0x190];
	_ =	sdelay $0x2  }
0x56: {  	s21 =	sadd.s32 $0x80, s21  }
0x57: {  	v10 =	vld [tilespmem:s21+$0xFFFFFFC0]  }
0x58: {  	v11 =	vld [tilespmem:s21+$0xFFFFFFD0];
	v8 =	vmul.f32 v8, v9  }
0x59: {  	v56 =	vld [tilespmem:s21+$0xFFFFFFE0]  }
0x5a: {  	v12 =	vld [tilespmem:s21+$0xFFFFFFF0];
	v13 =	vperm.xlane v8, v0  }
0x5b: {  	v15 =	vld [tilespmem:s21+$0x0];
	v14 =	vperm.xlane v8, v1;
	v17 =	vperm.xlane v8, v2  }
0x5c: {  	v16 =	vld [tilespmem:s21+$0x10];
	v57 =	vperm.xlane v8, v3;
	v10 =	vmul.f32 v10, v13  }
0x5d: {  	v18 =	vld [tilespmem:s21+$0x30];
	v59 =	vperm.xlane v8, v4;
	v11 =	vmul.f32 v11, v14  }
0x5e: {  	v58 =	vld [tilespmem:s21+$0x20];
	v60 =	vperm.xlane v8, v5;
	v9 =	vmul.f32 v56, v17;
	[tilespmem:s21+$0xFFFFFFC0] =	vst v10  }
0x5f: {  	v61 =	vperm.xlane v8, v6;
	v12 =	vmul.f32 v12, v57;
	[tilespmem:s21+$0xFFFFFFD0] =	vst v11  }
0x60: {  	v8 =	vperm.xlane v8, v7;
	v62 =	vmul.f32 v15, v59;
	[tilespmem:s21+$0xFFFFFFE0] =	vst v9  }
0x61: {  	v63 =	vmul.f32 v16, v60;
	[tilespmem:s21+$0xFFFFFFF0] =	vst v12  }
0x62: {  	v8 =	vmul.f32 v18, v8;
	[tilespmem:s21+$0x0] =	vst v62  }
0x63: {  	s20 =	sadd.s32 $0x1, s20;
	v11 =	vmul.f32 v58, v61;
	[tilespmem:s21+$0x10] =	vst v63  }
0x64: {  	p1 =	sne.s32 s20, $0x32;
	[tilespmem:s21+$0x30] =	vst v8  }
.Ltmp1:
0x65: {  	[tilespmem:s21+$0x20] =	vst v11;
	(pc) =	sbr.rel @p1 .LBB2_2-.Ltmp1, $4  }
0x66: {  	[spmem:s1] =	stream.indirect.scatter.add.f32 [tilespmem:s17], [sflag:$0x3], $0x80, s14, s14, $0xb8;
	[tilespmem:$0x1B710] =	vst v63  }
0x67: {  	_ =	swait.ge [sflag:s13], $0x6400  }
0x68: {  	[sflag:s13] =	ssyncset.done $0x0  }
0x69: {  	[sflag:s13] =	ssyncadd.s32 $0xFFFF9C00  }
0x6a: {  	[bflag:$0x0] =	sbarrier.arrive $0xFFFF;
	s20 =	simm.s32 @!p0 $0x1C03;
	s2 =	sadd.s32 $0x1, s2  }
0x6b: {  	[hbm:s10], [sflag:s20] =	dma.local @!p0 [spmem:s12], $0x27100  }
0x6c: {  	p1 =	sne.s32 s2, s11  }
.Ltmp2:
0x6d: {  	_ = 	snop;
	(pc) =	sbr.rel @p1 .LBB2_1-.Ltmp2, $4  }
0x6e: {  	s20 =	simm.s32 @!p0 $0x3  }
0x6f: {  	_ =	swait.ge @!p0 [sflag:s20], $0x27100  }
0x70: {  	[sflag:s20] =	ssyncset.done @!p0 $0x0  }
0x71: {  	[sflag:s20] =	ssyncadd.s32 @!p0 $0xFFFD8F00  }
0x72: {  	_ =	sfence.sel $0x180000  }
0x73: {  	[bflag:$0x0] =	sbarrier.arrive $0xFFFF  }
0x74: {  	_ =	strace $0x9000005F  }
0x75: {  	s0 =	sadd.s32 @!p0 $0x100000, s0;
	[bflag:$0x2] =	sbarrier.arrive $0xFFFF  }
0x76: {  	[sflag:s0] =	ssyncadd.tile.s32 @!p0 $0x1;
	_ =	shalt  }
.Lfunc_end2:
_tile_overlayer_lowered:
.L_overlay_start_2:
0x77: {  	(tag) =	ssettag $0x2  }
0x78: {  	s0 =	rddreg [dreg:$0x0];
	s2 =	stileid.u32  }
0x79: {  	s1 =	rddreg [dreg:$0x1];
	p0 =	sne.s32 s2, $0x0  }
0x7a: {  	s3 =	rddreg [dreg:$0x2];
	[bflag:$0x3] =	sbarrier.arrive $0xFFFF;
	s2 =	simm.s32 @!p0 $0x1C03  }
0x7b: {  	[timem:s3], [sflag:s2] =	dma.local @!p0 [hbm:s0], s1  }
0x7c: {  	s0 =	simm.s32 @!p0 $0x3  }
0x7d: {  	_ =	swait.ge @!p0 [sflag:s0], s1  }
0x7e: {  	s1 =	ssub.s32 @!p0 $0x0, s1;
	[sflag:s0] =	ssyncset.done @!p0 $0x0  }
0x7f: {  	[sflag:s0] =	ssyncadd.s32 @!p0 s1  }
0x80: {  	[bflag:$0x3] =	sbarrier.arrive $0xFFFF  }
0x81: {  	_ =	shalt  }

</sc_bundles>
